<compile_context>
chip_gen: v7x
topology: tpu7x:2x2x1
jax: 0.10.2.dev20260603
libtpu: 0.0.44.dev20260713+nightly
codegen_flags: <defaults>
</compile_context>

<pallas_src>
import functools

import jax
import jax.numpy as jnp
from jax import lax
from jax.experimental import pallas as pl
from jax.experimental.pallas import tpu as pltpu
from jax.experimental.pallas import tpu_sc as plsc

R = 128
K = 16
E = K + 1
_BIG = 2 ** 30


def _pad_rows(a, n_pad):
    n = a.shape[0]
    if n == n_pad:
        return a
    return jnp.pad(a, ((0, n_pad - n),) + ((0, 0),) * (a.ndim - 1))


def _rpad(n):
    return -(-n // R) * R



def _sc_gather(table, idx):
    V, D = table.shape
    B_in = idx.shape[0]
    info = plsc.get_sparse_core_info()
    NC, NS = info.num_cores, info.num_subcores
    NW = NC * NS
    CH = 128
    nch = -(-B_in // (NW * CH))
    B = NW * nch * CH
    idxp = jnp.pad(idx.astype(jnp.int32), (0, B - B_in))
    mesh = plsc.VectorSubcoreMesh(core_axis_name="c", subcore_axis_name="s")

    @functools.partial(
        pl.kernel, mesh=mesh,
        compiler_params=pltpu.CompilerParams(use_tc_tiling_on_sc=False),
        out_type=jax.ShapeDtypeStruct((B, D), jnp.float32),
        scratch_types=[pltpu.VMEM((CH,), jnp.int32),
                       pltpu.VMEM((CH, D), jnp.float32),
                       pltpu.SemaphoreType.DMA],
    )
    def gk(table_hbm, idx_hbm, out_hbm, idx_v, rows_v, sem):
        wid = lax.axis_index("s") * NC + lax.axis_index("c")

        def chunk(t, carry):
            base = (wid * nch + t) * CH
            pltpu.sync_copy(idx_hbm.at[pl.ds(base, CH)], idx_v)
            pltpu.async_copy(table_hbm.at[idx_v], rows_v, sem).wait()
            pltpu.sync_copy(rows_v, out_hbm.at[pl.ds(base, CH)])
            return carry

        lax.fori_loop(0, nch, chunk, 0)

    return gk(table, idxp)[:B_in]



def _knn(py_pad, pxT, exclude_self):
    ny_pad = py_pad.shape[0]
    nx = pxT.shape[1]
    grid = ny_pad // R

    def body(py_ref, pxT_ref, out_ref):
        i = pl.program_id(0)
        pyb = py_ref[...]
        pxt = pxT_ref[...]
        sy = jnp.sum(pyb * pyb, axis=1, keepdims=True)
        sx = jnp.sum(pxt * pxt, axis=0, keepdims=True)
        d = sy + sx - 2.0 * jnp.dot(pyb, pxt, preferred_element_type=jnp.float32)
        colio = lax.broadcasted_iota(jnp.int32, (R, nx), 1)
        if exclude_self:
            rows = i * R + lax.broadcasted_iota(jnp.int32, (R, 1), 0)
            d = jnp.where(colio == rows, jnp.inf, d)
        cols = []
        for k in range(K):
            m = jnp.min(d, axis=1, keepdims=True)
            hit = d <= m
            sel = jnp.min(jnp.where(hit, colio, _BIG), axis=1, keepdims=True)
            cols.append(sel)
            if k < K - 1:
                d = jnp.where(hit, jnp.inf, d)
        out_ref[...] = jnp.concatenate(cols, axis=1)

    return pl.pallas_call(
        body,
        grid=(grid,),
        in_specs=[pl.BlockSpec((R, 3), lambda i: (i, 0)),
                  pl.BlockSpec((3, nx), lambda i: (0, 0))],
        out_specs=pl.BlockSpec((R, K), lambda i: (i, 0)),
        out_shape=jax.ShapeDtypeStruct((ny_pad, K), jnp.int32),
    )(py_pad, pxT)



def _fps(pos24, n, m):
    G = pos24.shape[1]

    def body(p_ref, out_ref):
        p24 = p_ref[...]
        px, py, pz = p24[0:8], p24[8:16], p24[16:24]
        io = (lax.broadcasted_iota(jnp.int32, (8, G), 0) * G
              + lax.broadcasted_iota(jnp.int32, (8, G), 1))
        valid = io < n

        def q_of(oh):
            qx = jnp.sum(jnp.sum(jnp.where(oh, px, 0.0), axis=1, keepdims=True),
                         axis=0, keepdims=True)
            qy = jnp.sum(jnp.sum(jnp.where(oh, py, 0.0), axis=1, keepdims=True),
                         axis=0, keepdims=True)
            qz = jnp.sum(jnp.sum(jnp.where(oh, pz, 0.0), axis=1, keepdims=True),
                         axis=0, keepdims=True)
            return qx, qy, qz

        def d_to(qx, qy, qz):
            return ((px - qx) ** 2 + (py - qy) ** 2 + (pz - qz) ** 2)

        qx, qy, qz = q_of(io == 0)
        d0 = jnp.where(valid, d_to(qx, qy, qz), -jnp.inf)
        out_ref[pl.ds(0, 1), :] = jnp.zeros((1, 1), jnp.int32)

        def step(i, dmin):
            dmax = jnp.max(jnp.max(dmin, axis=1, keepdims=True),
                           axis=0, keepdims=True)
            sel = jnp.min(jnp.min(jnp.where(dmin >= dmax, io, _BIG),
                                  axis=1, keepdims=True), axis=0, keepdims=True)
            out_ref[pl.ds(i, 1), :] = sel
            qx, qy, qz = q_of(io == sel)
            return jnp.minimum(dmin, d_to(qx, qy, qz))

        lax.fori_loop(1, m, step, d0)

    return pl.pallas_call(
        body,
        out_shape=jax.ShapeDtypeStruct((m, 1), jnp.int32),
    )(pos24)



def _dense_relu(x_pad, W, b):
    n_pad, cin = x_pad.shape
    cout = W.shape[1]
    b2 = b.reshape(1, cout)

    def body(x_ref, w_ref, b_ref, o_ref):
        o_ref[...] = jax.nn.relu(
            jnp.dot(x_ref[...], w_ref[...], preferred_element_type=jnp.float32)
            + b_ref[...])

    return pl.pallas_call(
        body,
        grid=(n_pad // R,),
        in_specs=[pl.BlockSpec((R, cin), lambda i: (i, 0)),
                  pl.BlockSpec((cin, cout), lambda i: (0, 0)),
                  pl.BlockSpec((1, cout), lambda i: (0, 0))],
        out_specs=pl.BlockSpec((R, cout), lambda i: (i, 0)),
        out_shape=jax.ShapeDtypeStruct((n_pad, cout), jnp.float32),
    )(x_pad, W, b2)



def _prep(x_pad, pos16, lin_in_W, lin_in_b, src_W, lin_W, dst_W):
    n_pad, c = x_pad.shape
    D = 2 * c + 16
    lb = lin_in_b.reshape(1, c)

    def body(x_ref, p_ref, liw_ref, lib_ref, sw_ref, lw_ref, dw_ref,
             tab_ref, xd_ref):
        h = jax.nn.relu(
            jnp.dot(x_ref[...], liw_ref[...], preferred_element_type=jnp.float32)
            + lib_ref[...])
        hs = jnp.dot(h, sw_ref[...], preferred_element_type=jnp.float32)
        hv = jnp.dot(h, lw_ref[...], preferred_element_type=jnp.float32)
        hd = jnp.dot(h, dw_ref[...], preferred_element_type=jnp.float32)
        tab_ref[...] = jnp.concatenate([hs, hv, p_ref[...]], axis=1)
        xd_ref[...] = hd

    return pl.pallas_call(
        body,
        grid=(n_pad // R,),
        in_specs=[pl.BlockSpec((R, c), lambda i: (i, 0)),
                  pl.BlockSpec((R, 16), lambda i: (i, 0)),
                  pl.BlockSpec((c, c), lambda i: (0, 0)),
                  pl.BlockSpec((1, c), lambda i: (0, 0)),
                  pl.BlockSpec((c, c), lambda i: (0, 0)),
                  pl.BlockSpec((c, c), lambda i: (0, 0)),
                  pl.BlockSpec((c, c), lambda i: (0, 0))],
        out_specs=[pl.BlockSpec((R, D), lambda i: (i, 0)),
                   pl.BlockSpec((R, c), lambda i: (i, 0))],
        out_shape=[jax.ShapeDtypeStruct((n_pad, D), jnp.float32),
                   jax.ShapeDtypeStruct((n_pad, c), jnp.float32)],
    )(x_pad, pos16, lin_in_W, lb, src_W, lin_W, dst_W)



def _conv(g, xd_pad, pos16, pW1, pb1, pW2, pb2, aW1, ab1, aW2, ab2,
          lout_W, lout_b):
    n_pad, c = xd_pad.shape
    D = 2 * c + 16
    pb1r = pb1.reshape(1, 64)
    pb2r = pb2.reshape(1, c)
    ab1r = ab1.reshape(1, 64)
    ab2r = ab2.reshape(1, c)
    lbr = lout_b.reshape(1, c)

    def body(g_ref, xd_ref, p_ref, pw1, pb1_, pw2, pb2_, aw1, ab1_, aw2, ab2_,
             lw, lb_, o_ref):
        gb = g_ref[...].reshape(E * R, D)
        xs_g = gb[:, :c]
        xv_g = gb[:, c:2 * c]
        pos_g = gb[:, 2 * c:2 * c + 3]
        pos_d = jnp.broadcast_to(p_ref[...][None, :, :3], (E, R, 3)).reshape(E * R, 3)
        rel = pos_d - pos_g
        t = jax.nn.relu(
            jnp.dot(rel, pw1[...], preferred_element_type=jnp.float32) + pb1_[...])
        delta = jax.nn.relu(
            jnp.dot(t, pw2[...], preferred_element_type=jnp.float32) + pb2_[...])
        xd_b = jnp.broadcast_to(xd_ref[...][None], (E, R, c)).reshape(E * R, c)
        ain = xd_b - xs_g + delta
        a1 = jax.nn.relu(
            jnp.dot(ain, aw1[...], preferred_element_type=jnp.float32) + ab1_[...])
        alpha = jax.nn.relu(
            jnp.dot(a1, aw2[...], preferred_element_type=jnp.float32) + ab2_[...])
        a3 = alpha.reshape(E, R, c)
        amax = jnp.max(a3, axis=0, keepdims=True)
        e3 = jnp.exp(a3 - amax)
        den = jnp.sum(e3, axis=0, keepdims=True)
        w3 = e3 / (den + 1e-16)
        v3 = (xv_g + delta).reshape(E, R, c)
        o = jnp.sum(w3 * v3, axis=0)
        o_ref[...] = jax.nn.relu(
            jnp.dot(o, lw[...], preferred_element_type=jnp.float32) + lb_[...])

    return pl.pallas_call(
        body,
        grid=(n_pad // R,),
        in_specs=[pl.BlockSpec((E, R, D), lambda i: (0, i, 0)),
                  pl.BlockSpec((R, c), lambda i: (i, 0)),
                  pl.BlockSpec((R, 16), lambda i: (i, 0)),
                  pl.BlockSpec((3, 64), lambda i: (0, 0)),
                  pl.BlockSpec((1, 64), lambda i: (0, 0)),
                  pl.BlockSpec((64, c), lambda i: (0, 0)),
                  pl.BlockSpec((1, c), lambda i: (0, 0)),
                  pl.BlockSpec((c, 64), lambda i: (0, 0)),
                  pl.BlockSpec((1, 64), lambda i: (0, 0)),
                  pl.BlockSpec((64, c), lambda i: (0, 0)),
                  pl.BlockSpec((1, c), lambda i: (0, 0)),
                  pl.BlockSpec((c, c), lambda i: (0, 0)),
                  pl.BlockSpec((1, c), lambda i: (0, 0))],
        out_specs=pl.BlockSpec((R, c), lambda i: (i, 0)),
        out_shape=jax.ShapeDtypeStruct((n_pad, c), jnp.float32),
    )(g, xd_pad, pos16, pW1, pb1r, pW2, pb2r, aW1, ab1r, aW2, ab2r,
      lout_W, lbr)



def _segmax(hg, m_pad, c):
    def body(g_ref, o_ref):
        o_ref[...] = jnp.max(g_ref[...], axis=0)

    return pl.pallas_call(
        body,
        grid=(m_pad // R,),
        in_specs=[pl.BlockSpec((K, R, c), lambda i: (0, i, 0))],
        out_specs=pl.BlockSpec((R, c), lambda i: (i, 0)),
        out_shape=jax.ShapeDtypeStruct((m_pad, c), jnp.float32),
    )(hg)



def _head(x, W1, b1, W2, b2):
    n, c = x.shape

    def body(x_ref, w1, b1_, w2, b2_, o_ref):
        mean = jnp.sum(x_ref[...], axis=0, keepdims=True) * (1.0 / n)
        h = jax.nn.relu(
            jnp.dot(mean, w1[...], preferred_element_type=jnp.float32) + b1_[...])
        o_ref[...] = jnp.dot(h, w2[...], preferred_element_type=jnp.float32) + b2_[...]

    return pl.pallas_call(
        body,
        out_shape=jax.ShapeDtypeStruct((1, W2.shape[1]), jnp.float32),
    )(x, W1, b1.reshape(1, -1), W2, b2.reshape(1, -1))



def _edge_major_idx(idx, n, n_pad):
    idxT = jnp.pad(idx.T, ((0, 0), (0, n_pad - n)))
    ar = jnp.arange(n_pad, dtype=jnp.int32)
    em = jnp.concatenate([idxT, ar[None]], axis=0)
    return jnp.where(ar[None, :] < n, em, 0)


def _pack24(pos16, n):
    G = -(-n // 8)
    comps = [jnp.pad(pos16[:n, i], (0, 8 * G - n)).reshape(8, G)
             for i in range(3)]
    return jnp.concatenate(comps, axis=0)


def _tblock(x_pad, pos16, idx, n, n_pad, p, pref):
    em = _edge_major_idx(idx, n, n_pad)
    table, xd = _prep(x_pad, pos16,
                      p[pref + "_lin_in_W"], p[pref + "_lin_in_b"],
                      p[pref + "_src_W"], p[pref + "_lin_W"], p[pref + "_dst_W"])
    D = table.shape[1]
    g = _sc_gather(table, em.reshape(-1)).reshape(E, n_pad, D)
    return _conv(g, xd, pos16,
                 p[pref + "_pos_W1"], p[pref + "_pos_b1"],
                 p[pref + "_pos_W2"], p[pref + "_pos_b2"],
                 p[pref + "_attn_W1"], p[pref + "_attn_b1"],
                 p[pref + "_attn_W2"], p[pref + "_attn_b2"],
                 p[pref + "_lin_out_W"], p[pref + "_lin_out_b"])


def kernel(x, pos, mi_W, mi_b, tb0_lin_in_W, tb0_lin_in_b, tb0_lin_out_W, tb0_lin_out_b, tb0_pos_W1, tb0_pos_b1, tb0_pos_W2, tb0_pos_b2, tb0_attn_W1, tb0_attn_b1, tb0_attn_W2, tb0_attn_b2, tb0_lin_W, tb0_src_W, tb0_dst_W, tb1_lin_in_W, tb1_lin_in_b, tb1_lin_out_W, tb1_lin_out_b, tb1_pos_W1, tb1_pos_b1, tb1_pos_W2, tb1_pos_b2, tb1_attn_W1, tb1_attn_b1, tb1_attn_W2, tb1_attn_b2, tb1_lin_W, tb1_src_W, tb1_dst_W, tb2_lin_in_W, tb2_lin_in_b, tb2_lin_out_W, tb2_lin_out_b, tb2_pos_W1, tb2_pos_b1, tb2_pos_W2, tb2_pos_b2, tb2_attn_W1, tb2_attn_b1, tb2_attn_W2, tb2_attn_b2, tb2_lin_W, tb2_src_W, tb2_dst_W, td0_W, td0_b, td1_W, td1_b, mo_W1, mo_b1, mo_W2, mo_b2):
    p = dict(locals())
    n0 = pos.shape[0]
    n0p = _rpad(n0)
    pos16_0 = jnp.pad(pos, ((0, n0p - n0), (0, 13)))
    posT0 = pos.T

    x0 = _dense_relu(_pad_rows(x, n0p), mi_W, mi_b)
    idx0 = _knn(pos16_0[:, :3], posT0, True)[:n0]
    x1 = _tblock(x0, pos16_0, idx0, n0, n0p, p, "tb0")

    xcur, pos16, idx_cur, n, n_pad = x1, pos16_0, idx0, n0, n0p
    for td, tb in (("td0", "tb1"), ("td1", "tb2")):
        m = int(n * 0.25)
        m_pad = _rpad(m)
        idc = _fps(_pack24(pos16, n), n, m)[:, 0]
        pos16_s = _sc_gather(pos16, idc)[:m]
        pos16_s = jnp.pad(pos16_s, ((0, m_pad - m), (0, 0)))
        idxf = lax.bitcast_convert_type(idx_cur, jnp.float32)
        nbr = lax.bitcast_convert_type(_sc_gather(idxf, idc)[:m], jnp.int32)
        col = jnp.concatenate([idc[:, None], nbr[:, :15]], axis=1)
        colT = jnp.pad(col.T, ((0, 0), (0, m_pad - m)))
        colT = jnp.where(jnp.arange(m_pad)[None, :] < m, colT, 0)
        h = _dense_relu(xcur, p[td + "_W"], p[td + "_b"])
        c_out = h.shape[1]
        hg = _sc_gather(h, colT.reshape(-1)).reshape(K, m_pad, c_out)
        xds = _segmax(hg, m_pad, c_out)
        idx_s = _knn(pos16_s[:, :3], pos16_s[:m, :3].T, True)[:m]
        xcur = _tblock(xds, pos16_s, idx_s, m, m_pad, p, tb)
        pos16, idx_cur, n, n_pad = pos16_s, idx_s, m, m_pad

    return _head(xcur[:n], mo_W1, mo_b1, mo_W2, mo_b2)

# --- scband reference (transcript-rebuilt; emitter-appended) ---
"""Pipeline reference for scband-point-transformer-19576460935992 (READ-ONLY COPY).

The authoritative reference and input builder live on the scoring server;
editing this copy changes nothing except your own understanding.
"""

import jax, jax.numpy as jnp
import numpy as np

N = 10000
K = 16
DIMS = [32, 64, 128]
EMBED = 256
RATIO = 0.25

def _dense_init(key, fin, fout):
    k1, k2 = jax.random.split(key)
    s = 1.0 / np.sqrt(fin)
    W = jax.random.uniform(k1, (fin, fout), minval=-s, maxval=s, dtype=jnp.float32)
    b = jax.random.uniform(k2, (fout,), minval=-s, maxval=s, dtype=jnp.float32)
    return W, b

def setup_inputs(seed: int = 0):
    key = jax.random.key(seed)
    kit = iter(list(jax.random.split(key, 64)))
    inp = {}
    inp["x"] = jax.random.normal(next(kit), (N, 3), dtype=jnp.float32)
    inp["pos"] = jax.random.normal(next(kit), (N, 3), dtype=jnp.float32) * 2.0
    W, b = _dense_init(next(kit), 3, DIMS[0]); inp["mi_W"] = W; inp["mi_b"] = b
    def block(p, c):
        W, b = _dense_init(next(kit), c, c); inp[p+"_lin_in_W"] = W; inp[p+"_lin_in_b"] = b
        W, b = _dense_init(next(kit), c, c); inp[p+"_lin_out_W"] = W; inp[p+"_lin_out_b"] = b
        W, b = _dense_init(next(kit), 3, 64); inp[p+"_pos_W1"] = W; inp[p+"_pos_b1"] = b
        W, b = _dense_init(next(kit), 64, c); inp[p+"_pos_W2"] = W; inp[p+"_pos_b2"] = b
        W, b = _dense_init(next(kit), c, 64); inp[p+"_attn_W1"] = W; inp[p+"_attn_b1"] = b
        W, b = _dense_init(next(kit), 64, c); inp[p+"_attn_W2"] = W; inp[p+"_attn_b2"] = b
        inp[p+"_lin_W"] = _dense_init(next(kit), c, c)[0]
        inp[p+"_src_W"] = _dense_init(next(kit), c, c)[0]
        inp[p+"_dst_W"] = _dense_init(next(kit), c, c)[0]
    block("tb0", DIMS[0]); block("tb1", DIMS[1]); block("tb2", DIMS[2])
    W, b = _dense_init(next(kit), DIMS[0], DIMS[1]); inp["td0_W"] = W; inp["td0_b"] = b
    W, b = _dense_init(next(kit), DIMS[1], DIMS[2]); inp["td1_W"] = W; inp["td1_b"] = b
    W, b = _dense_init(next(kit), DIMS[2], 64); inp["mo_W1"] = W; inp["mo_b1"] = b
    W, b = _dense_init(next(kit), 64, EMBED); inp["mo_W2"] = W; inp["mo_b2"] = b
    return inp

def _pdist2(a, b):
    sa = jnp.sum(a * a, axis=1)
    sb = jnp.sum(b * b, axis=1)
    return sa[:, None] + sb[None, :] - 2.0 * (a @ b.T)

def knn_graph_edges(pos, k):
    n = pos.shape[0]
    d = _pdist2(pos, pos)
    d = d.at[jnp.arange(n), jnp.arange(n)].set(jnp.inf)
    _, idx = jax.lax.top_k(-d, k)
    dst = jnp.repeat(jnp.arange(n), k)
    src = idx.reshape(-1)
    # PointTransformerConv add_self_loops=True
    src = jnp.concatenate([src, jnp.arange(n)])
    dst = jnp.concatenate([dst, jnp.arange(n)])
    return src, dst

def knn_yx(pos_x, pos_y, k):
    d = _pdist2(pos_y, pos_x)
    _, idx = jax.lax.top_k(-d, k)
    row = jnp.repeat(jnp.arange(pos_y.shape[0]), k)
    col = idx.reshape(-1)
    return row, col

def fps(pos, m):
    d0 = jnp.sum((pos - pos[0]) ** 2, axis=1)
    sel0 = jnp.zeros((m,), dtype=jnp.int32)
    def body(i, st):
        sel, dmin = st
        nxt = jnp.argmax(dmin).astype(jnp.int32)
        sel = sel.at[i].set(nxt)
        dmin = jnp.minimum(dmin, jnp.sum((pos - pos[nxt]) ** 2, axis=1))
        return sel, dmin
    sel, _ = jax.lax.fori_loop(1, m, body, (sel0, d0))
    return sel

def _mlp2(h, W1, b1, W2, b2):
    return jax.nn.relu(jax.nn.relu(h @ W1 + b1) @ W2 + b2)

def pt_conv(x, pos, src, dst, p, pref, n):
    xv = x @ p[pref + "_lin_W"]
    a_src = (x @ p[pref + "_src_W"])[src]
    a_dst = (x @ p[pref + "_dst_W"])[dst]
    rel = pos[dst] - pos[src]
    delta = _mlp2(rel, p[pref+"_pos_W1"], p[pref+"_pos_b1"], p[pref+"_pos_W2"], p[pref+"_pos_b2"])
    alpha = _mlp2(a_dst - a_src + delta, p[pref+"_attn_W1"], p[pref+"_attn_b1"], p[pref+"_attn_W2"], p[pref+"_attn_b2"])
    amax = jax.ops.segment_max(alpha, dst, num_segments=n)
    amax = jnp.where(jnp.isfinite(amax), amax, 0.0)
    e = jnp.exp(alpha - jax.lax.stop_gradient(amax)[dst])
    denom = jax.ops.segment_sum(e, dst, num_segments=n)
    w = e / (denom[dst] + 1e-16)
    return jax.ops.segment_sum(w * (xv[src] + delta), dst, num_segments=n)

def t_block(x, pos, src, dst, p, pref, n):
    x = jax.nn.relu(x @ p[pref + "_lin_in_W"] + p[pref + "_lin_in_b"])
    x = pt_conv(x, pos, src, dst, p, pref, n)
    return jax.nn.relu(x @ p[pref + "_lin_out_W"] + p[pref + "_lin_out_b"])

def reference(x, pos, mi_W, mi_b,
              tb0_lin_in_W, tb0_lin_in_b, tb0_lin_out_W, tb0_lin_out_b,
              tb0_pos_W1, tb0_pos_b1, tb0_pos_W2, tb0_pos_b2,
              tb0_attn_W1, tb0_attn_b1, tb0_attn_W2, tb0_attn_b2,
              tb0_lin_W, tb0_src_W, tb0_dst_W,
              tb1_lin_in_W, tb1_lin_in_b, tb1_lin_out_W, tb1_lin_out_b,
              tb1_pos_W1, tb1_pos_b1, tb1_pos_W2, tb1_pos_b2,
              tb1_attn_W1, tb1_attn_b1, tb1_attn_W2, tb1_attn_b2,
              tb1_lin_W, tb1_src_W, tb1_dst_W,
              tb2_lin_in_W, tb2_lin_in_b, tb2_lin_out_W, tb2_lin_out_b,
              tb2_pos_W1, tb2_pos_b1, tb2_pos_W2, tb2_pos_b2,
              tb2_attn_W1, tb2_attn_b1, tb2_attn_W2, tb2_attn_b2,
              tb2_lin_W, tb2_src_W, tb2_dst_W,
              td0_W, td0_b, td1_W, td1_b,
              mo_W1, mo_b1, mo_W2, mo_b2):
    p = dict(locals())
    x = p["x"]; pos = p["pos"]
    x = jax.nn.relu(x @ p["mi_W"] + p["mi_b"])
    src, dst = knn_graph_edges(pos, K)
    x = t_block(x, pos, src, dst, p, "tb0", pos.shape[0])
    m = N
    for td, tb in (("td0", "tb1"), ("td1", "tb2")):
        m = int(m * RATIO)
        idc = fps(pos, m)
        row, col = knn_yx(pos, pos[idc], K)
        h = jax.nn.relu(x @ p[td + "_W"] + p[td + "_b"])
        x = jax.ops.segment_max(h[col], row, num_segments=m)
        pos = pos[idc]
        src, dst = knn_graph_edges(pos, K)
        x = t_block(x, pos, src, dst, p, tb, m)
    out = jnp.mean(x, axis=0, keepdims=True)
    out = jax.nn.relu(out @ p["mo_W1"] + p["mo_b1"])
    return out @ p["mo_W2"] + p["mo_b2"]

if __name__ == "__main__":
    import jax
    _d = setup_inputs()
    print(jax.jit(kernel)(*tuple(_d.values())))

</pallas_src>

<mosaic_0001>
#map = affine_map<(d0, d1) -> (0, 0)>
#map1 = affine_map<(d0, d1) -> (0)>
module attributes {stable_mosaic.version = 14 : i64} {
  func.func @gk(%arg0: i32, %arg1: i32, %arg2: memref<10000x16xf32, #tpu.memory_space<hbm>>, %arg3: memref<4096xi32, #tpu.memory_space<hbm>>, %arg4: memref<4096x16xf32, #tpu.memory_space<hbm>>, %arg5: memref<128xi32, #tpu.memory_space<vmem>>, %arg6: memref<128x16xf32, #tpu.memory_space<vmem>>, %arg7: memref<!tpu.dma_semaphore, #tpu.memory_space<semaphore_mem>>) attributes {dimension_semantics = [#tpu.dimension_semantics<core_parallel>, #tpu.dimension_semantics<subcore_parallel>], iteration_bounds = array<i64: 2, 16>, scalar_prefetch = 0 : i64, scratch_operands = 3 : i64, tpu.core_type = #tpu.core_type<sc_vector_subcore>, window_params = [{transform_indices = #map}, {transform_indices = #map1}, {transform_indices = #map}]} {
    %mul3A = arith.constant 2 : i32
    %mul3A_0 = arith.muli %arg1, %mul3A : i32
    %add3A = arith.addi %mul3A_0, %arg0 : i32
    %scan3A = arith.constant 0 : i32
    %scan3A_1 = arith.constant 0 : i32
    %mul3A_2 = arith.constant 1 : i32
    %mul3A_3 = arith.muli %add3A, %mul3A_2 : i32
    %add3A_4 = arith.addi %mul3A_3, %scan3A_1 : i32
    %mul3A_5 = arith.constant 128 : i32
    %mul3A_6 = arith.muli %add3A_4, %mul3A_5 : i32
    "tpu.region"() ({
      %run_scoped3A = tpu.sem_alloc : memref<!tpu.dma_semaphore, #tpu.memory_space<semaphore_mem>>
      %dma_start3A_12 = tpu.memref_slice %arg3[%mul3A_6] : memref<4096xi32, #tpu.memory_space<hbm>> -> memref<128xi32, #tpu.memory_space<hbm>>
      %dma_start3A_13 = tpu.memref_slice %arg3[%mul3A_6] : memref<4096xi32, #tpu.memory_space<hbm>> -> memref<128xi32, #tpu.memory_space<hbm>>
      tpu.enqueue_dma source(%dma_start3A_13 : memref<128xi32, #tpu.memory_space<hbm>>) target(%arg5 : memref<128xi32, #tpu.memory_space<vmem>>) target_semaphore(%run_scoped3A : memref<!tpu.dma_semaphore, #tpu.memory_space<semaphore_mem>>)
      %dma_wait3A_14 = tpu.memref_slice %arg3[%mul3A_6] : memref<4096xi32, #tpu.memory_space<hbm>> -> memref<128xi32, #tpu.memory_space<hbm>>
      %dma_wait3A_15 = tpu.memref_slice %arg3[%mul3A_6] : memref<4096xi32, #tpu.memory_space<hbm>> -> memref<128xi32, #tpu.memory_space<hbm>>
      tpu.wait_dma2 semaphore(%run_scoped3A : memref<!tpu.dma_semaphore, #tpu.memory_space<semaphore_mem>>) src(%dma_wait3A_15 : memref<128xi32, #tpu.memory_space<hbm>>) dst(%arg5 : memref<128xi32, #tpu.memory_space<vmem>>)
      tpu.yield
    }) : () -> ()
    %dma_start3A = arith.constant 0 : i32
    %dma_start3A_7 = arith.constant 0 : i32
    %dma_start3A_8 = tpu.memref_slice %arg2[%dma_start3A, %dma_start3A_7] : memref<10000x16xf32, #tpu.memory_space<hbm>> -> memref<10000x16xf32, #tpu.memory_space<hbm>>
    tpu.enqueue_indirect_dma source(%dma_start3A_8 : memref<10000x16xf32, #tpu.memory_space<hbm>>) target(%arg6 : memref<128x16xf32, #tpu.memory_space<vmem>>) offsets(%arg5 : memref<128xi32, #tpu.memory_space<vmem>>) semaphore(%arg7 : memref<!tpu.dma_semaphore, #tpu.memory_space<semaphore_mem>>)
    %dma_wait3A = arith.constant 0 : i32
    %dma_wait3A_9 = arith.constant 0 : i32
    %dma_wait3A_10 = tpu.memref_slice %arg2[%dma_wait3A, %dma_wait3A_9] : memref<10000x16xf32, #tpu.memory_space<hbm>> -> memref<10000x16xf32, #tpu.memory_space<hbm>>
    tpu.wait_indirect_dma semaphore(%arg7 : memref<!tpu.dma_semaphore, #tpu.memory_space<semaphore_mem>>) src(%dma_wait3A_10 : memref<10000x16xf32, #tpu.memory_space<hbm>>) dst(%arg6 : memref<128x16xf32, #tpu.memory_space<vmem>>)
    "tpu.region"() ({
      %run_scoped3A = tpu.sem_alloc : memref<!tpu.dma_semaphore, #tpu.memory_space<semaphore_mem>>
      %dma_start3A_12 = arith.constant 0 : i32
      %dma_start3A_13 = tpu.memref_slice %arg4[%mul3A_6, %dma_start3A_12] : memref<4096x16xf32, #tpu.memory_space<hbm>> -> memref<128x16xf32, #tpu.memory_space<hbm>>
      %dma_start3A_14 = arith.constant 0 : i32
      %dma_start3A_15 = tpu.memref_slice %arg4[%mul3A_6, %dma_start3A_14] : memref<4096x16xf32, #tpu.memory_space<hbm>> -> memref<128x16xf32, #tpu.memory_space<hbm>>
      tpu.enqueue_dma source(%arg6 : memref<128x16xf32, #tpu.memory_space<vmem>>) target(%dma_start3A_15 : memref<128x16xf32, #tpu.memory_space<hbm>>) target_semaphore(%run_scoped3A : memref<!tpu.dma_semaphore, #tpu.memory_space<semaphore_mem>>)
      %dma_wait3A_16 = arith.constant 0 : i32
      %dma_wait3A_17 = tpu.memref_slice %arg4[%mul3A_6, %dma_wait3A_16] : memref<4096x16xf32, #tpu.memory_space<hbm>> -> memref<128x16xf32, #tpu.memory_space<hbm>>
      %dma_wait3A_18 = arith.constant 0 : i32
      %dma_wait3A_19 = tpu.memref_slice %arg4[%mul3A_6, %dma_wait3A_18] : memref<4096x16xf32, #tpu.memory_space<hbm>> -> memref<128x16xf32, #tpu.memory_space<hbm>>
      tpu.wait_dma2 semaphore(%run_scoped3A : memref<!tpu.dma_semaphore, #tpu.memory_space<semaphore_mem>>) src(%arg6 : memref<128x16xf32, #tpu.memory_space<vmem>>) dst(%dma_wait3A_19 : memref<128x16xf32, #tpu.memory_space<hbm>>)
      tpu.yield
    }) : () -> ()
    %scan3A_11 = arith.constant 1 : i32
    return
  }
}

#map = affine_map<(d0, d1) -> (0, 0)>
#map1 = affine_map<(d0, d1) -> (0)>
module attributes {stable_mosaic.version = 14 : i64} {
  func.func @gk(%arg0: i32, %arg1: i32, %arg2: memref<10112x16xf32, #tpu.memory_space<hbm>>, %arg3: memref<4096xi32, #tpu.memory_space<hbm>>, %arg4: memref<4096x16xf32, #tpu.memory_space<hbm>>, %arg5: memref<128xi32, #tpu.memory_space<vmem>>, %arg6: memref<128x16xf32, #tpu.memory_space<vmem>>, %arg7: memref<!tpu.dma_semaphore, #tpu.memory_space<semaphore_mem>>) attributes {dimension_semantics = [#tpu.dimension_semantics<core_parallel>, #tpu.dimension_semantics<subcore_parallel>], iteration_bounds = array<i64: 2, 16>, scalar_prefetch = 0 : i64, scratch_operands = 3 : i64, tpu.core_type = #tpu.core_type<sc_vector_subcore>, window_params = [{transform_indices = #map}, {transform_indices = #map1}, {transform_indices = #map}]} {
    %mul3A = arith.constant 2 : i32
    %mul3A_0 = arith.muli %arg1, %mul3A : i32
    %add3A = arith.addi %mul3A_0, %arg0 : i32
    %scan3A = arith.constant 0 : i32
    %scan3A_1 = arith.constant 0 : i32
    %mul3A_2 = arith.constant 1 : i32
    %mul3A_3 = arith.muli %add3A, %mul3A_2 : i32
    %add3A_4 = arith.addi %mul3A_3, %scan3A_1 : i32
    %mul3A_5 = arith.constant 128 : i32
    %mul3A_6 = arith.muli %add3A_4, %mul3A_5 : i32
    "tpu.region"() ({
      %run_scoped3A = tpu.sem_alloc : memref<!tpu.dma_semaphore, #tpu.memory_space<semaphore_mem>>
      %dma_start3A_12 = tpu.memref_slice %arg3[%mul3A_6] : memref<4096xi32, #tpu.memory_space<hbm>> -> memref<128xi32, #tpu.memory_space<hbm>>
      %dma_start3A_13 = tpu.memref_slice %arg3[%mul3A_6] : memref<4096xi32, #tpu.memory_space<hbm>> -> memref<128xi32, #tpu.memory_space<hbm>>
      tpu.enqueue_dma source(%dma_start3A_13 : memref<128xi32, #tpu.memory_space<hbm>>) target(%arg5 : memref<128xi32, #tpu.memory_space<vmem>>) target_semaphore(%run_scoped3A : memref<!tpu.dma_semaphore, #tpu.memory_space<semaphore_mem>>)
      %dma_wait3A_14 = tpu.memref_slice %arg3[%mul3A_6] : memref<4096xi32, #tpu.memory_space<hbm>> -> memref<128xi32, #tpu.memory_space<hbm>>
      %dma_wait3A_15 = tpu.memref_slice %arg3[%mul3A_6] : memref<4096xi32, #tpu.memory_space<hbm>> -> memref<128xi32, #tpu.memory_space<hbm>>
      tpu.wait_dma2 semaphore(%run_scoped3A : memref<!tpu.dma_semaphore, #tpu.memory_space<semaphore_mem>>) src(%dma_wait3A_15 : memref<128xi32, #tpu.memory_space<hbm>>) dst(%arg5 : memref<128xi32, #tpu.memory_space<vmem>>)
      tpu.yield
    }) : () -> ()
    %dma_start3A = arith.constant 0 : i32
    %dma_start3A_7 = arith.constant 0 : i32
    %dma_start3A_8 = tpu.memref_slice %arg2[%dma_start3A, %dma_start3A_7] : memref<10112x16xf32, #tpu.memory_space<hbm>> -> memref<10112x16xf32, #tpu.memory_space<hbm>>
    tpu.enqueue_indirect_dma source(%dma_start3A_8 : memref<10112x16xf32, #tpu.memory_space<hbm>>) target(%arg6 : memref<128x16xf32, #tpu.memory_space<vmem>>) offsets(%arg5 : memref<128xi32, #tpu.memory_space<vmem>>) semaphore(%arg7 : memref<!tpu.dma_semaphore, #tpu.memory_space<semaphore_mem>>)
    %dma_wait3A = arith.constant 0 : i32
    %dma_wait3A_9 = arith.constant 0 : i32
    %dma_wait3A_10 = tpu.memref_slice %arg2[%dma_wait3A, %dma_wait3A_9] : memref<10112x16xf32, #tpu.memory_space<hbm>> -> memref<10112x16xf32, #tpu.memory_space<hbm>>
    tpu.wait_indirect_dma semaphore(%arg7 : memref<!tpu.dma_semaphore, #tpu.memory_space<semaphore_mem>>) src(%dma_wait3A_10 : memref<10112x16xf32, #tpu.memory_space<hbm>>) dst(%arg6 : memref<128x16xf32, #tpu.memory_space<vmem>>)
    "tpu.region"() ({
      %run_scoped3A = tpu.sem_alloc : memref<!tpu.dma_semaphore, #tpu.memory_space<semaphore_mem>>
      %dma_start3A_12 = arith.constant 0 : i32
      %dma_start3A_13 = tpu.memref_slice %arg4[%mul3A_6, %dma_start3A_12] : memref<4096x16xf32, #tpu.memory_space<hbm>> -> memref<128x16xf32, #tpu.memory_space<hbm>>
      %dma_start3A_14 = arith.constant 0 : i32
      %dma_start3A_15 = tpu.memref_slice %arg4[%mul3A_6, %dma_start3A_14] : memref<4096x16xf32, #tpu.memory_space<hbm>> -> memref<128x16xf32, #tpu.memory_space<hbm>>
      tpu.enqueue_dma source(%arg6 : memref<128x16xf32, #tpu.memory_space<vmem>>) target(%dma_start3A_15 : memref<128x16xf32, #tpu.memory_space<hbm>>) target_semaphore(%run_scoped3A : memref<!tpu.dma_semaphore, #tpu.memory_space<semaphore_mem>>)
      %dma_wait3A_16 = arith.constant 0 : i32
      %dma_wait3A_17 = tpu.memref_slice %arg4[%mul3A_6, %dma_wait3A_16] : memref<4096x16xf32, #tpu.memory_space<hbm>> -> memref<128x16xf32, #tpu.memory_space<hbm>>
      %dma_wait3A_18 = arith.constant 0 : i32
      %dma_wait3A_19 = tpu.memref_slice %arg4[%mul3A_6, %dma_wait3A_18] : memref<4096x16xf32, #tpu.memory_space<hbm>> -> memref<128x16xf32, #tpu.memory_space<hbm>>
      tpu.wait_dma2 semaphore(%run_scoped3A : memref<!tpu.dma_semaphore, #tpu.memory_space<semaphore_mem>>) src(%arg6 : memref<128x16xf32, #tpu.memory_space<vmem>>) dst(%dma_wait3A_19 : memref<128x16xf32, #tpu.memory_space<hbm>>)
      tpu.yield
    }) : () -> ()
    %scan3A_11 = arith.constant 1 : i32
    return
  }
}

#map = affine_map<(d0, d1) -> (0, 0)>
#map1 = affine_map<(d0, d1) -> (0)>
module attributes {stable_mosaic.version = 14 : i64} {
  func.func @gk(%arg0: i32, %arg1: i32, %arg2: memref<10112x80xf32, #tpu.memory_space<hbm>>, %arg3: memref<172032xi32, #tpu.memory_space<hbm>>, %arg4: memref<172032x80xf32, #tpu.memory_space<hbm>>, %arg5: memref<128xi32, #tpu.memory_space<vmem>>, %arg6: memref<128x80xf32, #tpu.memory_space<vmem>>, %arg7: memref<!tpu.dma_semaphore, #tpu.memory_space<semaphore_mem>>) attributes {dimension_semantics = [#tpu.dimension_semantics<core_parallel>, #tpu.dimension_semantics<subcore_parallel>], iteration_bounds = array<i64: 2, 16>, scalar_prefetch = 0 : i64, scratch_operands = 3 : i64, tpu.core_type = #tpu.core_type<sc_vector_subcore>, window_params = [{transform_indices = #map}, {transform_indices = #map1}, {transform_indices = #map}]} {
    %mul3A = arith.constant 2 : i32
    %mul3A_0 = arith.muli %arg1, %mul3A : i32
    %add3A = arith.addi %mul3A_0, %arg0 : i32
    %scan3A = arith.constant 0 : i32
    %scan3A_1 = arith.constant 0 : i32
    %scan3A_2 = arith.constant 42 : i32
    %scan3A_3 = arith.addi %scan3A_1, %scan3A_2 : i32
    %scan3A_4 = arith.constant 1 : i32
    scf.for %scan3A_6 = %scan3A_1 to %scan3A_3 step %scan3A_4  : i32 {
      %mul3A_7 = arith.constant 42 : i32
      %mul3A_8 = arith.muli %add3A, %mul3A_7 : i32
      %add3A_9 = arith.addi %mul3A_8, %scan3A_6 : i32
      %mul3A_10 = arith.constant 128 : i32
      %mul3A_11 = arith.muli %add3A_9, %mul3A_10 : i32
      "tpu.region"() ({
        %run_scoped3A = tpu.sem_alloc : memref<!tpu.dma_semaphore, #tpu.memory_space<semaphore_mem>>
        %dma_start3A_16 = tpu.memref_slice %arg3[%mul3A_11] : memref<172032xi32, #tpu.memory_space<hbm>> -> memref<128xi32, #tpu.memory_space<hbm>>
        %dma_start3A_17 = tpu.memref_slice %arg3[%mul3A_11] : memref<172032xi32, #tpu.memory_space<hbm>> -> memref<128xi32, #tpu.memory_space<hbm>>
        tpu.enqueue_dma source(%dma_start3A_17 : memref<128xi32, #tpu.memory_space<hbm>>) target(%arg5 : memref<128xi32, #tpu.memory_space<vmem>>) target_semaphore(%run_scoped3A : memref<!tpu.dma_semaphore, #tpu.memory_space<semaphore_mem>>)
        %dma_wait3A_18 = tpu.memref_slice %arg3[%mul3A_11] : memref<172032xi32, #tpu.memory_space<hbm>> -> memref<128xi32, #tpu.memory_space<hbm>>
        %dma_wait3A_19 = tpu.memref_slice %arg3[%mul3A_11] : memref<172032xi32, #tpu.memory_space<hbm>> -> memref<128xi32, #tpu.memory_space<hbm>>
        tpu.wait_dma2 semaphore(%run_scoped3A : memref<!tpu.dma_semaphore, #tpu.memory_space<semaphore_mem>>) src(%dma_wait3A_19 : memref<128xi32, #tpu.memory_space<hbm>>) dst(%arg5 : memref<128xi32, #tpu.memory_space<vmem>>)
        tpu.yield
      }) : () -> ()
      %dma_start3A = arith.constant 0 : i32
      %dma_start3A_12 = arith.constant 0 : i32
      %dma_start3A_13 = tpu.memref_slice %arg2[%dma_start3A, %dma_start3A_12] : memref<10112x80xf32, #tpu.memory_space<hbm>> -> memref<10112x80xf32, #tpu.memory_space<hbm>>
      tpu.enqueue_indirect_dma source(%dma_start3A_13 : memref<10112x80xf32, #tpu.memory_space<hbm>>) target(%arg6 : memref<128x80xf32, #tpu.memory_space<vmem>>) offsets(%arg5 : memref<128xi32, #tpu.memory_space<vmem>>) semaphore(%arg7 : memref<!tpu.dma_semaphore, #tpu.memory_space<semaphore_mem>>)
      %dma_wait3A = arith.constant 0 : i32
      %dma_wait3A_14 = arith.constant 0 : i32
      %dma_wait3A_15 = tpu.memref_slice %arg2[%dma_wait3A, %dma_wait3A_14] : memref<10112x80xf32, #tpu.memory_space<hbm>> -> memref<10112x80xf32, #tpu.memory_space<hbm>>
      tpu.wait_indirect_dma semaphore(%arg7 : memref<!tpu.dma_semaphore, #tpu.memory_space<semaphore_mem>>) src(%dma_wait3A_15 : memref<10112x80xf32, #tpu.memory_space<hbm>>) dst(%arg6 : memref<128x80xf32, #tpu.memory_space<vmem>>)
      "tpu.region"() ({
        %run_scoped3A = tpu.sem_alloc : memref<!tpu.dma_semaphore, #tpu.memory_space<semaphore_mem>>
        %dma_start3A_16 = arith.constant 0 : i32
        %dma_start3A_17 = tpu.memref_slice %arg4[%mul3A_11, %dma_start3A_16] : memref<172032x80xf32, #tpu.memory_space<hbm>> -> memref<128x80xf32, #tpu.memory_space<hbm>>
        %dma_start3A_18 = arith.constant 0 : i32
        %dma_start3A_19 = tpu.memref_slice %arg4[%mul3A_11, %dma_start3A_18] : memref<172032x80xf32, #tpu.memory_space<hbm>> -> memref<128x80xf32, #tpu.memory_space<hbm>>
        tpu.enqueue_dma source(%arg6 : memref<128x80xf32, #tpu.memory_space<vmem>>) target(%dma_start3A_19 : memref<128x80xf32, #tpu.memory_space<hbm>>) target_semaphore(%run_scoped3A : memref<!tpu.dma_semaphore, #tpu.memory_space<semaphore_mem>>)
        %dma_wait3A_20 = arith.constant 0 : i32
        %dma_wait3A_21 = tpu.memref_slice %arg4[%mul3A_11, %dma_wait3A_20] : memref<172032x80xf32, #tpu.memory_space<hbm>> -> memref<128x80xf32, #tpu.memory_space<hbm>>
        %dma_wait3A_22 = arith.constant 0 : i32
        %dma_wait3A_23 = tpu.memref_slice %arg4[%mul3A_11, %dma_wait3A_22] : memref<172032x80xf32, #tpu.memory_space<hbm>> -> memref<128x80xf32, #tpu.memory_space<hbm>>
        tpu.wait_dma2 semaphore(%run_scoped3A : memref<!tpu.dma_semaphore, #tpu.memory_space<semaphore_mem>>) src(%arg6 : memref<128x80xf32, #tpu.memory_space<vmem>>) dst(%dma_wait3A_23 : memref<128x80xf32, #tpu.memory_space<hbm>>)
        tpu.yield
      }) : () -> ()
    }
    %scan3A_5 = arith.constant 42 : i32
    return
  }
}

#map = affine_map<(d0, d1) -> (0, 0)>
#map1 = affine_map<(d0, d1) -> (0)>
module attributes {stable_mosaic.version = 14 : i64} {
  func.func @gk(%arg0: i32, %arg1: i32, %arg2: memref<10112x64xf32, #tpu.memory_space<hbm>>, %arg3: memref<40960xi32, #tpu.memory_space<hbm>>, %arg4: memref<40960x64xf32, #tpu.memory_space<hbm>>, %arg5: memref<128xi32, #tpu.memory_space<vmem>>, %arg6: memref<128x64xf32, #tpu.memory_space<vmem>>, %arg7: memref<!tpu.dma_semaphore, #tpu.memory_space<semaphore_mem>>) attributes {dimension_semantics = [#tpu.dimension_semantics<core_parallel>, #tpu.dimension_semantics<subcore_parallel>], iteration_bounds = array<i64: 2, 16>, scalar_prefetch = 0 : i64, scratch_operands = 3 : i64, tpu.core_type = #tpu.core_type<sc_vector_subcore>, window_params = [{transform_indices = #map}, {transform_indices = #map1}, {transform_indices = #map}]} {
    %mul3A = arith.constant 2 : i32
    %mul3A_0 = arith.muli %arg1, %mul3A : i32
    %add3A = arith.addi %mul3A_0, %arg0 : i32
    %scan3A = arith.constant 0 : i32
    %scan3A_1 = arith.constant 0 : i32
    %scan3A_2 = arith.constant 10 : i32
    %scan3A_3 = arith.addi %scan3A_1, %scan3A_2 : i32
    %scan3A_4 = arith.constant 1 : i32
    scf.for %scan3A_6 = %scan3A_1 to %scan3A_3 step %scan3A_4  : i32 {
      %mul3A_7 = arith.constant 10 : i32
      %mul3A_8 = arith.muli %add3A, %mul3A_7 : i32
      %add3A_9 = arith.addi %mul3A_8, %scan3A_6 : i32
      %mul3A_10 = arith.constant 128 : i32
      %mul3A_11 = arith.muli %add3A_9, %mul3A_10 : i32
      "tpu.region"() ({
        %run_scoped3A = tpu.sem_alloc : memref<!tpu.dma_semaphore, #tpu.memory_space<semaphore_mem>>
        %dma_start3A_16 = tpu.memref_slice %arg3[%mul3A_11] : memref<40960xi32, #tpu.memory_space<hbm>> -> memref<128xi32, #tpu.memory_space<hbm>>
        %dma_start3A_17 = tpu.memref_slice %arg3[%mul3A_11] : memref<40960xi32, #tpu.memory_space<hbm>> -> memref<128xi32, #tpu.memory_space<hbm>>
        tpu.enqueue_dma source(%dma_start3A_17 : memref<128xi32, #tpu.memory_space<hbm>>) target(%arg5 : memref<128xi32, #tpu.memory_space<vmem>>) target_semaphore(%run_scoped3A : memref<!tpu.dma_semaphore, #tpu.memory_space<semaphore_mem>>)
        %dma_wait3A_18 = tpu.memref_slice %arg3[%mul3A_11] : memref<40960xi32, #tpu.memory_space<hbm>> -> memref<128xi32, #tpu.memory_space<hbm>>
        %dma_wait3A_19 = tpu.memref_slice %arg3[%mul3A_11] : memref<40960xi32, #tpu.memory_space<hbm>> -> memref<128xi32, #tpu.memory_space<hbm>>
        tpu.wait_dma2 semaphore(%run_scoped3A : memref<!tpu.dma_semaphore, #tpu.memory_space<semaphore_mem>>) src(%dma_wait3A_19 : memref<128xi32, #tpu.memory_space<hbm>>) dst(%arg5 : memref<128xi32, #tpu.memory_space<vmem>>)
        tpu.yield
      }) : () -> ()
      %dma_start3A = arith.constant 0 : i32
      %dma_start3A_12 = arith.constant 0 : i32
      %dma_start3A_13 = tpu.memref_slice %arg2[%dma_start3A, %dma_start3A_12] : memref<10112x64xf32, #tpu.memory_space<hbm>> -> memref<10112x64xf32, #tpu.memory_space<hbm>>
      tpu.enqueue_indirect_dma source(%dma_start3A_13 : memref<10112x64xf32, #tpu.memory_space<hbm>>) target(%arg6 : memref<128x64xf32, #tpu.memory_space<vmem>>) offsets(%arg5 : memref<128xi32, #tpu.memory_space<vmem>>) semaphore(%arg7 : memref<!tpu.dma_semaphore, #tpu.memory_space<semaphore_mem>>)
      %dma_wait3A = arith.constant 0 : i32
      %dma_wait3A_14 = arith.constant 0 : i32
      %dma_wait3A_15 = tpu.memref_slice %arg2[%dma_wait3A, %dma_wait3A_14] : memref<10112x64xf32, #tpu.memory_space<hbm>> -> memref<10112x64xf32, #tpu.memory_space<hbm>>
      tpu.wait_indirect_dma semaphore(%arg7 : memref<!tpu.dma_semaphore, #tpu.memory_space<semaphore_mem>>) src(%dma_wait3A_15 : memref<10112x64xf32, #tpu.memory_space<hbm>>) dst(%arg6 : memref<128x64xf32, #tpu.memory_space<vmem>>)
      "tpu.region"() ({
        %run_scoped3A = tpu.sem_alloc : memref<!tpu.dma_semaphore, #tpu.memory_space<semaphore_mem>>
        %dma_start3A_16 = arith.constant 0 : i32
        %dma_start3A_17 = tpu.memref_slice %arg4[%mul3A_11, %dma_start3A_16] : memref<40960x64xf32, #tpu.memory_space<hbm>> -> memref<128x64xf32, #tpu.memory_space<hbm>>
        %dma_start3A_18 = arith.constant 0 : i32
        %dma_start3A_19 = tpu.memref_slice %arg4[%mul3A_11, %dma_start3A_18] : memref<40960x64xf32, #tpu.memory_space<hbm>> -> memref<128x64xf32, #tpu.memory_space<hbm>>
        tpu.enqueue_dma source(%arg6 : memref<128x64xf32, #tpu.memory_space<vmem>>) target(%dma_start3A_19 : memref<128x64xf32, #tpu.memory_space<hbm>>) target_semaphore(%run_scoped3A : memref<!tpu.dma_semaphore, #tpu.memory_space<semaphore_mem>>)
        %dma_wait3A_20 = arith.constant 0 : i32
        %dma_wait3A_21 = tpu.memref_slice %arg4[%mul3A_11, %dma_wait3A_20] : memref<40960x64xf32, #tpu.memory_space<hbm>> -> memref<128x64xf32, #tpu.memory_space<hbm>>
        %dma_wait3A_22 = arith.constant 0 : i32
        %dma_wait3A_23 = tpu.memref_slice %arg4[%mul3A_11, %dma_wait3A_22] : memref<40960x64xf32, #tpu.memory_space<hbm>> -> memref<128x64xf32, #tpu.memory_space<hbm>>
        tpu.wait_dma2 semaphore(%run_scoped3A : memref<!tpu.dma_semaphore, #tpu.memory_space<semaphore_mem>>) src(%arg6 : memref<128x64xf32, #tpu.memory_space<vmem>>) dst(%dma_wait3A_23 : memref<128x64xf32, #tpu.memory_space<hbm>>)
        tpu.yield
      }) : () -> ()
    }
    %scan3A_5 = arith.constant 10 : i32
    return
  }
}

#map = affine_map<(d0, d1) -> (0, 0)>
#map1 = affine_map<(d0, d1) -> (0)>
module attributes {stable_mosaic.version = 14 : i64} {
  func.func @gk(%arg0: i32, %arg1: i32, %arg2: memref<2500x16xf32, #tpu.memory_space<hbm>>, %arg3: memref<4096xi32, #tpu.memory_space<hbm>>, %arg4: memref<4096x16xf32, #tpu.memory_space<hbm>>, %arg5: memref<128xi32, #tpu.memory_space<vmem>>, %arg6: memref<128x16xf32, #tpu.memory_space<vmem>>, %arg7: memref<!tpu.dma_semaphore, #tpu.memory_space<semaphore_mem>>) attributes {dimension_semantics = [#tpu.dimension_semantics<core_parallel>, #tpu.dimension_semantics<subcore_parallel>], iteration_bounds = array<i64: 2, 16>, scalar_prefetch = 0 : i64, scratch_operands = 3 : i64, tpu.core_type = #tpu.core_type<sc_vector_subcore>, window_params = [{transform_indices = #map}, {transform_indices = #map1}, {transform_indices = #map}]} {
    %mul3A = arith.constant 2 : i32
    %mul3A_0 = arith.muli %arg1, %mul3A : i32
    %add3A = arith.addi %mul3A_0, %arg0 : i32
    %scan3A = arith.constant 0 : i32
    %scan3A_1 = arith.constant 0 : i32
    %mul3A_2 = arith.constant 1 : i32
    %mul3A_3 = arith.muli %add3A, %mul3A_2 : i32
    %add3A_4 = arith.addi %mul3A_3, %scan3A_1 : i32
    %mul3A_5 = arith.constant 128 : i32
    %mul3A_6 = arith.muli %add3A_4, %mul3A_5 : i32
    "tpu.region"() ({
      %run_scoped3A = tpu.sem_alloc : memref<!tpu.dma_semaphore, #tpu.memory_space<semaphore_mem>>
      %dma_start3A_12 = tpu.memref_slice %arg3[%mul3A_6] : memref<4096xi32, #tpu.memory_space<hbm>> -> memref<128xi32, #tpu.memory_space<hbm>>
      %dma_start3A_13 = tpu.memref_slice %arg3[%mul3A_6] : memref<4096xi32, #tpu.memory_space<hbm>> -> memref<128xi32, #tpu.memory_space<hbm>>
      tpu.enqueue_dma source(%dma_start3A_13 : memref<128xi32, #tpu.memory_space<hbm>>) target(%arg5 : memref<128xi32, #tpu.memory_space<vmem>>) target_semaphore(%run_scoped3A : memref<!tpu.dma_semaphore, #tpu.memory_space<semaphore_mem>>)
      %dma_wait3A_14 = tpu.memref_slice %arg3[%mul3A_6] : memref<4096xi32, #tpu.memory_space<hbm>> -> memref<128xi32, #tpu.memory_space<hbm>>
      %dma_wait3A_15 = tpu.memref_slice %arg3[%mul3A_6] : memref<4096xi32, #tpu.memory_space<hbm>> -> memref<128xi32, #tpu.memory_space<hbm>>
      tpu.wait_dma2 semaphore(%run_scoped3A : memref<!tpu.dma_semaphore, #tpu.memory_space<semaphore_mem>>) src(%dma_wait3A_15 : memref<128xi32, #tpu.memory_space<hbm>>) dst(%arg5 : memref<128xi32, #tpu.memory_space<vmem>>)
      tpu.yield
    }) : () -> ()
    %dma_start3A = arith.constant 0 : i32
    %dma_start3A_7 = arith.constant 0 : i32
    %dma_start3A_8 = tpu.memref_slice %arg2[%dma_start3A, %dma_start3A_7] : memref<2500x16xf32, #tpu.memory_space<hbm>> -> memref<2500x16xf32, #tpu.memory_space<hbm>>
    tpu.enqueue_indirect_dma source(%dma_start3A_8 : memref<2500x16xf32, #tpu.memory_space<hbm>>) target(%arg6 : memref<128x16xf32, #tpu.memory_space<vmem>>) offsets(%arg5 : memref<128xi32, #tpu.memory_space<vmem>>) semaphore(%arg7 : memref<!tpu.dma_semaphore, #tpu.memory_space<semaphore_mem>>)
    %dma_wait3A = arith.constant 0 : i32
    %dma_wait3A_9 = arith.constant 0 : i32
    %dma_wait3A_10 = tpu.memref_slice %arg2[%dma_wait3A, %dma_wait3A_9] : memref<2500x16xf32, #tpu.memory_space<hbm>> -> memref<2500x16xf32, #tpu.memory_space<hbm>>
    tpu.wait_indirect_dma semaphore(%arg7 : memref<!tpu.dma_semaphore, #tpu.memory_space<semaphore_mem>>) src(%dma_wait3A_10 : memref<2500x16xf32, #tpu.memory_space<hbm>>) dst(%arg6 : memref<128x16xf32, #tpu.memory_space<vmem>>)
    "tpu.region"() ({
      %run_scoped3A = tpu.sem_alloc : memref<!tpu.dma_semaphore, #tpu.memory_space<semaphore_mem>>
      %dma_start3A_12 = arith.constant 0 : i32
      %dma_start3A_13 = tpu.memref_slice %arg4[%mul3A_6, %dma_start3A_12] : memref<4096x16xf32, #tpu.memory_space<hbm>> -> memref<128x16xf32, #tpu.memory_space<hbm>>
      %dma_start3A_14 = arith.constant 0 : i32
      %dma_start3A_15 = tpu.memref_slice %arg4[%mul3A_6, %dma_start3A_14] : memref<4096x16xf32, #tpu.memory_space<hbm>> -> memref<128x16xf32, #tpu.memory_space<hbm>>
      tpu.enqueue_dma source(%arg6 : memref<128x16xf32, #tpu.memory_space<vmem>>) target(%dma_start3A_15 : memref<128x16xf32, #tpu.memory_space<hbm>>) target_semaphore(%run_scoped3A : memref<!tpu.dma_semaphore, #tpu.memory_space<semaphore_mem>>)
      %dma_wait3A_16 = arith.constant 0 : i32
      %dma_wait3A_17 = tpu.memref_slice %arg4[%mul3A_6, %dma_wait3A_16] : memref<4096x16xf32, #tpu.memory_space<hbm>> -> memref<128x16xf32, #tpu.memory_space<hbm>>
      %dma_wait3A_18 = arith.constant 0 : i32
      %dma_wait3A_19 = tpu.memref_slice %arg4[%mul3A_6, %dma_wait3A_18] : memref<4096x16xf32, #tpu.memory_space<hbm>> -> memref<128x16xf32, #tpu.memory_space<hbm>>
      tpu.wait_dma2 semaphore(%run_scoped3A : memref<!tpu.dma_semaphore, #tpu.memory_space<semaphore_mem>>) src(%arg6 : memref<128x16xf32, #tpu.memory_space<vmem>>) dst(%dma_wait3A_19 : memref<128x16xf32, #tpu.memory_space<hbm>>)
      tpu.yield
    }) : () -> ()
    %scan3A_11 = arith.constant 1 : i32
    return
  }
}

#map = affine_map<(d0, d1) -> (0, 0)>
#map1 = affine_map<(d0, d1) -> (0)>
module attributes {stable_mosaic.version = 14 : i64} {
  func.func @gk(%arg0: i32, %arg1: i32, %arg2: memref<2560x144xf32, #tpu.memory_space<hbm>>, %arg3: memref<45056xi32, #tpu.memory_space<hbm>>, %arg4: memref<45056x144xf32, #tpu.memory_space<hbm>>, %arg5: memref<128xi32, #tpu.memory_space<vmem>>, %arg6: memref<128x144xf32, #tpu.memory_space<vmem>>, %arg7: memref<!tpu.dma_semaphore, #tpu.memory_space<semaphore_mem>>) attributes {dimension_semantics = [#tpu.dimension_semantics<core_parallel>, #tpu.dimension_semantics<subcore_parallel>], iteration_bounds = array<i64: 2, 16>, scalar_prefetch = 0 : i64, scratch_operands = 3 : i64, tpu.core_type = #tpu.core_type<sc_vector_subcore>, window_params = [{transform_indices = #map}, {transform_indices = #map1}, {transform_indices = #map}]} {
    %mul3A = arith.constant 2 : i32
    %mul3A_0 = arith.muli %arg1, %mul3A : i32
    %add3A = arith.addi %mul3A_0, %arg0 : i32
    %scan3A = arith.constant 0 : i32
    %scan3A_1 = arith.constant 0 : i32
    %scan3A_2 = arith.constant 11 : i32
    %scan3A_3 = arith.addi %scan3A_1, %scan3A_2 : i32
    %scan3A_4 = arith.constant 1 : i32
    scf.for %scan3A_6 = %scan3A_1 to %scan3A_3 step %scan3A_4  : i32 {
      %mul3A_7 = arith.constant 11 : i32
      %mul3A_8 = arith.muli %add3A, %mul3A_7 : i32
      %add3A_9 = arith.addi %mul3A_8, %scan3A_6 : i32
      %mul3A_10 = arith.constant 128 : i32
      %mul3A_11 = arith.muli %add3A_9, %mul3A_10 : i32
      "tpu.region"() ({
        %run_scoped3A = tpu.sem_alloc : memref<!tpu.dma_semaphore, #tpu.memory_space<semaphore_mem>>
        %dma_start3A_16 = tpu.memref_slice %arg3[%mul3A_11] : memref<45056xi32, #tpu.memory_space<hbm>> -> memref<128xi32, #tpu.memory_space<hbm>>
        %dma_start3A_17 = tpu.memref_slice %arg3[%mul3A_11] : memref<45056xi32, #tpu.memory_space<hbm>> -> memref<128xi32, #tpu.memory_space<hbm>>
        tpu.enqueue_dma source(%dma_start3A_17 : memref<128xi32, #tpu.memory_space<hbm>>) target(%arg5 : memref<128xi32, #tpu.memory_space<vmem>>) target_semaphore(%run_scoped3A : memref<!tpu.dma_semaphore, #tpu.memory_space<semaphore_mem>>)
        %dma_wait3A_18 = tpu.memref_slice %arg3[%mul3A_11] : memref<45056xi32, #tpu.memory_space<hbm>> -> memref<128xi32, #tpu.memory_space<hbm>>
        %dma_wait3A_19 = tpu.memref_slice %arg3[%mul3A_11] : memref<45056xi32, #tpu.memory_space<hbm>> -> memref<128xi32, #tpu.memory_space<hbm>>
        tpu.wait_dma2 semaphore(%run_scoped3A : memref<!tpu.dma_semaphore, #tpu.memory_space<semaphore_mem>>) src(%dma_wait3A_19 : memref<128xi32, #tpu.memory_space<hbm>>) dst(%arg5 : memref<128xi32, #tpu.memory_space<vmem>>)
        tpu.yield
      }) : () -> ()
      %dma_start3A = arith.constant 0 : i32
      %dma_start3A_12 = arith.constant 0 : i32
      %dma_start3A_13 = tpu.memref_slice %arg2[%dma_start3A, %dma_start3A_12] : memref<2560x144xf32, #tpu.memory_space<hbm>> -> memref<2560x144xf32, #tpu.memory_space<hbm>>
      tpu.enqueue_indirect_dma source(%dma_start3A_13 : memref<2560x144xf32, #tpu.memory_space<hbm>>) target(%arg6 : memref<128x144xf32, #tpu.memory_space<vmem>>) offsets(%arg5 : memref<128xi32, #tpu.memory_space<vmem>>) semaphore(%arg7 : memref<!tpu.dma_semaphore, #tpu.memory_space<semaphore_mem>>)
      %dma_wait3A = arith.constant 0 : i32
      %dma_wait3A_14 = arith.constant 0 : i32
      %dma_wait3A_15 = tpu.memref_slice %arg2[%dma_wait3A, %dma_wait3A_14] : memref<2560x144xf32, #tpu.memory_space<hbm>> -> memref<2560x144xf32, #tpu.memory_space<hbm>>
      tpu.wait_indirect_dma semaphore(%arg7 : memref<!tpu.dma_semaphore, #tpu.memory_space<semaphore_mem>>) src(%dma_wait3A_15 : memref<2560x144xf32, #tpu.memory_space<hbm>>) dst(%arg6 : memref<128x144xf32, #tpu.memory_space<vmem>>)
      "tpu.region"() ({
        %run_scoped3A = tpu.sem_alloc : memref<!tpu.dma_semaphore, #tpu.memory_space<semaphore_mem>>
        %dma_start3A_16 = arith.constant 0 : i32
        %dma_start3A_17 = tpu.memref_slice %arg4[%mul3A_11, %dma_start3A_16] : memref<45056x144xf32, #tpu.memory_space<hbm>> -> memref<128x144xf32, #tpu.memory_space<hbm>>
        %dma_start3A_18 = arith.constant 0 : i32
        %dma_start3A_19 = tpu.memref_slice %arg4[%mul3A_11, %dma_start3A_18] : memref<45056x144xf32, #tpu.memory_space<hbm>> -> memref<128x144xf32, #tpu.memory_space<hbm>>
        tpu.enqueue_dma source(%arg6 : memref<128x144xf32, #tpu.memory_space<vmem>>) target(%dma_start3A_19 : memref<128x144xf32, #tpu.memory_space<hbm>>) target_semaphore(%run_scoped3A : memref<!tpu.dma_semaphore, #tpu.memory_space<semaphore_mem>>)
        %dma_wait3A_20 = arith.constant 0 : i32
        %dma_wait3A_21 = tpu.memref_slice %arg4[%mul3A_11, %dma_wait3A_20] : memref<45056x144xf32, #tpu.memory_space<hbm>> -> memref<128x144xf32, #tpu.memory_space<hbm>>
        %dma_wait3A_22 = arith.constant 0 : i32
        %dma_wait3A_23 = tpu.memref_slice %arg4[%mul3A_11, %dma_wait3A_22] : memref<45056x144xf32, #tpu.memory_space<hbm>> -> memref<128x144xf32, #tpu.memory_space<hbm>>
        tpu.wait_dma2 semaphore(%run_scoped3A : memref<!tpu.dma_semaphore, #tpu.memory_space<semaphore_mem>>) src(%arg6 : memref<128x144xf32, #tpu.memory_space<vmem>>) dst(%dma_wait3A_23 : memref<128x144xf32, #tpu.memory_space<hbm>>)
        tpu.yield
      }) : () -> ()
    }
    %scan3A_5 = arith.constant 11 : i32
    return
  }
}

#map = affine_map<(d0, d1) -> (0, 0)>
#map1 = affine_map<(d0, d1) -> (0)>
module attributes {stable_mosaic.version = 14 : i64} {
  func.func @gk(%arg0: i32, %arg1: i32, %arg2: memref<2560x16xf32, #tpu.memory_space<hbm>>, %arg3: memref<4096xi32, #tpu.memory_space<hbm>>, %arg4: memref<4096x16xf32, #tpu.memory_space<hbm>>, %arg5: memref<128xi32, #tpu.memory_space<vmem>>, %arg6: memref<128x16xf32, #tpu.memory_space<vmem>>, %arg7: memref<!tpu.dma_semaphore, #tpu.memory_space<semaphore_mem>>) attributes {dimension_semantics = [#tpu.dimension_semantics<core_parallel>, #tpu.dimension_semantics<subcore_parallel>], iteration_bounds = array<i64: 2, 16>, scalar_prefetch = 0 : i64, scratch_operands = 3 : i64, tpu.core_type = #tpu.core_type<sc_vector_subcore>, window_params = [{transform_indices = #map}, {transform_indices = #map1}, {transform_indices = #map}]} {
    %mul3A = arith.constant 2 : i32
    %mul3A_0 = arith.muli %arg1, %mul3A : i32
    %add3A = arith.addi %mul3A_0, %arg0 : i32
    %scan3A = arith.constant 0 : i32
    %scan3A_1 = arith.constant 0 : i32
    %mul3A_2 = arith.constant 1 : i32
    %mul3A_3 = arith.muli %add3A, %mul3A_2 : i32
    %add3A_4 = arith.addi %mul3A_3, %scan3A_1 : i32
    %mul3A_5 = arith.constant 128 : i32
    %mul3A_6 = arith.muli %add3A_4, %mul3A_5 : i32
    "tpu.region"() ({
      %run_scoped3A = tpu.sem_alloc : memref<!tpu.dma_semaphore, #tpu.memory_space<semaphore_mem>>
      %dma_start3A_12 = tpu.memref_slice %arg3[%mul3A_6] : memref<4096xi32, #tpu.memory_space<hbm>> -> memref<128xi32, #tpu.memory_space<hbm>>
      %dma_start3A_13 = tpu.memref_slice %arg3[%mul3A_6] : memref<4096xi32, #tpu.memory_space<hbm>> -> memref<128xi32, #tpu.memory_space<hbm>>
      tpu.enqueue_dma source(%dma_start3A_13 : memref<128xi32, #tpu.memory_space<hbm>>) target(%arg5 : memref<128xi32, #tpu.memory_space<vmem>>) target_semaphore(%run_scoped3A : memref<!tpu.dma_semaphore, #tpu.memory_space<semaphore_mem>>)
      %dma_wait3A_14 = tpu.memref_slice %arg3[%mul3A_6] : memref<4096xi32, #tpu.memory_space<hbm>> -> memref<128xi32, #tpu.memory_space<hbm>>
      %dma_wait3A_15 = tpu.memref_slice %arg3[%mul3A_6] : memref<4096xi32, #tpu.memory_space<hbm>> -> memref<128xi32, #tpu.memory_space<hbm>>
      tpu.wait_dma2 semaphore(%run_scoped3A : memref<!tpu.dma_semaphore, #tpu.memory_space<semaphore_mem>>) src(%dma_wait3A_15 : memref<128xi32, #tpu.memory_space<hbm>>) dst(%arg5 : memref<128xi32, #tpu.memory_space<vmem>>)
      tpu.yield
    }) : () -> ()
    %dma_start3A = arith.constant 0 : i32
    %dma_start3A_7 = arith.constant 0 : i32
    %dma_start3A_8 = tpu.memref_slice %arg2[%dma_start3A, %dma_start3A_7] : memref<2560x16xf32, #tpu.memory_space<hbm>> -> memref<2560x16xf32, #tpu.memory_space<hbm>>
    tpu.enqueue_indirect_dma source(%dma_start3A_8 : memref<2560x16xf32, #tpu.memory_space<hbm>>) target(%arg6 : memref<128x16xf32, #tpu.memory_space<vmem>>) offsets(%arg5 : memref<128xi32, #tpu.memory_space<vmem>>) semaphore(%arg7 : memref<!tpu.dma_semaphore, #tpu.memory_space<semaphore_mem>>)
    %dma_wait3A = arith.constant 0 : i32
    %dma_wait3A_9 = arith.constant 0 : i32
    %dma_wait3A_10 = tpu.memref_slice %arg2[%dma_wait3A, %dma_wait3A_9] : memref<2560x16xf32, #tpu.memory_space<hbm>> -> memref<2560x16xf32, #tpu.memory_space<hbm>>
    tpu.wait_indirect_dma semaphore(%arg7 : memref<!tpu.dma_semaphore, #tpu.memory_space<semaphore_mem>>) src(%dma_wait3A_10 : memref<2560x16xf32, #tpu.memory_space<hbm>>) dst(%arg6 : memref<128x16xf32, #tpu.memory_space<vmem>>)
    "tpu.region"() ({
      %run_scoped3A = tpu.sem_alloc : memref<!tpu.dma_semaphore, #tpu.memory_space<semaphore_mem>>
      %dma_start3A_12 = arith.constant 0 : i32
      %dma_start3A_13 = tpu.memref_slice %arg4[%mul3A_6, %dma_start3A_12] : memref<4096x16xf32, #tpu.memory_space<hbm>> -> memref<128x16xf32, #tpu.memory_space<hbm>>
      %dma_start3A_14 = arith.constant 0 : i32
      %dma_start3A_15 = tpu.memref_slice %arg4[%mul3A_6, %dma_start3A_14] : memref<4096x16xf32, #tpu.memory_space<hbm>> -> memref<128x16xf32, #tpu.memory_space<hbm>>
      tpu.enqueue_dma source(%arg6 : memref<128x16xf32, #tpu.memory_space<vmem>>) target(%dma_start3A_15 : memref<128x16xf32, #tpu.memory_space<hbm>>) target_semaphore(%run_scoped3A : memref<!tpu.dma_semaphore, #tpu.memory_space<semaphore_mem>>)
      %dma_wait3A_16 = arith.constant 0 : i32
      %dma_wait3A_17 = tpu.memref_slice %arg4[%mul3A_6, %dma_wait3A_16] : memref<4096x16xf32, #tpu.memory_space<hbm>> -> memref<128x16xf32, #tpu.memory_space<hbm>>
      %dma_wait3A_18 = arith.constant 0 : i32
      %dma_wait3A_19 = tpu.memref_slice %arg4[%mul3A_6, %dma_wait3A_18] : memref<4096x16xf32, #tpu.memory_space<hbm>> -> memref<128x16xf32, #tpu.memory_space<hbm>>
      tpu.wait_dma2 semaphore(%run_scoped3A : memref<!tpu.dma_semaphore, #tpu.memory_space<semaphore_mem>>) src(%arg6 : memref<128x16xf32, #tpu.memory_space<vmem>>) dst(%dma_wait3A_19 : memref<128x16xf32, #tpu.memory_space<hbm>>)
      tpu.yield
    }) : () -> ()
    %scan3A_11 = arith.constant 1 : i32
    return
  }
}

#map = affine_map<(d0, d1) -> (0, 0)>
#map1 = affine_map<(d0, d1) -> (0)>
module attributes {stable_mosaic.version = 14 : i64} {
  func.func @gk(%arg0: i32, %arg1: i32, %arg2: memref<2560x128xf32, #tpu.memory_space<hbm>>, %arg3: memref<12288xi32, #tpu.memory_space<hbm>>, %arg4: memref<12288x128xf32, #tpu.memory_space<hbm>>, %arg5: memref<128xi32, #tpu.memory_space<vmem>>, %arg6: memref<128x128xf32, #tpu.memory_space<vmem>>, %arg7: memref<!tpu.dma_semaphore, #tpu.memory_space<semaphore_mem>>) attributes {dimension_semantics = [#tpu.dimension_semantics<core_parallel>, #tpu.dimension_semantics<subcore_parallel>], iteration_bounds = array<i64: 2, 16>, scalar_prefetch = 0 : i64, scratch_operands = 3 : i64, tpu.core_type = #tpu.core_type<sc_vector_subcore>, window_params = [{transform_indices = #map}, {transform_indices = #map1}, {transform_indices = #map}]} {
    %mul3A = arith.constant 2 : i32
    %mul3A_0 = arith.muli %arg1, %mul3A : i32
    %add3A = arith.addi %mul3A_0, %arg0 : i32
    %scan3A = arith.constant 0 : i32
    %scan3A_1 = arith.constant 0 : i32
    %scan3A_2 = arith.constant 3 : i32
    %scan3A_3 = arith.addi %scan3A_1, %scan3A_2 : i32
    %scan3A_4 = arith.constant 1 : i32
    scf.for %scan3A_6 = %scan3A_1 to %scan3A_3 step %scan3A_4  : i32 {
      %mul3A_7 = arith.constant 3 : i32
      %mul3A_8 = arith.muli %add3A, %mul3A_7 : i32
      %add3A_9 = arith.addi %mul3A_8, %scan3A_6 : i32
      %mul3A_10 = arith.constant 128 : i32
      %mul3A_11 = arith.muli %add3A_9, %mul3A_10 : i32
      "tpu.region"() ({
        %run_scoped3A = tpu.sem_alloc : memref<!tpu.dma_semaphore, #tpu.memory_space<semaphore_mem>>
        %dma_start3A_16 = tpu.memref_slice %arg3[%mul3A_11] : memref<12288xi32, #tpu.memory_space<hbm>> -> memref<128xi32, #tpu.memory_space<hbm>>
        %dma_start3A_17 = tpu.memref_slice %arg3[%mul3A_11] : memref<12288xi32, #tpu.memory_space<hbm>> -> memref<128xi32, #tpu.memory_space<hbm>>
        tpu.enqueue_dma source(%dma_start3A_17 : memref<128xi32, #tpu.memory_space<hbm>>) target(%arg5 : memref<128xi32, #tpu.memory_space<vmem>>) target_semaphore(%run_scoped3A : memref<!tpu.dma_semaphore, #tpu.memory_space<semaphore_mem>>)
        %dma_wait3A_18 = tpu.memref_slice %arg3[%mul3A_11] : memref<12288xi32, #tpu.memory_space<hbm>> -> memref<128xi32, #tpu.memory_space<hbm>>
        %dma_wait3A_19 = tpu.memref_slice %arg3[%mul3A_11] : memref<12288xi32, #tpu.memory_space<hbm>> -> memref<128xi32, #tpu.memory_space<hbm>>
        tpu.wait_dma2 semaphore(%run_scoped3A : memref<!tpu.dma_semaphore, #tpu.memory_space<semaphore_mem>>) src(%dma_wait3A_19 : memref<128xi32, #tpu.memory_space<hbm>>) dst(%arg5 : memref<128xi32, #tpu.memory_space<vmem>>)
        tpu.yield
      }) : () -> ()
      %dma_start3A = arith.constant 0 : i32
      %dma_start3A_12 = arith.constant 0 : i32
      %dma_start3A_13 = tpu.memref_slice %arg2[%dma_start3A, %dma_start3A_12] : memref<2560x128xf32, #tpu.memory_space<hbm>> -> memref<2560x128xf32, #tpu.memory_space<hbm>>
      tpu.enqueue_indirect_dma source(%dma_start3A_13 : memref<2560x128xf32, #tpu.memory_space<hbm>>) target(%arg6 : memref<128x128xf32, #tpu.memory_space<vmem>>) offsets(%arg5 : memref<128xi32, #tpu.memory_space<vmem>>) semaphore(%arg7 : memref<!tpu.dma_semaphore, #tpu.memory_space<semaphore_mem>>)
      %dma_wait3A = arith.constant 0 : i32
      %dma_wait3A_14 = arith.constant 0 : i32
      %dma_wait3A_15 = tpu.memref_slice %arg2[%dma_wait3A, %dma_wait3A_14] : memref<2560x128xf32, #tpu.memory_space<hbm>> -> memref<2560x128xf32, #tpu.memory_space<hbm>>
      tpu.wait_indirect_dma semaphore(%arg7 : memref<!tpu.dma_semaphore, #tpu.memory_space<semaphore_mem>>) src(%dma_wait3A_15 : memref<2560x128xf32, #tpu.memory_space<hbm>>) dst(%arg6 : memref<128x128xf32, #tpu.memory_space<vmem>>)
      "tpu.region"() ({
        %run_scoped3A = tpu.sem_alloc : memref<!tpu.dma_semaphore, #tpu.memory_space<semaphore_mem>>
        %dma_start3A_16 = arith.constant 0 : i32
        %dma_start3A_17 = tpu.memref_slice %arg4[%mul3A_11, %dma_start3A_16] : memref<12288x128xf32, #tpu.memory_space<hbm>> -> memref<128x128xf32, #tpu.memory_space<hbm>>
        %dma_start3A_18 = arith.constant 0 : i32
        %dma_start3A_19 = tpu.memref_slice %arg4[%mul3A_11, %dma_start3A_18] : memref<12288x128xf32, #tpu.memory_space<hbm>> -> memref<128x128xf32, #tpu.memory_space<hbm>>
        tpu.enqueue_dma source(%arg6 : memref<128x128xf32, #tpu.memory_space<vmem>>) target(%dma_start3A_19 : memref<128x128xf32, #tpu.memory_space<hbm>>) target_semaphore(%run_scoped3A : memref<!tpu.dma_semaphore, #tpu.memory_space<semaphore_mem>>)
        %dma_wait3A_20 = arith.constant 0 : i32
        %dma_wait3A_21 = tpu.memref_slice %arg4[%mul3A_11, %dma_wait3A_20] : memref<12288x128xf32, #tpu.memory_space<hbm>> -> memref<128x128xf32, #tpu.memory_space<hbm>>
        %dma_wait3A_22 = arith.constant 0 : i32
        %dma_wait3A_23 = tpu.memref_slice %arg4[%mul3A_11, %dma_wait3A_22] : memref<12288x128xf32, #tpu.memory_space<hbm>> -> memref<128x128xf32, #tpu.memory_space<hbm>>
        tpu.wait_dma2 semaphore(%run_scoped3A : memref<!tpu.dma_semaphore, #tpu.memory_space<semaphore_mem>>) src(%arg6 : memref<128x128xf32, #tpu.memory_space<vmem>>) dst(%dma_wait3A_23 : memref<128x128xf32, #tpu.memory_space<hbm>>)
        tpu.yield
      }) : () -> ()
    }
    %scan3A_5 = arith.constant 3 : i32
    return
  }
}

#map = affine_map<(d0, d1) -> (0, 0)>
#map1 = affine_map<(d0, d1) -> (0)>
module attributes {stable_mosaic.version = 14 : i64} {
  func.func @gk(%arg0: i32, %arg1: i32, %arg2: memref<640x272xf32, #tpu.memory_space<hbm>>, %arg3: memref<12288xi32, #tpu.memory_space<hbm>>, %arg4: memref<12288x272xf32, #tpu.memory_space<hbm>>, %arg5: memref<128xi32, #tpu.memory_space<vmem>>, %arg6: memref<128x272xf32, #tpu.memory_space<vmem>>, %arg7: memref<!tpu.dma_semaphore, #tpu.memory_space<semaphore_mem>>) attributes {dimension_semantics = [#tpu.dimension_semantics<core_parallel>, #tpu.dimension_semantics<subcore_parallel>], iteration_bounds = array<i64: 2, 16>, scalar_prefetch = 0 : i64, scratch_operands = 3 : i64, tpu.core_type = #tpu.core_type<sc_vector_subcore>, window_params = [{transform_indices = #map}, {transform_indices = #map1}, {transform_indices = #map}]} {
    %mul3A = arith.constant 2 : i32
    %mul3A_0 = arith.muli %arg1, %mul3A : i32
    %add3A = arith.addi %mul3A_0, %arg0 : i32
    %scan3A = arith.constant 0 : i32
    %scan3A_1 = arith.constant 0 : i32
    %scan3A_2 = arith.constant 3 : i32
    %scan3A_3 = arith.addi %scan3A_1, %scan3A_2 : i32
    %scan3A_4 = arith.constant 1 : i32
    scf.for %scan3A_6 = %scan3A_1 to %scan3A_3 step %scan3A_4  : i32 {
      %mul3A_7 = arith.constant 3 : i32
      %mul3A_8 = arith.muli %add3A, %mul3A_7 : i32
      %add3A_9 = arith.addi %mul3A_8, %scan3A_6 : i32
      %mul3A_10 = arith.constant 128 : i32
      %mul3A_11 = arith.muli %add3A_9, %mul3A_10 : i32
      "tpu.region"() ({
        %run_scoped3A = tpu.sem_alloc : memref<!tpu.dma_semaphore, #tpu.memory_space<semaphore_mem>>
        %dma_start3A_16 = tpu.memref_slice %arg3[%mul3A_11] : memref<12288xi32, #tpu.memory_space<hbm>> -> memref<128xi32, #tpu.memory_space<hbm>>
        %dma_start3A_17 = tpu.memref_slice %arg3[%mul3A_11] : memref<12288xi32, #tpu.memory_space<hbm>> -> memref<128xi32, #tpu.memory_space<hbm>>
        tpu.enqueue_dma source(%dma_start3A_17 : memref<128xi32, #tpu.memory_space<hbm>>) target(%arg5 : memref<128xi32, #tpu.memory_space<vmem>>) target_semaphore(%run_scoped3A : memref<!tpu.dma_semaphore, #tpu.memory_space<semaphore_mem>>)
        %dma_wait3A_18 = tpu.memref_slice %arg3[%mul3A_11] : memref<12288xi32, #tpu.memory_space<hbm>> -> memref<128xi32, #tpu.memory_space<hbm>>
        %dma_wait3A_19 = tpu.memref_slice %arg3[%mul3A_11] : memref<12288xi32, #tpu.memory_space<hbm>> -> memref<128xi32, #tpu.memory_space<hbm>>
        tpu.wait_dma2 semaphore(%run_scoped3A : memref<!tpu.dma_semaphore, #tpu.memory_space<semaphore_mem>>) src(%dma_wait3A_19 : memref<128xi32, #tpu.memory_space<hbm>>) dst(%arg5 : memref<128xi32, #tpu.memory_space<vmem>>)
        tpu.yield
      }) : () -> ()
      %dma_start3A = arith.constant 0 : i32
      %dma_start3A_12 = arith.constant 0 : i32
      %dma_start3A_13 = tpu.memref_slice %arg2[%dma_start3A, %dma_start3A_12] : memref<640x272xf32, #tpu.memory_space<hbm>> -> memref<640x272xf32, #tpu.memory_space<hbm>>
      tpu.enqueue_indirect_dma source(%dma_start3A_13 : memref<640x272xf32, #tpu.memory_space<hbm>>) target(%arg6 : memref<128x272xf32, #tpu.memory_space<vmem>>) offsets(%arg5 : memref<128xi32, #tpu.memory_space<vmem>>) semaphore(%arg7 : memref<!tpu.dma_semaphore, #tpu.memory_space<semaphore_mem>>)
      %dma_wait3A = arith.constant 0 : i32
      %dma_wait3A_14 = arith.constant 0 : i32
      %dma_wait3A_15 = tpu.memref_slice %arg2[%dma_wait3A, %dma_wait3A_14] : memref<640x272xf32, #tpu.memory_space<hbm>> -> memref<640x272xf32, #tpu.memory_space<hbm>>
      tpu.wait_indirect_dma semaphore(%arg7 : memref<!tpu.dma_semaphore, #tpu.memory_space<semaphore_mem>>) src(%dma_wait3A_15 : memref<640x272xf32, #tpu.memory_space<hbm>>) dst(%arg6 : memref<128x272xf32, #tpu.memory_space<vmem>>)
      "tpu.region"() ({
        %run_scoped3A = tpu.sem_alloc : memref<!tpu.dma_semaphore, #tpu.memory_space<semaphore_mem>>
        %dma_start3A_16 = arith.constant 0 : i32
        %dma_start3A_17 = tpu.memref_slice %arg4[%mul3A_11, %dma_start3A_16] : memref<12288x272xf32, #tpu.memory_space<hbm>> -> memref<128x272xf32, #tpu.memory_space<hbm>>
        %dma_start3A_18 = arith.constant 0 : i32
        %dma_start3A_19 = tpu.memref_slice %arg4[%mul3A_11, %dma_start3A_18] : memref<12288x272xf32, #tpu.memory_space<hbm>> -> memref<128x272xf32, #tpu.memory_space<hbm>>
        tpu.enqueue_dma source(%arg6 : memref<128x272xf32, #tpu.memory_space<vmem>>) target(%dma_start3A_19 : memref<128x272xf32, #tpu.memory_space<hbm>>) target_semaphore(%run_scoped3A : memref<!tpu.dma_semaphore, #tpu.memory_space<semaphore_mem>>)
        %dma_wait3A_20 = arith.constant 0 : i32
        %dma_wait3A_21 = tpu.memref_slice %arg4[%mul3A_11, %dma_wait3A_20] : memref<12288x272xf32, #tpu.memory_space<hbm>> -> memref<128x272xf32, #tpu.memory_space<hbm>>
        %dma_wait3A_22 = arith.constant 0 : i32
        %dma_wait3A_23 = tpu.memref_slice %arg4[%mul3A_11, %dma_wait3A_22] : memref<12288x272xf32, #tpu.memory_space<hbm>> -> memref<128x272xf32, #tpu.memory_space<hbm>>
        tpu.wait_dma2 semaphore(%run_scoped3A : memref<!tpu.dma_semaphore, #tpu.memory_space<semaphore_mem>>) src(%arg6 : memref<128x272xf32, #tpu.memory_space<vmem>>) dst(%dma_wait3A_23 : memref<128x272xf32, #tpu.memory_space<hbm>>)
        tpu.yield
      }) : () -> ()
    }
    %scan3A_5 = arith.constant 3 : i32
    return
  }
}

module attributes {stable_mosaic.version = 14 : i64} {
  func.func @body(%arg0: memref<24x1250xf32, #tpu.memory_space<vmem>>, %arg1: memref<2500x1xi32, #tpu.memory_space<vmem>>) attributes {dimension_semantics = [], scalar_prefetch = 0 : i64, scratch_operands = 0 : i64, tpu.core_type = #tpu.core_type<tc>} {
    %get3A = arith.constant 0 : index
    %get3A_0 = arith.constant 0 : index
    %get3A_1 = vector.load %arg0[%get3A, %get3A_0] : memref<24x1250xf32, #tpu.memory_space<vmem>>, vector<24x1250xf32>
    %slice3A = vector.extract_strided_slice %get3A_1 {offsets = [0, 0], sizes = [8, 1250], strides = [1, 1]} : vector<24x1250xf32> to vector<8x1250xf32>
    %slice3A_2 = vector.extract_strided_slice %get3A_1 {offsets = [8, 0], sizes = [8, 1250], strides = [1, 1]} : vector<24x1250xf32> to vector<8x1250xf32>
    %slice3A_3 = vector.extract_strided_slice %get3A_1 {offsets = [16, 0], sizes = [8, 1250], strides = [1, 1]} : vector<24x1250xf32> to vector<8x1250xf32>
    %iota3A = tpu.iota {dimensions = array<i32: 0>} : vector<8x1250xi32>
    %mul3A = arith.constant 1250 : i32
    %mul3A_4 = vector.broadcast %mul3A : i32 to vector<8x1250xi32>
    %mul3A_5 = arith.muli %iota3A, %mul3A_4 : vector<8x1250xi32>
    %iota3A_6 = tpu.iota {dimensions = array<i32: 1>} : vector<8x1250xi32>
    %add3A = arith.addi %mul3A_5, %iota3A_6 : vector<8x1250xi32>
    %lt3A = arith.constant 10000 : i32
    %lt3A_7 = vector.broadcast %lt3A : i32 to vector<8x1250xi32>
    %lt3A_8 = arith.cmpi slt, %add3A, %lt3A_7 : vector<8x1250xi32>
    %eq3A = arith.constant 0 : i32
    %eq3A_9 = vector.broadcast %eq3A : i32 to vector<8x1250xi32>
    %eq3A_10 = arith.cmpi eq, %add3A, %eq3A_9 : vector<8x1250xi32>
    %jit3A = arith.constant 0.000000e+00 : f32
    %broadcast_in_dim3A = vector.broadcast %jit3A : f32 to vector<8x1250xf32>
    %select_n3A = arith.select %eq3A_10, %slice3A, %broadcast_in_dim3A : vector<8x1250xi1>, vector<8x1250xf32>
    %reduce_sum3A = arith.constant dense<0.000000e+00> : vector<8xf32>
    %reduce_sum3A_11 = vector.multi_reduction <add>, %select_n3A, %reduce_sum3A [1] : vector<8x1250xf32> to vector<8xf32>
    %broadcast_in_dim3A_12 = vector.shape_cast %reduce_sum3A_11 : vector<8xf32> to vector<8x1xf32>
    %reduce_sum3A_13 = arith.constant dense<0.000000e+00> : vector<1xf32>
    %reduce_sum3A_14 = vector.multi_reduction <add>, %broadcast_in_dim3A_12, %reduce_sum3A_13 [0] : vector<8x1xf32> to vector<1xf32>
    %broadcast_in_dim3A_15 = vector.shape_cast %reduce_sum3A_14 : vector<1xf32> to vector<1x1xf32>
    %jit3A_16 = arith.constant 0.000000e+00 : f32
    %broadcast_in_dim3A_17 = vector.broadcast %jit3A_16 : f32 to vector<8x1250xf32>
    %select_n3A_18 = arith.select %eq3A_10, %slice3A_2, %broadcast_in_dim3A_17 : vector<8x1250xi1>, vector<8x1250xf32>
    %reduce_sum3A_19 = arith.constant dense<0.000000e+00> : vector<8xf32>
    %reduce_sum3A_20 = vector.multi_reduction <add>, %select_n3A_18, %reduce_sum3A_19 [1] : vector<8x1250xf32> to vector<8xf32>
    %broadcast_in_dim3A_21 = vector.shape_cast %reduce_sum3A_20 : vector<8xf32> to vector<8x1xf32>
    %reduce_sum3A_22 = arith.constant dense<0.000000e+00> : vector<1xf32>
    %reduce_sum3A_23 = vector.multi_reduction <add>, %broadcast_in_dim3A_21, %reduce_sum3A_22 [0] : vector<8x1xf32> to vector<1xf32>
    %broadcast_in_dim3A_24 = vector.shape_cast %reduce_sum3A_23 : vector<1xf32> to vector<1x1xf32>
    %jit3A_25 = arith.constant 0.000000e+00 : f32
    %broadcast_in_dim3A_26 = vector.broadcast %jit3A_25 : f32 to vector<8x1250xf32>
    %select_n3A_27 = arith.select %eq3A_10, %slice3A_3, %broadcast_in_dim3A_26 : vector<8x1250xi1>, vector<8x1250xf32>
    %reduce_sum3A_28 = arith.constant dense<0.000000e+00> : vector<8xf32>
    %reduce_sum3A_29 = vector.multi_reduction <add>, %select_n3A_27, %reduce_sum3A_28 [1] : vector<8x1250xf32> to vector<8xf32>
    %broadcast_in_dim3A_30 = vector.shape_cast %reduce_sum3A_29 : vector<8xf32> to vector<8x1xf32>
    %reduce_sum3A_31 = arith.constant dense<0.000000e+00> : vector<1xf32>
    %reduce_sum3A_32 = vector.multi_reduction <add>, %broadcast_in_dim3A_30, %reduce_sum3A_31 [0] : vector<8x1xf32> to vector<1xf32>
    %broadcast_in_dim3A_33 = vector.shape_cast %reduce_sum3A_32 : vector<1xf32> to vector<1x1xf32>
    %sub3A = vector.broadcast %broadcast_in_dim3A_15 : vector<1x1xf32> to vector<8x1250xf32>
    %sub3A_34 = arith.subf %slice3A, %sub3A : vector<8x1250xf32>
    %integer_pow3A = arith.mulf %sub3A_34, %sub3A_34 : vector<8x1250xf32>
    %sub3A_35 = vector.broadcast %broadcast_in_dim3A_24 : vector<1x1xf32> to vector<8x1250xf32>
    %sub3A_36 = arith.subf %slice3A_2, %sub3A_35 : vector<8x1250xf32>
    %integer_pow3A_37 = arith.mulf %sub3A_36, %sub3A_36 : vector<8x1250xf32>
    %add3A_38 = arith.addf %integer_pow3A, %integer_pow3A_37 : vector<8x1250xf32>
    %sub3A_39 = vector.broadcast %broadcast_in_dim3A_33 : vector<1x1xf32> to vector<8x1250xf32>
    %sub3A_40 = arith.subf %slice3A_3, %sub3A_39 : vector<8x1250xf32>
    %integer_pow3A_41 = arith.mulf %sub3A_40, %sub3A_40 : vector<8x1250xf32>
    %add3A_42 = arith.addf %add3A_38, %integer_pow3A_41 : vector<8x1250xf32>
    %jit3A_43 = arith.constant 0xFF800000 : f32
    %broadcast_in_dim3A_44 = vector.broadcast %jit3A_43 : f32 to vector<8x1250xf32>
    %select_n3A_45 = arith.select %lt3A_8, %add3A_42, %broadcast_in_dim3A_44 : vector<8x1250xi1>, vector<8x1250xf32>
    %broadcast_in_dim3A_46 = arith.constant 0 : i32
    %broadcast_in_dim3A_47 = vector.broadcast %broadcast_in_dim3A_46 : i32 to vector<1x1xi32>
    %swap3A = arith.constant 0 : index
    %swap3A_48 = arith.constant 0 : index
    %swap3A_49 = vector.load %arg1[%swap3A, %swap3A_48] : memref<2500x1xi32, #tpu.memory_space<vmem>>, vector<1x1xi32>
    tpu.vector_store %arg1[%swap3A, %swap3A_48], %broadcast_in_dim3A_47 {strides = array<i32>} : memref<2500x1xi32, #tpu.memory_space<vmem>>, vector<1x1xi32>,
    %scan3A = arith.constant 1 : i32
    %scan3A_50 = arith.constant 2499 : i32
    %scan3A_51 = arith.addi %scan3A, %scan3A_50 : i32
    %scan3A_52 = arith.constant 1 : i32
    %scan3A_53 = scf.for %scan3A_55 = %scan3A to %scan3A_51 step %scan3A_52 iter_args(%scan3A_56 = %select_n3A_45) -> (vector<8x1250xf32>)  : i32 {
      %reduce_max3A = arith.constant dense<0xFF800000> : vector<8xf32>
      %reduce_max3A_57 = vector.multi_reduction <maximumf>, %scan3A_56, %reduce_max3A [1] : vector<8x1250xf32> to vector<8xf32>
      %broadcast_in_dim3A_58 = vector.shape_cast %reduce_max3A_57 : vector<8xf32> to vector<8x1xf32>
      %reduce_max3A_59 = arith.constant dense<0xFF800000> : vector<1xf32>
      %reduce_max3A_60 = vector.multi_reduction <maximumf>, %broadcast_in_dim3A_58, %reduce_max3A_59 [0] : vector<8x1xf32> to vector<1xf32>
      %broadcast_in_dim3A_61 = vector.shape_cast %reduce_max3A_60 : vector<1xf32> to vector<1x1xf32>
      %ge3A = vector.broadcast %broadcast_in_dim3A_61 : vector<1x1xf32> to vector<8x1250xf32>
      %ge3A_62 = arith.cmpf oge, %scan3A_56, %ge3A : vector<8x1250xf32>
      %jit3A_63 = arith.constant 1073741824 : i32
      %broadcast_in_dim3A_64 = vector.broadcast %jit3A_63 : i32 to vector<8x1250xi32>
      %select_n3A_65 = arith.select %ge3A_62, %add3A, %broadcast_in_dim3A_64 : vector<8x1250xi1>, vector<8x1250xi32>
      %reduce_min3A = arith.constant dense<2147483647> : vector<8xi32>
      %reduce_min3A_66 = vector.multi_reduction <minsi>, %select_n3A_65, %reduce_min3A [1] : vector<8x1250xi32> to vector<8xi32>
      %broadcast_in_dim3A_67 = vector.shape_cast %reduce_min3A_66 : vector<8xi32> to vector<8x1xi32>
      %reduce_min3A_68 = arith.constant dense<2147483647> : vector<1xi32>
      %reduce_min3A_69 = vector.multi_reduction <minsi>, %broadcast_in_dim3A_67, %reduce_min3A_68 [0] : vector<8x1xi32> to vector<1xi32>
      %broadcast_in_dim3A_70 = vector.shape_cast %reduce_min3A_69 : vector<1xi32> to vector<1x1xi32>
      %swap3A_71 = arith.index_cast %scan3A_55 : i32 to index
      %swap3A_72 = arith.constant 0 : index
      %swap3A_73 = vector.load %arg1[%swap3A_71, %swap3A_72] : memref<2500x1xi32, #tpu.memory_space<vmem>>, vector<1x1xi32>
      tpu.vector_store %arg1[%swap3A_71, %swap3A_72], %broadcast_in_dim3A_70 {strides = array<i32>} : memref<2500x1xi32, #tpu.memory_space<vmem>>, vector<1x1xi32>,
      %eq3A_74 = vector.broadcast %broadcast_in_dim3A_70 : vector<1x1xi32> to vector<8x1250xi32>
      %eq3A_75 = arith.cmpi eq, %add3A, %eq3A_74 : vector<8x1250xi32>
      %jit3A_76 = arith.constant 0.000000e+00 : f32
      %broadcast_in_dim3A_77 = vector.broadcast %jit3A_76 : f32 to vector<8x1250xf32>
      %select_n3A_78 = arith.select %eq3A_75, %slice3A, %broadcast_in_dim3A_77 : vector<8x1250xi1>, vector<8x1250xf32>
      %reduce_sum3A_79 = arith.constant dense<0.000000e+00> : vector<8xf32>
      %reduce_sum3A_80 = vector.multi_reduction <add>, %select_n3A_78, %reduce_sum3A_79 [1] : vector<8x1250xf32> to vector<8xf32>
      %broadcast_in_dim3A_81 = vector.shape_cast %reduce_sum3A_80 : vector<8xf32> to vector<8x1xf32>
      %reduce_sum3A_82 = arith.constant dense<0.000000e+00> : vector<1xf32>
      %reduce_sum3A_83 = vector.multi_reduction <add>, %broadcast_in_dim3A_81, %reduce_sum3A_82 [0] : vector<8x1xf32> to vector<1xf32>
      %broadcast_in_dim3A_84 = vector.shape_cast %reduce_sum3A_83 : vector<1xf32> to vector<1x1xf32>
      %jit3A_85 = arith.constant 0.000000e+00 : f32
      %broadcast_in_dim3A_86 = vector.broadcast %jit3A_85 : f32 to vector<8x1250xf32>
      %select_n3A_87 = arith.select %eq3A_75, %slice3A_2, %broadcast_in_dim3A_86 : vector<8x1250xi1>, vector<8x1250xf32>
      %reduce_sum3A_88 = arith.constant dense<0.000000e+00> : vector<8xf32>
      %reduce_sum3A_89 = vector.multi_reduction <add>, %select_n3A_87, %reduce_sum3A_88 [1] : vector<8x1250xf32> to vector<8xf32>
      %broadcast_in_dim3A_90 = vector.shape_cast %reduce_sum3A_89 : vector<8xf32> to vector<8x1xf32>
      %reduce_sum3A_91 = arith.constant dense<0.000000e+00> : vector<1xf32>
      %reduce_sum3A_92 = vector.multi_reduction <add>, %broadcast_in_dim3A_90, %reduce_sum3A_91 [0] : vector<8x1xf32> to vector<1xf32>
      %broadcast_in_dim3A_93 = vector.shape_cast %reduce_sum3A_92 : vector<1xf32> to vector<1x1xf32>
      %jit3A_94 = arith.constant 0.000000e+00 : f32
      %broadcast_in_dim3A_95 = vector.broadcast %jit3A_94 : f32 to vector<8x1250xf32>
      %select_n3A_96 = arith.select %eq3A_75, %slice3A_3, %broadcast_in_dim3A_95 : vector<8x1250xi1>, vector<8x1250xf32>
      %reduce_sum3A_97 = arith.constant dense<0.000000e+00> : vector<8xf32>
      %reduce_sum3A_98 = vector.multi_reduction <add>, %select_n3A_96, %reduce_sum3A_97 [1] : vector<8x1250xf32> to vector<8xf32>
      %broadcast_in_dim3A_99 = vector.shape_cast %reduce_sum3A_98 : vector<8xf32> to vector<8x1xf32>
      %reduce_sum3A_100 = arith.constant dense<0.000000e+00> : vector<1xf32>
      %reduce_sum3A_101 = vector.multi_reduction <add>, %broadcast_in_dim3A_99, %reduce_sum3A_100 [0] : vector<8x1xf32> to vector<1xf32>
      %broadcast_in_dim3A_102 = vector.shape_cast %reduce_sum3A_101 : vector<1xf32> to vector<1x1xf32>
      %sub3A_103 = vector.broadcast %broadcast_in_dim3A_84 : vector<1x1xf32> to vector<8x1250xf32>
      %sub3A_104 = arith.subf %slice3A, %sub3A_103 : vector<8x1250xf32>
      %integer_pow3A_105 = arith.mulf %sub3A_104, %sub3A_104 : vector<8x1250xf32>
      %sub3A_106 = vector.broadcast %broadcast_in_dim3A_93 : vector<1x1xf32> to vector<8x1250xf32>
      %sub3A_107 = arith.subf %slice3A_2, %sub3A_106 : vector<8x1250xf32>
      %integer_pow3A_108 = arith.mulf %sub3A_107, %sub3A_107 : vector<8x1250xf32>
      %add3A_109 = arith.addf %integer_pow3A_105, %integer_pow3A_108 : vector<8x1250xf32>
      %sub3A_110 = vector.broadcast %broadcast_in_dim3A_102 : vector<1x1xf32> to vector<8x1250xf32>
      %sub3A_111 = arith.subf %slice3A_3, %sub3A_110 : vector<8x1250xf32>
      %integer_pow3A_112 = arith.mulf %sub3A_111, %sub3A_111 : vector<8x1250xf32>
      %add3A_113 = arith.addf %add3A_109, %integer_pow3A_112 : vector<8x1250xf32>
      %min3A = arith.minimumf %scan3A_56, %add3A_113 : vector<8x1250xf32>
      scf.yield %min3A : vector<8x1250xf32>
    }
    %scan3A_54 = arith.constant 2499 : i32
    return
  }
}

module attributes {stable_mosaic.version = 14 : i64} {
  func.func @body(%arg0: i32, %arg1: memref<128x3xf32, #tpu.memory_space<vmem>>, %arg2: memref<3x10000xf32, #tpu.memory_space<vmem>>, %arg3: memref<128x16xi32, #tpu.memory_space<vmem>>) attributes {dimension_semantics = [#tpu.dimension_semantics<arbitrary>], iteration_bounds = array<i64: 79>, scalar_prefetch = 0 : i64, scratch_operands = 0 : i64, tpu.core_type = #tpu.core_type<tc>, window_params = [{transform_indices = @transform_0, window_bounds = array<i64: 128, 3>}, {pipeline_mode = #tpu.pipeline_mode<synchronous>, transform_indices = @transform_1, window_bounds = array<i64: 3, 10000>}, {transform_indices = @transform_2, window_bounds = array<i64: 128, 16>}]} {
    %get3A = arith.constant 0 : index
    %get3A_0 = arith.constant 0 : index
    %get3A_1 = vector.load %arg1[%get3A, %get3A_0] : memref<128x3xf32, #tpu.memory_space<vmem>>, vector<128x3xf32>
    %get3A_2 = arith.constant 0 : index
    %get3A_3 = arith.constant 0 : index
    %get3A_4 = vector.load %arg2[%get3A_2, %get3A_3] : memref<3x10000xf32, #tpu.memory_space<vmem>>, vector<3x10000xf32>
    %mul3A = arith.mulf %get3A_1, %get3A_1 : vector<128x3xf32>
    %reduce_sum3A = arith.constant dense<0.000000e+00> : vector<128xf32>
    %reduce_sum3A_5 = vector.multi_reduction <add>, %mul3A, %reduce_sum3A [1] : vector<128x3xf32> to vector<128xf32>
    %broadcast_in_dim3A = vector.shape_cast %reduce_sum3A_5 : vector<128xf32> to vector<128x1xf32>
    %mul3A_6 = arith.mulf %get3A_4, %get3A_4 : vector<3x10000xf32>
    %reduce_sum3A_7 = arith.constant dense<0.000000e+00> : vector<10000xf32>
    %reduce_sum3A_8 = vector.multi_reduction <add>, %mul3A_6, %reduce_sum3A_7 [0] : vector<3x10000xf32> to vector<10000xf32>
    %broadcast_in_dim3A_9 = vector.shape_cast %reduce_sum3A_8 : vector<10000xf32> to vector<1x10000xf32>
    %add3A = vector.broadcast %broadcast_in_dim3A : vector<128x1xf32> to vector<128x10000xf32>
    %add3A_10 = vector.broadcast %broadcast_in_dim3A_9 : vector<1x10000xf32> to vector<128x10000xf32>
    %add3A_11 = arith.addf %add3A, %add3A_10 : vector<128x10000xf32>
    %dot_general3A = arith.constant dense<0.000000e+00> : vector<128x10000xf32>
    %dot_general3A_12 = tpu.matmul %get3A_1, %get3A_4, %dot_general3A {dimension_numbers = #tpu.dot_dimension_numbers<[1], [0], [0], [1], [0, 0, 1, 1], [], []>, transpose_lhs_hint = false} : vector<128x3xf32>, vector<3x10000xf32>, vector<128x10000xf32> -> vector<128x10000xf32>
    %mul3A_13 = arith.constant 2.000000e+00 : f32
    %mul3A_14 = vector.broadcast %mul3A_13 : f32 to vector<128x10000xf32>
    %mul3A_15 = arith.mulf %mul3A_14, %dot_general3A_12 : vector<128x10000xf32>
    %sub3A = arith.subf %add3A_11, %mul3A_15 : vector<128x10000xf32>
    %iota3A = tpu.iota {dimensions = array<i32: 1>} : vector<128x10000xi32>
    %mul3A_16 = arith.constant 128 : i32
    %mul3A_17 = arith.muli %arg0, %mul3A_16 : i32
    %iota3A_18 = tpu.iota {dimensions = array<i32: 0>} : vector<128x1xi32>
    %add3A_19 = vector.broadcast %mul3A_17 : i32 to vector<128x1xi32>
    %add3A_20 = arith.addi %add3A_19, %iota3A_18 : vector<128x1xi32>
    %eq3A = vector.broadcast %add3A_20 : vector<128x1xi32> to vector<128x10000xi32>
    %eq3A_21 = arith.cmpi eq, %iota3A, %eq3A : vector<128x10000xi32>
    %jit3A = arith.constant 0x7F800000 : f32
    %broadcast_in_dim3A_22 = vector.broadcast %jit3A : f32 to vector<128x10000xf32>
    %select_n3A = arith.select %eq3A_21, %broadcast_in_dim3A_22, %sub3A : vector<128x10000xi1>, vector<128x10000xf32>
    %reduce_min3A = arith.constant dense<0x7F800000> : vector<128xf32>
    %reduce_min3A_23 = vector.multi_reduction <minimumf>, %select_n3A, %reduce_min3A [1] : vector<128x10000xf32> to vector<128xf32>
    %broadcast_in_dim3A_24 = vector.shape_cast %reduce_min3A_23 : vector<128xf32> to vector<128x1xf32>
    %le3A = vector.broadcast %broadcast_in_dim3A_24 : vector<128x1xf32> to vector<128x10000xf32>
    %le3A_25 = arith.cmpf ole, %select_n3A, %le3A : vector<128x10000xf32>
    %jit3A_26 = arith.constant 1073741824 : i32
    %broadcast_in_dim3A_27 = vector.broadcast %jit3A_26 : i32 to vector<128x10000xi32>
    %select_n3A_28 = arith.select %le3A_25, %iota3A, %broadcast_in_dim3A_27 : vector<128x10000xi1>, vector<128x10000xi32>
    %reduce_min3A_29 = arith.constant dense<2147483647> : vector<128xi32>
    %reduce_min3A_30 = vector.multi_reduction <minsi>, %select_n3A_28, %reduce_min3A_29 [1] : vector<128x10000xi32> to vector<128xi32>
    %broadcast_in_dim3A_31 = vector.shape_cast %reduce_min3A_30 : vector<128xi32> to vector<128x1xi32>
    %jit3A_32 = arith.constant 0x7F800000 : f32
    %broadcast_in_dim3A_33 = vector.broadcast %jit3A_32 : f32 to vector<128x10000xf32>
    %select_n3A_34 = arith.select %le3A_25, %broadcast_in_dim3A_33, %select_n3A : vector<128x10000xi1>, vector<128x10000xf32>
    %reduce_min3A_35 = arith.constant dense<0x7F800000> : vector<128xf32>
    %reduce_min3A_36 = vector.multi_reduction <minimumf>, %select_n3A_34, %reduce_min3A_35 [1] : vector<128x10000xf32> to vector<128xf32>
    %broadcast_in_dim3A_37 = vector.shape_cast %reduce_min3A_36 : vector<128xf32> to vector<128x1xf32>
    %le3A_38 = vector.broadcast %broadcast_in_dim3A_37 : vector<128x1xf32> to vector<128x10000xf32>
    %le3A_39 = arith.cmpf ole, %select_n3A_34, %le3A_38 : vector<128x10000xf32>
    %jit3A_40 = arith.constant 1073741824 : i32
    %broadcast_in_dim3A_41 = vector.broadcast %jit3A_40 : i32 to vector<128x10000xi32>
    %select_n3A_42 = arith.select %le3A_39, %iota3A, %broadcast_in_dim3A_41 : vector<128x10000xi1>, vector<128x10000xi32>
    %reduce_min3A_43 = arith.constant dense<2147483647> : vector<128xi32>
    %reduce_min3A_44 = vector.multi_reduction <minsi>, %select_n3A_42, %reduce_min3A_43 [1] : vector<128x10000xi32> to vector<128xi32>
    %broadcast_in_dim3A_45 = vector.shape_cast %reduce_min3A_44 : vector<128xi32> to vector<128x1xi32>
    %jit3A_46 = arith.constant 0x7F800000 : f32
    %broadcast_in_dim3A_47 = vector.broadcast %jit3A_46 : f32 to vector<128x10000xf32>
    %select_n3A_48 = arith.select %le3A_39, %broadcast_in_dim3A_47, %select_n3A_34 : vector<128x10000xi1>, vector<128x10000xf32>
    %reduce_min3A_49 = arith.constant dense<0x7F800000> : vector<128xf32>
    %reduce_min3A_50 = vector.multi_reduction <minimumf>, %select_n3A_48, %reduce_min3A_49 [1] : vector<128x10000xf32> to vector<128xf32>
    %broadcast_in_dim3A_51 = vector.shape_cast %reduce_min3A_50 : vector<128xf32> to vector<128x1xf32>
    %le3A_52 = vector.broadcast %broadcast_in_dim3A_51 : vector<128x1xf32> to vector<128x10000xf32>
    %le3A_53 = arith.cmpf ole, %select_n3A_48, %le3A_52 : vector<128x10000xf32>
    %jit3A_54 = arith.constant 1073741824 : i32
    %broadcast_in_dim3A_55 = vector.broadcast %jit3A_54 : i32 to vector<128x10000xi32>
    %select_n3A_56 = arith.select %le3A_53, %iota3A, %broadcast_in_dim3A_55 : vector<128x10000xi1>, vector<128x10000xi32>
    %reduce_min3A_57 = arith.constant dense<2147483647> : vector<128xi32>
    %reduce_min3A_58 = vector.multi_reduction <minsi>, %select_n3A_56, %reduce_min3A_57 [1] : vector<128x10000xi32> to vector<128xi32>
    %broadcast_in_dim3A_59 = vector.shape_cast %reduce_min3A_58 : vector<128xi32> to vector<128x1xi32>
    %jit3A_60 = arith.constant 0x7F800000 : f32
    %broadcast_in_dim3A_61 = vector.broadcast %jit3A_60 : f32 to vector<128x10000xf32>
    %select_n3A_62 = arith.select %le3A_53, %broadcast_in_dim3A_61, %select_n3A_48 : vector<128x10000xi1>, vector<128x10000xf32>
    %reduce_min3A_63 = arith.constant dense<0x7F800000> : vector<128xf32>
    %reduce_min3A_64 = vector.multi_reduction <minimumf>, %select_n3A_62, %reduce_min3A_63 [1] : vector<128x10000xf32> to vector<128xf32>
    %broadcast_in_dim3A_65 = vector.shape_cast %reduce_min3A_64 : vector<128xf32> to vector<128x1xf32>
    %le3A_66 = vector.broadcast %broadcast_in_dim3A_65 : vector<128x1xf32> to vector<128x10000xf32>
    %le3A_67 = arith.cmpf ole, %select_n3A_62, %le3A_66 : vector<128x10000xf32>
    %jit3A_68 = arith.constant 1073741824 : i32
    %broadcast_in_dim3A_69 = vector.broadcast %jit3A_68 : i32 to vector<128x10000xi32>
    %select_n3A_70 = arith.select %le3A_67, %iota3A, %broadcast_in_dim3A_69 : vector<128x10000xi1>, vector<128x10000xi32>
    %reduce_min3A_71 = arith.constant dense<2147483647> : vector<128xi32>
    %reduce_min3A_72 = vector.multi_reduction <minsi>, %select_n3A_70, %reduce_min3A_71 [1] : vector<128x10000xi32> to vector<128xi32>
    %broadcast_in_dim3A_73 = vector.shape_cast %reduce_min3A_72 : vector<128xi32> to vector<128x1xi32>
    %jit3A_74 = arith.constant 0x7F800000 : f32
    %broadcast_in_dim3A_75 = vector.broadcast %jit3A_74 : f32 to vector<128x10000xf32>
    %select_n3A_76 = arith.select %le3A_67, %broadcast_in_dim3A_75, %select_n3A_62 : vector<128x10000xi1>, vector<128x10000xf32>
    %reduce_min3A_77 = arith.constant dense<0x7F800000> : vector<128xf32>
    %reduce_min3A_78 = vector.multi_reduction <minimumf>, %select_n3A_76, %reduce_min3A_77 [1] : vector<128x10000xf32> to vector<128xf32>
    %broadcast_in_dim3A_79 = vector.shape_cast %reduce_min3A_78 : vector<128xf32> to vector<128x1xf32>
    %le3A_80 = vector.broadcast %broadcast_in_dim3A_79 : vector<128x1xf32> to vector<128x10000xf32>
    %le3A_81 = arith.cmpf ole, %select_n3A_76, %le3A_80 : vector<128x10000xf32>
    %jit3A_82 = arith.constant 1073741824 : i32
    %broadcast_in_dim3A_83 = vector.broadcast %jit3A_82 : i32 to vector<128x10000xi32>
    %select_n3A_84 = arith.select %le3A_81, %iota3A, %broadcast_in_dim3A_83 : vector<128x10000xi1>, vector<128x10000xi32>
    %reduce_min3A_85 = arith.constant dense<2147483647> : vector<128xi32>
    %reduce_min3A_86 = vector.multi_reduction <minsi>, %select_n3A_84, %reduce_min3A_85 [1] : vector<128x10000xi32> to vector<128xi32>
    %broadcast_in_dim3A_87 = vector.shape_cast %reduce_min3A_86 : vector<128xi32> to vector<128x1xi32>
    %jit3A_88 = arith.constant 0x7F800000 : f32
    %broadcast_in_dim3A_89 = vector.broadcast %jit3A_88 : f32 to vector<128x10000xf32>
    %select_n3A_90 = arith.select %le3A_81, %broadcast_in_dim3A_89, %select_n3A_76 : vector<128x10000xi1>, vector<128x10000xf32>
    %reduce_min3A_91 = arith.constant dense<0x7F800000> : vector<128xf32>
    %reduce_min3A_92 = vector.multi_reduction <minimumf>, %select_n3A_90, %reduce_min3A_91 [1] : vector<128x10000xf32> to vector<128xf32>
    %broadcast_in_dim3A_93 = vector.shape_cast %reduce_min3A_92 : vector<128xf32> to vector<128x1xf32>
    %le3A_94 = vector.broadcast %broadcast_in_dim3A_93 : vector<128x1xf32> to vector<128x10000xf32>
    %le3A_95 = arith.cmpf ole, %select_n3A_90, %le3A_94 : vector<128x10000xf32>
    %jit3A_96 = arith.constant 1073741824 : i32
    %broadcast_in_dim3A_97 = vector.broadcast %jit3A_96 : i32 to vector<128x10000xi32>
    %select_n3A_98 = arith.select %le3A_95, %iota3A, %broadcast_in_dim3A_97 : vector<128x10000xi1>, vector<128x10000xi32>
    %reduce_min3A_99 = arith.constant dense<2147483647> : vector<128xi32>
    %reduce_min3A_100 = vector.multi_reduction <minsi>, %select_n3A_98, %reduce_min3A_99 [1] : vector<128x10000xi32> to vector<128xi32>
    %broadcast_in_dim3A_101 = vector.shape_cast %reduce_min3A_100 : vector<128xi32> to vector<128x1xi32>
    %jit3A_102 = arith.constant 0x7F800000 : f32
    %broadcast_in_dim3A_103 = vector.broadcast %jit3A_102 : f32 to vector<128x10000xf32>
    %select_n3A_104 = arith.select %le3A_95, %broadcast_in_dim3A_103, %select_n3A_90 : vector<128x10000xi1>, vector<128x10000xf32>
    %reduce_min3A_105 = arith.constant dense<0x7F800000> : vector<128xf32>
    %reduce_min3A_106 = vector.multi_reduction <minimumf>, %select_n3A_104, %reduce_min3A_105 [1] : vector<128x10000xf32> to vector<128xf32>
    %broadcast_in_dim3A_107 = vector.shape_cast %reduce_min3A_106 : vector<128xf32> to vector<128x1xf32>
    %le3A_108 = vector.broadcast %broadcast_in_dim3A_107 : vector<128x1xf32> to vector<128x10000xf32>
    %le3A_109 = arith.cmpf ole, %select_n3A_104, %le3A_108 : vector<128x10000xf32>
    %jit3A_110 = arith.constant 1073741824 : i32
    %broadcast_in_dim3A_111 = vector.broadcast %jit3A_110 : i32 to vector<128x10000xi32>
    %select_n3A_112 = arith.select %le3A_109, %iota3A, %broadcast_in_dim3A_111 : vector<128x10000xi1>, vector<128x10000xi32>
    %reduce_min3A_113 = arith.constant dense<2147483647> : vector<128xi32>
    %reduce_min3A_114 = vector.multi_reduction <minsi>, %select_n3A_112, %reduce_min3A_113 [1] : vector<128x10000xi32> to vector<128xi32>
    %broadcast_in_dim3A_115 = vector.shape_cast %reduce_min3A_114 : vector<128xi32> to vector<128x1xi32>
    %jit3A_116 = arith.constant 0x7F800000 : f32
    %broadcast_in_dim3A_117 = vector.broadcast %jit3A_116 : f32 to vector<128x10000xf32>
    %select_n3A_118 = arith.select %le3A_109, %broadcast_in_dim3A_117, %select_n3A_104 : vector<128x10000xi1>, vector<128x10000xf32>
    %reduce_min3A_119 = arith.constant dense<0x7F800000> : vector<128xf32>
    %reduce_min3A_120 = vector.multi_reduction <minimumf>, %select_n3A_118, %reduce_min3A_119 [1] : vector<128x10000xf32> to vector<128xf32>
    %broadcast_in_dim3A_121 = vector.shape_cast %reduce_min3A_120 : vector<128xf32> to vector<128x1xf32>
    %le3A_122 = vector.broadcast %broadcast_in_dim3A_121 : vector<128x1xf32> to vector<128x10000xf32>
    %le3A_123 = arith.cmpf ole, %select_n3A_118, %le3A_122 : vector<128x10000xf32>
    %jit3A_124 = arith.constant 1073741824 : i32
    %broadcast_in_dim3A_125 = vector.broadcast %jit3A_124 : i32 to vector<128x10000xi32>
    %select_n3A_126 = arith.select %le3A_123, %iota3A, %broadcast_in_dim3A_125 : vector<128x10000xi1>, vector<128x10000xi32>
    %reduce_min3A_127 = arith.constant dense<2147483647> : vector<128xi32>
    %reduce_min3A_128 = vector.multi_reduction <minsi>, %select_n3A_126, %reduce_min3A_127 [1] : vector<128x10000xi32> to vector<128xi32>
    %broadcast_in_dim3A_129 = vector.shape_cast %reduce_min3A_128 : vector<128xi32> to vector<128x1xi32>
    %jit3A_130 = arith.constant 0x7F800000 : f32
    %broadcast_in_dim3A_131 = vector.broadcast %jit3A_130 : f32 to vector<128x10000xf32>
    %select_n3A_132 = arith.select %le3A_123, %broadcast_in_dim3A_131, %select_n3A_118 : vector<128x10000xi1>, vector<128x10000xf32>
    %reduce_min3A_133 = arith.constant dense<0x7F800000> : vector<128xf32>
    %reduce_min3A_134 = vector.multi_reduction <minimumf>, %select_n3A_132, %reduce_min3A_133 [1] : vector<128x10000xf32> to vector<128xf32>
    %broadcast_in_dim3A_135 = vector.shape_cast %reduce_min3A_134 : vector<128xf32> to vector<128x1xf32>
    %le3A_136 = vector.broadcast %broadcast_in_dim3A_135 : vector<128x1xf32> to vector<128x10000xf32>
    %le3A_137 = arith.cmpf ole, %select_n3A_132, %le3A_136 : vector<128x10000xf32>
    %jit3A_138 = arith.constant 1073741824 : i32
    %broadcast_in_dim3A_139 = vector.broadcast %jit3A_138 : i32 to vector<128x10000xi32>
    %select_n3A_140 = arith.select %le3A_137, %iota3A, %broadcast_in_dim3A_139 : vector<128x10000xi1>, vector<128x10000xi32>
    %reduce_min3A_141 = arith.constant dense<2147483647> : vector<128xi32>
    %reduce_min3A_142 = vector.multi_reduction <minsi>, %select_n3A_140, %reduce_min3A_141 [1] : vector<128x10000xi32> to vector<128xi32>
    %broadcast_in_dim3A_143 = vector.shape_cast %reduce_min3A_142 : vector<128xi32> to vector<128x1xi32>
    %jit3A_144 = arith.constant 0x7F800000 : f32
    %broadcast_in_dim3A_145 = vector.broadcast %jit3A_144 : f32 to vector<128x10000xf32>
    %select_n3A_146 = arith.select %le3A_137, %broadcast_in_dim3A_145, %select_n3A_132 : vector<128x10000xi1>, vector<128x10000xf32>
    %reduce_min3A_147 = arith.constant dense<0x7F800000> : vector<128xf32>
    %reduce_min3A_148 = vector.multi_reduction <minimumf>, %select_n3A_146, %reduce_min3A_147 [1] : vector<128x10000xf32> to vector<128xf32>
    %broadcast_in_dim3A_149 = vector.shape_cast %reduce_min3A_148 : vector<128xf32> to vector<128x1xf32>
    %le3A_150 = vector.broadcast %broadcast_in_dim3A_149 : vector<128x1xf32> to vector<128x10000xf32>
    %le3A_151 = arith.cmpf ole, %select_n3A_146, %le3A_150 : vector<128x10000xf32>
    %jit3A_152 = arith.constant 1073741824 : i32
    %broadcast_in_dim3A_153 = vector.broadcast %jit3A_152 : i32 to vector<128x10000xi32>
    %select_n3A_154 = arith.select %le3A_151, %iota3A, %broadcast_in_dim3A_153 : vector<128x10000xi1>, vector<128x10000xi32>
    %reduce_min3A_155 = arith.constant dense<2147483647> : vector<128xi32>
    %reduce_min3A_156 = vector.multi_reduction <minsi>, %select_n3A_154, %reduce_min3A_155 [1] : vector<128x10000xi32> to vector<128xi32>
    %broadcast_in_dim3A_157 = vector.shape_cast %reduce_min3A_156 : vector<128xi32> to vector<128x1xi32>
    %jit3A_158 = arith.constant 0x7F800000 : f32
    %broadcast_in_dim3A_159 = vector.broadcast %jit3A_158 : f32 to vector<128x10000xf32>
    %select_n3A_160 = arith.select %le3A_151, %broadcast_in_dim3A_159, %select_n3A_146 : vector<128x10000xi1>, vector<128x10000xf32>
    %reduce_min3A_161 = arith.constant dense<0x7F800000> : vector<128xf32>
    %reduce_min3A_162 = vector.multi_reduction <minimumf>, %select_n3A_160, %reduce_min3A_161 [1] : vector<128x10000xf32> to vector<128xf32>
    %broadcast_in_dim3A_163 = vector.shape_cast %reduce_min3A_162 : vector<128xf32> to vector<128x1xf32>
    %le3A_164 = vector.broadcast %broadcast_in_dim3A_163 : vector<128x1xf32> to vector<128x10000xf32>
    %le3A_165 = arith.cmpf ole, %select_n3A_160, %le3A_164 : vector<128x10000xf32>
    %jit3A_166 = arith.constant 1073741824 : i32
    %broadcast_in_dim3A_167 = vector.broadcast %jit3A_166 : i32 to vector<128x10000xi32>
    %select_n3A_168 = arith.select %le3A_165, %iota3A, %broadcast_in_dim3A_167 : vector<128x10000xi1>, vector<128x10000xi32>
    %reduce_min3A_169 = arith.constant dense<2147483647> : vector<128xi32>
    %reduce_min3A_170 = vector.multi_reduction <minsi>, %select_n3A_168, %reduce_min3A_169 [1] : vector<128x10000xi32> to vector<128xi32>
    %broadcast_in_dim3A_171 = vector.shape_cast %reduce_min3A_170 : vector<128xi32> to vector<128x1xi32>
    %jit3A_172 = arith.constant 0x7F800000 : f32
    %broadcast_in_dim3A_173 = vector.broadcast %jit3A_172 : f32 to vector<128x10000xf32>
    %select_n3A_174 = arith.select %le3A_165, %broadcast_in_dim3A_173, %select_n3A_160 : vector<128x10000xi1>, vector<128x10000xf32>
    %reduce_min3A_175 = arith.constant dense<0x7F800000> : vector<128xf32>
    %reduce_min3A_176 = vector.multi_reduction <minimumf>, %select_n3A_174, %reduce_min3A_175 [1] : vector<128x10000xf32> to vector<128xf32>
    %broadcast_in_dim3A_177 = vector.shape_cast %reduce_min3A_176 : vector<128xf32> to vector<128x1xf32>
    %le3A_178 = vector.broadcast %broadcast_in_dim3A_177 : vector<128x1xf32> to vector<128x10000xf32>
    %le3A_179 = arith.cmpf ole, %select_n3A_174, %le3A_178 : vector<128x10000xf32>
    %jit3A_180 = arith.constant 1073741824 : i32
    %broadcast_in_dim3A_181 = vector.broadcast %jit3A_180 : i32 to vector<128x10000xi32>
    %select_n3A_182 = arith.select %le3A_179, %iota3A, %broadcast_in_dim3A_181 : vector<128x10000xi1>, vector<128x10000xi32>
    %reduce_min3A_183 = arith.constant dense<2147483647> : vector<128xi32>
    %reduce_min3A_184 = vector.multi_reduction <minsi>, %select_n3A_182, %reduce_min3A_183 [1] : vector<128x10000xi32> to vector<128xi32>
    %broadcast_in_dim3A_185 = vector.shape_cast %reduce_min3A_184 : vector<128xi32> to vector<128x1xi32>
    %jit3A_186 = arith.constant 0x7F800000 : f32
    %broadcast_in_dim3A_187 = vector.broadcast %jit3A_186 : f32 to vector<128x10000xf32>
    %select_n3A_188 = arith.select %le3A_179, %broadcast_in_dim3A_187, %select_n3A_174 : vector<128x10000xi1>, vector<128x10000xf32>
    %reduce_min3A_189 = arith.constant dense<0x7F800000> : vector<128xf32>
    %reduce_min3A_190 = vector.multi_reduction <minimumf>, %select_n3A_188, %reduce_min3A_189 [1] : vector<128x10000xf32> to vector<128xf32>
    %broadcast_in_dim3A_191 = vector.shape_cast %reduce_min3A_190 : vector<128xf32> to vector<128x1xf32>
    %le3A_192 = vector.broadcast %broadcast_in_dim3A_191 : vector<128x1xf32> to vector<128x10000xf32>
    %le3A_193 = arith.cmpf ole, %select_n3A_188, %le3A_192 : vector<128x10000xf32>
    %jit3A_194 = arith.constant 1073741824 : i32
    %broadcast_in_dim3A_195 = vector.broadcast %jit3A_194 : i32 to vector<128x10000xi32>
    %select_n3A_196 = arith.select %le3A_193, %iota3A, %broadcast_in_dim3A_195 : vector<128x10000xi1>, vector<128x10000xi32>
    %reduce_min3A_197 = arith.constant dense<2147483647> : vector<128xi32>
    %reduce_min3A_198 = vector.multi_reduction <minsi>, %select_n3A_196, %reduce_min3A_197 [1] : vector<128x10000xi32> to vector<128xi32>
    %broadcast_in_dim3A_199 = vector.shape_cast %reduce_min3A_198 : vector<128xi32> to vector<128x1xi32>
    %jit3A_200 = arith.constant 0x7F800000 : f32
    %broadcast_in_dim3A_201 = vector.broadcast %jit3A_200 : f32 to vector<128x10000xf32>
    %select_n3A_202 = arith.select %le3A_193, %broadcast_in_dim3A_201, %select_n3A_188 : vector<128x10000xi1>, vector<128x10000xf32>
    %reduce_min3A_203 = arith.constant dense<0x7F800000> : vector<128xf32>
    %reduce_min3A_204 = vector.multi_reduction <minimumf>, %select_n3A_202, %reduce_min3A_203 [1] : vector<128x10000xf32> to vector<128xf32>
    %broadcast_in_dim3A_205 = vector.shape_cast %reduce_min3A_204 : vector<128xf32> to vector<128x1xf32>
    %le3A_206 = vector.broadcast %broadcast_in_dim3A_205 : vector<128x1xf32> to vector<128x10000xf32>
    %le3A_207 = arith.cmpf ole, %select_n3A_202, %le3A_206 : vector<128x10000xf32>
    %jit3A_208 = arith.constant 1073741824 : i32
    %broadcast_in_dim3A_209 = vector.broadcast %jit3A_208 : i32 to vector<128x10000xi32>
    %select_n3A_210 = arith.select %le3A_207, %iota3A, %broadcast_in_dim3A_209 : vector<128x10000xi1>, vector<128x10000xi32>
    %reduce_min3A_211 = arith.constant dense<2147483647> : vector<128xi32>
    %reduce_min3A_212 = vector.multi_reduction <minsi>, %select_n3A_210, %reduce_min3A_211 [1] : vector<128x10000xi32> to vector<128xi32>
    %broadcast_in_dim3A_213 = vector.shape_cast %reduce_min3A_212 : vector<128xi32> to vector<128x1xi32>
    %jit3A_214 = arith.constant 0x7F800000 : f32
    %broadcast_in_dim3A_215 = vector.broadcast %jit3A_214 : f32 to vector<128x10000xf32>
    %select_n3A_216 = arith.select %le3A_207, %broadcast_in_dim3A_215, %select_n3A_202 : vector<128x10000xi1>, vector<128x10000xf32>
    %reduce_min3A_217 = arith.constant dense<0x7F800000> : vector<128xf32>
    %reduce_min3A_218 = vector.multi_reduction <minimumf>, %select_n3A_216, %reduce_min3A_217 [1] : vector<128x10000xf32> to vector<128xf32>
    %broadcast_in_dim3A_219 = vector.shape_cast %reduce_min3A_218 : vector<128xf32> to vector<128x1xf32>
    %le3A_220 = vector.broadcast %broadcast_in_dim3A_219 : vector<128x1xf32> to vector<128x10000xf32>
    %le3A_221 = arith.cmpf ole, %select_n3A_216, %le3A_220 : vector<128x10000xf32>
    %jit3A_222 = arith.constant 1073741824 : i32
    %broadcast_in_dim3A_223 = vector.broadcast %jit3A_222 : i32 to vector<128x10000xi32>
    %select_n3A_224 = arith.select %le3A_221, %iota3A, %broadcast_in_dim3A_223 : vector<128x10000xi1>, vector<128x10000xi32>
    %reduce_min3A_225 = arith.constant dense<2147483647> : vector<128xi32>
    %reduce_min3A_226 = vector.multi_reduction <minsi>, %select_n3A_224, %reduce_min3A_225 [1] : vector<128x10000xi32> to vector<128xi32>
    %broadcast_in_dim3A_227 = vector.shape_cast %reduce_min3A_226 : vector<128xi32> to vector<128x1xi32>
    %jit3A_228 = arith.constant 0x7F800000 : f32
    %broadcast_in_dim3A_229 = vector.broadcast %jit3A_228 : f32 to vector<128x10000xf32>
    %select_n3A_230 = arith.select %le3A_221, %broadcast_in_dim3A_229, %select_n3A_216 : vector<128x10000xi1>, vector<128x10000xf32>
    %reduce_min3A_231 = arith.constant dense<0x7F800000> : vector<128xf32>
    %reduce_min3A_232 = vector.multi_reduction <minimumf>, %select_n3A_230, %reduce_min3A_231 [1] : vector<128x10000xf32> to vector<128xf32>
    %broadcast_in_dim3A_233 = vector.shape_cast %reduce_min3A_232 : vector<128xf32> to vector<128x1xf32>
    %le3A_234 = vector.broadcast %broadcast_in_dim3A_233 : vector<128x1xf32> to vector<128x10000xf32>
    %le3A_235 = arith.cmpf ole, %select_n3A_230, %le3A_234 : vector<128x10000xf32>
    %jit3A_236 = arith.constant 1073741824 : i32
    %broadcast_in_dim3A_237 = vector.broadcast %jit3A_236 : i32 to vector<128x10000xi32>
    %select_n3A_238 = arith.select %le3A_235, %iota3A, %broadcast_in_dim3A_237 : vector<128x10000xi1>, vector<128x10000xi32>
    %reduce_min3A_239 = arith.constant dense<2147483647> : vector<128xi32>
    %reduce_min3A_240 = vector.multi_reduction <minsi>, %select_n3A_238, %reduce_min3A_239 [1] : vector<128x10000xi32> to vector<128xi32>
    %broadcast_in_dim3A_241 = vector.shape_cast %reduce_min3A_240 : vector<128xi32> to vector<128x1xi32>
    %concatenate3A = tpu.concatenate %broadcast_in_dim3A_31, %broadcast_in_dim3A_45, %broadcast_in_dim3A_59, %broadcast_in_dim3A_73, %broadcast_in_dim3A_87, %broadcast_in_dim3A_101, %broadcast_in_dim3A_115, %broadcast_in_dim3A_129, %broadcast_in_dim3A_143, %broadcast_in_dim3A_157, %broadcast_in_dim3A_171, %broadcast_in_dim3A_185, %broadcast_in_dim3A_199, %broadcast_in_dim3A_213, %broadcast_in_dim3A_227, %broadcast_in_dim3A_241 in 1 : vector<128x1xi32>, vector<128x1xi32>, vector<128x1xi32>, vector<128x1xi32>, vector<128x1xi32>, vector<128x1xi32>, vector<128x1xi32>, vector<128x1xi32>, vector<128x1xi32>, vector<128x1xi32>, vector<128x1xi32>, vector<128x1xi32>, vector<128x1xi32>, vector<128x1xi32>, vector<128x1xi32>, vector<128x1xi32> -> vector<128x16xi32>
    %swap3A = arith.constant 0 : index
    %swap3A_242 = arith.constant 0 : index
    %swap3A_243 = vector.load %arg3[%swap3A, %swap3A_242] : memref<128x16xi32, #tpu.memory_space<vmem>>, vector<128x16xi32>
    tpu.vector_store %arg3[%swap3A, %swap3A_242], %concatenate3A {strides = array<i32>} : memref<128x16xi32, #tpu.memory_space<vmem>>, vector<128x16xi32>,
    return
  }
  func.func @transform_0(%arg0: i32) -> (i32, i32) {
    %c0_i32 = arith.constant 0 : i32
    %c0_i32_0 = arith.constant 0 : i32
    return %arg0, %c0_i32 : i32, i32
  }
  func.func @transform_1(%arg0: i32) -> (i32, i32) {
    %c0_i32 = arith.constant 0 : i32
    %c0_i32_0 = arith.constant 0 : i32
    %c0_i32_1 = arith.constant 0 : i32
    return %c0_i32, %c0_i32_0 : i32, i32
  }
  func.func @transform_2(%arg0: i32) -> (i32, i32) {
    %c0_i32 = arith.constant 0 : i32
    %c0_i32_0 = arith.constant 0 : i32
    return %arg0, %c0_i32 : i32, i32
  }
}

module attributes {stable_mosaic.version = 14 : i64} {
  func.func @body(%arg0: i32, %arg1: memref<128x3xf32, #tpu.memory_space<vmem>>, %arg2: memref<3x32xf32, #tpu.memory_space<vmem>>, %arg3: memref<1x32xf32, #tpu.memory_space<vmem>>, %arg4: memref<128x32xf32, #tpu.memory_space<vmem>>) attributes {dimension_semantics = [#tpu.dimension_semantics<arbitrary>], iteration_bounds = array<i64: 79>, scalar_prefetch = 0 : i64, scratch_operands = 0 : i64, tpu.core_type = #tpu.core_type<tc>, window_params = [{transform_indices = @transform_0, window_bounds = array<i64: 128, 3>}, {pipeline_mode = #tpu.pipeline_mode<synchronous>, transform_indices = @transform_1, window_bounds = array<i64: 3, 32>}, {pipeline_mode = #tpu.pipeline_mode<synchronous>, transform_indices = @transform_2, window_bounds = array<i64: 1, 32>}, {transform_indices = @transform_3, window_bounds = array<i64: 128, 32>}]} {
    %get3A = arith.constant 0 : index
    %get3A_0 = arith.constant 0 : index
    %get3A_1 = vector.load %arg1[%get3A, %get3A_0] : memref<128x3xf32, #tpu.memory_space<vmem>>, vector<128x3xf32>
    %get3A_2 = arith.constant 0 : index
    %get3A_3 = arith.constant 0 : index
    %get3A_4 = vector.load %arg2[%get3A_2, %get3A_3] : memref<3x32xf32, #tpu.memory_space<vmem>>, vector<3x32xf32>
    %dot_general3A = arith.constant dense<0.000000e+00> : vector<128x32xf32>
    %dot_general3A_5 = tpu.matmul %get3A_1, %get3A_4, %dot_general3A {dimension_numbers = #tpu.dot_dimension_numbers<[1], [0], [0], [1], [0, 0, 1, 1], [], []>, transpose_lhs_hint = false} : vector<128x3xf32>, vector<3x32xf32>, vector<128x32xf32> -> vector<128x32xf32>
    %get3A_6 = arith.constant 0 : index
    %get3A_7 = arith.constant 0 : index
    %get3A_8 = vector.load %arg3[%get3A_6, %get3A_7] : memref<1x32xf32, #tpu.memory_space<vmem>>, vector<1x32xf32>
    %add3A = vector.broadcast %get3A_8 : vector<1x32xf32> to vector<128x32xf32>
    %add3A_9 = arith.addf %dot_general3A_5, %add3A : vector<128x32xf32>
    %max3A = arith.constant 0.000000e+00 : f32
    %max3A_10 = vector.broadcast %max3A : f32 to vector<128x32xf32>
    %max3A_11 = arith.maximumf %add3A_9, %max3A_10 : vector<128x32xf32>
    %swap3A = arith.constant 0 : index
    %swap3A_12 = arith.constant 0 : index
    %swap3A_13 = vector.load %arg4[%swap3A, %swap3A_12] : memref<128x32xf32, #tpu.memory_space<vmem>>, vector<128x32xf32>
    tpu.vector_store %arg4[%swap3A, %swap3A_12], %max3A_11 {strides = array<i32>} : memref<128x32xf32, #tpu.memory_space<vmem>>, vector<128x32xf32>,
    return
  }
  func.func @transform_0(%arg0: i32) -> (i32, i32) {
    %c0_i32 = arith.constant 0 : i32
    %c0_i32_0 = arith.constant 0 : i32
    return %arg0, %c0_i32 : i32, i32
  }
  func.func @transform_1(%arg0: i32) -> (i32, i32) {
    %c0_i32 = arith.constant 0 : i32
    %c0_i32_0 = arith.constant 0 : i32
    %c0_i32_1 = arith.constant 0 : i32
    return %c0_i32, %c0_i32_0 : i32, i32
  }
  func.func @transform_2(%arg0: i32) -> (i32, i32) {
    %c0_i32 = arith.constant 0 : i32
    %c0_i32_0 = arith.constant 0 : i32
    %c0_i32_1 = arith.constant 0 : i32
    return %c0_i32, %c0_i32_0 : i32, i32
  }
  func.func @transform_3(%arg0: i32) -> (i32, i32) {
    %c0_i32 = arith.constant 0 : i32
    %c0_i32_0 = arith.constant 0 : i32
    return %arg0, %c0_i32 : i32, i32
  }
}

module attributes {stable_mosaic.version = 14 : i64} {
  func.func @body(%arg0: i32, %arg1: memref<128x32xf32, #tpu.memory_space<vmem>>, %arg2: memref<128x16xf32, #tpu.memory_space<vmem>>, %arg3: memref<32x32xf32, #tpu.memory_space<vmem>>, %arg4: memref<1x32xf32, #tpu.memory_space<vmem>>, %arg5: memref<32x32xf32, #tpu.memory_space<vmem>>, %arg6: memref<32x32xf32, #tpu.memory_space<vmem>>, %arg7: memref<32x32xf32, #tpu.memory_space<vmem>>, %arg8: memref<128x80xf32, #tpu.memory_space<vmem>>, %arg9: memref<128x32xf32, #tpu.memory_space<vmem>>) attributes {dimension_semantics = [#tpu.dimension_semantics<arbitrary>], iteration_bounds = array<i64: 79>, scalar_prefetch = 0 : i64, scratch_operands = 0 : i64, tpu.core_type = #tpu.core_type<tc>, window_params = [{transform_indices = @transform_0, window_bounds = array<i64: 128, 32>}, {transform_indices = @transform_1, window_bounds = array<i64: 128, 16>}, {pipeline_mode = #tpu.pipeline_mode<synchronous>, transform_indices = @transform_2, window_bounds = array<i64: 32, 32>}, {pipeline_mode = #tpu.pipeline_mode<synchronous>, transform_indices = @transform_3, window_bounds = array<i64: 1, 32>}, {pipeline_mode = #tpu.pipeline_mode<synchronous>, transform_indices = @transform_4, window_bounds = array<i64: 32, 32>}, {pipeline_mode = #tpu.pipeline_mode<synchronous>, transform_indices = @transform_5, window_bounds = array<i64: 32, 32>}, {pipeline_mode = #tpu.pipeline_mode<synchronous>, transform_indices = @transform_6, window_bounds = array<i64: 32, 32>}, {transform_indices = @transform_7, window_bounds = array<i64: 128, 80>}, {transform_indices = @transform_8, window_bounds = array<i64: 128, 32>}]} {
    %get3A = arith.constant 0 : index
    %get3A_0 = arith.constant 0 : index
    %get3A_1 = vector.load %arg1[%get3A, %get3A_0] : memref<128x32xf32, #tpu.memory_space<vmem>>, vector<128x32xf32>
    %get3A_2 = arith.constant 0 : index
    %get3A_3 = arith.constant 0 : index
    %get3A_4 = vector.load %arg3[%get3A_2, %get3A_3] : memref<32x32xf32, #tpu.memory_space<vmem>>, vector<32x32xf32>
    %dot_general3A = arith.constant dense<0.000000e+00> : vector<128x32xf32>
    %dot_general3A_5 = tpu.matmul %get3A_1, %get3A_4, %dot_general3A {dimension_numbers = #tpu.dot_dimension_numbers<[1], [0], [0], [1], [0, 0, 1, 1], [], []>, transpose_lhs_hint = false} : vector<128x32xf32>, vector<32x32xf32>, vector<128x32xf32> -> vector<128x32xf32>
    %get3A_6 = arith.constant 0 : index
    %get3A_7 = arith.constant 0 : index
    %get3A_8 = vector.load %arg4[%get3A_6, %get3A_7] : memref<1x32xf32, #tpu.memory_space<vmem>>, vector<1x32xf32>
    %add3A = vector.broadcast %get3A_8 : vector<1x32xf32> to vector<128x32xf32>
    %add3A_9 = arith.addf %dot_general3A_5, %add3A : vector<128x32xf32>
    %max3A = arith.constant 0.000000e+00 : f32
    %max3A_10 = vector.broadcast %max3A : f32 to vector<128x32xf32>
    %max3A_11 = arith.maximumf %add3A_9, %max3A_10 : vector<128x32xf32>
    %get3A_12 = arith.constant 0 : index
    %get3A_13 = arith.constant 0 : index
    %get3A_14 = vector.load %arg5[%get3A_12, %get3A_13] : memref<32x32xf32, #tpu.memory_space<vmem>>, vector<32x32xf32>
    %dot_general3A_15 = arith.constant dense<0.000000e+00> : vector<128x32xf32>
    %dot_general3A_16 = tpu.matmul %max3A_11, %get3A_14, %dot_general3A_15 {dimension_numbers = #tpu.dot_dimension_numbers<[1], [0], [0], [1], [0, 0, 1, 1], [], []>, transpose_lhs_hint = false} : vector<128x32xf32>, vector<32x32xf32>, vector<128x32xf32> -> vector<128x32xf32>
    %get3A_17 = arith.constant 0 : index
    %get3A_18 = arith.constant 0 : index
    %get3A_19 = vector.load %arg6[%get3A_17, %get3A_18] : memref<32x32xf32, #tpu.memory_space<vmem>>, vector<32x32xf32>
    %dot_general3A_20 = arith.constant dense<0.000000e+00> : vector<128x32xf32>
    %dot_general3A_21 = tpu.matmul %max3A_11, %get3A_19, %dot_general3A_20 {dimension_numbers = #tpu.dot_dimension_numbers<[1], [0], [0], [1], [0, 0, 1, 1], [], []>, transpose_lhs_hint = false} : vector<128x32xf32>, vector<32x32xf32>, vector<128x32xf32> -> vector<128x32xf32>
    %get3A_22 = arith.constant 0 : index
    %get3A_23 = arith.constant 0 : index
    %get3A_24 = vector.load %arg7[%get3A_22, %get3A_23] : memref<32x32xf32, #tpu.memory_space<vmem>>, vector<32x32xf32>
    %dot_general3A_25 = arith.constant dense<0.000000e+00> : vector<128x32xf32>
    %dot_general3A_26 = tpu.matmul %max3A_11, %get3A_24, %dot_general3A_25 {dimension_numbers = #tpu.dot_dimension_numbers<[1], [0], [0], [1], [0, 0, 1, 1], [], []>, transpose_lhs_hint = false} : vector<128x32xf32>, vector<32x32xf32>, vector<128x32xf32> -> vector<128x32xf32>
    %get3A_27 = arith.constant 0 : index
    %get3A_28 = arith.constant 0 : index
    %get3A_29 = vector.load %arg2[%get3A_27, %get3A_28] : memref<128x16xf32, #tpu.memory_space<vmem>>, vector<128x16xf32>
    %concatenate3A = tpu.concatenate %dot_general3A_16, %dot_general3A_21, %get3A_29 in 1 : vector<128x32xf32>, vector<128x32xf32>, vector<128x16xf32> -> vector<128x80xf32>
    %swap3A = arith.constant 0 : index
    %swap3A_30 = arith.constant 0 : index
    %swap3A_31 = vector.load %arg8[%swap3A, %swap3A_30] : memref<128x80xf32, #tpu.memory_space<vmem>>, vector<128x80xf32>
    tpu.vector_store %arg8[%swap3A, %swap3A_30], %concatenate3A {strides = array<i32>} : memref<128x80xf32, #tpu.memory_space<vmem>>, vector<128x80xf32>,
    %swap3A_32 = arith.constant 0 : index
    %swap3A_33 = arith.constant 0 : index
    %swap3A_34 = vector.load %arg9[%swap3A_32, %swap3A_33] : memref<128x32xf32, #tpu.memory_space<vmem>>, vector<128x32xf32>
    tpu.vector_store %arg9[%swap3A_32, %swap3A_33], %dot_general3A_26 {strides = array<i32>} : memref<128x32xf32, #tpu.memory_space<vmem>>, vector<128x32xf32>,
    return
  }
  func.func @transform_0(%arg0: i32) -> (i32, i32) {
    %c0_i32 = arith.constant 0 : i32
    %c0_i32_0 = arith.constant 0 : i32
    return %arg0, %c0_i32 : i32, i32
  }
  func.func @transform_1(%arg0: i32) -> (i32, i32) {
    %c0_i32 = arith.constant 0 : i32
    %c0_i32_0 = arith.constant 0 : i32
    return %arg0, %c0_i32 : i32, i32
  }
  func.func @transform_2(%arg0: i32) -> (i32, i32) {
    %c0_i32 = arith.constant 0 : i32
    %c0_i32_0 = arith.constant 0 : i32
    %c0_i32_1 = arith.constant 0 : i32
    return %c0_i32, %c0_i32_0 : i32, i32
  }
  func.func @transform_3(%arg0: i32) -> (i32, i32) {
    %c0_i32 = arith.constant 0 : i32
    %c0_i32_0 = arith.constant 0 : i32
    %c0_i32_1 = arith.constant 0 : i32
    return %c0_i32, %c0_i32_0 : i32, i32
  }
  func.func @transform_4(%arg0: i32) -> (i32, i32) {
    %c0_i32 = arith.constant 0 : i32
    %c0_i32_0 = arith.constant 0 : i32
    %c0_i32_1 = arith.constant 0 : i32
    return %c0_i32, %c0_i32_0 : i32, i32
  }
  func.func @transform_5(%arg0: i32) -> (i32, i32) {
    %c0_i32 = arith.constant 0 : i32
    %c0_i32_0 = arith.constant 0 : i32
    %c0_i32_1 = arith.constant 0 : i32
    return %c0_i32, %c0_i32_0 : i32, i32
  }
  func.func @transform_6(%arg0: i32) -> (i32, i32) {
    %c0_i32 = arith.constant 0 : i32
    %c0_i32_0 = arith.constant 0 : i32
    %c0_i32_1 = arith.constant 0 : i32
    return %c0_i32, %c0_i32_0 : i32, i32
  }
  func.func @transform_7(%arg0: i32) -> (i32, i32) {
    %c0_i32 = arith.constant 0 : i32
    %c0_i32_0 = arith.constant 0 : i32
    return %arg0, %c0_i32 : i32, i32
  }
  func.func @transform_8(%arg0: i32) -> (i32, i32) {
    %c0_i32 = arith.constant 0 : i32
    %c0_i32_0 = arith.constant 0 : i32
    return %arg0, %c0_i32 : i32, i32
  }
}

module attributes {stable_mosaic.version = 14 : i64} {
  func.func @body(%arg0: i32, %arg1: memref<17x128x80xf32, #tpu.memory_space<vmem>>, %arg2: memref<128x32xf32, #tpu.memory_space<vmem>>, %arg3: memref<128x16xf32, #tpu.memory_space<vmem>>, %arg4: memref<3x64xf32, #tpu.memory_space<vmem>>, %arg5: memref<1x64xf32, #tpu.memory_space<vmem>>, %arg6: memref<64x32xf32, #tpu.memory_space<vmem>>, %arg7: memref<1x32xf32, #tpu.memory_space<vmem>>, %arg8: memref<32x64xf32, #tpu.memory_space<vmem>>, %arg9: memref<1x64xf32, #tpu.memory_space<vmem>>, %arg10: memref<64x32xf32, #tpu.memory_space<vmem>>, %arg11: memref<1x32xf32, #tpu.memory_space<vmem>>, %arg12: memref<32x32xf32, #tpu.memory_space<vmem>>, %arg13: memref<1x32xf32, #tpu.memory_space<vmem>>, %arg14: memref<128x32xf32, #tpu.memory_space<vmem>>) attributes {dimension_semantics = [#tpu.dimension_semantics<arbitrary>], iteration_bounds = array<i64: 79>, scalar_prefetch = 0 : i64, scratch_operands = 0 : i64, tpu.core_type = #tpu.core_type<tc>, window_params = [{transform_indices = @transform_0, window_bounds = array<i64: 17, 128, 80>}, {transform_indices = @transform_1, window_bounds = array<i64: 128, 32>}, {transform_indices = @transform_2, window_bounds = array<i64: 128, 16>}, {pipeline_mode = #tpu.pipeline_mode<synchronous>, transform_indices = @transform_3, window_bounds = array<i64: 3, 64>}, {pipeline_mode = #tpu.pipeline_mode<synchronous>, transform_indices = @transform_4, window_bounds = array<i64: 1, 64>}, {pipeline_mode = #tpu.pipeline_mode<synchronous>, transform_indices = @transform_5, window_bounds = array<i64: 64, 32>}, {pipeline_mode = #tpu.pipeline_mode<synchronous>, transform_indices = @transform_6, window_bounds = array<i64: 1, 32>}, {pipeline_mode = #tpu.pipeline_mode<synchronous>, transform_indices = @transform_7, window_bounds = array<i64: 32, 64>}, {pipeline_mode = #tpu.pipeline_mode<synchronous>, transform_indices = @transform_8, window_bounds = array<i64: 1, 64>}, {pipeline_mode = #tpu.pipeline_mode<synchronous>, transform_indices = @transform_9, window_bounds = array<i64: 64, 32>}, {pipeline_mode = #tpu.pipeline_mode<synchronous>, transform_indices = @transform_10, window_bounds = array<i64: 1, 32>}, {pipeline_mode = #tpu.pipeline_mode<synchronous>, transform_indices = @transform_11, window_bounds = array<i64: 32, 32>}, {pipeline_mode = #tpu.pipeline_mode<synchronous>, transform_indices = @transform_12, window_bounds = array<i64: 1, 32>}, {transform_indices = @transform_13, window_bounds = array<i64: 128, 32>}]} {
    %get3A = arith.constant 0 : index
    %get3A_0 = arith.constant 0 : index
    %get3A_1 = arith.constant 0 : index
    %get3A_2 = vector.load %arg1[%get3A, %get3A_0, %get3A_1] : memref<17x128x80xf32, #tpu.memory_space<vmem>>, vector<17x128x80xf32>
    %reshape3A = vector.shape_cast %get3A_2 : vector<17x128x80xf32> to vector<2176x80xf32>
    %slice3A = vector.extract_strided_slice %reshape3A {offsets = [0, 0], sizes = [2176, 32], strides = [1, 1]} : vector<2176x80xf32> to vector<2176x32xf32>
    %slice3A_3 = vector.extract_strided_slice %reshape3A {offsets = [0, 32], sizes = [2176, 32], strides = [1, 1]} : vector<2176x80xf32> to vector<2176x32xf32>
    %slice3A_4 = vector.extract_strided_slice %reshape3A {offsets = [0, 64], sizes = [2176, 3], strides = [1, 1]} : vector<2176x80xf32> to vector<2176x3xf32>
    %get3A_5 = arith.constant 0 : index
    %get3A_6 = arith.constant 0 : index
    %get3A_7 = vector.load %arg3[%get3A_5, %get3A_6] : memref<128x16xf32, #tpu.memory_space<vmem>>, vector<128x16xf32>
    %slice3A_8 = vector.extract_strided_slice %get3A_7 {offsets = [0, 0], sizes = [128, 3], strides = [1, 1]} : vector<128x16xf32> to vector<128x3xf32>
    %broadcast_in_dim3A = vector.shape_cast %slice3A_8 : vector<128x3xf32> to vector<1x128x3xf32>
    %broadcast_in_dim3A_9 = vector.shape_cast %broadcast_in_dim3A : vector<1x128x3xf32> to vector<1x128x3xf32>
    %broadcast_in_dim3A_10 = vector.broadcast %broadcast_in_dim3A_9 : vector<1x128x3xf32> to vector<17x128x3xf32>
    %reshape3A_11 = vector.shape_cast %broadcast_in_dim3A_10 : vector<17x128x3xf32> to vector<2176x3xf32>
    %sub3A = arith.subf %reshape3A_11, %slice3A_4 : vector<2176x3xf32>
    %get3A_12 = arith.constant 0 : index
    %get3A_13 = arith.constant 0 : index
    %get3A_14 = vector.load %arg4[%get3A_12, %get3A_13] : memref<3x64xf32, #tpu.memory_space<vmem>>, vector<3x64xf32>
    %dot_general3A = arith.constant dense<0.000000e+00> : vector<2176x64xf32>
    %dot_general3A_15 = tpu.matmul %sub3A, %get3A_14, %dot_general3A {dimension_numbers = #tpu.dot_dimension_numbers<[1], [0], [0], [1], [0, 0, 1, 1], [], []>, transpose_lhs_hint = false} : vector<2176x3xf32>, vector<3x64xf32>, vector<2176x64xf32> -> vector<2176x64xf32>
    %get3A_16 = arith.constant 0 : index
    %get3A_17 = arith.constant 0 : index
    %get3A_18 = vector.load %arg5[%get3A_16, %get3A_17] : memref<1x64xf32, #tpu.memory_space<vmem>>, vector<1x64xf32>
    %add3A = vector.broadcast %get3A_18 : vector<1x64xf32> to vector<2176x64xf32>
    %add3A_19 = arith.addf %dot_general3A_15, %add3A : vector<2176x64xf32>
    %max3A = arith.constant 0.000000e+00 : f32
    %max3A_20 = vector.broadcast %max3A : f32 to vector<2176x64xf32>
    %max3A_21 = arith.maximumf %add3A_19, %max3A_20 : vector<2176x64xf32>
    %get3A_22 = arith.constant 0 : index
    %get3A_23 = arith.constant 0 : index
    %get3A_24 = vector.load %arg6[%get3A_22, %get3A_23] : memref<64x32xf32, #tpu.memory_space<vmem>>, vector<64x32xf32>
    %dot_general3A_25 = arith.constant dense<0.000000e+00> : vector<2176x32xf32>
    %dot_general3A_26 = tpu.matmul %max3A_21, %get3A_24, %dot_general3A_25 {dimension_numbers = #tpu.dot_dimension_numbers<[1], [0], [0], [1], [0, 0, 1, 1], [], []>, transpose_lhs_hint = false} : vector<2176x64xf32>, vector<64x32xf32>, vector<2176x32xf32> -> vector<2176x32xf32>
    %get3A_27 = arith.constant 0 : index
    %get3A_28 = arith.constant 0 : index
    %get3A_29 = vector.load %arg7[%get3A_27, %get3A_28] : memref<1x32xf32, #tpu.memory_space<vmem>>, vector<1x32xf32>
    %add3A_30 = vector.broadcast %get3A_29 : vector<1x32xf32> to vector<2176x32xf32>
    %add3A_31 = arith.addf %dot_general3A_26, %add3A_30 : vector<2176x32xf32>
    %max3A_32 = arith.constant 0.000000e+00 : f32
    %max3A_33 = vector.broadcast %max3A_32 : f32 to vector<2176x32xf32>
    %max3A_34 = arith.maximumf %add3A_31, %max3A_33 : vector<2176x32xf32>
    %get3A_35 = arith.constant 0 : index
    %get3A_36 = arith.constant 0 : index
    %get3A_37 = vector.load %arg2[%get3A_35, %get3A_36] : memref<128x32xf32, #tpu.memory_space<vmem>>, vector<128x32xf32>
    %broadcast_in_dim3A_38 = vector.shape_cast %get3A_37 : vector<128x32xf32> to vector<1x128x32xf32>
    %broadcast_in_dim3A_39 = vector.shape_cast %broadcast_in_dim3A_38 : vector<1x128x32xf32> to vector<1x128x32xf32>
    %broadcast_in_dim3A_40 = vector.broadcast %broadcast_in_dim3A_39 : vector<1x128x32xf32> to vector<17x128x32xf32>
    %reshape3A_41 = vector.shape_cast %broadcast_in_dim3A_40 : vector<17x128x32xf32> to vector<2176x32xf32>
    %sub3A_42 = arith.subf %reshape3A_41, %slice3A : vector<2176x32xf32>
    %add3A_43 = arith.addf %sub3A_42, %max3A_34 : vector<2176x32xf32>
    %get3A_44 = arith.constant 0 : index
    %get3A_45 = arith.constant 0 : index
    %get3A_46 = vector.load %arg8[%get3A_44, %get3A_45] : memref<32x64xf32, #tpu.memory_space<vmem>>, vector<32x64xf32>
    %dot_general3A_47 = arith.constant dense<0.000000e+00> : vector<2176x64xf32>
    %dot_general3A_48 = tpu.matmul %add3A_43, %get3A_46, %dot_general3A_47 {dimension_numbers = #tpu.dot_dimension_numbers<[1], [0], [0], [1], [0, 0, 1, 1], [], []>, transpose_lhs_hint = false} : vector<2176x32xf32>, vector<32x64xf32>, vector<2176x64xf32> -> vector<2176x64xf32>
    %get3A_49 = arith.constant 0 : index
    %get3A_50 = arith.constant 0 : index
    %get3A_51 = vector.load %arg9[%get3A_49, %get3A_50] : memref<1x64xf32, #tpu.memory_space<vmem>>, vector<1x64xf32>
    %add3A_52 = vector.broadcast %get3A_51 : vector<1x64xf32> to vector<2176x64xf32>
    %add3A_53 = arith.addf %dot_general3A_48, %add3A_52 : vector<2176x64xf32>
    %max3A_54 = arith.constant 0.000000e+00 : f32
    %max3A_55 = vector.broadcast %max3A_54 : f32 to vector<2176x64xf32>
    %max3A_56 = arith.maximumf %add3A_53, %max3A_55 : vector<2176x64xf32>
    %get3A_57 = arith.constant 0 : index
    %get3A_58 = arith.constant 0 : index
    %get3A_59 = vector.load %arg10[%get3A_57, %get3A_58] : memref<64x32xf32, #tpu.memory_space<vmem>>, vector<64x32xf32>
    %dot_general3A_60 = arith.constant dense<0.000000e+00> : vector<2176x32xf32>
    %dot_general3A_61 = tpu.matmul %max3A_56, %get3A_59, %dot_general3A_60 {dimension_numbers = #tpu.dot_dimension_numbers<[1], [0], [0], [1], [0, 0, 1, 1], [], []>, transpose_lhs_hint = false} : vector<2176x64xf32>, vector<64x32xf32>, vector<2176x32xf32> -> vector<2176x32xf32>
    %get3A_62 = arith.constant 0 : index
    %get3A_63 = arith.constant 0 : index
    %get3A_64 = vector.load %arg11[%get3A_62, %get3A_63] : memref<1x32xf32, #tpu.memory_space<vmem>>, vector<1x32xf32>
    %add3A_65 = vector.broadcast %get3A_64 : vector<1x32xf32> to vector<2176x32xf32>
    %add3A_66 = arith.addf %dot_general3A_61, %add3A_65 : vector<2176x32xf32>
    %max3A_67 = arith.constant 0.000000e+00 : f32
    %max3A_68 = vector.broadcast %max3A_67 : f32 to vector<2176x32xf32>
    %max3A_69 = arith.maximumf %add3A_66, %max3A_68 : vector<2176x32xf32>
    %reshape3A_70 = vector.shape_cast %max3A_69 : vector<2176x32xf32> to vector<17x128x32xf32>
    %reduce_max3A = arith.constant dense<0xFF800000> : vector<128x32xf32>
    %reduce_max3A_71 = vector.multi_reduction <maximumf>, %reshape3A_70, %reduce_max3A [0] : vector<17x128x32xf32> to vector<128x32xf32>
    %broadcast_in_dim3A_72 = vector.shape_cast %reduce_max3A_71 : vector<128x32xf32> to vector<1x128x32xf32>
    %sub3A_73 = vector.broadcast %broadcast_in_dim3A_72 : vector<1x128x32xf32> to vector<17x128x32xf32>
    %sub3A_74 = arith.subf %reshape3A_70, %sub3A_73 : vector<17x128x32xf32>
    %exp3A = math.exp %sub3A_74 : vector<17x128x32xf32>
    %reduce_sum3A = arith.constant dense<0.000000e+00> : vector<128x32xf32>
    %reduce_sum3A_75 = vector.multi_reduction <add>, %exp3A, %reduce_sum3A [0] : vector<17x128x32xf32> to vector<128x32xf32>
    %broadcast_in_dim3A_76 = vector.shape_cast %reduce_sum3A_75 : vector<128x32xf32> to vector<1x128x32xf32>
    %add3A_77 = arith.constant 1.000000e-16 : f32
    %add3A_78 = vector.broadcast %add3A_77 : f32 to vector<1x128x32xf32>
    %add3A_79 = arith.addf %broadcast_in_dim3A_76, %add3A_78 : vector<1x128x32xf32>
    %div3A = vector.broadcast %add3A_79 : vector<1x128x32xf32> to vector<17x128x32xf32>
    %div3A_80 = arith.divf %exp3A, %div3A : vector<17x128x32xf32>
    %add3A_81 = arith.addf %slice3A_3, %max3A_34 : vector<2176x32xf32>
    %reshape3A_82 = vector.shape_cast %add3A_81 : vector<2176x32xf32> to vector<17x128x32xf32>
    %mul3A = arith.mulf %div3A_80, %reshape3A_82 : vector<17x128x32xf32>
    %reduce_sum3A_83 = arith.constant dense<0.000000e+00> : vector<128x32xf32>
    %reduce_sum3A_84 = vector.multi_reduction <add>, %mul3A, %reduce_sum3A_83 [0] : vector<17x128x32xf32> to vector<128x32xf32>
    %get3A_85 = arith.constant 0 : index
    %get3A_86 = arith.constant 0 : index
    %get3A_87 = vector.load %arg12[%get3A_85, %get3A_86] : memref<32x32xf32, #tpu.memory_space<vmem>>, vector<32x32xf32>
    %dot_general3A_88 = arith.constant dense<0.000000e+00> : vector<128x32xf32>
    %dot_general3A_89 = tpu.matmul %reduce_sum3A_84, %get3A_87, %dot_general3A_88 {dimension_numbers = #tpu.dot_dimension_numbers<[1], [0], [0], [1], [0, 0, 1, 1], [], []>, transpose_lhs_hint = false} : vector<128x32xf32>, vector<32x32xf32>, vector<128x32xf32> -> vector<128x32xf32>
    %get3A_90 = arith.constant 0 : index
    %get3A_91 = arith.constant 0 : index
    %get3A_92 = vector.load %arg13[%get3A_90, %get3A_91] : memref<1x32xf32, #tpu.memory_space<vmem>>, vector<1x32xf32>
    %add3A_93 = vector.broadcast %get3A_92 : vector<1x32xf32> to vector<128x32xf32>
    %add3A_94 = arith.addf %dot_general3A_89, %add3A_93 : vector<128x32xf32>
    %max3A_95 = arith.constant 0.000000e+00 : f32
    %max3A_96 = vector.broadcast %max3A_95 : f32 to vector<128x32xf32>
    %max3A_97 = arith.maximumf %add3A_94, %max3A_96 : vector<128x32xf32>
    %swap3A = arith.constant 0 : index
    %swap3A_98 = arith.constant 0 : index
    %swap3A_99 = vector.load %arg14[%swap3A, %swap3A_98] : memref<128x32xf32, #tpu.memory_space<vmem>>, vector<128x32xf32>
    tpu.vector_store %arg14[%swap3A, %swap3A_98], %max3A_97 {strides = array<i32>} : memref<128x32xf32, #tpu.memory_space<vmem>>, vector<128x32xf32>,
    return
  }
  func.func @transform_0(%arg0: i32) -> (i32, i32, i32) {
    %c0_i32 = arith.constant 0 : i32
    %c0_i32_0 = arith.constant 0 : i32
    %c0_i32_1 = arith.constant 0 : i32
    return %c0_i32, %arg0, %c0_i32_0 : i32, i32, i32
  }
  func.func @transform_1(%arg0: i32) -> (i32, i32) {
    %c0_i32 = arith.constant 0 : i32
    %c0_i32_0 = arith.constant 0 : i32
    return %arg0, %c0_i32 : i32, i32
  }
  func.func @transform_2(%arg0: i32) -> (i32, i32) {
    %c0_i32 = arith.constant 0 : i32
    %c0_i32_0 = arith.constant 0 : i32
    return %arg0, %c0_i32 : i32, i32
  }
  func.func @transform_3(%arg0: i32) -> (i32, i32) {
    %c0_i32 = arith.constant 0 : i32
    %c0_i32_0 = arith.constant 0 : i32
    %c0_i32_1 = arith.constant 0 : i32
    return %c0_i32, %c0_i32_0 : i32, i32
  }
  func.func @transform_4(%arg0: i32) -> (i32, i32) {
    %c0_i32 = arith.constant 0 : i32
    %c0_i32_0 = arith.constant 0 : i32
    %c0_i32_1 = arith.constant 0 : i32
    return %c0_i32, %c0_i32_0 : i32, i32
  }
  func.func @transform_5(%arg0: i32) -> (i32, i32) {
    %c0_i32 = arith.constant 0 : i32
    %c0_i32_0 = arith.constant 0 : i32
    %c0_i32_1 = arith.constant 0 : i32
    return %c0_i32, %c0_i32_0 : i32, i32
  }
  func.func @transform_6(%arg0: i32) -> (i32, i32) {
    %c0_i32 = arith.constant 0 : i32
    %c0_i32_0 = arith.constant 0 : i32
    %c0_i32_1 = arith.constant 0 : i32
    return %c0_i32, %c0_i32_0 : i32, i32
  }
  func.func @transform_7(%arg0: i32) -> (i32, i32) {
    %c0_i32 = arith.constant 0 : i32
    %c0_i32_0 = arith.constant 0 : i32
    %c0_i32_1 = arith.constant 0 : i32
    return %c0_i32, %c0_i32_0 : i32, i32
  }
  func.func @transform_8(%arg0: i32) -> (i32, i32) {
    %c0_i32 = arith.constant 0 : i32
    %c0_i32_0 = arith.constant 0 : i32
    %c0_i32_1 = arith.constant 0 : i32
    return %c0_i32, %c0_i32_0 : i32, i32
  }
  func.func @transform_9(%arg0: i32) -> (i32, i32) {
    %c0_i32 = arith.constant 0 : i32
    %c0_i32_0 = arith.constant 0 : i32
    %c0_i32_1 = arith.constant 0 : i32
    return %c0_i32, %c0_i32_0 : i32, i32
  }
  func.func @transform_10(%arg0: i32) -> (i32, i32) {
    %c0_i32 = arith.constant 0 : i32
    %c0_i32_0 = arith.constant 0 : i32
    %c0_i32_1 = arith.constant 0 : i32
    return %c0_i32, %c0_i32_0 : i32, i32
  }
  func.func @transform_11(%arg0: i32) -> (i32, i32) {
    %c0_i32 = arith.constant 0 : i32
    %c0_i32_0 = arith.constant 0 : i32
    %c0_i32_1 = arith.constant 0 : i32
    return %c0_i32, %c0_i32_0 : i32, i32
  }
  func.func @transform_12(%arg0: i32) -> (i32, i32) {
    %c0_i32 = arith.constant 0 : i32
    %c0_i32_0 = arith.constant 0 : i32
    %c0_i32_1 = arith.constant 0 : i32
    return %c0_i32, %c0_i32_0 : i32, i32
  }
  func.func @transform_13(%arg0: i32) -> (i32, i32) {
    %c0_i32 = arith.constant 0 : i32
    %c0_i32_0 = arith.constant 0 : i32
    return %arg0, %c0_i32 : i32, i32
  }
}

module attributes {stable_mosaic.version = 14 : i64} {
  func.func @body(%arg0: i32, %arg1: memref<128x32xf32, #tpu.memory_space<vmem>>, %arg2: memref<32x64xf32, #tpu.memory_space<vmem>>, %arg3: memref<1x64xf32, #tpu.memory_space<vmem>>, %arg4: memref<128x64xf32, #tpu.memory_space<vmem>>) attributes {dimension_semantics = [#tpu.dimension_semantics<arbitrary>], iteration_bounds = array<i64: 79>, scalar_prefetch = 0 : i64, scratch_operands = 0 : i64, tpu.core_type = #tpu.core_type<tc>, window_params = [{transform_indices = @transform_0, window_bounds = array<i64: 128, 32>}, {pipeline_mode = #tpu.pipeline_mode<synchronous>, transform_indices = @transform_1, window_bounds = array<i64: 32, 64>}, {pipeline_mode = #tpu.pipeline_mode<synchronous>, transform_indices = @transform_2, window_bounds = array<i64: 1, 64>}, {transform_indices = @transform_3, window_bounds = array<i64: 128, 64>}]} {
    %get3A = arith.constant 0 : index
    %get3A_0 = arith.constant 0 : index
    %get3A_1 = vector.load %arg1[%get3A, %get3A_0] : memref<128x32xf32, #tpu.memory_space<vmem>>, vector<128x32xf32>
    %get3A_2 = arith.constant 0 : index
    %get3A_3 = arith.constant 0 : index
    %get3A_4 = vector.load %arg2[%get3A_2, %get3A_3] : memref<32x64xf32, #tpu.memory_space<vmem>>, vector<32x64xf32>
    %dot_general3A = arith.constant dense<0.000000e+00> : vector<128x64xf32>
    %dot_general3A_5 = tpu.matmul %get3A_1, %get3A_4, %dot_general3A {dimension_numbers = #tpu.dot_dimension_numbers<[1], [0], [0], [1], [0, 0, 1, 1], [], []>, transpose_lhs_hint = false} : vector<128x32xf32>, vector<32x64xf32>, vector<128x64xf32> -> vector<128x64xf32>
    %get3A_6 = arith.constant 0 : index
    %get3A_7 = arith.constant 0 : index
    %get3A_8 = vector.load %arg3[%get3A_6, %get3A_7] : memref<1x64xf32, #tpu.memory_space<vmem>>, vector<1x64xf32>
    %add3A = vector.broadcast %get3A_8 : vector<1x64xf32> to vector<128x64xf32>
    %add3A_9 = arith.addf %dot_general3A_5, %add3A : vector<128x64xf32>
    %max3A = arith.constant 0.000000e+00 : f32
    %max3A_10 = vector.broadcast %max3A : f32 to vector<128x64xf32>
    %max3A_11 = arith.maximumf %add3A_9, %max3A_10 : vector<128x64xf32>
    %swap3A = arith.constant 0 : index
    %swap3A_12 = arith.constant 0 : index
    %swap3A_13 = vector.load %arg4[%swap3A, %swap3A_12] : memref<128x64xf32, #tpu.memory_space<vmem>>, vector<128x64xf32>
    tpu.vector_store %arg4[%swap3A, %swap3A_12], %max3A_11 {strides = array<i32>} : memref<128x64xf32, #tpu.memory_space<vmem>>, vector<128x64xf32>,
    return
  }
  func.func @transform_0(%arg0: i32) -> (i32, i32) {
    %c0_i32 = arith.constant 0 : i32
    %c0_i32_0 = arith.constant 0 : i32
    return %arg0, %c0_i32 : i32, i32
  }
  func.func @transform_1(%arg0: i32) -> (i32, i32) {
    %c0_i32 = arith.constant 0 : i32
    %c0_i32_0 = arith.constant 0 : i32
    %c0_i32_1 = arith.constant 0 : i32
    return %c0_i32, %c0_i32_0 : i32, i32
  }
  func.func @transform_2(%arg0: i32) -> (i32, i32) {
    %c0_i32 = arith.constant 0 : i32
    %c0_i32_0 = arith.constant 0 : i32
    %c0_i32_1 = arith.constant 0 : i32
    return %c0_i32, %c0_i32_0 : i32, i32
  }
  func.func @transform_3(%arg0: i32) -> (i32, i32) {
    %c0_i32 = arith.constant 0 : i32
    %c0_i32_0 = arith.constant 0 : i32
    return %arg0, %c0_i32 : i32, i32
  }
}

module attributes {stable_mosaic.version = 14 : i64} {
  func.func @body(%arg0: memref<24x313xf32, #tpu.memory_space<vmem>>, %arg1: memref<625x1xi32, #tpu.memory_space<vmem>>) attributes {dimension_semantics = [], scalar_prefetch = 0 : i64, scratch_operands = 0 : i64, tpu.core_type = #tpu.core_type<tc>} {
    %get3A = arith.constant 0 : index
    %get3A_0 = arith.constant 0 : index
    %get3A_1 = vector.load %arg0[%get3A, %get3A_0] : memref<24x313xf32, #tpu.memory_space<vmem>>, vector<24x313xf32>
    %slice3A = vector.extract_strided_slice %get3A_1 {offsets = [0, 0], sizes = [8, 313], strides = [1, 1]} : vector<24x313xf32> to vector<8x313xf32>
    %slice3A_2 = vector.extract_strided_slice %get3A_1 {offsets = [8, 0], sizes = [8, 313], strides = [1, 1]} : vector<24x313xf32> to vector<8x313xf32>
    %slice3A_3 = vector.extract_strided_slice %get3A_1 {offsets = [16, 0], sizes = [8, 313], strides = [1, 1]} : vector<24x313xf32> to vector<8x313xf32>
    %iota3A = tpu.iota {dimensions = array<i32: 0>} : vector<8x313xi32>
    %mul3A = arith.constant 313 : i32
    %mul3A_4 = vector.broadcast %mul3A : i32 to vector<8x313xi32>
    %mul3A_5 = arith.muli %iota3A, %mul3A_4 : vector<8x313xi32>
    %iota3A_6 = tpu.iota {dimensions = array<i32: 1>} : vector<8x313xi32>
    %add3A = arith.addi %mul3A_5, %iota3A_6 : vector<8x313xi32>
    %lt3A = arith.constant 2500 : i32
    %lt3A_7 = vector.broadcast %lt3A : i32 to vector<8x313xi32>
    %lt3A_8 = arith.cmpi slt, %add3A, %lt3A_7 : vector<8x313xi32>
    %eq3A = arith.constant 0 : i32
    %eq3A_9 = vector.broadcast %eq3A : i32 to vector<8x313xi32>
    %eq3A_10 = arith.cmpi eq, %add3A, %eq3A_9 : vector<8x313xi32>
    %jit3A = arith.constant 0.000000e+00 : f32
    %broadcast_in_dim3A = vector.broadcast %jit3A : f32 to vector<8x313xf32>
    %select_n3A = arith.select %eq3A_10, %slice3A, %broadcast_in_dim3A : vector<8x313xi1>, vector<8x313xf32>
    %reduce_sum3A = arith.constant dense<0.000000e+00> : vector<8xf32>
    %reduce_sum3A_11 = vector.multi_reduction <add>, %select_n3A, %reduce_sum3A [1] : vector<8x313xf32> to vector<8xf32>
    %broadcast_in_dim3A_12 = vector.shape_cast %reduce_sum3A_11 : vector<8xf32> to vector<8x1xf32>
    %reduce_sum3A_13 = arith.constant dense<0.000000e+00> : vector<1xf32>
    %reduce_sum3A_14 = vector.multi_reduction <add>, %broadcast_in_dim3A_12, %reduce_sum3A_13 [0] : vector<8x1xf32> to vector<1xf32>
    %broadcast_in_dim3A_15 = vector.shape_cast %reduce_sum3A_14 : vector<1xf32> to vector<1x1xf32>
    %jit3A_16 = arith.constant 0.000000e+00 : f32
    %broadcast_in_dim3A_17 = vector.broadcast %jit3A_16 : f32 to vector<8x313xf32>
    %select_n3A_18 = arith.select %eq3A_10, %slice3A_2, %broadcast_in_dim3A_17 : vector<8x313xi1>, vector<8x313xf32>
    %reduce_sum3A_19 = arith.constant dense<0.000000e+00> : vector<8xf32>
    %reduce_sum3A_20 = vector.multi_reduction <add>, %select_n3A_18, %reduce_sum3A_19 [1] : vector<8x313xf32> to vector<8xf32>
    %broadcast_in_dim3A_21 = vector.shape_cast %reduce_sum3A_20 : vector<8xf32> to vector<8x1xf32>
    %reduce_sum3A_22 = arith.constant dense<0.000000e+00> : vector<1xf32>
    %reduce_sum3A_23 = vector.multi_reduction <add>, %broadcast_in_dim3A_21, %reduce_sum3A_22 [0] : vector<8x1xf32> to vector<1xf32>
    %broadcast_in_dim3A_24 = vector.shape_cast %reduce_sum3A_23 : vector<1xf32> to vector<1x1xf32>
    %jit3A_25 = arith.constant 0.000000e+00 : f32
    %broadcast_in_dim3A_26 = vector.broadcast %jit3A_25 : f32 to vector<8x313xf32>
    %select_n3A_27 = arith.select %eq3A_10, %slice3A_3, %broadcast_in_dim3A_26 : vector<8x313xi1>, vector<8x313xf32>
    %reduce_sum3A_28 = arith.constant dense<0.000000e+00> : vector<8xf32>
    %reduce_sum3A_29 = vector.multi_reduction <add>, %select_n3A_27, %reduce_sum3A_28 [1] : vector<8x313xf32> to vector<8xf32>
    %broadcast_in_dim3A_30 = vector.shape_cast %reduce_sum3A_29 : vector<8xf32> to vector<8x1xf32>
    %reduce_sum3A_31 = arith.constant dense<0.000000e+00> : vector<1xf32>
    %reduce_sum3A_32 = vector.multi_reduction <add>, %broadcast_in_dim3A_30, %reduce_sum3A_31 [0] : vector<8x1xf32> to vector<1xf32>
    %broadcast_in_dim3A_33 = vector.shape_cast %reduce_sum3A_32 : vector<1xf32> to vector<1x1xf32>
    %sub3A = vector.broadcast %broadcast_in_dim3A_15 : vector<1x1xf32> to vector<8x313xf32>
    %sub3A_34 = arith.subf %slice3A, %sub3A : vector<8x313xf32>
    %integer_pow3A = arith.mulf %sub3A_34, %sub3A_34 : vector<8x313xf32>
    %sub3A_35 = vector.broadcast %broadcast_in_dim3A_24 : vector<1x1xf32> to vector<8x313xf32>
    %sub3A_36 = arith.subf %slice3A_2, %sub3A_35 : vector<8x313xf32>
    %integer_pow3A_37 = arith.mulf %sub3A_36, %sub3A_36 : vector<8x313xf32>
    %add3A_38 = arith.addf %integer_pow3A, %integer_pow3A_37 : vector<8x313xf32>
    %sub3A_39 = vector.broadcast %broadcast_in_dim3A_33 : vector<1x1xf32> to vector<8x313xf32>
    %sub3A_40 = arith.subf %slice3A_3, %sub3A_39 : vector<8x313xf32>
    %integer_pow3A_41 = arith.mulf %sub3A_40, %sub3A_40 : vector<8x313xf32>
    %add3A_42 = arith.addf %add3A_38, %integer_pow3A_41 : vector<8x313xf32>
    %jit3A_43 = arith.constant 0xFF800000 : f32
    %broadcast_in_dim3A_44 = vector.broadcast %jit3A_43 : f32 to vector<8x313xf32>
    %select_n3A_45 = arith.select %lt3A_8, %add3A_42, %broadcast_in_dim3A_44 : vector<8x313xi1>, vector<8x313xf32>
    %broadcast_in_dim3A_46 = arith.constant 0 : i32
    %broadcast_in_dim3A_47 = vector.broadcast %broadcast_in_dim3A_46 : i32 to vector<1x1xi32>
    %swap3A = arith.constant 0 : index
    %swap3A_48 = arith.constant 0 : index
    %swap3A_49 = vector.load %arg1[%swap3A, %swap3A_48] : memref<625x1xi32, #tpu.memory_space<vmem>>, vector<1x1xi32>
    tpu.vector_store %arg1[%swap3A, %swap3A_48], %broadcast_in_dim3A_47 {strides = array<i32>} : memref<625x1xi32, #tpu.memory_space<vmem>>, vector<1x1xi32>,
    %scan3A = arith.constant 1 : i32
    %scan3A_50 = arith.constant 624 : i32
    %scan3A_51 = arith.addi %scan3A, %scan3A_50 : i32
    %scan3A_52 = arith.constant 1 : i32
    %scan3A_53 = scf.for %scan3A_55 = %scan3A to %scan3A_51 step %scan3A_52 iter_args(%scan3A_56 = %select_n3A_45) -> (vector<8x313xf32>)  : i32 {
      %reduce_max3A = arith.constant dense<0xFF800000> : vector<8xf32>
      %reduce_max3A_57 = vector.multi_reduction <maximumf>, %scan3A_56, %reduce_max3A [1] : vector<8x313xf32> to vector<8xf32>
      %broadcast_in_dim3A_58 = vector.shape_cast %reduce_max3A_57 : vector<8xf32> to vector<8x1xf32>
      %reduce_max3A_59 = arith.constant dense<0xFF800000> : vector<1xf32>
      %reduce_max3A_60 = vector.multi_reduction <maximumf>, %broadcast_in_dim3A_58, %reduce_max3A_59 [0] : vector<8x1xf32> to vector<1xf32>
      %broadcast_in_dim3A_61 = vector.shape_cast %reduce_max3A_60 : vector<1xf32> to vector<1x1xf32>
      %ge3A = vector.broadcast %broadcast_in_dim3A_61 : vector<1x1xf32> to vector<8x313xf32>
      %ge3A_62 = arith.cmpf oge, %scan3A_56, %ge3A : vector<8x313xf32>
      %jit3A_63 = arith.constant 1073741824 : i32
      %broadcast_in_dim3A_64 = vector.broadcast %jit3A_63 : i32 to vector<8x313xi32>
      %select_n3A_65 = arith.select %ge3A_62, %add3A, %broadcast_in_dim3A_64 : vector<8x313xi1>, vector<8x313xi32>
      %reduce_min3A = arith.constant dense<2147483647> : vector<8xi32>
      %reduce_min3A_66 = vector.multi_reduction <minsi>, %select_n3A_65, %reduce_min3A [1] : vector<8x313xi32> to vector<8xi32>
      %broadcast_in_dim3A_67 = vector.shape_cast %reduce_min3A_66 : vector<8xi32> to vector<8x1xi32>
      %reduce_min3A_68 = arith.constant dense<2147483647> : vector<1xi32>
      %reduce_min3A_69 = vector.multi_reduction <minsi>, %broadcast_in_dim3A_67, %reduce_min3A_68 [0] : vector<8x1xi32> to vector<1xi32>
      %broadcast_in_dim3A_70 = vector.shape_cast %reduce_min3A_69 : vector<1xi32> to vector<1x1xi32>
      %swap3A_71 = arith.index_cast %scan3A_55 : i32 to index
      %swap3A_72 = arith.constant 0 : index
      %swap3A_73 = vector.load %arg1[%swap3A_71, %swap3A_72] : memref<625x1xi32, #tpu.memory_space<vmem>>, vector<1x1xi32>
      tpu.vector_store %arg1[%swap3A_71, %swap3A_72], %broadcast_in_dim3A_70 {strides = array<i32>} : memref<625x1xi32, #tpu.memory_space<vmem>>, vector<1x1xi32>,
      %eq3A_74 = vector.broadcast %broadcast_in_dim3A_70 : vector<1x1xi32> to vector<8x313xi32>
      %eq3A_75 = arith.cmpi eq, %add3A, %eq3A_74 : vector<8x313xi32>
      %jit3A_76 = arith.constant 0.000000e+00 : f32
      %broadcast_in_dim3A_77 = vector.broadcast %jit3A_76 : f32 to vector<8x313xf32>
      %select_n3A_78 = arith.select %eq3A_75, %slice3A, %broadcast_in_dim3A_77 : vector<8x313xi1>, vector<8x313xf32>
      %reduce_sum3A_79 = arith.constant dense<0.000000e+00> : vector<8xf32>
      %reduce_sum3A_80 = vector.multi_reduction <add>, %select_n3A_78, %reduce_sum3A_79 [1] : vector<8x313xf32> to vector<8xf32>
      %broadcast_in_dim3A_81 = vector.shape_cast %reduce_sum3A_80 : vector<8xf32> to vector<8x1xf32>
      %reduce_sum3A_82 = arith.constant dense<0.000000e+00> : vector<1xf32>
      %reduce_sum3A_83 = vector.multi_reduction <add>, %broadcast_in_dim3A_81, %reduce_sum3A_82 [0] : vector<8x1xf32> to vector<1xf32>
      %broadcast_in_dim3A_84 = vector.shape_cast %reduce_sum3A_83 : vector<1xf32> to vector<1x1xf32>
      %jit3A_85 = arith.constant 0.000000e+00 : f32
      %broadcast_in_dim3A_86 = vector.broadcast %jit3A_85 : f32 to vector<8x313xf32>
      %select_n3A_87 = arith.select %eq3A_75, %slice3A_2, %broadcast_in_dim3A_86 : vector<8x313xi1>, vector<8x313xf32>
      %reduce_sum3A_88 = arith.constant dense<0.000000e+00> : vector<8xf32>
      %reduce_sum3A_89 = vector.multi_reduction <add>, %select_n3A_87, %reduce_sum3A_88 [1] : vector<8x313xf32> to vector<8xf32>
      %broadcast_in_dim3A_90 = vector.shape_cast %reduce_sum3A_89 : vector<8xf32> to vector<8x1xf32>
      %reduce_sum3A_91 = arith.constant dense<0.000000e+00> : vector<1xf32>
      %reduce_sum3A_92 = vector.multi_reduction <add>, %broadcast_in_dim3A_90, %reduce_sum3A_91 [0] : vector<8x1xf32> to vector<1xf32>
      %broadcast_in_dim3A_93 = vector.shape_cast %reduce_sum3A_92 : vector<1xf32> to vector<1x1xf32>
      %jit3A_94 = arith.constant 0.000000e+00 : f32
      %broadcast_in_dim3A_95 = vector.broadcast %jit3A_94 : f32 to vector<8x313xf32>
      %select_n3A_96 = arith.select %eq3A_75, %slice3A_3, %broadcast_in_dim3A_95 : vector<8x313xi1>, vector<8x313xf32>
      %reduce_sum3A_97 = arith.constant dense<0.000000e+00> : vector<8xf32>
      %reduce_sum3A_98 = vector.multi_reduction <add>, %select_n3A_96, %reduce_sum3A_97 [1] : vector<8x313xf32> to vector<8xf32>
      %broadcast_in_dim3A_99 = vector.shape_cast %reduce_sum3A_98 : vector<8xf32> to vector<8x1xf32>
      %reduce_sum3A_100 = arith.constant dense<0.000000e+00> : vector<1xf32>
      %reduce_sum3A_101 = vector.multi_reduction <add>, %broadcast_in_dim3A_99, %reduce_sum3A_100 [0] : vector<8x1xf32> to vector<1xf32>
      %broadcast_in_dim3A_102 = vector.shape_cast %reduce_sum3A_101 : vector<1xf32> to vector<1x1xf32>
      %sub3A_103 = vector.broadcast %broadcast_in_dim3A_84 : vector<1x1xf32> to vector<8x313xf32>
      %sub3A_104 = arith.subf %slice3A, %sub3A_103 : vector<8x313xf32>
      %integer_pow3A_105 = arith.mulf %sub3A_104, %sub3A_104 : vector<8x313xf32>
      %sub3A_106 = vector.broadcast %broadcast_in_dim3A_93 : vector<1x1xf32> to vector<8x313xf32>
      %sub3A_107 = arith.subf %slice3A_2, %sub3A_106 : vector<8x313xf32>
      %integer_pow3A_108 = arith.mulf %sub3A_107, %sub3A_107 : vector<8x313xf32>
      %add3A_109 = arith.addf %integer_pow3A_105, %integer_pow3A_108 : vector<8x313xf32>
      %sub3A_110 = vector.broadcast %broadcast_in_dim3A_102 : vector<1x1xf32> to vector<8x313xf32>
      %sub3A_111 = arith.subf %slice3A_3, %sub3A_110 : vector<8x313xf32>
      %integer_pow3A_112 = arith.mulf %sub3A_111, %sub3A_111 : vector<8x313xf32>
      %add3A_113 = arith.addf %add3A_109, %integer_pow3A_112 : vector<8x313xf32>
      %min3A = arith.minimumf %scan3A_56, %add3A_113 : vector<8x313xf32>
      scf.yield %min3A : vector<8x313xf32>
    }
    %scan3A_54 = arith.constant 624 : i32
    return
  }
}

module attributes {stable_mosaic.version = 14 : i64} {
  func.func @body(%arg0: i32, %arg1: memref<128x3xf32, #tpu.memory_space<vmem>>, %arg2: memref<3x2500xf32, #tpu.memory_space<vmem>>, %arg3: memref<128x16xi32, #tpu.memory_space<vmem>>) attributes {dimension_semantics = [#tpu.dimension_semantics<arbitrary>], iteration_bounds = array<i64: 20>, scalar_prefetch = 0 : i64, scratch_operands = 0 : i64, tpu.core_type = #tpu.core_type<tc>, window_params = [{transform_indices = @transform_0, window_bounds = array<i64: 128, 3>}, {pipeline_mode = #tpu.pipeline_mode<synchronous>, transform_indices = @transform_1, window_bounds = array<i64: 3, 2500>}, {transform_indices = @transform_2, window_bounds = array<i64: 128, 16>}]} {
    %get3A = arith.constant 0 : index
    %get3A_0 = arith.constant 0 : index
    %get3A_1 = vector.load %arg1[%get3A, %get3A_0] : memref<128x3xf32, #tpu.memory_space<vmem>>, vector<128x3xf32>
    %get3A_2 = arith.constant 0 : index
    %get3A_3 = arith.constant 0 : index
    %get3A_4 = vector.load %arg2[%get3A_2, %get3A_3] : memref<3x2500xf32, #tpu.memory_space<vmem>>, vector<3x2500xf32>
    %mul3A = arith.mulf %get3A_1, %get3A_1 : vector<128x3xf32>
    %reduce_sum3A = arith.constant dense<0.000000e+00> : vector<128xf32>
    %reduce_sum3A_5 = vector.multi_reduction <add>, %mul3A, %reduce_sum3A [1] : vector<128x3xf32> to vector<128xf32>
    %broadcast_in_dim3A = vector.shape_cast %reduce_sum3A_5 : vector<128xf32> to vector<128x1xf32>
    %mul3A_6 = arith.mulf %get3A_4, %get3A_4 : vector<3x2500xf32>
    %reduce_sum3A_7 = arith.constant dense<0.000000e+00> : vector<2500xf32>
    %reduce_sum3A_8 = vector.multi_reduction <add>, %mul3A_6, %reduce_sum3A_7 [0] : vector<3x2500xf32> to vector<2500xf32>
    %broadcast_in_dim3A_9 = vector.shape_cast %reduce_sum3A_8 : vector<2500xf32> to vector<1x2500xf32>
    %add3A = vector.broadcast %broadcast_in_dim3A : vector<128x1xf32> to vector<128x2500xf32>
    %add3A_10 = vector.broadcast %broadcast_in_dim3A_9 : vector<1x2500xf32> to vector<128x2500xf32>
    %add3A_11 = arith.addf %add3A, %add3A_10 : vector<128x2500xf32>
    %dot_general3A = arith.constant dense<0.000000e+00> : vector<128x2500xf32>
    %dot_general3A_12 = tpu.matmul %get3A_1, %get3A_4, %dot_general3A {dimension_numbers = #tpu.dot_dimension_numbers<[1], [0], [0], [1], [0, 0, 1, 1], [], []>, transpose_lhs_hint = false} : vector<128x3xf32>, vector<3x2500xf32>, vector<128x2500xf32> -> vector<128x2500xf32>
    %mul3A_13 = arith.constant 2.000000e+00 : f32
    %mul3A_14 = vector.broadcast %mul3A_13 : f32 to vector<128x2500xf32>
    %mul3A_15 = arith.mulf %mul3A_14, %dot_general3A_12 : vector<128x2500xf32>
    %sub3A = arith.subf %add3A_11, %mul3A_15 : vector<128x2500xf32>
    %iota3A = tpu.iota {dimensions = array<i32: 1>} : vector<128x2500xi32>
    %mul3A_16 = arith.constant 128 : i32
    %mul3A_17 = arith.muli %arg0, %mul3A_16 : i32
    %iota3A_18 = tpu.iota {dimensions = array<i32: 0>} : vector<128x1xi32>
    %add3A_19 = vector.broadcast %mul3A_17 : i32 to vector<128x1xi32>
    %add3A_20 = arith.addi %add3A_19, %iota3A_18 : vector<128x1xi32>
    %eq3A = vector.broadcast %add3A_20 : vector<128x1xi32> to vector<128x2500xi32>
    %eq3A_21 = arith.cmpi eq, %iota3A, %eq3A : vector<128x2500xi32>
    %jit3A = arith.constant 0x7F800000 : f32
    %broadcast_in_dim3A_22 = vector.broadcast %jit3A : f32 to vector<128x2500xf32>
    %select_n3A = arith.select %eq3A_21, %broadcast_in_dim3A_22, %sub3A : vector<128x2500xi1>, vector<128x2500xf32>
    %reduce_min3A = arith.constant dense<0x7F800000> : vector<128xf32>
    %reduce_min3A_23 = vector.multi_reduction <minimumf>, %select_n3A, %reduce_min3A [1] : vector<128x2500xf32> to vector<128xf32>
    %broadcast_in_dim3A_24 = vector.shape_cast %reduce_min3A_23 : vector<128xf32> to vector<128x1xf32>
    %le3A = vector.broadcast %broadcast_in_dim3A_24 : vector<128x1xf32> to vector<128x2500xf32>
    %le3A_25 = arith.cmpf ole, %select_n3A, %le3A : vector<128x2500xf32>
    %jit3A_26 = arith.constant 1073741824 : i32
    %broadcast_in_dim3A_27 = vector.broadcast %jit3A_26 : i32 to vector<128x2500xi32>
    %select_n3A_28 = arith.select %le3A_25, %iota3A, %broadcast_in_dim3A_27 : vector<128x2500xi1>, vector<128x2500xi32>
    %reduce_min3A_29 = arith.constant dense<2147483647> : vector<128xi32>
    %reduce_min3A_30 = vector.multi_reduction <minsi>, %select_n3A_28, %reduce_min3A_29 [1] : vector<128x2500xi32> to vector<128xi32>
    %broadcast_in_dim3A_31 = vector.shape_cast %reduce_min3A_30 : vector<128xi32> to vector<128x1xi32>
    %jit3A_32 = arith.constant 0x7F800000 : f32
    %broadcast_in_dim3A_33 = vector.broadcast %jit3A_32 : f32 to vector<128x2500xf32>
    %select_n3A_34 = arith.select %le3A_25, %broadcast_in_dim3A_33, %select_n3A : vector<128x2500xi1>, vector<128x2500xf32>
    %reduce_min3A_35 = arith.constant dense<0x7F800000> : vector<128xf32>
    %reduce_min3A_36 = vector.multi_reduction <minimumf>, %select_n3A_34, %reduce_min3A_35 [1] : vector<128x2500xf32> to vector<128xf32>
    %broadcast_in_dim3A_37 = vector.shape_cast %reduce_min3A_36 : vector<128xf32> to vector<128x1xf32>
    %le3A_38 = vector.broadcast %broadcast_in_dim3A_37 : vector<128x1xf32> to vector<128x2500xf32>
    %le3A_39 = arith.cmpf ole, %select_n3A_34, %le3A_38 : vector<128x2500xf32>
    %jit3A_40 = arith.constant 1073741824 : i32
    %broadcast_in_dim3A_41 = vector.broadcast %jit3A_40 : i32 to vector<128x2500xi32>
    %select_n3A_42 = arith.select %le3A_39, %iota3A, %broadcast_in_dim3A_41 : vector<128x2500xi1>, vector<128x2500xi32>
    %reduce_min3A_43 = arith.constant dense<2147483647> : vector<128xi32>
    %reduce_min3A_44 = vector.multi_reduction <minsi>, %select_n3A_42, %reduce_min3A_43 [1] : vector<128x2500xi32> to vector<128xi32>
    %broadcast_in_dim3A_45 = vector.shape_cast %reduce_min3A_44 : vector<128xi32> to vector<128x1xi32>
    %jit3A_46 = arith.constant 0x7F800000 : f32
    %broadcast_in_dim3A_47 = vector.broadcast %jit3A_46 : f32 to vector<128x2500xf32>
    %select_n3A_48 = arith.select %le3A_39, %broadcast_in_dim3A_47, %select_n3A_34 : vector<128x2500xi1>, vector<128x2500xf32>
    %reduce_min3A_49 = arith.constant dense<0x7F800000> : vector<128xf32>
    %reduce_min3A_50 = vector.multi_reduction <minimumf>, %select_n3A_48, %reduce_min3A_49 [1] : vector<128x2500xf32> to vector<128xf32>
    %broadcast_in_dim3A_51 = vector.shape_cast %reduce_min3A_50 : vector<128xf32> to vector<128x1xf32>
    %le3A_52 = vector.broadcast %broadcast_in_dim3A_51 : vector<128x1xf32> to vector<128x2500xf32>
    %le3A_53 = arith.cmpf ole, %select_n3A_48, %le3A_52 : vector<128x2500xf32>
    %jit3A_54 = arith.constant 1073741824 : i32
    %broadcast_in_dim3A_55 = vector.broadcast %jit3A_54 : i32 to vector<128x2500xi32>
    %select_n3A_56 = arith.select %le3A_53, %iota3A, %broadcast_in_dim3A_55 : vector<128x2500xi1>, vector<128x2500xi32>
    %reduce_min3A_57 = arith.constant dense<2147483647> : vector<128xi32>
    %reduce_min3A_58 = vector.multi_reduction <minsi>, %select_n3A_56, %reduce_min3A_57 [1] : vector<128x2500xi32> to vector<128xi32>
    %broadcast_in_dim3A_59 = vector.shape_cast %reduce_min3A_58 : vector<128xi32> to vector<128x1xi32>
    %jit3A_60 = arith.constant 0x7F800000 : f32
    %broadcast_in_dim3A_61 = vector.broadcast %jit3A_60 : f32 to vector<128x2500xf32>
    %select_n3A_62 = arith.select %le3A_53, %broadcast_in_dim3A_61, %select_n3A_48 : vector<128x2500xi1>, vector<128x2500xf32>
    %reduce_min3A_63 = arith.constant dense<0x7F800000> : vector<128xf32>
    %reduce_min3A_64 = vector.multi_reduction <minimumf>, %select_n3A_62, %reduce_min3A_63 [1] : vector<128x2500xf32> to vector<128xf32>
    %broadcast_in_dim3A_65 = vector.shape_cast %reduce_min3A_64 : vector<128xf32> to vector<128x1xf32>
    %le3A_66 = vector.broadcast %broadcast_in_dim3A_65 : vector<128x1xf32> to vector<128x2500xf32>
    %le3A_67 = arith.cmpf ole, %select_n3A_62, %le3A_66 : vector<128x2500xf32>
    %jit3A_68 = arith.constant 1073741824 : i32
    %broadcast_in_dim3A_69 = vector.broadcast %jit3A_68 : i32 to vector<128x2500xi32>
    %select_n3A_70 = arith.select %le3A_67, %iota3A, %broadcast_in_dim3A_69 : vector<128x2500xi1>, vector<128x2500xi32>
    %reduce_min3A_71 = arith.constant dense<2147483647> : vector<128xi32>
    %reduce_min3A_72 = vector.multi_reduction <minsi>, %select_n3A_70, %reduce_min3A_71 [1] : vector<128x2500xi32> to vector<128xi32>
    %broadcast_in_dim3A_73 = vector.shape_cast %reduce_min3A_72 : vector<128xi32> to vector<128x1xi32>
    %jit3A_74 = arith.constant 0x7F800000 : f32
    %broadcast_in_dim3A_75 = vector.broadcast %jit3A_74 : f32 to vector<128x2500xf32>
    %select_n3A_76 = arith.select %le3A_67, %broadcast_in_dim3A_75, %select_n3A_62 : vector<128x2500xi1>, vector<128x2500xf32>
    %reduce_min3A_77 = arith.constant dense<0x7F800000> : vector<128xf32>
    %reduce_min3A_78 = vector.multi_reduction <minimumf>, %select_n3A_76, %reduce_min3A_77 [1] : vector<128x2500xf32> to vector<128xf32>
    %broadcast_in_dim3A_79 = vector.shape_cast %reduce_min3A_78 : vector<128xf32> to vector<128x1xf32>
    %le3A_80 = vector.broadcast %broadcast_in_dim3A_79 : vector<128x1xf32> to vector<128x2500xf32>
    %le3A_81 = arith.cmpf ole, %select_n3A_76, %le3A_80 : vector<128x2500xf32>
    %jit3A_82 = arith.constant 1073741824 : i32
    %broadcast_in_dim3A_83 = vector.broadcast %jit3A_82 : i32 to vector<128x2500xi32>
    %select_n3A_84 = arith.select %le3A_81, %iota3A, %broadcast_in_dim3A_83 : vector<128x2500xi1>, vector<128x2500xi32>
    %reduce_min3A_85 = arith.constant dense<2147483647> : vector<128xi32>
    %reduce_min3A_86 = vector.multi_reduction <minsi>, %select_n3A_84, %reduce_min3A_85 [1] : vector<128x2500xi32> to vector<128xi32>
    %broadcast_in_dim3A_87 = vector.shape_cast %reduce_min3A_86 : vector<128xi32> to vector<128x1xi32>
    %jit3A_88 = arith.constant 0x7F800000 : f32
    %broadcast_in_dim3A_89 = vector.broadcast %jit3A_88 : f32 to vector<128x2500xf32>
    %select_n3A_90 = arith.select %le3A_81, %broadcast_in_dim3A_89, %select_n3A_76 : vector<128x2500xi1>, vector<128x2500xf32>
    %reduce_min3A_91 = arith.constant dense<0x7F800000> : vector<128xf32>
    %reduce_min3A_92 = vector.multi_reduction <minimumf>, %select_n3A_90, %reduce_min3A_91 [1] : vector<128x2500xf32> to vector<128xf32>
    %broadcast_in_dim3A_93 = vector.shape_cast %reduce_min3A_92 : vector<128xf32> to vector<128x1xf32>
    %le3A_94 = vector.broadcast %broadcast_in_dim3A_93 : vector<128x1xf32> to vector<128x2500xf32>
    %le3A_95 = arith.cmpf ole, %select_n3A_90, %le3A_94 : vector<128x2500xf32>
    %jit3A_96 = arith.constant 1073741824 : i32
    %broadcast_in_dim3A_97 = vector.broadcast %jit3A_96 : i32 to vector<128x2500xi32>
    %select_n3A_98 = arith.select %le3A_95, %iota3A, %broadcast_in_dim3A_97 : vector<128x2500xi1>, vector<128x2500xi32>
    %reduce_min3A_99 = arith.constant dense<2147483647> : vector<128xi32>
    %reduce_min3A_100 = vector.multi_reduction <minsi>, %select_n3A_98, %reduce_min3A_99 [1] : vector<128x2500xi32> to vector<128xi32>
    %broadcast_in_dim3A_101 = vector.shape_cast %reduce_min3A_100 : vector<128xi32> to vector<128x1xi32>
    %jit3A_102 = arith.constant 0x7F800000 : f32
    %broadcast_in_dim3A_103 = vector.broadcast %jit3A_102 : f32 to vector<128x2500xf32>
    %select_n3A_104 = arith.select %le3A_95, %broadcast_in_dim3A_103, %select_n3A_90 : vector<128x2500xi1>, vector<128x2500xf32>
    %reduce_min3A_105 = arith.constant dense<0x7F800000> : vector<128xf32>
    %reduce_min3A_106 = vector.multi_reduction <minimumf>, %select_n3A_104, %reduce_min3A_105 [1] : vector<128x2500xf32> to vector<128xf32>
    %broadcast_in_dim3A_107 = vector.shape_cast %reduce_min3A_106 : vector<128xf32> to vector<128x1xf32>
    %le3A_108 = vector.broadcast %broadcast_in_dim3A_107 : vector<128x1xf32> to vector<128x2500xf32>
    %le3A_109 = arith.cmpf ole, %select_n3A_104, %le3A_108 : vector<128x2500xf32>
    %jit3A_110 = arith.constant 1073741824 : i32
    %broadcast_in_dim3A_111 = vector.broadcast %jit3A_110 : i32 to vector<128x2500xi32>
    %select_n3A_112 = arith.select %le3A_109, %iota3A, %broadcast_in_dim3A_111 : vector<128x2500xi1>, vector<128x2500xi32>
    %reduce_min3A_113 = arith.constant dense<2147483647> : vector<128xi32>
    %reduce_min3A_114 = vector.multi_reduction <minsi>, %select_n3A_112, %reduce_min3A_113 [1] : vector<128x2500xi32> to vector<128xi32>
    %broadcast_in_dim3A_115 = vector.shape_cast %reduce_min3A_114 : vector<128xi32> to vector<128x1xi32>
    %jit3A_116 = arith.constant 0x7F800000 : f32
    %broadcast_in_dim3A_117 = vector.broadcast %jit3A_116 : f32 to vector<128x2500xf32>
    %select_n3A_118 = arith.select %le3A_109, %broadcast_in_dim3A_117, %select_n3A_104 : vector<128x2500xi1>, vector<128x2500xf32>
    %reduce_min3A_119 = arith.constant dense<0x7F800000> : vector<128xf32>
    %reduce_min3A_120 = vector.multi_reduction <minimumf>, %select_n3A_118, %reduce_min3A_119 [1] : vector<128x2500xf32> to vector<128xf32>
    %broadcast_in_dim3A_121 = vector.shape_cast %reduce_min3A_120 : vector<128xf32> to vector<128x1xf32>
    %le3A_122 = vector.broadcast %broadcast_in_dim3A_121 : vector<128x1xf32> to vector<128x2500xf32>
    %le3A_123 = arith.cmpf ole, %select_n3A_118, %le3A_122 : vector<128x2500xf32>
    %jit3A_124 = arith.constant 1073741824 : i32
    %broadcast_in_dim3A_125 = vector.broadcast %jit3A_124 : i32 to vector<128x2500xi32>
    %select_n3A_126 = arith.select %le3A_123, %iota3A, %broadcast_in_dim3A_125 : vector<128x2500xi1>, vector<128x2500xi32>
    %reduce_min3A_127 = arith.constant dense<2147483647> : vector<128xi32>
    %reduce_min3A_128 = vector.multi_reduction <minsi>, %select_n3A_126, %reduce_min3A_127 [1] : vector<128x2500xi32> to vector<128xi32>
    %broadcast_in_dim3A_129 = vector.shape_cast %reduce_min3A_128 : vector<128xi32> to vector<128x1xi32>
    %jit3A_130 = arith.constant 0x7F800000 : f32
    %broadcast_in_dim3A_131 = vector.broadcast %jit3A_130 : f32 to vector<128x2500xf32>
    %select_n3A_132 = arith.select %le3A_123, %broadcast_in_dim3A_131, %select_n3A_118 : vector<128x2500xi1>, vector<128x2500xf32>
    %reduce_min3A_133 = arith.constant dense<0x7F800000> : vector<128xf32>
    %reduce_min3A_134 = vector.multi_reduction <minimumf>, %select_n3A_132, %reduce_min3A_133 [1] : vector<128x2500xf32> to vector<128xf32>
    %broadcast_in_dim3A_135 = vector.shape_cast %reduce_min3A_134 : vector<128xf32> to vector<128x1xf32>
    %le3A_136 = vector.broadcast %broadcast_in_dim3A_135 : vector<128x1xf32> to vector<128x2500xf32>
    %le3A_137 = arith.cmpf ole, %select_n3A_132, %le3A_136 : vector<128x2500xf32>
    %jit3A_138 = arith.constant 1073741824 : i32
    %broadcast_in_dim3A_139 = vector.broadcast %jit3A_138 : i32 to vector<128x2500xi32>
    %select_n3A_140 = arith.select %le3A_137, %iota3A, %broadcast_in_dim3A_139 : vector<128x2500xi1>, vector<128x2500xi32>
    %reduce_min3A_141 = arith.constant dense<2147483647> : vector<128xi32>
    %reduce_min3A_142 = vector.multi_reduction <minsi>, %select_n3A_140, %reduce_min3A_141 [1] : vector<128x2500xi32> to vector<128xi32>
    %broadcast_in_dim3A_143 = vector.shape_cast %reduce_min3A_142 : vector<128xi32> to vector<128x1xi32>
    %jit3A_144 = arith.constant 0x7F800000 : f32
    %broadcast_in_dim3A_145 = vector.broadcast %jit3A_144 : f32 to vector<128x2500xf32>
    %select_n3A_146 = arith.select %le3A_137, %broadcast_in_dim3A_145, %select_n3A_132 : vector<128x2500xi1>, vector<128x2500xf32>
    %reduce_min3A_147 = arith.constant dense<0x7F800000> : vector<128xf32>
    %reduce_min3A_148 = vector.multi_reduction <minimumf>, %select_n3A_146, %reduce_min3A_147 [1] : vector<128x2500xf32> to vector<128xf32>
    %broadcast_in_dim3A_149 = vector.shape_cast %reduce_min3A_148 : vector<128xf32> to vector<128x1xf32>
    %le3A_150 = vector.broadcast %broadcast_in_dim3A_149 : vector<128x1xf32> to vector<128x2500xf32>
    %le3A_151 = arith.cmpf ole, %select_n3A_146, %le3A_150 : vector<128x2500xf32>
    %jit3A_152 = arith.constant 1073741824 : i32
    %broadcast_in_dim3A_153 = vector.broadcast %jit3A_152 : i32 to vector<128x2500xi32>
    %select_n3A_154 = arith.select %le3A_151, %iota3A, %broadcast_in_dim3A_153 : vector<128x2500xi1>, vector<128x2500xi32>
    %reduce_min3A_155 = arith.constant dense<2147483647> : vector<128xi32>
    %reduce_min3A_156 = vector.multi_reduction <minsi>, %select_n3A_154, %reduce_min3A_155 [1] : vector<128x2500xi32> to vector<128xi32>
    %broadcast_in_dim3A_157 = vector.shape_cast %reduce_min3A_156 : vector<128xi32> to vector<128x1xi32>
    %jit3A_158 = arith.constant 0x7F800000 : f32
    %broadcast_in_dim3A_159 = vector.broadcast %jit3A_158 : f32 to vector<128x2500xf32>
    %select_n3A_160 = arith.select %le3A_151, %broadcast_in_dim3A_159, %select_n3A_146 : vector<128x2500xi1>, vector<128x2500xf32>
    %reduce_min3A_161 = arith.constant dense<0x7F800000> : vector<128xf32>
    %reduce_min3A_162 = vector.multi_reduction <minimumf>, %select_n3A_160, %reduce_min3A_161 [1] : vector<128x2500xf32> to vector<128xf32>
    %broadcast_in_dim3A_163 = vector.shape_cast %reduce_min3A_162 : vector<128xf32> to vector<128x1xf32>
    %le3A_164 = vector.broadcast %broadcast_in_dim3A_163 : vector<128x1xf32> to vector<128x2500xf32>
    %le3A_165 = arith.cmpf ole, %select_n3A_160, %le3A_164 : vector<128x2500xf32>
    %jit3A_166 = arith.constant 1073741824 : i32
    %broadcast_in_dim3A_167 = vector.broadcast %jit3A_166 : i32 to vector<128x2500xi32>
    %select_n3A_168 = arith.select %le3A_165, %iota3A, %broadcast_in_dim3A_167 : vector<128x2500xi1>, vector<128x2500xi32>
    %reduce_min3A_169 = arith.constant dense<2147483647> : vector<128xi32>
    %reduce_min3A_170 = vector.multi_reduction <minsi>, %select_n3A_168, %reduce_min3A_169 [1] : vector<128x2500xi32> to vector<128xi32>
    %broadcast_in_dim3A_171 = vector.shape_cast %reduce_min3A_170 : vector<128xi32> to vector<128x1xi32>
    %jit3A_172 = arith.constant 0x7F800000 : f32
    %broadcast_in_dim3A_173 = vector.broadcast %jit3A_172 : f32 to vector<128x2500xf32>
    %select_n3A_174 = arith.select %le3A_165, %broadcast_in_dim3A_173, %select_n3A_160 : vector<128x2500xi1>, vector<128x2500xf32>
    %reduce_min3A_175 = arith.constant dense<0x7F800000> : vector<128xf32>
    %reduce_min3A_176 = vector.multi_reduction <minimumf>, %select_n3A_174, %reduce_min3A_175 [1] : vector<128x2500xf32> to vector<128xf32>
    %broadcast_in_dim3A_177 = vector.shape_cast %reduce_min3A_176 : vector<128xf32> to vector<128x1xf32>
    %le3A_178 = vector.broadcast %broadcast_in_dim3A_177 : vector<128x1xf32> to vector<128x2500xf32>
    %le3A_179 = arith.cmpf ole, %select_n3A_174, %le3A_178 : vector<128x2500xf32>
    %jit3A_180 = arith.constant 1073741824 : i32
    %broadcast_in_dim3A_181 = vector.broadcast %jit3A_180 : i32 to vector<128x2500xi32>
    %select_n3A_182 = arith.select %le3A_179, %iota3A, %broadcast_in_dim3A_181 : vector<128x2500xi1>, vector<128x2500xi32>
    %reduce_min3A_183 = arith.constant dense<2147483647> : vector<128xi32>
    %reduce_min3A_184 = vector.multi_reduction <minsi>, %select_n3A_182, %reduce_min3A_183 [1] : vector<128x2500xi32> to vector<128xi32>
    %broadcast_in_dim3A_185 = vector.shape_cast %reduce_min3A_184 : vector<128xi32> to vector<128x1xi32>
    %jit3A_186 = arith.constant 0x7F800000 : f32
    %broadcast_in_dim3A_187 = vector.broadcast %jit3A_186 : f32 to vector<128x2500xf32>
    %select_n3A_188 = arith.select %le3A_179, %broadcast_in_dim3A_187, %select_n3A_174 : vector<128x2500xi1>, vector<128x2500xf32>
    %reduce_min3A_189 = arith.constant dense<0x7F800000> : vector<128xf32>
    %reduce_min3A_190 = vector.multi_reduction <minimumf>, %select_n3A_188, %reduce_min3A_189 [1] : vector<128x2500xf32> to vector<128xf32>
    %broadcast_in_dim3A_191 = vector.shape_cast %reduce_min3A_190 : vector<128xf32> to vector<128x1xf32>
    %le3A_192 = vector.broadcast %broadcast_in_dim3A_191 : vector<128x1xf32> to vector<128x2500xf32>
    %le3A_193 = arith.cmpf ole, %select_n3A_188, %le3A_192 : vector<128x2500xf32>
    %jit3A_194 = arith.constant 1073741824 : i32
    %broadcast_in_dim3A_195 = vector.broadcast %jit3A_194 : i32 to vector<128x2500xi32>
    %select_n3A_196 = arith.select %le3A_193, %iota3A, %broadcast_in_dim3A_195 : vector<128x2500xi1>, vector<128x2500xi32>
    %reduce_min3A_197 = arith.constant dense<2147483647> : vector<128xi32>
    %reduce_min3A_198 = vector.multi_reduction <minsi>, %select_n3A_196, %reduce_min3A_197 [1] : vector<128x2500xi32> to vector<128xi32>
    %broadcast_in_dim3A_199 = vector.shape_cast %reduce_min3A_198 : vector<128xi32> to vector<128x1xi32>
    %jit3A_200 = arith.constant 0x7F800000 : f32
    %broadcast_in_dim3A_201 = vector.broadcast %jit3A_200 : f32 to vector<128x2500xf32>
    %select_n3A_202 = arith.select %le3A_193, %broadcast_in_dim3A_201, %select_n3A_188 : vector<128x2500xi1>, vector<128x2500xf32>
    %reduce_min3A_203 = arith.constant dense<0x7F800000> : vector<128xf32>
    %reduce_min3A_204 = vector.multi_reduction <minimumf>, %select_n3A_202, %reduce_min3A_203 [1] : vector<128x2500xf32> to vector<128xf32>
    %broadcast_in_dim3A_205 = vector.shape_cast %reduce_min3A_204 : vector<128xf32> to vector<128x1xf32>
    %le3A_206 = vector.broadcast %broadcast_in_dim3A_205 : vector<128x1xf32> to vector<128x2500xf32>
    %le3A_207 = arith.cmpf ole, %select_n3A_202, %le3A_206 : vector<128x2500xf32>
    %jit3A_208 = arith.constant 1073741824 : i32
    %broadcast_in_dim3A_209 = vector.broadcast %jit3A_208 : i32 to vector<128x2500xi32>
    %select_n3A_210 = arith.select %le3A_207, %iota3A, %broadcast_in_dim3A_209 : vector<128x2500xi1>, vector<128x2500xi32>
    %reduce_min3A_211 = arith.constant dense<2147483647> : vector<128xi32>
    %reduce_min3A_212 = vector.multi_reduction <minsi>, %select_n3A_210, %reduce_min3A_211 [1] : vector<128x2500xi32> to vector<128xi32>
    %broadcast_in_dim3A_213 = vector.shape_cast %reduce_min3A_212 : vector<128xi32> to vector<128x1xi32>
    %jit3A_214 = arith.constant 0x7F800000 : f32
    %broadcast_in_dim3A_215 = vector.broadcast %jit3A_214 : f32 to vector<128x2500xf32>
    %select_n3A_216 = arith.select %le3A_207, %broadcast_in_dim3A_215, %select_n3A_202 : vector<128x2500xi1>, vector<128x2500xf32>
    %reduce_min3A_217 = arith.constant dense<0x7F800000> : vector<128xf32>
    %reduce_min3A_218 = vector.multi_reduction <minimumf>, %select_n3A_216, %reduce_min3A_217 [1] : vector<128x2500xf32> to vector<128xf32>
    %broadcast_in_dim3A_219 = vector.shape_cast %reduce_min3A_218 : vector<128xf32> to vector<128x1xf32>
    %le3A_220 = vector.broadcast %broadcast_in_dim3A_219 : vector<128x1xf32> to vector<128x2500xf32>
    %le3A_221 = arith.cmpf ole, %select_n3A_216, %le3A_220 : vector<128x2500xf32>
    %jit3A_222 = arith.constant 1073741824 : i32
    %broadcast_in_dim3A_223 = vector.broadcast %jit3A_222 : i32 to vector<128x2500xi32>
    %select_n3A_224 = arith.select %le3A_221, %iota3A, %broadcast_in_dim3A_223 : vector<128x2500xi1>, vector<128x2500xi32>
    %reduce_min3A_225 = arith.constant dense<2147483647> : vector<128xi32>
    %reduce_min3A_226 = vector.multi_reduction <minsi>, %select_n3A_224, %reduce_min3A_225 [1] : vector<128x2500xi32> to vector<128xi32>
    %broadcast_in_dim3A_227 = vector.shape_cast %reduce_min3A_226 : vector<128xi32> to vector<128x1xi32>
    %jit3A_228 = arith.constant 0x7F800000 : f32
    %broadcast_in_dim3A_229 = vector.broadcast %jit3A_228 : f32 to vector<128x2500xf32>
    %select_n3A_230 = arith.select %le3A_221, %broadcast_in_dim3A_229, %select_n3A_216 : vector<128x2500xi1>, vector<128x2500xf32>
    %reduce_min3A_231 = arith.constant dense<0x7F800000> : vector<128xf32>
    %reduce_min3A_232 = vector.multi_reduction <minimumf>, %select_n3A_230, %reduce_min3A_231 [1] : vector<128x2500xf32> to vector<128xf32>
    %broadcast_in_dim3A_233 = vector.shape_cast %reduce_min3A_232 : vector<128xf32> to vector<128x1xf32>
    %le3A_234 = vector.broadcast %broadcast_in_dim3A_233 : vector<128x1xf32> to vector<128x2500xf32>
    %le3A_235 = arith.cmpf ole, %select_n3A_230, %le3A_234 : vector<128x2500xf32>
    %jit3A_236 = arith.constant 1073741824 : i32
    %broadcast_in_dim3A_237 = vector.broadcast %jit3A_236 : i32 to vector<128x2500xi32>
    %select_n3A_238 = arith.select %le3A_235, %iota3A, %broadcast_in_dim3A_237 : vector<128x2500xi1>, vector<128x2500xi32>
    %reduce_min3A_239 = arith.constant dense<2147483647> : vector<128xi32>
    %reduce_min3A_240 = vector.multi_reduction <minsi>, %select_n3A_238, %reduce_min3A_239 [1] : vector<128x2500xi32> to vector<128xi32>
    %broadcast_in_dim3A_241 = vector.shape_cast %reduce_min3A_240 : vector<128xi32> to vector<128x1xi32>
    %concatenate3A = tpu.concatenate %broadcast_in_dim3A_31, %broadcast_in_dim3A_45, %broadcast_in_dim3A_59, %broadcast_in_dim3A_73, %broadcast_in_dim3A_87, %broadcast_in_dim3A_101, %broadcast_in_dim3A_115, %broadcast_in_dim3A_129, %broadcast_in_dim3A_143, %broadcast_in_dim3A_157, %broadcast_in_dim3A_171, %broadcast_in_dim3A_185, %broadcast_in_dim3A_199, %broadcast_in_dim3A_213, %broadcast_in_dim3A_227, %broadcast_in_dim3A_241 in 1 : vector<128x1xi32>, vector<128x1xi32>, vector<128x1xi32>, vector<128x1xi32>, vector<128x1xi32>, vector<128x1xi32>, vector<128x1xi32>, vector<128x1xi32>, vector<128x1xi32>, vector<128x1xi32>, vector<128x1xi32>, vector<128x1xi32>, vector<128x1xi32>, vector<128x1xi32>, vector<128x1xi32>, vector<128x1xi32> -> vector<128x16xi32>
    %swap3A = arith.constant 0 : index
    %swap3A_242 = arith.constant 0 : index
    %swap3A_243 = vector.load %arg3[%swap3A, %swap3A_242] : memref<128x16xi32, #tpu.memory_space<vmem>>, vector<128x16xi32>
    tpu.vector_store %arg3[%swap3A, %swap3A_242], %concatenate3A {strides = array<i32>} : memref<128x16xi32, #tpu.memory_space<vmem>>, vector<128x16xi32>,
    return
  }
  func.func @transform_0(%arg0: i32) -> (i32, i32) {
    %c0_i32 = arith.constant 0 : i32
    %c0_i32_0 = arith.constant 0 : i32
    return %arg0, %c0_i32 : i32, i32
  }
  func.func @transform_1(%arg0: i32) -> (i32, i32) {
    %c0_i32 = arith.constant 0 : i32
    %c0_i32_0 = arith.constant 0 : i32
    %c0_i32_1 = arith.constant 0 : i32
    return %c0_i32, %c0_i32_0 : i32, i32
  }
  func.func @transform_2(%arg0: i32) -> (i32, i32) {
    %c0_i32 = arith.constant 0 : i32
    %c0_i32_0 = arith.constant 0 : i32
    return %arg0, %c0_i32 : i32, i32
  }
}

module attributes {stable_mosaic.version = 14 : i64} {
  func.func @body(%arg0: i32, %arg1: memref<16x128x64xf32, #tpu.memory_space<vmem>>, %arg2: memref<128x64xf32, #tpu.memory_space<vmem>>) attributes {dimension_semantics = [#tpu.dimension_semantics<arbitrary>], iteration_bounds = array<i64: 20>, scalar_prefetch = 0 : i64, scratch_operands = 0 : i64, tpu.core_type = #tpu.core_type<tc>, window_params = [{transform_indices = @transform_0, window_bounds = array<i64: 16, 128, 64>}, {transform_indices = @transform_1, window_bounds = array<i64: 128, 64>}]} {
    %get3A = arith.constant 0 : index
    %get3A_0 = arith.constant 0 : index
    %get3A_1 = arith.constant 0 : index
    %get3A_2 = vector.load %arg1[%get3A, %get3A_0, %get3A_1] : memref<16x128x64xf32, #tpu.memory_space<vmem>>, vector<16x128x64xf32>
    %reduce_max3A = arith.constant dense<0xFF800000> : vector<128x64xf32>
    %reduce_max3A_3 = vector.multi_reduction <maximumf>, %get3A_2, %reduce_max3A [0] : vector<16x128x64xf32> to vector<128x64xf32>
    %swap3A = arith.constant 0 : index
    %swap3A_4 = arith.constant 0 : index
    %swap3A_5 = vector.load %arg2[%swap3A, %swap3A_4] : memref<128x64xf32, #tpu.memory_space<vmem>>, vector<128x64xf32>
    tpu.vector_store %arg2[%swap3A, %swap3A_4], %reduce_max3A_3 {strides = array<i32>} : memref<128x64xf32, #tpu.memory_space<vmem>>, vector<128x64xf32>,
    return
  }
  func.func @transform_0(%arg0: i32) -> (i32, i32, i32) {
    %c0_i32 = arith.constant 0 : i32
    %c0_i32_0 = arith.constant 0 : i32
    %c0_i32_1 = arith.constant 0 : i32
    return %c0_i32, %arg0, %c0_i32_0 : i32, i32, i32
  }
  func.func @transform_1(%arg0: i32) -> (i32, i32) {
    %c0_i32 = arith.constant 0 : i32
    %c0_i32_0 = arith.constant 0 : i32
    return %arg0, %c0_i32 : i32, i32
  }
}

module attributes {stable_mosaic.version = 14 : i64} {
  func.func @body(%arg0: i32, %arg1: memref<128x64xf32, #tpu.memory_space<vmem>>, %arg2: memref<128x16xf32, #tpu.memory_space<vmem>>, %arg3: memref<64x64xf32, #tpu.memory_space<vmem>>, %arg4: memref<1x64xf32, #tpu.memory_space<vmem>>, %arg5: memref<64x64xf32, #tpu.memory_space<vmem>>, %arg6: memref<64x64xf32, #tpu.memory_space<vmem>>, %arg7: memref<64x64xf32, #tpu.memory_space<vmem>>, %arg8: memref<128x144xf32, #tpu.memory_space<vmem>>, %arg9: memref<128x64xf32, #tpu.memory_space<vmem>>) attributes {dimension_semantics = [#tpu.dimension_semantics<arbitrary>], iteration_bounds = array<i64: 20>, scalar_prefetch = 0 : i64, scratch_operands = 0 : i64, tpu.core_type = #tpu.core_type<tc>, window_params = [{transform_indices = @transform_0, window_bounds = array<i64: 128, 64>}, {transform_indices = @transform_1, window_bounds = array<i64: 128, 16>}, {pipeline_mode = #tpu.pipeline_mode<synchronous>, transform_indices = @transform_2, window_bounds = array<i64: 64, 64>}, {pipeline_mode = #tpu.pipeline_mode<synchronous>, transform_indices = @transform_3, window_bounds = array<i64: 1, 64>}, {pipeline_mode = #tpu.pipeline_mode<synchronous>, transform_indices = @transform_4, window_bounds = array<i64: 64, 64>}, {pipeline_mode = #tpu.pipeline_mode<synchronous>, transform_indices = @transform_5, window_bounds = array<i64: 64, 64>}, {pipeline_mode = #tpu.pipeline_mode<synchronous>, transform_indices = @transform_6, window_bounds = array<i64: 64, 64>}, {transform_indices = @transform_7, window_bounds = array<i64: 128, 144>}, {transform_indices = @transform_8, window_bounds = array<i64: 128, 64>}]} {
    %get3A = arith.constant 0 : index
    %get3A_0 = arith.constant 0 : index
    %get3A_1 = vector.load %arg1[%get3A, %get3A_0] : memref<128x64xf32, #tpu.memory_space<vmem>>, vector<128x64xf32>
    %get3A_2 = arith.constant 0 : index
    %get3A_3 = arith.constant 0 : index
    %get3A_4 = vector.load %arg3[%get3A_2, %get3A_3] : memref<64x64xf32, #tpu.memory_space<vmem>>, vector<64x64xf32>
    %dot_general3A = arith.constant dense<0.000000e+00> : vector<128x64xf32>
    %dot_general3A_5 = tpu.matmul %get3A_1, %get3A_4, %dot_general3A {dimension_numbers = #tpu.dot_dimension_numbers<[1], [0], [0], [1], [0, 0, 1, 1], [], []>, transpose_lhs_hint = false} : vector<128x64xf32>, vector<64x64xf32>, vector<128x64xf32> -> vector<128x64xf32>
    %get3A_6 = arith.constant 0 : index
    %get3A_7 = arith.constant 0 : index
    %get3A_8 = vector.load %arg4[%get3A_6, %get3A_7] : memref<1x64xf32, #tpu.memory_space<vmem>>, vector<1x64xf32>
    %add3A = vector.broadcast %get3A_8 : vector<1x64xf32> to vector<128x64xf32>
    %add3A_9 = arith.addf %dot_general3A_5, %add3A : vector<128x64xf32>
    %max3A = arith.constant 0.000000e+00 : f32
    %max3A_10 = vector.broadcast %max3A : f32 to vector<128x64xf32>
    %max3A_11 = arith.maximumf %add3A_9, %max3A_10 : vector<128x64xf32>
    %get3A_12 = arith.constant 0 : index
    %get3A_13 = arith.constant 0 : index
    %get3A_14 = vector.load %arg5[%get3A_12, %get3A_13] : memref<64x64xf32, #tpu.memory_space<vmem>>, vector<64x64xf32>
    %dot_general3A_15 = arith.constant dense<0.000000e+00> : vector<128x64xf32>
    %dot_general3A_16 = tpu.matmul %max3A_11, %get3A_14, %dot_general3A_15 {dimension_numbers = #tpu.dot_dimension_numbers<[1], [0], [0], [1], [0, 0, 1, 1], [], []>, transpose_lhs_hint = false} : vector<128x64xf32>, vector<64x64xf32>, vector<128x64xf32> -> vector<128x64xf32>
    %get3A_17 = arith.constant 0 : index
    %get3A_18 = arith.constant 0 : index
    %get3A_19 = vector.load %arg6[%get3A_17, %get3A_18] : memref<64x64xf32, #tpu.memory_space<vmem>>, vector<64x64xf32>
    %dot_general3A_20 = arith.constant dense<0.000000e+00> : vector<128x64xf32>
    %dot_general3A_21 = tpu.matmul %max3A_11, %get3A_19, %dot_general3A_20 {dimension_numbers = #tpu.dot_dimension_numbers<[1], [0], [0], [1], [0, 0, 1, 1], [], []>, transpose_lhs_hint = false} : vector<128x64xf32>, vector<64x64xf32>, vector<128x64xf32> -> vector<128x64xf32>
    %get3A_22 = arith.constant 0 : index
    %get3A_23 = arith.constant 0 : index
    %get3A_24 = vector.load %arg7[%get3A_22, %get3A_23] : memref<64x64xf32, #tpu.memory_space<vmem>>, vector<64x64xf32>
    %dot_general3A_25 = arith.constant dense<0.000000e+00> : vector<128x64xf32>
    %dot_general3A_26 = tpu.matmul %max3A_11, %get3A_24, %dot_general3A_25 {dimension_numbers = #tpu.dot_dimension_numbers<[1], [0], [0], [1], [0, 0, 1, 1], [], []>, transpose_lhs_hint = false} : vector<128x64xf32>, vector<64x64xf32>, vector<128x64xf32> -> vector<128x64xf32>
    %get3A_27 = arith.constant 0 : index
    %get3A_28 = arith.constant 0 : index
    %get3A_29 = vector.load %arg2[%get3A_27, %get3A_28] : memref<128x16xf32, #tpu.memory_space<vmem>>, vector<128x16xf32>
    %concatenate3A = tpu.concatenate %dot_general3A_16, %dot_general3A_21, %get3A_29 in 1 : vector<128x64xf32>, vector<128x64xf32>, vector<128x16xf32> -> vector<128x144xf32>
    %swap3A = arith.constant 0 : index
    %swap3A_30 = arith.constant 0 : index
    %swap3A_31 = vector.load %arg8[%swap3A, %swap3A_30] : memref<128x144xf32, #tpu.memory_space<vmem>>, vector<128x144xf32>
    tpu.vector_store %arg8[%swap3A, %swap3A_30], %concatenate3A {strides = array<i32>} : memref<128x144xf32, #tpu.memory_space<vmem>>, vector<128x144xf32>,
    %swap3A_32 = arith.constant 0 : index
    %swap3A_33 = arith.constant 0 : index
    %swap3A_34 = vector.load %arg9[%swap3A_32, %swap3A_33] : memref<128x64xf32, #tpu.memory_space<vmem>>, vector<128x64xf32>
    tpu.vector_store %arg9[%swap3A_32, %swap3A_33], %dot_general3A_26 {strides = array<i32>} : memref<128x64xf32, #tpu.memory_space<vmem>>, vector<128x64xf32>,
    return
  }
  func.func @transform_0(%arg0: i32) -> (i32, i32) {
    %c0_i32 = arith.constant 0 : i32
    %c0_i32_0 = arith.constant 0 : i32
    return %arg0, %c0_i32 : i32, i32
  }
  func.func @transform_1(%arg0: i32) -> (i32, i32) {
    %c0_i32 = arith.constant 0 : i32
    %c0_i32_0 = arith.constant 0 : i32
    return %arg0, %c0_i32 : i32, i32
  }
  func.func @transform_2(%arg0: i32) -> (i32, i32) {
    %c0_i32 = arith.constant 0 : i32
    %c0_i32_0 = arith.constant 0 : i32
    %c0_i32_1 = arith.constant 0 : i32
    return %c0_i32, %c0_i32_0 : i32, i32
  }
  func.func @transform_3(%arg0: i32) -> (i32, i32) {
    %c0_i32 = arith.constant 0 : i32
    %c0_i32_0 = arith.constant 0 : i32
    %c0_i32_1 = arith.constant 0 : i32
    return %c0_i32, %c0_i32_0 : i32, i32
  }
  func.func @transform_4(%arg0: i32) -> (i32, i32) {
    %c0_i32 = arith.constant 0 : i32
    %c0_i32_0 = arith.constant 0 : i32
    %c0_i32_1 = arith.constant 0 : i32
    return %c0_i32, %c0_i32_0 : i32, i32
  }
  func.func @transform_5(%arg0: i32) -> (i32, i32) {
    %c0_i32 = arith.constant 0 : i32
    %c0_i32_0 = arith.constant 0 : i32
    %c0_i32_1 = arith.constant 0 : i32
    return %c0_i32, %c0_i32_0 : i32, i32
  }
  func.func @transform_6(%arg0: i32) -> (i32, i32) {
    %c0_i32 = arith.constant 0 : i32
    %c0_i32_0 = arith.constant 0 : i32
    %c0_i32_1 = arith.constant 0 : i32
    return %c0_i32, %c0_i32_0 : i32, i32
  }
  func.func @transform_7(%arg0: i32) -> (i32, i32) {
    %c0_i32 = arith.constant 0 : i32
    %c0_i32_0 = arith.constant 0 : i32
    return %arg0, %c0_i32 : i32, i32
  }
  func.func @transform_8(%arg0: i32) -> (i32, i32) {
    %c0_i32 = arith.constant 0 : i32
    %c0_i32_0 = arith.constant 0 : i32
    return %arg0, %c0_i32 : i32, i32
  }
}

module attributes {stable_mosaic.version = 14 : i64} {
  func.func @body(%arg0: i32, %arg1: memref<17x128x144xf32, #tpu.memory_space<vmem>>, %arg2: memref<128x64xf32, #tpu.memory_space<vmem>>, %arg3: memref<128x16xf32, #tpu.memory_space<vmem>>, %arg4: memref<3x64xf32, #tpu.memory_space<vmem>>, %arg5: memref<1x64xf32, #tpu.memory_space<vmem>>, %arg6: memref<64x64xf32, #tpu.memory_space<vmem>>, %arg7: memref<1x64xf32, #tpu.memory_space<vmem>>, %arg8: memref<64x64xf32, #tpu.memory_space<vmem>>, %arg9: memref<1x64xf32, #tpu.memory_space<vmem>>, %arg10: memref<64x64xf32, #tpu.memory_space<vmem>>, %arg11: memref<1x64xf32, #tpu.memory_space<vmem>>, %arg12: memref<64x64xf32, #tpu.memory_space<vmem>>, %arg13: memref<1x64xf32, #tpu.memory_space<vmem>>, %arg14: memref<128x64xf32, #tpu.memory_space<vmem>>) attributes {dimension_semantics = [#tpu.dimension_semantics<arbitrary>], iteration_bounds = array<i64: 20>, scalar_prefetch = 0 : i64, scratch_operands = 0 : i64, tpu.core_type = #tpu.core_type<tc>, window_params = [{transform_indices = @transform_0, window_bounds = array<i64: 17, 128, 144>}, {transform_indices = @transform_1, window_bounds = array<i64: 128, 64>}, {transform_indices = @transform_2, window_bounds = array<i64: 128, 16>}, {pipeline_mode = #tpu.pipeline_mode<synchronous>, transform_indices = @transform_3, window_bounds = array<i64: 3, 64>}, {pipeline_mode = #tpu.pipeline_mode<synchronous>, transform_indices = @transform_4, window_bounds = array<i64: 1, 64>}, {pipeline_mode = #tpu.pipeline_mode<synchronous>, transform_indices = @transform_5, window_bounds = array<i64: 64, 64>}, {pipeline_mode = #tpu.pipeline_mode<synchronous>, transform_indices = @transform_6, window_bounds = array<i64: 1, 64>}, {pipeline_mode = #tpu.pipeline_mode<synchronous>, transform_indices = @transform_7, window_bounds = array<i64: 64, 64>}, {pipeline_mode = #tpu.pipeline_mode<synchronous>, transform_indices = @transform_8, window_bounds = array<i64: 1, 64>}, {pipeline_mode = #tpu.pipeline_mode<synchronous>, transform_indices = @transform_9, window_bounds = array<i64: 64, 64>}, {pipeline_mode = #tpu.pipeline_mode<synchronous>, transform_indices = @transform_10, window_bounds = array<i64: 1, 64>}, {pipeline_mode = #tpu.pipeline_mode<synchronous>, transform_indices = @transform_11, window_bounds = array<i64: 64, 64>}, {pipeline_mode = #tpu.pipeline_mode<synchronous>, transform_indices = @transform_12, window_bounds = array<i64: 1, 64>}, {transform_indices = @transform_13, window_bounds = array<i64: 128, 64>}]} {
    %get3A = arith.constant 0 : index
    %get3A_0 = arith.constant 0 : index
    %get3A_1 = arith.constant 0 : index
    %get3A_2 = vector.load %arg1[%get3A, %get3A_0, %get3A_1] : memref<17x128x144xf32, #tpu.memory_space<vmem>>, vector<17x128x144xf32>
    %reshape3A = vector.shape_cast %get3A_2 : vector<17x128x144xf32> to vector<2176x144xf32>
    %slice3A = vector.extract_strided_slice %reshape3A {offsets = [0, 0], sizes = [2176, 64], strides = [1, 1]} : vector<2176x144xf32> to vector<2176x64xf32>
    %slice3A_3 = vector.extract_strided_slice %reshape3A {offsets = [0, 64], sizes = [2176, 64], strides = [1, 1]} : vector<2176x144xf32> to vector<2176x64xf32>
    %slice3A_4 = vector.extract_strided_slice %reshape3A {offsets = [0, 128], sizes = [2176, 3], strides = [1, 1]} : vector<2176x144xf32> to vector<2176x3xf32>
    %get3A_5 = arith.constant 0 : index
    %get3A_6 = arith.constant 0 : index
    %get3A_7 = vector.load %arg3[%get3A_5, %get3A_6] : memref<128x16xf32, #tpu.memory_space<vmem>>, vector<128x16xf32>
    %slice3A_8 = vector.extract_strided_slice %get3A_7 {offsets = [0, 0], sizes = [128, 3], strides = [1, 1]} : vector<128x16xf32> to vector<128x3xf32>
    %broadcast_in_dim3A = vector.shape_cast %slice3A_8 : vector<128x3xf32> to vector<1x128x3xf32>
    %broadcast_in_dim3A_9 = vector.shape_cast %broadcast_in_dim3A : vector<1x128x3xf32> to vector<1x128x3xf32>
    %broadcast_in_dim3A_10 = vector.broadcast %broadcast_in_dim3A_9 : vector<1x128x3xf32> to vector<17x128x3xf32>
    %reshape3A_11 = vector.shape_cast %broadcast_in_dim3A_10 : vector<17x128x3xf32> to vector<2176x3xf32>
    %sub3A = arith.subf %reshape3A_11, %slice3A_4 : vector<2176x3xf32>
    %get3A_12 = arith.constant 0 : index
    %get3A_13 = arith.constant 0 : index
    %get3A_14 = vector.load %arg4[%get3A_12, %get3A_13] : memref<3x64xf32, #tpu.memory_space<vmem>>, vector<3x64xf32>
    %dot_general3A = arith.constant dense<0.000000e+00> : vector<2176x64xf32>
    %dot_general3A_15 = tpu.matmul %sub3A, %get3A_14, %dot_general3A {dimension_numbers = #tpu.dot_dimension_numbers<[1], [0], [0], [1], [0, 0, 1, 1], [], []>, transpose_lhs_hint = false} : vector<2176x3xf32>, vector<3x64xf32>, vector<2176x64xf32> -> vector<2176x64xf32>
    %get3A_16 = arith.constant 0 : index
    %get3A_17 = arith.constant 0 : index
    %get3A_18 = vector.load %arg5[%get3A_16, %get3A_17] : memref<1x64xf32, #tpu.memory_space<vmem>>, vector<1x64xf32>
    %add3A = vector.broadcast %get3A_18 : vector<1x64xf32> to vector<2176x64xf32>
    %add3A_19 = arith.addf %dot_general3A_15, %add3A : vector<2176x64xf32>
    %max3A = arith.constant 0.000000e+00 : f32
    %max3A_20 = vector.broadcast %max3A : f32 to vector<2176x64xf32>
    %max3A_21 = arith.maximumf %add3A_19, %max3A_20 : vector<2176x64xf32>
    %get3A_22 = arith.constant 0 : index
    %get3A_23 = arith.constant 0 : index
    %get3A_24 = vector.load %arg6[%get3A_22, %get3A_23] : memref<64x64xf32, #tpu.memory_space<vmem>>, vector<64x64xf32>
    %dot_general3A_25 = arith.constant dense<0.000000e+00> : vector<2176x64xf32>
    %dot_general3A_26 = tpu.matmul %max3A_21, %get3A_24, %dot_general3A_25 {dimension_numbers = #tpu.dot_dimension_numbers<[1], [0], [0], [1], [0, 0, 1, 1], [], []>, transpose_lhs_hint = false} : vector<2176x64xf32>, vector<64x64xf32>, vector<2176x64xf32> -> vector<2176x64xf32>
    %get3A_27 = arith.constant 0 : index
    %get3A_28 = arith.constant 0 : index
    %get3A_29 = vector.load %arg7[%get3A_27, %get3A_28] : memref<1x64xf32, #tpu.memory_space<vmem>>, vector<1x64xf32>
    %add3A_30 = vector.broadcast %get3A_29 : vector<1x64xf32> to vector<2176x64xf32>
    %add3A_31 = arith.addf %dot_general3A_26, %add3A_30 : vector<2176x64xf32>
    %max3A_32 = arith.constant 0.000000e+00 : f32
    %max3A_33 = vector.broadcast %max3A_32 : f32 to vector<2176x64xf32>
    %max3A_34 = arith.maximumf %add3A_31, %max3A_33 : vector<2176x64xf32>
    %get3A_35 = arith.constant 0 : index
    %get3A_36 = arith.constant 0 : index
    %get3A_37 = vector.load %arg2[%get3A_35, %get3A_36] : memref<128x64xf32, #tpu.memory_space<vmem>>, vector<128x64xf32>
    %broadcast_in_dim3A_38 = vector.shape_cast %get3A_37 : vector<128x64xf32> to vector<1x128x64xf32>
    %broadcast_in_dim3A_39 = vector.shape_cast %broadcast_in_dim3A_38 : vector<1x128x64xf32> to vector<1x128x64xf32>
    %broadcast_in_dim3A_40 = vector.broadcast %broadcast_in_dim3A_39 : vector<1x128x64xf32> to vector<17x128x64xf32>
    %reshape3A_41 = vector.shape_cast %broadcast_in_dim3A_40 : vector<17x128x64xf32> to vector<2176x64xf32>
    %sub3A_42 = arith.subf %reshape3A_41, %slice3A : vector<2176x64xf32>
    %add3A_43 = arith.addf %sub3A_42, %max3A_34 : vector<2176x64xf32>
    %get3A_44 = arith.constant 0 : index
    %get3A_45 = arith.constant 0 : index
    %get3A_46 = vector.load %arg8[%get3A_44, %get3A_45] : memref<64x64xf32, #tpu.memory_space<vmem>>, vector<64x64xf32>
    %dot_general3A_47 = arith.constant dense<0.000000e+00> : vector<2176x64xf32>
    %dot_general3A_48 = tpu.matmul %add3A_43, %get3A_46, %dot_general3A_47 {dimension_numbers = #tpu.dot_dimension_numbers<[1], [0], [0], [1], [0, 0, 1, 1], [], []>, transpose_lhs_hint = false} : vector<2176x64xf32>, vector<64x64xf32>, vector<2176x64xf32> -> vector<2176x64xf32>
    %get3A_49 = arith.constant 0 : index
    %get3A_50 = arith.constant 0 : index
    %get3A_51 = vector.load %arg9[%get3A_49, %get3A_50] : memref<1x64xf32, #tpu.memory_space<vmem>>, vector<1x64xf32>
    %add3A_52 = vector.broadcast %get3A_51 : vector<1x64xf32> to vector<2176x64xf32>
    %add3A_53 = arith.addf %dot_general3A_48, %add3A_52 : vector<2176x64xf32>
    %max3A_54 = arith.constant 0.000000e+00 : f32
    %max3A_55 = vector.broadcast %max3A_54 : f32 to vector<2176x64xf32>
    %max3A_56 = arith.maximumf %add3A_53, %max3A_55 : vector<2176x64xf32>
    %get3A_57 = arith.constant 0 : index
    %get3A_58 = arith.constant 0 : index
    %get3A_59 = vector.load %arg10[%get3A_57, %get3A_58] : memref<64x64xf32, #tpu.memory_space<vmem>>, vector<64x64xf32>
    %dot_general3A_60 = arith.constant dense<0.000000e+00> : vector<2176x64xf32>
    %dot_general3A_61 = tpu.matmul %max3A_56, %get3A_59, %dot_general3A_60 {dimension_numbers = #tpu.dot_dimension_numbers<[1], [0], [0], [1], [0, 0, 1, 1], [], []>, transpose_lhs_hint = false} : vector<2176x64xf32>, vector<64x64xf32>, vector<2176x64xf32> -> vector<2176x64xf32>
    %get3A_62 = arith.constant 0 : index
    %get3A_63 = arith.constant 0 : index
    %get3A_64 = vector.load %arg11[%get3A_62, %get3A_63] : memref<1x64xf32, #tpu.memory_space<vmem>>, vector<1x64xf32>
    %add3A_65 = vector.broadcast %get3A_64 : vector<1x64xf32> to vector<2176x64xf32>
    %add3A_66 = arith.addf %dot_general3A_61, %add3A_65 : vector<2176x64xf32>
    %max3A_67 = arith.constant 0.000000e+00 : f32
    %max3A_68 = vector.broadcast %max3A_67 : f32 to vector<2176x64xf32>
    %max3A_69 = arith.maximumf %add3A_66, %max3A_68 : vector<2176x64xf32>
    %reshape3A_70 = vector.shape_cast %max3A_69 : vector<2176x64xf32> to vector<17x128x64xf32>
    %reduce_max3A = arith.constant dense<0xFF800000> : vector<128x64xf32>
    %reduce_max3A_71 = vector.multi_reduction <maximumf>, %reshape3A_70, %reduce_max3A [0] : vector<17x128x64xf32> to vector<128x64xf32>
    %broadcast_in_dim3A_72 = vector.shape_cast %reduce_max3A_71 : vector<128x64xf32> to vector<1x128x64xf32>
    %sub3A_73 = vector.broadcast %broadcast_in_dim3A_72 : vector<1x128x64xf32> to vector<17x128x64xf32>
    %sub3A_74 = arith.subf %reshape3A_70, %sub3A_73 : vector<17x128x64xf32>
    %exp3A = math.exp %sub3A_74 : vector<17x128x64xf32>
    %reduce_sum3A = arith.constant dense<0.000000e+00> : vector<128x64xf32>
    %reduce_sum3A_75 = vector.multi_reduction <add>, %exp3A, %reduce_sum3A [0] : vector<17x128x64xf32> to vector<128x64xf32>
    %broadcast_in_dim3A_76 = vector.shape_cast %reduce_sum3A_75 : vector<128x64xf32> to vector<1x128x64xf32>
    %add3A_77 = arith.constant 1.000000e-16 : f32
    %add3A_78 = vector.broadcast %add3A_77 : f32 to vector<1x128x64xf32>
    %add3A_79 = arith.addf %broadcast_in_dim3A_76, %add3A_78 : vector<1x128x64xf32>
    %div3A = vector.broadcast %add3A_79 : vector<1x128x64xf32> to vector<17x128x64xf32>
    %div3A_80 = arith.divf %exp3A, %div3A : vector<17x128x64xf32>
    %add3A_81 = arith.addf %slice3A_3, %max3A_34 : vector<2176x64xf32>
    %reshape3A_82 = vector.shape_cast %add3A_81 : vector<2176x64xf32> to vector<17x128x64xf32>
    %mul3A = arith.mulf %div3A_80, %reshape3A_82 : vector<17x128x64xf32>
    %reduce_sum3A_83 = arith.constant dense<0.000000e+00> : vector<128x64xf32>
    %reduce_sum3A_84 = vector.multi_reduction <add>, %mul3A, %reduce_sum3A_83 [0] : vector<17x128x64xf32> to vector<128x64xf32>
    %get3A_85 = arith.constant 0 : index
    %get3A_86 = arith.constant 0 : index
    %get3A_87 = vector.load %arg12[%get3A_85, %get3A_86] : memref<64x64xf32, #tpu.memory_space<vmem>>, vector<64x64xf32>
    %dot_general3A_88 = arith.constant dense<0.000000e+00> : vector<128x64xf32>
    %dot_general3A_89 = tpu.matmul %reduce_sum3A_84, %get3A_87, %dot_general3A_88 {dimension_numbers = #tpu.dot_dimension_numbers<[1], [0], [0], [1], [0, 0, 1, 1], [], []>, transpose_lhs_hint = false} : vector<128x64xf32>, vector<64x64xf32>, vector<128x64xf32> -> vector<128x64xf32>
    %get3A_90 = arith.constant 0 : index
    %get3A_91 = arith.constant 0 : index
    %get3A_92 = vector.load %arg13[%get3A_90, %get3A_91] : memref<1x64xf32, #tpu.memory_space<vmem>>, vector<1x64xf32>
    %add3A_93 = vector.broadcast %get3A_92 : vector<1x64xf32> to vector<128x64xf32>
    %add3A_94 = arith.addf %dot_general3A_89, %add3A_93 : vector<128x64xf32>
    %max3A_95 = arith.constant 0.000000e+00 : f32
    %max3A_96 = vector.broadcast %max3A_95 : f32 to vector<128x64xf32>
    %max3A_97 = arith.maximumf %add3A_94, %max3A_96 : vector<128x64xf32>
    %swap3A = arith.constant 0 : index
    %swap3A_98 = arith.constant 0 : index
    %swap3A_99 = vector.load %arg14[%swap3A, %swap3A_98] : memref<128x64xf32, #tpu.memory_space<vmem>>, vector<128x64xf32>
    tpu.vector_store %arg14[%swap3A, %swap3A_98], %max3A_97 {strides = array<i32>} : memref<128x64xf32, #tpu.memory_space<vmem>>, vector<128x64xf32>,
    return
  }
  func.func @transform_0(%arg0: i32) -> (i32, i32, i32) {
    %c0_i32 = arith.constant 0 : i32
    %c0_i32_0 = arith.constant 0 : i32
    %c0_i32_1 = arith.constant 0 : i32
    return %c0_i32, %arg0, %c0_i32_0 : i32, i32, i32
  }
  func.func @transform_1(%arg0: i32) -> (i32, i32) {
    %c0_i32 = arith.constant 0 : i32
    %c0_i32_0 = arith.constant 0 : i32
    return %arg0, %c0_i32 : i32, i32
  }
  func.func @transform_2(%arg0: i32) -> (i32, i32) {
    %c0_i32 = arith.constant 0 : i32
    %c0_i32_0 = arith.constant 0 : i32
    return %arg0, %c0_i32 : i32, i32
  }
  func.func @transform_3(%arg0: i32) -> (i32, i32) {
    %c0_i32 = arith.constant 0 : i32
    %c0_i32_0 = arith.constant 0 : i32
    %c0_i32_1 = arith.constant 0 : i32
    return %c0_i32, %c0_i32_0 : i32, i32
  }
  func.func @transform_4(%arg0: i32) -> (i32, i32) {
    %c0_i32 = arith.constant 0 : i32
    %c0_i32_0 = arith.constant 0 : i32
    %c0_i32_1 = arith.constant 0 : i32
    return %c0_i32, %c0_i32_0 : i32, i32
  }
  func.func @transform_5(%arg0: i32) -> (i32, i32) {
    %c0_i32 = arith.constant 0 : i32
    %c0_i32_0 = arith.constant 0 : i32
    %c0_i32_1 = arith.constant 0 : i32
    return %c0_i32, %c0_i32_0 : i32, i32
  }
  func.func @transform_6(%arg0: i32) -> (i32, i32) {
    %c0_i32 = arith.constant 0 : i32
    %c0_i32_0 = arith.constant 0 : i32
    %c0_i32_1 = arith.constant 0 : i32
    return %c0_i32, %c0_i32_0 : i32, i32
  }
  func.func @transform_7(%arg0: i32) -> (i32, i32) {
    %c0_i32 = arith.constant 0 : i32
    %c0_i32_0 = arith.constant 0 : i32
    %c0_i32_1 = arith.constant 0 : i32
    return %c0_i32, %c0_i32_0 : i32, i32
  }
  func.func @transform_8(%arg0: i32) -> (i32, i32) {
    %c0_i32 = arith.constant 0 : i32
    %c0_i32_0 = arith.constant 0 : i32
    %c0_i32_1 = arith.constant 0 : i32
    return %c0_i32, %c0_i32_0 : i32, i32
  }
  func.func @transform_9(%arg0: i32) -> (i32, i32) {
    %c0_i32 = arith.constant 0 : i32
    %c0_i32_0 = arith.constant 0 : i32
    %c0_i32_1 = arith.constant 0 : i32
    return %c0_i32, %c0_i32_0 : i32, i32
  }
  func.func @transform_10(%arg0: i32) -> (i32, i32) {
    %c0_i32 = arith.constant 0 : i32
    %c0_i32_0 = arith.constant 0 : i32
    %c0_i32_1 = arith.constant 0 : i32
    return %c0_i32, %c0_i32_0 : i32, i32
  }
  func.func @transform_11(%arg0: i32) -> (i32, i32) {
    %c0_i32 = arith.constant 0 : i32
    %c0_i32_0 = arith.constant 0 : i32
    %c0_i32_1 = arith.constant 0 : i32
    return %c0_i32, %c0_i32_0 : i32, i32
  }
  func.func @transform_12(%arg0: i32) -> (i32, i32) {
    %c0_i32 = arith.constant 0 : i32
    %c0_i32_0 = arith.constant 0 : i32
    %c0_i32_1 = arith.constant 0 : i32
    return %c0_i32, %c0_i32_0 : i32, i32
  }
  func.func @transform_13(%arg0: i32) -> (i32, i32) {
    %c0_i32 = arith.constant 0 : i32
    %c0_i32_0 = arith.constant 0 : i32
    return %arg0, %c0_i32 : i32, i32
  }
}

module attributes {stable_mosaic.version = 14 : i64} {
  func.func @body(%arg0: i32, %arg1: memref<128x64xf32, #tpu.memory_space<vmem>>, %arg2: memref<64x128xf32, #tpu.memory_space<vmem>>, %arg3: memref<1x128xf32, #tpu.memory_space<vmem>>, %arg4: memref<128x128xf32, #tpu.memory_space<vmem>>) attributes {dimension_semantics = [#tpu.dimension_semantics<arbitrary>], iteration_bounds = array<i64: 20>, scalar_prefetch = 0 : i64, scratch_operands = 0 : i64, tpu.core_type = #tpu.core_type<tc>, window_params = [{transform_indices = @transform_0, window_bounds = array<i64: 128, 64>}, {pipeline_mode = #tpu.pipeline_mode<synchronous>, transform_indices = @transform_1, window_bounds = array<i64: 64, 128>}, {pipeline_mode = #tpu.pipeline_mode<synchronous>, transform_indices = @transform_2, window_bounds = array<i64: 1, 128>}, {transform_indices = @transform_3, window_bounds = array<i64: 128, 128>}]} {
    %get3A = arith.constant 0 : index
    %get3A_0 = arith.constant 0 : index
    %get3A_1 = vector.load %arg1[%get3A, %get3A_0] : memref<128x64xf32, #tpu.memory_space<vmem>>, vector<128x64xf32>
    %get3A_2 = arith.constant 0 : index
    %get3A_3 = arith.constant 0 : index
    %get3A_4 = vector.load %arg2[%get3A_2, %get3A_3] : memref<64x128xf32, #tpu.memory_space<vmem>>, vector<64x128xf32>
    %dot_general3A = arith.constant dense<0.000000e+00> : vector<128x128xf32>
    %dot_general3A_5 = tpu.matmul %get3A_1, %get3A_4, %dot_general3A {dimension_numbers = #tpu.dot_dimension_numbers<[1], [0], [0], [1], [0, 0, 1, 1], [], []>, transpose_lhs_hint = false} : vector<128x64xf32>, vector<64x128xf32>, vector<128x128xf32> -> vector<128x128xf32>
    %get3A_6 = arith.constant 0 : index
    %get3A_7 = arith.constant 0 : index
    %get3A_8 = vector.load %arg3[%get3A_6, %get3A_7] : memref<1x128xf32, #tpu.memory_space<vmem>>, vector<1x128xf32>
    %add3A = vector.broadcast %get3A_8 : vector<1x128xf32> to vector<128x128xf32>
    %add3A_9 = arith.addf %dot_general3A_5, %add3A : vector<128x128xf32>
    %max3A = arith.constant 0.000000e+00 : f32
    %max3A_10 = vector.broadcast %max3A : f32 to vector<128x128xf32>
    %max3A_11 = arith.maximumf %add3A_9, %max3A_10 : vector<128x128xf32>
    %swap3A = arith.constant 0 : index
    %swap3A_12 = arith.constant 0 : index
    %swap3A_13 = vector.load %arg4[%swap3A, %swap3A_12] : memref<128x128xf32, #tpu.memory_space<vmem>>, vector<128x128xf32>
    tpu.vector_store %arg4[%swap3A, %swap3A_12], %max3A_11 {strides = array<i32>} : memref<128x128xf32, #tpu.memory_space<vmem>>, vector<128x128xf32>,
    return
  }
  func.func @transform_0(%arg0: i32) -> (i32, i32) {
    %c0_i32 = arith.constant 0 : i32
    %c0_i32_0 = arith.constant 0 : i32
    return %arg0, %c0_i32 : i32, i32
  }
  func.func @transform_1(%arg0: i32) -> (i32, i32) {
    %c0_i32 = arith.constant 0 : i32
    %c0_i32_0 = arith.constant 0 : i32
    %c0_i32_1 = arith.constant 0 : i32
    return %c0_i32, %c0_i32_0 : i32, i32
  }
  func.func @transform_2(%arg0: i32) -> (i32, i32) {
    %c0_i32 = arith.constant 0 : i32
    %c0_i32_0 = arith.constant 0 : i32
    %c0_i32_1 = arith.constant 0 : i32
    return %c0_i32, %c0_i32_0 : i32, i32
  }
  func.func @transform_3(%arg0: i32) -> (i32, i32) {
    %c0_i32 = arith.constant 0 : i32
    %c0_i32_0 = arith.constant 0 : i32
    return %arg0, %c0_i32 : i32, i32
  }
}

module attributes {stable_mosaic.version = 14 : i64} {
  func.func @body(%arg0: i32, %arg1: memref<128x3xf32, #tpu.memory_space<vmem>>, %arg2: memref<3x625xf32, #tpu.memory_space<vmem>>, %arg3: memref<128x16xi32, #tpu.memory_space<vmem>>) attributes {dimension_semantics = [#tpu.dimension_semantics<arbitrary>], iteration_bounds = array<i64: 5>, scalar_prefetch = 0 : i64, scratch_operands = 0 : i64, tpu.core_type = #tpu.core_type<tc>, window_params = [{transform_indices = @transform_0, window_bounds = array<i64: 128, 3>}, {pipeline_mode = #tpu.pipeline_mode<synchronous>, transform_indices = @transform_1, window_bounds = array<i64: 3, 625>}, {transform_indices = @transform_2, window_bounds = array<i64: 128, 16>}]} {
    %get3A = arith.constant 0 : index
    %get3A_0 = arith.constant 0 : index
    %get3A_1 = vector.load %arg1[%get3A, %get3A_0] : memref<128x3xf32, #tpu.memory_space<vmem>>, vector<128x3xf32>
    %get3A_2 = arith.constant 0 : index
    %get3A_3 = arith.constant 0 : index
    %get3A_4 = vector.load %arg2[%get3A_2, %get3A_3] : memref<3x625xf32, #tpu.memory_space<vmem>>, vector<3x625xf32>
    %mul3A = arith.mulf %get3A_1, %get3A_1 : vector<128x3xf32>
    %reduce_sum3A = arith.constant dense<0.000000e+00> : vector<128xf32>
    %reduce_sum3A_5 = vector.multi_reduction <add>, %mul3A, %reduce_sum3A [1] : vector<128x3xf32> to vector<128xf32>
    %broadcast_in_dim3A = vector.shape_cast %reduce_sum3A_5 : vector<128xf32> to vector<128x1xf32>
    %mul3A_6 = arith.mulf %get3A_4, %get3A_4 : vector<3x625xf32>
    %reduce_sum3A_7 = arith.constant dense<0.000000e+00> : vector<625xf32>
    %reduce_sum3A_8 = vector.multi_reduction <add>, %mul3A_6, %reduce_sum3A_7 [0] : vector<3x625xf32> to vector<625xf32>
    %broadcast_in_dim3A_9 = vector.shape_cast %reduce_sum3A_8 : vector<625xf32> to vector<1x625xf32>
    %add3A = vector.broadcast %broadcast_in_dim3A : vector<128x1xf32> to vector<128x625xf32>
    %add3A_10 = vector.broadcast %broadcast_in_dim3A_9 : vector<1x625xf32> to vector<128x625xf32>
    %add3A_11 = arith.addf %add3A, %add3A_10 : vector<128x625xf32>
    %dot_general3A = arith.constant dense<0.000000e+00> : vector<128x625xf32>
    %dot_general3A_12 = tpu.matmul %get3A_1, %get3A_4, %dot_general3A {dimension_numbers = #tpu.dot_dimension_numbers<[1], [0], [0], [1], [0, 0, 1, 1], [], []>, transpose_lhs_hint = false} : vector<128x3xf32>, vector<3x625xf32>, vector<128x625xf32> -> vector<128x625xf32>
    %mul3A_13 = arith.constant 2.000000e+00 : f32
    %mul3A_14 = vector.broadcast %mul3A_13 : f32 to vector<128x625xf32>
    %mul3A_15 = arith.mulf %mul3A_14, %dot_general3A_12 : vector<128x625xf32>
    %sub3A = arith.subf %add3A_11, %mul3A_15 : vector<128x625xf32>
    %iota3A = tpu.iota {dimensions = array<i32: 1>} : vector<128x625xi32>
    %mul3A_16 = arith.constant 128 : i32
    %mul3A_17 = arith.muli %arg0, %mul3A_16 : i32
    %iota3A_18 = tpu.iota {dimensions = array<i32: 0>} : vector<128x1xi32>
    %add3A_19 = vector.broadcast %mul3A_17 : i32 to vector<128x1xi32>
    %add3A_20 = arith.addi %add3A_19, %iota3A_18 : vector<128x1xi32>
    %eq3A = vector.broadcast %add3A_20 : vector<128x1xi32> to vector<128x625xi32>
    %eq3A_21 = arith.cmpi eq, %iota3A, %eq3A : vector<128x625xi32>
    %jit3A = arith.constant 0x7F800000 : f32
    %broadcast_in_dim3A_22 = vector.broadcast %jit3A : f32 to vector<128x625xf32>
    %select_n3A = arith.select %eq3A_21, %broadcast_in_dim3A_22, %sub3A : vector<128x625xi1>, vector<128x625xf32>
    %reduce_min3A = arith.constant dense<0x7F800000> : vector<128xf32>
    %reduce_min3A_23 = vector.multi_reduction <minimumf>, %select_n3A, %reduce_min3A [1] : vector<128x625xf32> to vector<128xf32>
    %broadcast_in_dim3A_24 = vector.shape_cast %reduce_min3A_23 : vector<128xf32> to vector<128x1xf32>
    %le3A = vector.broadcast %broadcast_in_dim3A_24 : vector<128x1xf32> to vector<128x625xf32>
    %le3A_25 = arith.cmpf ole, %select_n3A, %le3A : vector<128x625xf32>
    %jit3A_26 = arith.constant 1073741824 : i32
    %broadcast_in_dim3A_27 = vector.broadcast %jit3A_26 : i32 to vector<128x625xi32>
    %select_n3A_28 = arith.select %le3A_25, %iota3A, %broadcast_in_dim3A_27 : vector<128x625xi1>, vector<128x625xi32>
    %reduce_min3A_29 = arith.constant dense<2147483647> : vector<128xi32>
    %reduce_min3A_30 = vector.multi_reduction <minsi>, %select_n3A_28, %reduce_min3A_29 [1] : vector<128x625xi32> to vector<128xi32>
    %broadcast_in_dim3A_31 = vector.shape_cast %reduce_min3A_30 : vector<128xi32> to vector<128x1xi32>
    %jit3A_32 = arith.constant 0x7F800000 : f32
    %broadcast_in_dim3A_33 = vector.broadcast %jit3A_32 : f32 to vector<128x625xf32>
    %select_n3A_34 = arith.select %le3A_25, %broadcast_in_dim3A_33, %select_n3A : vector<128x625xi1>, vector<128x625xf32>
    %reduce_min3A_35 = arith.constant dense<0x7F800000> : vector<128xf32>
    %reduce_min3A_36 = vector.multi_reduction <minimumf>, %select_n3A_34, %reduce_min3A_35 [1] : vector<128x625xf32> to vector<128xf32>
    %broadcast_in_dim3A_37 = vector.shape_cast %reduce_min3A_36 : vector<128xf32> to vector<128x1xf32>
    %le3A_38 = vector.broadcast %broadcast_in_dim3A_37 : vector<128x1xf32> to vector<128x625xf32>
    %le3A_39 = arith.cmpf ole, %select_n3A_34, %le3A_38 : vector<128x625xf32>
    %jit3A_40 = arith.constant 1073741824 : i32
    %broadcast_in_dim3A_41 = vector.broadcast %jit3A_40 : i32 to vector<128x625xi32>
    %select_n3A_42 = arith.select %le3A_39, %iota3A, %broadcast_in_dim3A_41 : vector<128x625xi1>, vector<128x625xi32>
    %reduce_min3A_43 = arith.constant dense<2147483647> : vector<128xi32>
    %reduce_min3A_44 = vector.multi_reduction <minsi>, %select_n3A_42, %reduce_min3A_43 [1] : vector<128x625xi32> to vector<128xi32>
    %broadcast_in_dim3A_45 = vector.shape_cast %reduce_min3A_44 : vector<128xi32> to vector<128x1xi32>
    %jit3A_46 = arith.constant 0x7F800000 : f32
    %broadcast_in_dim3A_47 = vector.broadcast %jit3A_46 : f32 to vector<128x625xf32>
    %select_n3A_48 = arith.select %le3A_39, %broadcast_in_dim3A_47, %select_n3A_34 : vector<128x625xi1>, vector<128x625xf32>
    %reduce_min3A_49 = arith.constant dense<0x7F800000> : vector<128xf32>
    %reduce_min3A_50 = vector.multi_reduction <minimumf>, %select_n3A_48, %reduce_min3A_49 [1] : vector<128x625xf32> to vector<128xf32>
    %broadcast_in_dim3A_51 = vector.shape_cast %reduce_min3A_50 : vector<128xf32> to vector<128x1xf32>
    %le3A_52 = vector.broadcast %broadcast_in_dim3A_51 : vector<128x1xf32> to vector<128x625xf32>
    %le3A_53 = arith.cmpf ole, %select_n3A_48, %le3A_52 : vector<128x625xf32>
    %jit3A_54 = arith.constant 1073741824 : i32
    %broadcast_in_dim3A_55 = vector.broadcast %jit3A_54 : i32 to vector<128x625xi32>
    %select_n3A_56 = arith.select %le3A_53, %iota3A, %broadcast_in_dim3A_55 : vector<128x625xi1>, vector<128x625xi32>
    %reduce_min3A_57 = arith.constant dense<2147483647> : vector<128xi32>
    %reduce_min3A_58 = vector.multi_reduction <minsi>, %select_n3A_56, %reduce_min3A_57 [1] : vector<128x625xi32> to vector<128xi32>
    %broadcast_in_dim3A_59 = vector.shape_cast %reduce_min3A_58 : vector<128xi32> to vector<128x1xi32>
    %jit3A_60 = arith.constant 0x7F800000 : f32
    %broadcast_in_dim3A_61 = vector.broadcast %jit3A_60 : f32 to vector<128x625xf32>
    %select_n3A_62 = arith.select %le3A_53, %broadcast_in_dim3A_61, %select_n3A_48 : vector<128x625xi1>, vector<128x625xf32>
    %reduce_min3A_63 = arith.constant dense<0x7F800000> : vector<128xf32>
    %reduce_min3A_64 = vector.multi_reduction <minimumf>, %select_n3A_62, %reduce_min3A_63 [1] : vector<128x625xf32> to vector<128xf32>
    %broadcast_in_dim3A_65 = vector.shape_cast %reduce_min3A_64 : vector<128xf32> to vector<128x1xf32>
    %le3A_66 = vector.broadcast %broadcast_in_dim3A_65 : vector<128x1xf32> to vector<128x625xf32>
    %le3A_67 = arith.cmpf ole, %select_n3A_62, %le3A_66 : vector<128x625xf32>
    %jit3A_68 = arith.constant 1073741824 : i32
    %broadcast_in_dim3A_69 = vector.broadcast %jit3A_68 : i32 to vector<128x625xi32>
    %select_n3A_70 = arith.select %le3A_67, %iota3A, %broadcast_in_dim3A_69 : vector<128x625xi1>, vector<128x625xi32>
    %reduce_min3A_71 = arith.constant dense<2147483647> : vector<128xi32>
    %reduce_min3A_72 = vector.multi_reduction <minsi>, %select_n3A_70, %reduce_min3A_71 [1] : vector<128x625xi32> to vector<128xi32>
    %broadcast_in_dim3A_73 = vector.shape_cast %reduce_min3A_72 : vector<128xi32> to vector<128x1xi32>
    %jit3A_74 = arith.constant 0x7F800000 : f32
    %broadcast_in_dim3A_75 = vector.broadcast %jit3A_74 : f32 to vector<128x625xf32>
    %select_n3A_76 = arith.select %le3A_67, %broadcast_in_dim3A_75, %select_n3A_62 : vector<128x625xi1>, vector<128x625xf32>
    %reduce_min3A_77 = arith.constant dense<0x7F800000> : vector<128xf32>
    %reduce_min3A_78 = vector.multi_reduction <minimumf>, %select_n3A_76, %reduce_min3A_77 [1] : vector<128x625xf32> to vector<128xf32>
    %broadcast_in_dim3A_79 = vector.shape_cast %reduce_min3A_78 : vector<128xf32> to vector<128x1xf32>
    %le3A_80 = vector.broadcast %broadcast_in_dim3A_79 : vector<128x1xf32> to vector<128x625xf32>
    %le3A_81 = arith.cmpf ole, %select_n3A_76, %le3A_80 : vector<128x625xf32>
    %jit3A_82 = arith.constant 1073741824 : i32
    %broadcast_in_dim3A_83 = vector.broadcast %jit3A_82 : i32 to vector<128x625xi32>
    %select_n3A_84 = arith.select %le3A_81, %iota3A, %broadcast_in_dim3A_83 : vector<128x625xi1>, vector<128x625xi32>
    %reduce_min3A_85 = arith.constant dense<2147483647> : vector<128xi32>
    %reduce_min3A_86 = vector.multi_reduction <minsi>, %select_n3A_84, %reduce_min3A_85 [1] : vector<128x625xi32> to vector<128xi32>
    %broadcast_in_dim3A_87 = vector.shape_cast %reduce_min3A_86 : vector<128xi32> to vector<128x1xi32>
    %jit3A_88 = arith.constant 0x7F800000 : f32
    %broadcast_in_dim3A_89 = vector.broadcast %jit3A_88 : f32 to vector<128x625xf32>
    %select_n3A_90 = arith.select %le3A_81, %broadcast_in_dim3A_89, %select_n3A_76 : vector<128x625xi1>, vector<128x625xf32>
    %reduce_min3A_91 = arith.constant dense<0x7F800000> : vector<128xf32>
    %reduce_min3A_92 = vector.multi_reduction <minimumf>, %select_n3A_90, %reduce_min3A_91 [1] : vector<128x625xf32> to vector<128xf32>
    %broadcast_in_dim3A_93 = vector.shape_cast %reduce_min3A_92 : vector<128xf32> to vector<128x1xf32>
    %le3A_94 = vector.broadcast %broadcast_in_dim3A_93 : vector<128x1xf32> to vector<128x625xf32>
    %le3A_95 = arith.cmpf ole, %select_n3A_90, %le3A_94 : vector<128x625xf32>
    %jit3A_96 = arith.constant 1073741824 : i32
    %broadcast_in_dim3A_97 = vector.broadcast %jit3A_96 : i32 to vector<128x625xi32>
    %select_n3A_98 = arith.select %le3A_95, %iota3A, %broadcast_in_dim3A_97 : vector<128x625xi1>, vector<128x625xi32>
    %reduce_min3A_99 = arith.constant dense<2147483647> : vector<128xi32>
    %reduce_min3A_100 = vector.multi_reduction <minsi>, %select_n3A_98, %reduce_min3A_99 [1] : vector<128x625xi32> to vector<128xi32>
    %broadcast_in_dim3A_101 = vector.shape_cast %reduce_min3A_100 : vector<128xi32> to vector<128x1xi32>
    %jit3A_102 = arith.constant 0x7F800000 : f32
    %broadcast_in_dim3A_103 = vector.broadcast %jit3A_102 : f32 to vector<128x625xf32>
    %select_n3A_104 = arith.select %le3A_95, %broadcast_in_dim3A_103, %select_n3A_90 : vector<128x625xi1>, vector<128x625xf32>
    %reduce_min3A_105 = arith.constant dense<0x7F800000> : vector<128xf32>
    %reduce_min3A_106 = vector.multi_reduction <minimumf>, %select_n3A_104, %reduce_min3A_105 [1] : vector<128x625xf32> to vector<128xf32>
    %broadcast_in_dim3A_107 = vector.shape_cast %reduce_min3A_106 : vector<128xf32> to vector<128x1xf32>
    %le3A_108 = vector.broadcast %broadcast_in_dim3A_107 : vector<128x1xf32> to vector<128x625xf32>
    %le3A_109 = arith.cmpf ole, %select_n3A_104, %le3A_108 : vector<128x625xf32>
    %jit3A_110 = arith.constant 1073741824 : i32
    %broadcast_in_dim3A_111 = vector.broadcast %jit3A_110 : i32 to vector<128x625xi32>
    %select_n3A_112 = arith.select %le3A_109, %iota3A, %broadcast_in_dim3A_111 : vector<128x625xi1>, vector<128x625xi32>
    %reduce_min3A_113 = arith.constant dense<2147483647> : vector<128xi32>
    %reduce_min3A_114 = vector.multi_reduction <minsi>, %select_n3A_112, %reduce_min3A_113 [1] : vector<128x625xi32> to vector<128xi32>
    %broadcast_in_dim3A_115 = vector.shape_cast %reduce_min3A_114 : vector<128xi32> to vector<128x1xi32>
    %jit3A_116 = arith.constant 0x7F800000 : f32
    %broadcast_in_dim3A_117 = vector.broadcast %jit3A_116 : f32 to vector<128x625xf32>
    %select_n3A_118 = arith.select %le3A_109, %broadcast_in_dim3A_117, %select_n3A_104 : vector<128x625xi1>, vector<128x625xf32>
    %reduce_min3A_119 = arith.constant dense<0x7F800000> : vector<128xf32>
    %reduce_min3A_120 = vector.multi_reduction <minimumf>, %select_n3A_118, %reduce_min3A_119 [1] : vector<128x625xf32> to vector<128xf32>
    %broadcast_in_dim3A_121 = vector.shape_cast %reduce_min3A_120 : vector<128xf32> to vector<128x1xf32>
    %le3A_122 = vector.broadcast %broadcast_in_dim3A_121 : vector<128x1xf32> to vector<128x625xf32>
    %le3A_123 = arith.cmpf ole, %select_n3A_118, %le3A_122 : vector<128x625xf32>
    %jit3A_124 = arith.constant 1073741824 : i32
    %broadcast_in_dim3A_125 = vector.broadcast %jit3A_124 : i32 to vector<128x625xi32>
    %select_n3A_126 = arith.select %le3A_123, %iota3A, %broadcast_in_dim3A_125 : vector<128x625xi1>, vector<128x625xi32>
    %reduce_min3A_127 = arith.constant dense<2147483647> : vector<128xi32>
    %reduce_min3A_128 = vector.multi_reduction <minsi>, %select_n3A_126, %reduce_min3A_127 [1] : vector<128x625xi32> to vector<128xi32>
    %broadcast_in_dim3A_129 = vector.shape_cast %reduce_min3A_128 : vector<128xi32> to vector<128x1xi32>
    %jit3A_130 = arith.constant 0x7F800000 : f32
    %broadcast_in_dim3A_131 = vector.broadcast %jit3A_130 : f32 to vector<128x625xf32>
    %select_n3A_132 = arith.select %le3A_123, %broadcast_in_dim3A_131, %select_n3A_118 : vector<128x625xi1>, vector<128x625xf32>
    %reduce_min3A_133 = arith.constant dense<0x7F800000> : vector<128xf32>
    %reduce_min3A_134 = vector.multi_reduction <minimumf>, %select_n3A_132, %reduce_min3A_133 [1] : vector<128x625xf32> to vector<128xf32>
    %broadcast_in_dim3A_135 = vector.shape_cast %reduce_min3A_134 : vector<128xf32> to vector<128x1xf32>
    %le3A_136 = vector.broadcast %broadcast_in_dim3A_135 : vector<128x1xf32> to vector<128x625xf32>
    %le3A_137 = arith.cmpf ole, %select_n3A_132, %le3A_136 : vector<128x625xf32>
    %jit3A_138 = arith.constant 1073741824 : i32
    %broadcast_in_dim3A_139 = vector.broadcast %jit3A_138 : i32 to vector<128x625xi32>
    %select_n3A_140 = arith.select %le3A_137, %iota3A, %broadcast_in_dim3A_139 : vector<128x625xi1>, vector<128x625xi32>
    %reduce_min3A_141 = arith.constant dense<2147483647> : vector<128xi32>
    %reduce_min3A_142 = vector.multi_reduction <minsi>, %select_n3A_140, %reduce_min3A_141 [1] : vector<128x625xi32> to vector<128xi32>
    %broadcast_in_dim3A_143 = vector.shape_cast %reduce_min3A_142 : vector<128xi32> to vector<128x1xi32>
    %jit3A_144 = arith.constant 0x7F800000 : f32
    %broadcast_in_dim3A_145 = vector.broadcast %jit3A_144 : f32 to vector<128x625xf32>
    %select_n3A_146 = arith.select %le3A_137, %broadcast_in_dim3A_145, %select_n3A_132 : vector<128x625xi1>, vector<128x625xf32>
    %reduce_min3A_147 = arith.constant dense<0x7F800000> : vector<128xf32>
    %reduce_min3A_148 = vector.multi_reduction <minimumf>, %select_n3A_146, %reduce_min3A_147 [1] : vector<128x625xf32> to vector<128xf32>
    %broadcast_in_dim3A_149 = vector.shape_cast %reduce_min3A_148 : vector<128xf32> to vector<128x1xf32>
    %le3A_150 = vector.broadcast %broadcast_in_dim3A_149 : vector<128x1xf32> to vector<128x625xf32>
    %le3A_151 = arith.cmpf ole, %select_n3A_146, %le3A_150 : vector<128x625xf32>
    %jit3A_152 = arith.constant 1073741824 : i32
    %broadcast_in_dim3A_153 = vector.broadcast %jit3A_152 : i32 to vector<128x625xi32>
    %select_n3A_154 = arith.select %le3A_151, %iota3A, %broadcast_in_dim3A_153 : vector<128x625xi1>, vector<128x625xi32>
    %reduce_min3A_155 = arith.constant dense<2147483647> : vector<128xi32>
    %reduce_min3A_156 = vector.multi_reduction <minsi>, %select_n3A_154, %reduce_min3A_155 [1] : vector<128x625xi32> to vector<128xi32>
    %broadcast_in_dim3A_157 = vector.shape_cast %reduce_min3A_156 : vector<128xi32> to vector<128x1xi32>
    %jit3A_158 = arith.constant 0x7F800000 : f32
    %broadcast_in_dim3A_159 = vector.broadcast %jit3A_158 : f32 to vector<128x625xf32>
    %select_n3A_160 = arith.select %le3A_151, %broadcast_in_dim3A_159, %select_n3A_146 : vector<128x625xi1>, vector<128x625xf32>
    %reduce_min3A_161 = arith.constant dense<0x7F800000> : vector<128xf32>
    %reduce_min3A_162 = vector.multi_reduction <minimumf>, %select_n3A_160, %reduce_min3A_161 [1] : vector<128x625xf32> to vector<128xf32>
    %broadcast_in_dim3A_163 = vector.shape_cast %reduce_min3A_162 : vector<128xf32> to vector<128x1xf32>
    %le3A_164 = vector.broadcast %broadcast_in_dim3A_163 : vector<128x1xf32> to vector<128x625xf32>
    %le3A_165 = arith.cmpf ole, %select_n3A_160, %le3A_164 : vector<128x625xf32>
    %jit3A_166 = arith.constant 1073741824 : i32
    %broadcast_in_dim3A_167 = vector.broadcast %jit3A_166 : i32 to vector<128x625xi32>
    %select_n3A_168 = arith.select %le3A_165, %iota3A, %broadcast_in_dim3A_167 : vector<128x625xi1>, vector<128x625xi32>
    %reduce_min3A_169 = arith.constant dense<2147483647> : vector<128xi32>
    %reduce_min3A_170 = vector.multi_reduction <minsi>, %select_n3A_168, %reduce_min3A_169 [1] : vector<128x625xi32> to vector<128xi32>
    %broadcast_in_dim3A_171 = vector.shape_cast %reduce_min3A_170 : vector<128xi32> to vector<128x1xi32>
    %jit3A_172 = arith.constant 0x7F800000 : f32
    %broadcast_in_dim3A_173 = vector.broadcast %jit3A_172 : f32 to vector<128x625xf32>
    %select_n3A_174 = arith.select %le3A_165, %broadcast_in_dim3A_173, %select_n3A_160 : vector<128x625xi1>, vector<128x625xf32>
    %reduce_min3A_175 = arith.constant dense<0x7F800000> : vector<128xf32>
    %reduce_min3A_176 = vector.multi_reduction <minimumf>, %select_n3A_174, %reduce_min3A_175 [1] : vector<128x625xf32> to vector<128xf32>
    %broadcast_in_dim3A_177 = vector.shape_cast %reduce_min3A_176 : vector<128xf32> to vector<128x1xf32>
    %le3A_178 = vector.broadcast %broadcast_in_dim3A_177 : vector<128x1xf32> to vector<128x625xf32>
    %le3A_179 = arith.cmpf ole, %select_n3A_174, %le3A_178 : vector<128x625xf32>
    %jit3A_180 = arith.constant 1073741824 : i32
    %broadcast_in_dim3A_181 = vector.broadcast %jit3A_180 : i32 to vector<128x625xi32>
    %select_n3A_182 = arith.select %le3A_179, %iota3A, %broadcast_in_dim3A_181 : vector<128x625xi1>, vector<128x625xi32>
    %reduce_min3A_183 = arith.constant dense<2147483647> : vector<128xi32>
    %reduce_min3A_184 = vector.multi_reduction <minsi>, %select_n3A_182, %reduce_min3A_183 [1] : vector<128x625xi32> to vector<128xi32>
    %broadcast_in_dim3A_185 = vector.shape_cast %reduce_min3A_184 : vector<128xi32> to vector<128x1xi32>
    %jit3A_186 = arith.constant 0x7F800000 : f32
    %broadcast_in_dim3A_187 = vector.broadcast %jit3A_186 : f32 to vector<128x625xf32>
    %select_n3A_188 = arith.select %le3A_179, %broadcast_in_dim3A_187, %select_n3A_174 : vector<128x625xi1>, vector<128x625xf32>
    %reduce_min3A_189 = arith.constant dense<0x7F800000> : vector<128xf32>
    %reduce_min3A_190 = vector.multi_reduction <minimumf>, %select_n3A_188, %reduce_min3A_189 [1] : vector<128x625xf32> to vector<128xf32>
    %broadcast_in_dim3A_191 = vector.shape_cast %reduce_min3A_190 : vector<128xf32> to vector<128x1xf32>
    %le3A_192 = vector.broadcast %broadcast_in_dim3A_191 : vector<128x1xf32> to vector<128x625xf32>
    %le3A_193 = arith.cmpf ole, %select_n3A_188, %le3A_192 : vector<128x625xf32>
    %jit3A_194 = arith.constant 1073741824 : i32
    %broadcast_in_dim3A_195 = vector.broadcast %jit3A_194 : i32 to vector<128x625xi32>
    %select_n3A_196 = arith.select %le3A_193, %iota3A, %broadcast_in_dim3A_195 : vector<128x625xi1>, vector<128x625xi32>
    %reduce_min3A_197 = arith.constant dense<2147483647> : vector<128xi32>
    %reduce_min3A_198 = vector.multi_reduction <minsi>, %select_n3A_196, %reduce_min3A_197 [1] : vector<128x625xi32> to vector<128xi32>
    %broadcast_in_dim3A_199 = vector.shape_cast %reduce_min3A_198 : vector<128xi32> to vector<128x1xi32>
    %jit3A_200 = arith.constant 0x7F800000 : f32
    %broadcast_in_dim3A_201 = vector.broadcast %jit3A_200 : f32 to vector<128x625xf32>
    %select_n3A_202 = arith.select %le3A_193, %broadcast_in_dim3A_201, %select_n3A_188 : vector<128x625xi1>, vector<128x625xf32>
    %reduce_min3A_203 = arith.constant dense<0x7F800000> : vector<128xf32>
    %reduce_min3A_204 = vector.multi_reduction <minimumf>, %select_n3A_202, %reduce_min3A_203 [1] : vector<128x625xf32> to vector<128xf32>
    %broadcast_in_dim3A_205 = vector.shape_cast %reduce_min3A_204 : vector<128xf32> to vector<128x1xf32>
    %le3A_206 = vector.broadcast %broadcast_in_dim3A_205 : vector<128x1xf32> to vector<128x625xf32>
    %le3A_207 = arith.cmpf ole, %select_n3A_202, %le3A_206 : vector<128x625xf32>
    %jit3A_208 = arith.constant 1073741824 : i32
    %broadcast_in_dim3A_209 = vector.broadcast %jit3A_208 : i32 to vector<128x625xi32>
    %select_n3A_210 = arith.select %le3A_207, %iota3A, %broadcast_in_dim3A_209 : vector<128x625xi1>, vector<128x625xi32>
    %reduce_min3A_211 = arith.constant dense<2147483647> : vector<128xi32>
    %reduce_min3A_212 = vector.multi_reduction <minsi>, %select_n3A_210, %reduce_min3A_211 [1] : vector<128x625xi32> to vector<128xi32>
    %broadcast_in_dim3A_213 = vector.shape_cast %reduce_min3A_212 : vector<128xi32> to vector<128x1xi32>
    %jit3A_214 = arith.constant 0x7F800000 : f32
    %broadcast_in_dim3A_215 = vector.broadcast %jit3A_214 : f32 to vector<128x625xf32>
    %select_n3A_216 = arith.select %le3A_207, %broadcast_in_dim3A_215, %select_n3A_202 : vector<128x625xi1>, vector<128x625xf32>
    %reduce_min3A_217 = arith.constant dense<0x7F800000> : vector<128xf32>
    %reduce_min3A_218 = vector.multi_reduction <minimumf>, %select_n3A_216, %reduce_min3A_217 [1] : vector<128x625xf32> to vector<128xf32>
    %broadcast_in_dim3A_219 = vector.shape_cast %reduce_min3A_218 : vector<128xf32> to vector<128x1xf32>
    %le3A_220 = vector.broadcast %broadcast_in_dim3A_219 : vector<128x1xf32> to vector<128x625xf32>
    %le3A_221 = arith.cmpf ole, %select_n3A_216, %le3A_220 : vector<128x625xf32>
    %jit3A_222 = arith.constant 1073741824 : i32
    %broadcast_in_dim3A_223 = vector.broadcast %jit3A_222 : i32 to vector<128x625xi32>
    %select_n3A_224 = arith.select %le3A_221, %iota3A, %broadcast_in_dim3A_223 : vector<128x625xi1>, vector<128x625xi32>
    %reduce_min3A_225 = arith.constant dense<2147483647> : vector<128xi32>
    %reduce_min3A_226 = vector.multi_reduction <minsi>, %select_n3A_224, %reduce_min3A_225 [1] : vector<128x625xi32> to vector<128xi32>
    %broadcast_in_dim3A_227 = vector.shape_cast %reduce_min3A_226 : vector<128xi32> to vector<128x1xi32>
    %jit3A_228 = arith.constant 0x7F800000 : f32
    %broadcast_in_dim3A_229 = vector.broadcast %jit3A_228 : f32 to vector<128x625xf32>
    %select_n3A_230 = arith.select %le3A_221, %broadcast_in_dim3A_229, %select_n3A_216 : vector<128x625xi1>, vector<128x625xf32>
    %reduce_min3A_231 = arith.constant dense<0x7F800000> : vector<128xf32>
    %reduce_min3A_232 = vector.multi_reduction <minimumf>, %select_n3A_230, %reduce_min3A_231 [1] : vector<128x625xf32> to vector<128xf32>
    %broadcast_in_dim3A_233 = vector.shape_cast %reduce_min3A_232 : vector<128xf32> to vector<128x1xf32>
    %le3A_234 = vector.broadcast %broadcast_in_dim3A_233 : vector<128x1xf32> to vector<128x625xf32>
    %le3A_235 = arith.cmpf ole, %select_n3A_230, %le3A_234 : vector<128x625xf32>
    %jit3A_236 = arith.constant 1073741824 : i32
    %broadcast_in_dim3A_237 = vector.broadcast %jit3A_236 : i32 to vector<128x625xi32>
    %select_n3A_238 = arith.select %le3A_235, %iota3A, %broadcast_in_dim3A_237 : vector<128x625xi1>, vector<128x625xi32>
    %reduce_min3A_239 = arith.constant dense<2147483647> : vector<128xi32>
    %reduce_min3A_240 = vector.multi_reduction <minsi>, %select_n3A_238, %reduce_min3A_239 [1] : vector<128x625xi32> to vector<128xi32>
    %broadcast_in_dim3A_241 = vector.shape_cast %reduce_min3A_240 : vector<128xi32> to vector<128x1xi32>
    %concatenate3A = tpu.concatenate %broadcast_in_dim3A_31, %broadcast_in_dim3A_45, %broadcast_in_dim3A_59, %broadcast_in_dim3A_73, %broadcast_in_dim3A_87, %broadcast_in_dim3A_101, %broadcast_in_dim3A_115, %broadcast_in_dim3A_129, %broadcast_in_dim3A_143, %broadcast_in_dim3A_157, %broadcast_in_dim3A_171, %broadcast_in_dim3A_185, %broadcast_in_dim3A_199, %broadcast_in_dim3A_213, %broadcast_in_dim3A_227, %broadcast_in_dim3A_241 in 1 : vector<128x1xi32>, vector<128x1xi32>, vector<128x1xi32>, vector<128x1xi32>, vector<128x1xi32>, vector<128x1xi32>, vector<128x1xi32>, vector<128x1xi32>, vector<128x1xi32>, vector<128x1xi32>, vector<128x1xi32>, vector<128x1xi32>, vector<128x1xi32>, vector<128x1xi32>, vector<128x1xi32>, vector<128x1xi32> -> vector<128x16xi32>
    %swap3A = arith.constant 0 : index
    %swap3A_242 = arith.constant 0 : index
    %swap3A_243 = vector.load %arg3[%swap3A, %swap3A_242] : memref<128x16xi32, #tpu.memory_space<vmem>>, vector<128x16xi32>
    tpu.vector_store %arg3[%swap3A, %swap3A_242], %concatenate3A {strides = array<i32>} : memref<128x16xi32, #tpu.memory_space<vmem>>, vector<128x16xi32>,
    return
  }
  func.func @transform_0(%arg0: i32) -> (i32, i32) {
    %c0_i32 = arith.constant 0 : i32
    %c0_i32_0 = arith.constant 0 : i32
    return %arg0, %c0_i32 : i32, i32
  }
  func.func @transform_1(%arg0: i32) -> (i32, i32) {
    %c0_i32 = arith.constant 0 : i32
    %c0_i32_0 = arith.constant 0 : i32
    %c0_i32_1 = arith.constant 0 : i32
    return %c0_i32, %c0_i32_0 : i32, i32
  }
  func.func @transform_2(%arg0: i32) -> (i32, i32) {
    %c0_i32 = arith.constant 0 : i32
    %c0_i32_0 = arith.constant 0 : i32
    return %arg0, %c0_i32 : i32, i32
  }
}

module attributes {stable_mosaic.version = 14 : i64} {
  func.func @body(%arg0: i32, %arg1: memref<16x128x128xf32, #tpu.memory_space<vmem>>, %arg2: memref<128x128xf32, #tpu.memory_space<vmem>>) attributes {dimension_semantics = [#tpu.dimension_semantics<arbitrary>], iteration_bounds = array<i64: 5>, scalar_prefetch = 0 : i64, scratch_operands = 0 : i64, tpu.core_type = #tpu.core_type<tc>, window_params = [{transform_indices = @transform_0, window_bounds = array<i64: 16, 128, 128>}, {transform_indices = @transform_1, window_bounds = array<i64: 128, 128>}]} {
    %get3A = arith.constant 0 : index
    %get3A_0 = arith.constant 0 : index
    %get3A_1 = arith.constant 0 : index
    %get3A_2 = vector.load %arg1[%get3A, %get3A_0, %get3A_1] : memref<16x128x128xf32, #tpu.memory_space<vmem>>, vector<16x128x128xf32>
    %reduce_max3A = arith.constant dense<0xFF800000> : vector<128x128xf32>
    %reduce_max3A_3 = vector.multi_reduction <maximumf>, %get3A_2, %reduce_max3A [0] : vector<16x128x128xf32> to vector<128x128xf32>
    %swap3A = arith.constant 0 : index
    %swap3A_4 = arith.constant 0 : index
    %swap3A_5 = vector.load %arg2[%swap3A, %swap3A_4] : memref<128x128xf32, #tpu.memory_space<vmem>>, vector<128x128xf32>
    tpu.vector_store %arg2[%swap3A, %swap3A_4], %reduce_max3A_3 {strides = array<i32>} : memref<128x128xf32, #tpu.memory_space<vmem>>, vector<128x128xf32>,
    return
  }
  func.func @transform_0(%arg0: i32) -> (i32, i32, i32) {
    %c0_i32 = arith.constant 0 : i32
    %c0_i32_0 = arith.constant 0 : i32
    %c0_i32_1 = arith.constant 0 : i32
    return %c0_i32, %arg0, %c0_i32_0 : i32, i32, i32
  }
  func.func @transform_1(%arg0: i32) -> (i32, i32) {
    %c0_i32 = arith.constant 0 : i32
    %c0_i32_0 = arith.constant 0 : i32
    return %arg0, %c0_i32 : i32, i32
  }
}

module attributes {stable_mosaic.version = 14 : i64} {
  func.func @body(%arg0: i32, %arg1: memref<128x128xf32, #tpu.memory_space<vmem>>, %arg2: memref<128x16xf32, #tpu.memory_space<vmem>>, %arg3: memref<128x128xf32, #tpu.memory_space<vmem>>, %arg4: memref<1x128xf32, #tpu.memory_space<vmem>>, %arg5: memref<128x128xf32, #tpu.memory_space<vmem>>, %arg6: memref<128x128xf32, #tpu.memory_space<vmem>>, %arg7: memref<128x128xf32, #tpu.memory_space<vmem>>, %arg8: memref<128x272xf32, #tpu.memory_space<vmem>>, %arg9: memref<128x128xf32, #tpu.memory_space<vmem>>) attributes {dimension_semantics = [#tpu.dimension_semantics<arbitrary>], iteration_bounds = array<i64: 5>, scalar_prefetch = 0 : i64, scratch_operands = 0 : i64, tpu.core_type = #tpu.core_type<tc>, window_params = [{transform_indices = @transform_0, window_bounds = array<i64: 128, 128>}, {transform_indices = @transform_1, window_bounds = array<i64: 128, 16>}, {pipeline_mode = #tpu.pipeline_mode<synchronous>, transform_indices = @transform_2, window_bounds = array<i64: 128, 128>}, {pipeline_mode = #tpu.pipeline_mode<synchronous>, transform_indices = @transform_3, window_bounds = array<i64: 1, 128>}, {pipeline_mode = #tpu.pipeline_mode<synchronous>, transform_indices = @transform_4, window_bounds = array<i64: 128, 128>}, {pipeline_mode = #tpu.pipeline_mode<synchronous>, transform_indices = @transform_5, window_bounds = array<i64: 128, 128>}, {pipeline_mode = #tpu.pipeline_mode<synchronous>, transform_indices = @transform_6, window_bounds = array<i64: 128, 128>}, {transform_indices = @transform_7, window_bounds = array<i64: 128, 272>}, {transform_indices = @transform_8, window_bounds = array<i64: 128, 128>}]} {
    %get3A = arith.constant 0 : index
    %get3A_0 = arith.constant 0 : index
    %get3A_1 = vector.load %arg1[%get3A, %get3A_0] : memref<128x128xf32, #tpu.memory_space<vmem>>, vector<128x128xf32>
    %get3A_2 = arith.constant 0 : index
    %get3A_3 = arith.constant 0 : index
    %get3A_4 = vector.load %arg3[%get3A_2, %get3A_3] : memref<128x128xf32, #tpu.memory_space<vmem>>, vector<128x128xf32>
    %dot_general3A = arith.constant dense<0.000000e+00> : vector<128x128xf32>
    %dot_general3A_5 = tpu.matmul %get3A_1, %get3A_4, %dot_general3A {dimension_numbers = #tpu.dot_dimension_numbers<[1], [0], [0], [1], [0, 0, 1, 1], [], []>, transpose_lhs_hint = false} : vector<128x128xf32>, vector<128x128xf32>, vector<128x128xf32> -> vector<128x128xf32>
    %get3A_6 = arith.constant 0 : index
    %get3A_7 = arith.constant 0 : index
    %get3A_8 = vector.load %arg4[%get3A_6, %get3A_7] : memref<1x128xf32, #tpu.memory_space<vmem>>, vector<1x128xf32>
    %add3A = vector.broadcast %get3A_8 : vector<1x128xf32> to vector<128x128xf32>
    %add3A_9 = arith.addf %dot_general3A_5, %add3A : vector<128x128xf32>
    %max3A = arith.constant 0.000000e+00 : f32
    %max3A_10 = vector.broadcast %max3A : f32 to vector<128x128xf32>
    %max3A_11 = arith.maximumf %add3A_9, %max3A_10 : vector<128x128xf32>
    %get3A_12 = arith.constant 0 : index
    %get3A_13 = arith.constant 0 : index
    %get3A_14 = vector.load %arg5[%get3A_12, %get3A_13] : memref<128x128xf32, #tpu.memory_space<vmem>>, vector<128x128xf32>
    %dot_general3A_15 = arith.constant dense<0.000000e+00> : vector<128x128xf32>
    %dot_general3A_16 = tpu.matmul %max3A_11, %get3A_14, %dot_general3A_15 {dimension_numbers = #tpu.dot_dimension_numbers<[1], [0], [0], [1], [0, 0, 1, 1], [], []>, transpose_lhs_hint = false} : vector<128x128xf32>, vector<128x128xf32>, vector<128x128xf32> -> vector<128x128xf32>
    %get3A_17 = arith.constant 0 : index
    %get3A_18 = arith.constant 0 : index
    %get3A_19 = vector.load %arg6[%get3A_17, %get3A_18] : memref<128x128xf32, #tpu.memory_space<vmem>>, vector<128x128xf32>
    %dot_general3A_20 = arith.constant dense<0.000000e+00> : vector<128x128xf32>
    %dot_general3A_21 = tpu.matmul %max3A_11, %get3A_19, %dot_general3A_20 {dimension_numbers = #tpu.dot_dimension_numbers<[1], [0], [0], [1], [0, 0, 1, 1], [], []>, transpose_lhs_hint = false} : vector<128x128xf32>, vector<128x128xf32>, vector<128x128xf32> -> vector<128x128xf32>
    %get3A_22 = arith.constant 0 : index
    %get3A_23 = arith.constant 0 : index
    %get3A_24 = vector.load %arg7[%get3A_22, %get3A_23] : memref<128x128xf32, #tpu.memory_space<vmem>>, vector<128x128xf32>
    %dot_general3A_25 = arith.constant dense<0.000000e+00> : vector<128x128xf32>
    %dot_general3A_26 = tpu.matmul %max3A_11, %get3A_24, %dot_general3A_25 {dimension_numbers = #tpu.dot_dimension_numbers<[1], [0], [0], [1], [0, 0, 1, 1], [], []>, transpose_lhs_hint = false} : vector<128x128xf32>, vector<128x128xf32>, vector<128x128xf32> -> vector<128x128xf32>
    %get3A_27 = arith.constant 0 : index
    %get3A_28 = arith.constant 0 : index
    %get3A_29 = vector.load %arg2[%get3A_27, %get3A_28] : memref<128x16xf32, #tpu.memory_space<vmem>>, vector<128x16xf32>
    %concatenate3A = tpu.concatenate %dot_general3A_16, %dot_general3A_21, %get3A_29 in 1 : vector<128x128xf32>, vector<128x128xf32>, vector<128x16xf32> -> vector<128x272xf32>
    %swap3A = arith.constant 0 : index
    %swap3A_30 = arith.constant 0 : index
    %swap3A_31 = vector.load %arg8[%swap3A, %swap3A_30] : memref<128x272xf32, #tpu.memory_space<vmem>>, vector<128x272xf32>
    tpu.vector_store %arg8[%swap3A, %swap3A_30], %concatenate3A {strides = array<i32>} : memref<128x272xf32, #tpu.memory_space<vmem>>, vector<128x272xf32>,
    %swap3A_32 = arith.constant 0 : index
    %swap3A_33 = arith.constant 0 : index
    %swap3A_34 = vector.load %arg9[%swap3A_32, %swap3A_33] : memref<128x128xf32, #tpu.memory_space<vmem>>, vector<128x128xf32>
    tpu.vector_store %arg9[%swap3A_32, %swap3A_33], %dot_general3A_26 {strides = array<i32>} : memref<128x128xf32, #tpu.memory_space<vmem>>, vector<128x128xf32>,
    return
  }
  func.func @transform_0(%arg0: i32) -> (i32, i32) {
    %c0_i32 = arith.constant 0 : i32
    %c0_i32_0 = arith.constant 0 : i32
    return %arg0, %c0_i32 : i32, i32
  }
  func.func @transform_1(%arg0: i32) -> (i32, i32) {
    %c0_i32 = arith.constant 0 : i32
    %c0_i32_0 = arith.constant 0 : i32
    return %arg0, %c0_i32 : i32, i32
  }
  func.func @transform_2(%arg0: i32) -> (i32, i32) {
    %c0_i32 = arith.constant 0 : i32
    %c0_i32_0 = arith.constant 0 : i32
    %c0_i32_1 = arith.constant 0 : i32
    return %c0_i32, %c0_i32_0 : i32, i32
  }
  func.func @transform_3(%arg0: i32) -> (i32, i32) {
    %c0_i32 = arith.constant 0 : i32
    %c0_i32_0 = arith.constant 0 : i32
    %c0_i32_1 = arith.constant 0 : i32
    return %c0_i32, %c0_i32_0 : i32, i32
  }
  func.func @transform_4(%arg0: i32) -> (i32, i32) {
    %c0_i32 = arith.constant 0 : i32
    %c0_i32_0 = arith.constant 0 : i32
    %c0_i32_1 = arith.constant 0 : i32
    return %c0_i32, %c0_i32_0 : i32, i32
  }
  func.func @transform_5(%arg0: i32) -> (i32, i32) {
    %c0_i32 = arith.constant 0 : i32
    %c0_i32_0 = arith.constant 0 : i32
    %c0_i32_1 = arith.constant 0 : i32
    return %c0_i32, %c0_i32_0 : i32, i32
  }
  func.func @transform_6(%arg0: i32) -> (i32, i32) {
    %c0_i32 = arith.constant 0 : i32
    %c0_i32_0 = arith.constant 0 : i32
    %c0_i32_1 = arith.constant 0 : i32
    return %c0_i32, %c0_i32_0 : i32, i32
  }
  func.func @transform_7(%arg0: i32) -> (i32, i32) {
    %c0_i32 = arith.constant 0 : i32
    %c0_i32_0 = arith.constant 0 : i32
    return %arg0, %c0_i32 : i32, i32
  }
  func.func @transform_8(%arg0: i32) -> (i32, i32) {
    %c0_i32 = arith.constant 0 : i32
    %c0_i32_0 = arith.constant 0 : i32
    return %arg0, %c0_i32 : i32, i32
  }
}

module attributes {stable_mosaic.version = 14 : i64} {
  func.func @body(%arg0: i32, %arg1: memref<17x128x272xf32, #tpu.memory_space<vmem>>, %arg2: memref<128x128xf32, #tpu.memory_space<vmem>>, %arg3: memref<128x16xf32, #tpu.memory_space<vmem>>, %arg4: memref<3x64xf32, #tpu.memory_space<vmem>>, %arg5: memref<1x64xf32, #tpu.memory_space<vmem>>, %arg6: memref<64x128xf32, #tpu.memory_space<vmem>>, %arg7: memref<1x128xf32, #tpu.memory_space<vmem>>, %arg8: memref<128x64xf32, #tpu.memory_space<vmem>>, %arg9: memref<1x64xf32, #tpu.memory_space<vmem>>, %arg10: memref<64x128xf32, #tpu.memory_space<vmem>>, %arg11: memref<1x128xf32, #tpu.memory_space<vmem>>, %arg12: memref<128x128xf32, #tpu.memory_space<vmem>>, %arg13: memref<1x128xf32, #tpu.memory_space<vmem>>, %arg14: memref<128x128xf32, #tpu.memory_space<vmem>>) attributes {dimension_semantics = [#tpu.dimension_semantics<arbitrary>], iteration_bounds = array<i64: 5>, scalar_prefetch = 0 : i64, scratch_operands = 0 : i64, tpu.core_type = #tpu.core_type<tc>, window_params = [{transform_indices = @transform_0, window_bounds = array<i64: 17, 128, 272>}, {transform_indices = @transform_1, window_bounds = array<i64: 128, 128>}, {transform_indices = @transform_2, window_bounds = array<i64: 128, 16>}, {pipeline_mode = #tpu.pipeline_mode<synchronous>, transform_indices = @transform_3, window_bounds = array<i64: 3, 64>}, {pipeline_mode = #tpu.pipeline_mode<synchronous>, transform_indices = @transform_4, window_bounds = array<i64: 1, 64>}, {pipeline_mode = #tpu.pipeline_mode<synchronous>, transform_indices = @transform_5, window_bounds = array<i64: 64, 128>}, {pipeline_mode = #tpu.pipeline_mode<synchronous>, transform_indices = @transform_6, window_bounds = array<i64: 1, 128>}, {pipeline_mode = #tpu.pipeline_mode<synchronous>, transform_indices = @transform_7, window_bounds = array<i64: 128, 64>}, {pipeline_mode = #tpu.pipeline_mode<synchronous>, transform_indices = @transform_8, window_bounds = array<i64: 1, 64>}, {pipeline_mode = #tpu.pipeline_mode<synchronous>, transform_indices = @transform_9, window_bounds = array<i64: 64, 128>}, {pipeline_mode = #tpu.pipeline_mode<synchronous>, transform_indices = @transform_10, window_bounds = array<i64: 1, 128>}, {pipeline_mode = #tpu.pipeline_mode<synchronous>, transform_indices = @transform_11, window_bounds = array<i64: 128, 128>}, {pipeline_mode = #tpu.pipeline_mode<synchronous>, transform_indices = @transform_12, window_bounds = array<i64: 1, 128>}, {transform_indices = @transform_13, window_bounds = array<i64: 128, 128>}]} {
    %get3A = arith.constant 0 : index
    %get3A_0 = arith.constant 0 : index
    %get3A_1 = arith.constant 0 : index
    %get3A_2 = vector.load %arg1[%get3A, %get3A_0, %get3A_1] : memref<17x128x272xf32, #tpu.memory_space<vmem>>, vector<17x128x272xf32>
    %reshape3A = vector.shape_cast %get3A_2 : vector<17x128x272xf32> to vector<2176x272xf32>
    %slice3A = vector.extract_strided_slice %reshape3A {offsets = [0, 0], sizes = [2176, 128], strides = [1, 1]} : vector<2176x272xf32> to vector<2176x128xf32>
    %slice3A_3 = vector.extract_strided_slice %reshape3A {offsets = [0, 128], sizes = [2176, 128], strides = [1, 1]} : vector<2176x272xf32> to vector<2176x128xf32>
    %slice3A_4 = vector.extract_strided_slice %reshape3A {offsets = [0, 256], sizes = [2176, 3], strides = [1, 1]} : vector<2176x272xf32> to vector<2176x3xf32>
    %get3A_5 = arith.constant 0 : index
    %get3A_6 = arith.constant 0 : index
    %get3A_7 = vector.load %arg3[%get3A_5, %get3A_6] : memref<128x16xf32, #tpu.memory_space<vmem>>, vector<128x16xf32>
    %slice3A_8 = vector.extract_strided_slice %get3A_7 {offsets = [0, 0], sizes = [128, 3], strides = [1, 1]} : vector<128x16xf32> to vector<128x3xf32>
    %broadcast_in_dim3A = vector.shape_cast %slice3A_8 : vector<128x3xf32> to vector<1x128x3xf32>
    %broadcast_in_dim3A_9 = vector.shape_cast %broadcast_in_dim3A : vector<1x128x3xf32> to vector<1x128x3xf32>
    %broadcast_in_dim3A_10 = vector.broadcast %broadcast_in_dim3A_9 : vector<1x128x3xf32> to vector<17x128x3xf32>
    %reshape3A_11 = vector.shape_cast %broadcast_in_dim3A_10 : vector<17x128x3xf32> to vector<2176x3xf32>
    %sub3A = arith.subf %reshape3A_11, %slice3A_4 : vector<2176x3xf32>
    %get3A_12 = arith.constant 0 : index
    %get3A_13 = arith.constant 0 : index
    %get3A_14 = vector.load %arg4[%get3A_12, %get3A_13] : memref<3x64xf32, #tpu.memory_space<vmem>>, vector<3x64xf32>
    %dot_general3A = arith.constant dense<0.000000e+00> : vector<2176x64xf32>
    %dot_general3A_15 = tpu.matmul %sub3A, %get3A_14, %dot_general3A {dimension_numbers = #tpu.dot_dimension_numbers<[1], [0], [0], [1], [0, 0, 1, 1], [], []>, transpose_lhs_hint = false} : vector<2176x3xf32>, vector<3x64xf32>, vector<2176x64xf32> -> vector<2176x64xf32>
    %get3A_16 = arith.constant 0 : index
    %get3A_17 = arith.constant 0 : index
    %get3A_18 = vector.load %arg5[%get3A_16, %get3A_17] : memref<1x64xf32, #tpu.memory_space<vmem>>, vector<1x64xf32>
    %add3A = vector.broadcast %get3A_18 : vector<1x64xf32> to vector<2176x64xf32>
    %add3A_19 = arith.addf %dot_general3A_15, %add3A : vector<2176x64xf32>
    %max3A = arith.constant 0.000000e+00 : f32
    %max3A_20 = vector.broadcast %max3A : f32 to vector<2176x64xf32>
    %max3A_21 = arith.maximumf %add3A_19, %max3A_20 : vector<2176x64xf32>
    %get3A_22 = arith.constant 0 : index
    %get3A_23 = arith.constant 0 : index
    %get3A_24 = vector.load %arg6[%get3A_22, %get3A_23] : memref<64x128xf32, #tpu.memory_space<vmem>>, vector<64x128xf32>
    %dot_general3A_25 = arith.constant dense<0.000000e+00> : vector<2176x128xf32>
    %dot_general3A_26 = tpu.matmul %max3A_21, %get3A_24, %dot_general3A_25 {dimension_numbers = #tpu.dot_dimension_numbers<[1], [0], [0], [1], [0, 0, 1, 1], [], []>, transpose_lhs_hint = false} : vector<2176x64xf32>, vector<64x128xf32>, vector<2176x128xf32> -> vector<2176x128xf32>
    %get3A_27 = arith.constant 0 : index
    %get3A_28 = arith.constant 0 : index
    %get3A_29 = vector.load %arg7[%get3A_27, %get3A_28] : memref<1x128xf32, #tpu.memory_space<vmem>>, vector<1x128xf32>
    %add3A_30 = vector.broadcast %get3A_29 : vector<1x128xf32> to vector<2176x128xf32>
    %add3A_31 = arith.addf %dot_general3A_26, %add3A_30 : vector<2176x128xf32>
    %max3A_32 = arith.constant 0.000000e+00 : f32
    %max3A_33 = vector.broadcast %max3A_32 : f32 to vector<2176x128xf32>
    %max3A_34 = arith.maximumf %add3A_31, %max3A_33 : vector<2176x128xf32>
    %get3A_35 = arith.constant 0 : index
    %get3A_36 = arith.constant 0 : index
    %get3A_37 = vector.load %arg2[%get3A_35, %get3A_36] : memref<128x128xf32, #tpu.memory_space<vmem>>, vector<128x128xf32>
    %broadcast_in_dim3A_38 = vector.shape_cast %get3A_37 : vector<128x128xf32> to vector<1x128x128xf32>
    %broadcast_in_dim3A_39 = vector.shape_cast %broadcast_in_dim3A_38 : vector<1x128x128xf32> to vector<1x128x128xf32>
    %broadcast_in_dim3A_40 = vector.broadcast %broadcast_in_dim3A_39 : vector<1x128x128xf32> to vector<17x128x128xf32>
    %reshape3A_41 = vector.shape_cast %broadcast_in_dim3A_40 : vector<17x128x128xf32> to vector<2176x128xf32>
    %sub3A_42 = arith.subf %reshape3A_41, %slice3A : vector<2176x128xf32>
    %add3A_43 = arith.addf %sub3A_42, %max3A_34 : vector<2176x128xf32>
    %get3A_44 = arith.constant 0 : index
    %get3A_45 = arith.constant 0 : index
    %get3A_46 = vector.load %arg8[%get3A_44, %get3A_45] : memref<128x64xf32, #tpu.memory_space<vmem>>, vector<128x64xf32>
    %dot_general3A_47 = arith.constant dense<0.000000e+00> : vector<2176x64xf32>
    %dot_general3A_48 = tpu.matmul %add3A_43, %get3A_46, %dot_general3A_47 {dimension_numbers = #tpu.dot_dimension_numbers<[1], [0], [0], [1], [0, 0, 1, 1], [], []>, transpose_lhs_hint = false} : vector<2176x128xf32>, vector<128x64xf32>, vector<2176x64xf32> -> vector<2176x64xf32>
    %get3A_49 = arith.constant 0 : index
    %get3A_50 = arith.constant 0 : index
    %get3A_51 = vector.load %arg9[%get3A_49, %get3A_50] : memref<1x64xf32, #tpu.memory_space<vmem>>, vector<1x64xf32>
    %add3A_52 = vector.broadcast %get3A_51 : vector<1x64xf32> to vector<2176x64xf32>
    %add3A_53 = arith.addf %dot_general3A_48, %add3A_52 : vector<2176x64xf32>
    %max3A_54 = arith.constant 0.000000e+00 : f32
    %max3A_55 = vector.broadcast %max3A_54 : f32 to vector<2176x64xf32>
    %max3A_56 = arith.maximumf %add3A_53, %max3A_55 : vector<2176x64xf32>
    %get3A_57 = arith.constant 0 : index
    %get3A_58 = arith.constant 0 : index
    %get3A_59 = vector.load %arg10[%get3A_57, %get3A_58] : memref<64x128xf32, #tpu.memory_space<vmem>>, vector<64x128xf32>
    %dot_general3A_60 = arith.constant dense<0.000000e+00> : vector<2176x128xf32>
    %dot_general3A_61 = tpu.matmul %max3A_56, %get3A_59, %dot_general3A_60 {dimension_numbers = #tpu.dot_dimension_numbers<[1], [0], [0], [1], [0, 0, 1, 1], [], []>, transpose_lhs_hint = false} : vector<2176x64xf32>, vector<64x128xf32>, vector<2176x128xf32> -> vector<2176x128xf32>
    %get3A_62 = arith.constant 0 : index
    %get3A_63 = arith.constant 0 : index
    %get3A_64 = vector.load %arg11[%get3A_62, %get3A_63] : memref<1x128xf32, #tpu.memory_space<vmem>>, vector<1x128xf32>
    %add3A_65 = vector.broadcast %get3A_64 : vector<1x128xf32> to vector<2176x128xf32>
    %add3A_66 = arith.addf %dot_general3A_61, %add3A_65 : vector<2176x128xf32>
    %max3A_67 = arith.constant 0.000000e+00 : f32
    %max3A_68 = vector.broadcast %max3A_67 : f32 to vector<2176x128xf32>
    %max3A_69 = arith.maximumf %add3A_66, %max3A_68 : vector<2176x128xf32>
    %reshape3A_70 = vector.shape_cast %max3A_69 : vector<2176x128xf32> to vector<17x128x128xf32>
    %reduce_max3A = arith.constant dense<0xFF800000> : vector<128x128xf32>
    %reduce_max3A_71 = vector.multi_reduction <maximumf>, %reshape3A_70, %reduce_max3A [0] : vector<17x128x128xf32> to vector<128x128xf32>
    %broadcast_in_dim3A_72 = vector.shape_cast %reduce_max3A_71 : vector<128x128xf32> to vector<1x128x128xf32>
    %sub3A_73 = vector.broadcast %broadcast_in_dim3A_72 : vector<1x128x128xf32> to vector<17x128x128xf32>
    %sub3A_74 = arith.subf %reshape3A_70, %sub3A_73 : vector<17x128x128xf32>
    %exp3A = math.exp %sub3A_74 : vector<17x128x128xf32>
    %reduce_sum3A = arith.constant dense<0.000000e+00> : vector<128x128xf32>
    %reduce_sum3A_75 = vector.multi_reduction <add>, %exp3A, %reduce_sum3A [0] : vector<17x128x128xf32> to vector<128x128xf32>
    %broadcast_in_dim3A_76 = vector.shape_cast %reduce_sum3A_75 : vector<128x128xf32> to vector<1x128x128xf32>
    %add3A_77 = arith.constant 1.000000e-16 : f32
    %add3A_78 = vector.broadcast %add3A_77 : f32 to vector<1x128x128xf32>
    %add3A_79 = arith.addf %broadcast_in_dim3A_76, %add3A_78 : vector<1x128x128xf32>
    %div3A = vector.broadcast %add3A_79 : vector<1x128x128xf32> to vector<17x128x128xf32>
    %div3A_80 = arith.divf %exp3A, %div3A : vector<17x128x128xf32>
    %add3A_81 = arith.addf %slice3A_3, %max3A_34 : vector<2176x128xf32>
    %reshape3A_82 = vector.shape_cast %add3A_81 : vector<2176x128xf32> to vector<17x128x128xf32>
    %mul3A = arith.mulf %div3A_80, %reshape3A_82 : vector<17x128x128xf32>
    %reduce_sum3A_83 = arith.constant dense<0.000000e+00> : vector<128x128xf32>
    %reduce_sum3A_84 = vector.multi_reduction <add>, %mul3A, %reduce_sum3A_83 [0] : vector<17x128x128xf32> to vector<128x128xf32>
    %get3A_85 = arith.constant 0 : index
    %get3A_86 = arith.constant 0 : index
    %get3A_87 = vector.load %arg12[%get3A_85, %get3A_86] : memref<128x128xf32, #tpu.memory_space<vmem>>, vector<128x128xf32>
    %dot_general3A_88 = arith.constant dense<0.000000e+00> : vector<128x128xf32>
    %dot_general3A_89 = tpu.matmul %reduce_sum3A_84, %get3A_87, %dot_general3A_88 {dimension_numbers = #tpu.dot_dimension_numbers<[1], [0], [0], [1], [0, 0, 1, 1], [], []>, transpose_lhs_hint = false} : vector<128x128xf32>, vector<128x128xf32>, vector<128x128xf32> -> vector<128x128xf32>
    %get3A_90 = arith.constant 0 : index
    %get3A_91 = arith.constant 0 : index
    %get3A_92 = vector.load %arg13[%get3A_90, %get3A_91] : memref<1x128xf32, #tpu.memory_space<vmem>>, vector<1x128xf32>
    %add3A_93 = vector.broadcast %get3A_92 : vector<1x128xf32> to vector<128x128xf32>
    %add3A_94 = arith.addf %dot_general3A_89, %add3A_93 : vector<128x128xf32>
    %max3A_95 = arith.constant 0.000000e+00 : f32
    %max3A_96 = vector.broadcast %max3A_95 : f32 to vector<128x128xf32>
    %max3A_97 = arith.maximumf %add3A_94, %max3A_96 : vector<128x128xf32>
    %swap3A = arith.constant 0 : index
    %swap3A_98 = arith.constant 0 : index
    %swap3A_99 = vector.load %arg14[%swap3A, %swap3A_98] : memref<128x128xf32, #tpu.memory_space<vmem>>, vector<128x128xf32>
    tpu.vector_store %arg14[%swap3A, %swap3A_98], %max3A_97 {strides = array<i32>} : memref<128x128xf32, #tpu.memory_space<vmem>>, vector<128x128xf32>,
    return
  }
  func.func @transform_0(%arg0: i32) -> (i32, i32, i32) {
    %c0_i32 = arith.constant 0 : i32
    %c0_i32_0 = arith.constant 0 : i32
    %c0_i32_1 = arith.constant 0 : i32
    return %c0_i32, %arg0, %c0_i32_0 : i32, i32, i32
  }
  func.func @transform_1(%arg0: i32) -> (i32, i32) {
    %c0_i32 = arith.constant 0 : i32
    %c0_i32_0 = arith.constant 0 : i32
    return %arg0, %c0_i32 : i32, i32
  }
  func.func @transform_2(%arg0: i32) -> (i32, i32) {
    %c0_i32 = arith.constant 0 : i32
    %c0_i32_0 = arith.constant 0 : i32
    return %arg0, %c0_i32 : i32, i32
  }
  func.func @transform_3(%arg0: i32) -> (i32, i32) {
    %c0_i32 = arith.constant 0 : i32
    %c0_i32_0 = arith.constant 0 : i32
    %c0_i32_1 = arith.constant 0 : i32
    return %c0_i32, %c0_i32_0 : i32, i32
  }
  func.func @transform_4(%arg0: i32) -> (i32, i32) {
    %c0_i32 = arith.constant 0 : i32
    %c0_i32_0 = arith.constant 0 : i32
    %c0_i32_1 = arith.constant 0 : i32
    return %c0_i32, %c0_i32_0 : i32, i32
  }
  func.func @transform_5(%arg0: i32) -> (i32, i32) {
    %c0_i32 = arith.constant 0 : i32
    %c0_i32_0 = arith.constant 0 : i32
    %c0_i32_1 = arith.constant 0 : i32
    return %c0_i32, %c0_i32_0 : i32, i32
  }
  func.func @transform_6(%arg0: i32) -> (i32, i32) {
    %c0_i32 = arith.constant 0 : i32
    %c0_i32_0 = arith.constant 0 : i32
    %c0_i32_1 = arith.constant 0 : i32
    return %c0_i32, %c0_i32_0 : i32, i32
  }
  func.func @transform_7(%arg0: i32) -> (i32, i32) {
    %c0_i32 = arith.constant 0 : i32
    %c0_i32_0 = arith.constant 0 : i32
    %c0_i32_1 = arith.constant 0 : i32
    return %c0_i32, %c0_i32_0 : i32, i32
  }
  func.func @transform_8(%arg0: i32) -> (i32, i32) {
    %c0_i32 = arith.constant 0 : i32
    %c0_i32_0 = arith.constant 0 : i32
    %c0_i32_1 = arith.constant 0 : i32
    return %c0_i32, %c0_i32_0 : i32, i32
  }
  func.func @transform_9(%arg0: i32) -> (i32, i32) {
    %c0_i32 = arith.constant 0 : i32
    %c0_i32_0 = arith.constant 0 : i32
    %c0_i32_1 = arith.constant 0 : i32
    return %c0_i32, %c0_i32_0 : i32, i32
  }
  func.func @transform_10(%arg0: i32) -> (i32, i32) {
    %c0_i32 = arith.constant 0 : i32
    %c0_i32_0 = arith.constant 0 : i32
    %c0_i32_1 = arith.constant 0 : i32
    return %c0_i32, %c0_i32_0 : i32, i32
  }
  func.func @transform_11(%arg0: i32) -> (i32, i32) {
    %c0_i32 = arith.constant 0 : i32
    %c0_i32_0 = arith.constant 0 : i32
    %c0_i32_1 = arith.constant 0 : i32
    return %c0_i32, %c0_i32_0 : i32, i32
  }
  func.func @transform_12(%arg0: i32) -> (i32, i32) {
    %c0_i32 = arith.constant 0 : i32
    %c0_i32_0 = arith.constant 0 : i32
    %c0_i32_1 = arith.constant 0 : i32
    return %c0_i32, %c0_i32_0 : i32, i32
  }
  func.func @transform_13(%arg0: i32) -> (i32, i32) {
    %c0_i32 = arith.constant 0 : i32
    %c0_i32_0 = arith.constant 0 : i32
    return %arg0, %c0_i32 : i32, i32
  }
}

module attributes {stable_mosaic.version = 14 : i64} {
  func.func @body(%arg0: memref<625x128xf32, #tpu.memory_space<vmem>>, %arg1: memref<128x64xf32, #tpu.memory_space<vmem>>, %arg2: memref<1x64xf32, #tpu.memory_space<vmem>>, %arg3: memref<64x256xf32, #tpu.memory_space<vmem>>, %arg4: memref<1x256xf32, #tpu.memory_space<vmem>>, %arg5: memref<1x256xf32, #tpu.memory_space<vmem>>) attributes {dimension_semantics = [], scalar_prefetch = 0 : i64, scratch_operands = 0 : i64, tpu.core_type = #tpu.core_type<tc>} {
    %get3A = arith.constant 0 : index
    %get3A_0 = arith.constant 0 : index
    %get3A_1 = vector.load %arg0[%get3A, %get3A_0] : memref<625x128xf32, #tpu.memory_space<vmem>>, vector<625x128xf32>
    %reduce_sum3A = arith.constant dense<0.000000e+00> : vector<128xf32>
    %reduce_sum3A_2 = vector.multi_reduction <add>, %get3A_1, %reduce_sum3A [0] : vector<625x128xf32> to vector<128xf32>
    %broadcast_in_dim3A = vector.shape_cast %reduce_sum3A_2 : vector<128xf32> to vector<1x128xf32>
    %mul3A = arith.constant 1.600000e-03 : f32
    %mul3A_3 = vector.broadcast %mul3A : f32 to vector<1x128xf32>
    %mul3A_4 = arith.mulf %broadcast_in_dim3A, %mul3A_3 : vector<1x128xf32>
    %get3A_5 = arith.constant 0 : index
    %get3A_6 = arith.constant 0 : index
    %get3A_7 = vector.load %arg1[%get3A_5, %get3A_6] : memref<128x64xf32, #tpu.memory_space<vmem>>, vector<128x64xf32>
    %dot_general3A = arith.constant dense<0.000000e+00> : vector<1x64xf32>
    %dot_general3A_8 = tpu.matmul %mul3A_4, %get3A_7, %dot_general3A {dimension_numbers = #tpu.dot_dimension_numbers<[1], [0], [0], [1], [0, 0, 1, 1], [], []>, transpose_lhs_hint = false} : vector<1x128xf32>, vector<128x64xf32>, vector<1x64xf32> -> vector<1x64xf32>
    %get3A_9 = arith.constant 0 : index
    %get3A_10 = arith.constant 0 : index
    %get3A_11 = vector.load %arg2[%get3A_9, %get3A_10] : memref<1x64xf32, #tpu.memory_space<vmem>>, vector<1x64xf32>
    %add3A = arith.addf %dot_general3A_8, %get3A_11 : vector<1x64xf32>
    %max3A = arith.constant 0.000000e+00 : f32
    %max3A_12 = vector.broadcast %max3A : f32 to vector<1x64xf32>
    %max3A_13 = arith.maximumf %add3A, %max3A_12 : vector<1x64xf32>
    %get3A_14 = arith.constant 0 : index
    %get3A_15 = arith.constant 0 : index
    %get3A_16 = vector.load %arg3[%get3A_14, %get3A_15] : memref<64x256xf32, #tpu.memory_space<vmem>>, vector<64x256xf32>
    %dot_general3A_17 = arith.constant dense<0.000000e+00> : vector<1x256xf32>
    %dot_general3A_18 = tpu.matmul %max3A_13, %get3A_16, %dot_general3A_17 {dimension_numbers = #tpu.dot_dimension_numbers<[1], [0], [0], [1], [0, 0, 1, 1], [], []>, transpose_lhs_hint = false} : vector<1x64xf32>, vector<64x256xf32>, vector<1x256xf32> -> vector<1x256xf32>
    %get3A_19 = arith.constant 0 : index
    %get3A_20 = arith.constant 0 : index
    %get3A_21 = vector.load %arg4[%get3A_19, %get3A_20] : memref<1x256xf32, #tpu.memory_space<vmem>>, vector<1x256xf32>
    %add3A_22 = arith.addf %dot_general3A_18, %get3A_21 : vector<1x256xf32>
    %swap3A = arith.constant 0 : index
    %swap3A_23 = arith.constant 0 : index
    %swap3A_24 = vector.load %arg5[%swap3A, %swap3A_23] : memref<1x256xf32, #tpu.memory_space<vmem>>, vector<1x256xf32>
    tpu.vector_store %arg5[%swap3A, %swap3A_23], %add3A_22 {strides = array<i32>} : memref<1x256xf32, #tpu.memory_space<vmem>>, vector<1x256xf32>,
    return
  }
}

</mosaic_0001>

<sc_bundles>
// kernel: kernel.28.cloned.1.call-start
scs
__scs_entry_jumppad:
0x0: {  	(pc) =	sbr.rel $0x88, $3  }
0x1: {  	(tag) =	ssettag $0x0;
	lr =	simm.s32 $0x1  }
0x2: {  	[smem:$0x3F68] =	sst lr;
	_ =	strace $0xD0000000  }
0x3: {  	_ = 	snop  }
0x4: {  	_ = 	snop  }
0x5: {  	_ = 	snop  }
0x6: {  	_ = 	snop  }
0x7: {  	_ = 	snop  }
__scs_overlays_trampoline_lowered:
0x8: {  	[smem:$0x3F77] =	sst s0  }
0x9: {  	[smem:$0x3F78] =	sst s1  }
0xa: {  	[smem:$0x3F79] =	sst s2  }
0xb: {  	[smem:$0x3F7A] =	sst s3  }
0xc: {  	[smem:$0x3F7B] =	sst s4  }
0xd: {  	[smem:$0x3F7C] =	sst s5  }
0xe: {  	[smem:$0x3F7D] =	sst s6  }
0xf: {  	[smem:$0x3F7E] =	sst s7  }
0x10: {  	[smem:$0x3F7F] =	sst s8  }
0x11: {  	[smem:$0x3F80] =	sst s9;
	s0 =	simm.s32 @!p0 $0x0  }
0x12: {  	s1 =	sld [smem:$0x3F66];
	s0 =	simm.s32 @p0 $0x1  }
0x13: {  	[smem:$0x3F81] =	sst s0;
	s0 =	simm.s32 @!p1 $0x0  }
0x14: {  	s2 =	sld [smem:$0x3F65];
	s0 =	simm.s32 @p1 $0x1  }
0x15: {  	[smem:$0x3F82] =	sst s0;
	s0 =	simm.s32 @!p2 $0x0  }
0x16: {  	s3 =	sld [smem:$0x3FDB];
	s0 =	simm.s32 @p2 $0x1  }
0x17: {  	s4 =	simm.s32 $0x1BF5;
	[smem:$0x3F84] =	sst s0  }
0x18: {  	s0 =	sld [smem:$0x3F67];
	_ =	swait.ge [sflag:s4], $0x0  }
0x19: {  	s7 =	sld [smem:$0x3F68]  }
0x1a: {  	s8 =	sadd.s32 $0xFFFFE003, lr  }
0x1b: {  	s9 =	sadd.s32 $0xFFFFFEF7, lr;
	s5 =	simm.s32 $0xFFFFFFFF;
	p2 =	slt.u32 s8, $0xFFFFF086  }
0x1c: {  	p1 =	slt.u32 s9, $0xF7A;
	s5 =	simm.s32 @!p2 $0x0  }
0x1d: {  	s5 =	simm.s32 @p1 $0x1;
	p0 =	seq.s32 s7, s2  }
0x1e: {  	s7 =	smul.u32 @!p0 $0xF7A, s2;
	p2 =	seq.s32 @!p0 s5, $0x0  }
0x1f: {  	s9 =	smul.u32 $0xF7A, s1;
	s8 =	simm.s32 @!p0 $0x1BF5;
	p2 =	por !p2, p0  }
0x20: {  	[sflag:s8] =	ssyncset.s32 @!p0 $0xFFFFF086;
	s6 =	sadd.s32 @!p0 s3, s7;
	s7 =	simm.s32 @!p0 $0x108  }
0x21: {  	s3 =	sadd.s32 s3, s9;
	s6 =	sadd.s32 @!p0 $0x88, s6;
	s7 =	simm.s32 @p2 $0x1082  }
0x22: {  	[simem:s7], [sflag:s8] =	dma.local @!p0 [hbm:s6], $0xF7A  }
0x23: {  	s9 =	sor.u32 $0xD0000000, s2;
	s6 =	simm.s32 $0x108;
	_ =	swait.ge @!p0 [sflag:s8], $0x0  }
0x24: {  	s3 =	sadd.s32 $0x88, s3;
	s6 =	simm.s32 @!p1 $0x1082;
	[sflag:s4] =	ssyncset.s32 $0xFFFFF086  }
0x25: {  	[simem:s6], [sflag:s4] =	dma.local [hbm:s3], $0xF7A  }
0x26: {  	[smem:$0x3F68] =	sst s1;
	(tag) =	ssettag s2;
	_ =	strace s9  }
0x27: {  	s1 =	sld [smem:$0x3F78]  }
0x28: {  	s2 =	sld [smem:$0x3F79]  }
0x29: {  	s4 =	sld [smem:$0x3F7B]  }
0x2a: {  	p0 =	seq.s32 s5, $0x0;
	s5 =	sld [smem:$0x3F7C]  }
0x2b: {  	s6 =	sld [smem:$0x3F7D]  }
0x2c: {  	s7 =	sld [smem:$0x3F7E]  }
0x2d: {  	s3 =	simm.s32 $0x108;
	s8 =	sld [smem:$0x3F7F]  }
0x2e: {  	s3 =	simm.s32 @!p0 $0x1082;
	s9 =	sld [smem:$0x3F80]  }
0x2f: {  	lr =	sadd.s32 s0, s3;
	s0 =	sld [smem:$0x3F77]  }
0x30: {  	s3 =	sld [smem:$0x3F7A]  }
0x31: {  	[smem:$0x3F83] =	sst s10  }
0x32: {  	s10 =	sld [smem:$0x3F81];
	_ =	sdelay $0x3  }
0x33: {  	p0 =	seq.s32 s10, $0x1;
	s10 =	sld [smem:$0x3F83];
	_ =	sdelay $0x3  }
0x34: {  	[smem:$0x3F83] =	sst s10  }
0x35: {  	s10 =	sld [smem:$0x3F82];
	_ =	sdelay $0x3  }
0x36: {  	p1 =	seq.s32 s10, $0x1;
	s10 =	sld [smem:$0x3F83];
	_ =	sdelay $0x3  }
0x37: {  	[smem:$0x3F83] =	sst s10  }
0x38: {  	s10 =	sld [smem:$0x3F84]  }
0x39: {  	_ = 	snop;
	(pc) =	sbr.ind lr, $3  }
0x3a: {  	_ = 	snop  }
0x3b: {  	_ = 	snop  }
0x3c: {  	p2 =	seq.s32 s10, $0x1;
	s10 =	sld [smem:$0x3F83]  }
0x3d: {  	_ =	shalt  }
0x3e: {  	_ =	shalt  }
0x3f: {  	_ =	shalt  }
0x40: {  	_ =	shalt  }
0x41: {  	_ =	shalt  }
0x42: {  	_ =	shalt  }
0x43: {  	_ =	shalt  }
0x44: {  	_ =	shalt  }
0x45: {  	_ =	shalt  }
0x46: {  	_ =	shalt  }
0x47: {  	_ =	shalt  }
0x48: {  	_ =	shalt  }
0x49: {  	_ =	shalt  }
0x4a: {  	_ =	shalt  }
0x4b: {  	_ =	shalt  }
0x4c: {  	_ =	shalt  }
0x4d: {  	_ =	shalt  }
0x4e: {  	_ =	shalt  }
0x4f: {  	_ =	shalt  }
0x50: {  	_ =	shalt  }
0x51: {  	_ =	shalt  }
0x52: {  	_ =	shalt  }
0x53: {  	_ =	shalt  }
0x54: {  	_ =	shalt  }
0x55: {  	_ =	shalt  }
0x56: {  	_ =	shalt  }
0x57: {  	_ =	shalt  }
0x58: {  	_ =	shalt  }
0x59: {  	_ =	shalt  }
0x5a: {  	_ =	shalt  }
0x5b: {  	_ =	shalt  }
0x5c: {  	_ =	shalt  }
0x5d: {  	_ =	shalt  }
0x5e: {  	_ =	shalt  }
0x5f: {  	_ =	shalt  }
0x60: {  	_ =	shalt  }
0x61: {  	_ =	shalt  }
0x62: {  	_ =	shalt  }
0x63: {  	_ =	shalt  }
0x64: {  	_ =	shalt  }
0x65: {  	_ =	shalt  }
0x66: {  	_ =	shalt  }
0x67: {  	_ =	shalt  }
0x68: {  	_ =	shalt  }
0x69: {  	_ =	shalt  }
0x6a: {  	_ =	shalt  }
0x6b: {  	_ =	shalt  }
0x6c: {  	_ =	shalt  }
0x6d: {  	_ =	shalt  }
0x6e: {  	_ =	shalt  }
0x6f: {  	_ =	shalt  }
0x70: {  	_ =	shalt  }
0x71: {  	_ =	shalt  }
0x72: {  	_ =	shalt  }
0x73: {  	_ =	shalt  }
0x74: {  	_ =	shalt  }
0x75: {  	_ =	shalt  }
0x76: {  	_ =	shalt  }
0x77: {  	_ =	shalt  }
0x78: {  	_ =	shalt  }
0x79: {  	_ =	shalt  }
0x7a: {  	_ =	shalt  }
0x7b: {  	_ =	shalt  }
0x7c: {  	_ =	shalt  }
0x7d: {  	_ =	shalt  }
0x7e: {  	_ =	shalt  }
0x7f: {  	_ =	shalt  }
0x80: {  	_ =	shalt  }
0x81: {  	_ =	shalt  }
0x82: {  	_ =	shalt  }
0x83: {  	_ =	shalt  }
0x84: {  	_ =	shalt  }
0x85: {  	_ =	shalt  }
0x86: {  	_ =	shalt  }
0x87: {  	_ =	shalt  }
.Lfunc_end0:
.L_simem_size_0:
called_computation_lowered:
.L_overlay_start_0:
0x88: {  	s2 =	sld [smem:$0x3FD9]  }
0x89: {  	s3 =	sld [smem:$0x3FFE];
	_ =	sdelay $0x1  }
0x8a: {  	s1 =	srdreg.scid  }
0x8b: {  	s0 =	sand.u32 $0x1, s1  }
0x8c: {  	s17 =	sshll.u32 s0, $0xA;
	s2 =	sadd.s32 s3, s2  }
0x8d: {  	s2 =	sadd.s32 s2, s17  }
0x8e: {  	[smem:$0x3F8F] =	sst s2  }
0x8f: {  	_ = 	snop  }
0x90: {  	(tm) =	ssettm $0x1  }
0x91: {  	s18 =	sld [smem:$0x3FFB];
	_ =	sdelay $0x3  }
0x92: {  	_ =	strace s18  }
0x93: {  	s2 =	sld [smem:$0x3FFC];
	_ =	sdelay $0x3  }
0x94: {  	_ =	strace s2  }
0x95: {  	s2 =	sld [smem:$0x3FFD];
	_ =	sdelay $0x3  }
0x96: {  	_ =	strace s2  }
0x97: {  	_ =	strace $0x8FFFFFFF  }
0x98: {  	s19 =	sld [smem:$0x3FDB];
	_ =	sdelay $0x1  }
0x99: {  	s20 =	simm.s32 $_scs_section_size  }
0x9a: {  	s4 =	simm.s32 $_size__tile_overlayer_lowered;
	s5 =	simm.s32 $_tile_overlayer_lowered  }
0x9b: {  	s6 =	simm.s32 $0x1BFF;
	s21 =	sshll.u32 s5, $0x1;
	s3 =	sadd.s32 s20, s19  }
0x9c: {  	s22 =	simm.s32 $0x0;
	s4 =	sshll.u32 s4, $0x1;
	s5 =	sadd.s32 s21, s3  }
0x9d: {  	[timem:s22], [sflag:s6] =	dma.local [hbm:s5], s4  }
0x9e: {  	_ =	swait.ge [sflag:s6], s4  }
0x9f: {  	s4 =	ssub.s32 $0x0, s4;
	[sflag:s6] =	ssyncset.done $0x0  }
0xa0: {  	[sflag:s6] =	ssyncadd.s32 s4;
	_ =	sdelay $0x1  }
0xa1: {  	s23 =	simm.s32 $0x1B8B  }
0xa2: {  	_ =	swait.ge [sflag:s23], $0x1  }
0xa3: {  	[sflag:s23] =	ssyncset.done $0x0  }
0xa4: {  	[sflag:s23] =	ssyncadd.s32 $0xFFFFFFFF  }
0xa5: {  	s4 =	sld [smem:$0x0]  }
0xa6: {  	s5 =	sand.u32 $0xFFFFFFFE, s1  }
0xa7: {  	p0 =	sne.s32 s1, s5  }
0xa8: {  	s5 =	sshll.u32 @p0 s5, $0xE  }
0xa9: {  	s5 =	sadd.s32 @p0 $0x11B8D, s5;
	s6 =	sshll.u32 @p0 s4, $0x11  }
0xaa: {  	s5 =	sor.u32 @p0 s6, s5  }
0xab: {  	[sflag:s5] =	ssyncadd.remote.s32 @p0 $0x1;
	_ =	sdelay $0x1  }
0xac: {  	s5 =	simm.s32 @p0 $0x1B8D  }
0xad: {  	_ =	swait.eq @p0 [sflag:s5], $0x1  }
0xae: {  	[sflag:s5] =	ssyncadd.s32 @p0 $0xFFFFFFFF  }
0xaf: {  	s6 =	sshll.u32 @!p0 s1, $0xE  }
0xb0: {  	s6 =	sor.u32 @!p0 $0x4000, s6;
	s5 =	simm.s32 @!p0 $0x1B8D  }
0xb1: {  	s4 =	sshll.u32 @!p0 s4, $0x11;
	s6 =	sadd.s32 @!p0 $0x11B8D, s6;
	_ =	swait.eq @!p0 [sflag:s5], $0x1  }
0xb2: {  	s4 =	sor.u32 @!p0 s4, s6;
	[sflag:s5] =	ssyncadd.s32 @!p0 $0xFFFFFFFF  }
0xb3: {  	s25 =	simm.s32 $0x1B8E;
	s24 =	sld [smem:$0x3FFE];
	[sflag:s4] =	ssyncadd.remote.s32 @!p0 $0x1  }
0xb4: {  	s26 =	simm.s32 $execute0_lowered;
	[smem:$0x3FD2] =	sst s25  }
0xb5: {  	s5 =	sshll.u32 s26, $0x1;
	_ =	strace $0x80000049;
	[dreg:$0x1] =	wrdreg $0xFFFFFFFF  }
0xb6: {  	s28 =	simm.s32 $_size_execute0_lowered;
	s3 =	sadd.s32 s3, s5;
	[dreg:$0x0] =	wrdreg $0x0  }
0xb7: {  	s5 =	sshll.u32 s28, $0x1;
	[dreg:$0x2] =	wrdreg s3  }
0xb8: {  	[dreg:$0x3] =	wrdreg s5  }
0xb9: {  	[dreg:$0x4] =	wrdreg $0xC0  }
0xba: {  	_ =	task [dreg:s22], $0x5FFFF  }
0xbb: {  	[dreg:$0x1] =	wrdreg $0xFFFFFFFF  }
0xbc: {  	[dreg:$0x0] =	wrdreg $0x60  }
0xbd: {  	[dreg:$0x2] =	wrdreg s24  }
0xbe: {  	[dreg:$0x3] =	wrdreg $0xA  }
0xbf: {  	_ =	task.clear_ibuf [dreg:s22], $0x4FFFF;
	_ =	strace $0x90000049  }
0xc0: {  	s29 =	simm.s32 $0xA;
	_ =	strace $0x8000004B  }
0xc1: {  	_ =	swait.ge [sflag:s29], $0x1  }
0xc2: {  	[sflag:s29] =	ssyncadd.s32 $0xFFFFFFFF  }
0xc3: {  	_ =	strace $0x9000004B  }
0xc4: {  	_ =	sfence  }
0xc5: {  	s30 =	sld [smem:$0x0];
	_ =	sdelay $0x2  }
0xc6: {  	s31 =	sshll.u32 s1, $0xD;
	s1 =	sshrl.u32 s1, $0x2  }
0xc7: {  	s4 =	sand.u32 $0x4000, s31;
	s1 =	sadd.s32 s1, s30  }
0xc8: {  	s0 =	sor.u32 s4, s0;
	s1 =	sshll.u32 s1, $0x11  }
0xc9: {  	s0 =	sor.u32 s1, s0  }
0xca: {  	s0 =	sadd.s32 $0x8F2B, s0  }
0xcb: {  	[sflag:s0] =	ssyncadd.remote.s32 $0x1  }
0xcc: {  	_ =	sfence.sel $0xFFFF  }
0xcd: {  	[dreg:$0x0] =	wrdreg $0xFFFFFFFF;
	(pc) =	sbr.abs _section_cstart, $3  }
0xce: {  	[dreg:$0x1] =	wrdreg $0xFFFFFFFF  }
0xcf: {  	_ =	task.clear_ibuf [dreg:s22], $0x2FFFF;
	_ =	strace $0x9FFFFFFF  }
0xd0: {  	(tm) =	ssettm $0x7FFFFFFF  }
0xd1: {  	_ =	shalt  }
tec
execute0_lowered:
.L_overlay_start_1:
0x0: {  	(tag) =	ssettag $0x1  }
0x1: {  	s4 =	rddreg [dreg:$0x0]  }
0x2: {  	s0 =	rddreg [dreg:$0x1];
	s1 =	stileid.u32  }
0x3: {  	s2 =	simm.s32 $0x0;
	s3 =	srdreg.scid;
	s5 =	smul.u32 $0x540, s1  }
0x4: {  	[smem:$0x7FF] =	sst s2;
	s6 =	smul.u32 $0x1A400, s1;
	s7 =	sand.u32 $0x1, s3  }
0x5: {  	s3 =	sadd.s32 $0x37000, s4;
	s8 =	ssub.s32 $0x2, s7;
	s9 =	smul.u32 $0xD200, s7  }
0x6: {  	_ =	strace $0x8000004A;
	s7 =	smul.u32 $0x2A0, s7;
	s10 =	sshrl.u32 s8, $0x1  }
0x7: {  	s5 =	sadd.s32 s5, s4;
	s6 =	sadd.s32 s6, s4;
	s31 =	ssub.s32 s8, s10  }
0x8: {  	s6 =	sadd.s32 s9, s6;
	s7 =	sadd.s32 s7, s5;
	s8 =	simm.s32 $0x80  }
0x9: {  	s9 =	simm.s32 $0x1;
	s10 =	simm.s32 $0x0;
	s4 =	smax.u32 s31, $0x1  }
0xa: {  	s5 =	sadd.s32 $0x55000, s6;
	s6 =	sadd.s32 $0x4FC00, s7;
	s7 =	simm.s32 $0x2  }
.LBB2_1:
0xb: {  	s11 =	sadd.s32 $0x0, s6  }
0xc: {  	[tilespmem:s2], [sflag:$0x2] =	stream.linear.gather [hbm4b:s11+s2], $0x80, $0x38;
	[tilespmem:$0x2880] =	vst v63  }
0xd: {  	_ =	swait.ge [sflag:s7], $0x80  }
0xe: {  	[sflag:s7] =	ssyncset.done $0x0  }
0xf: {  	[sflag:s7] =	ssyncadd.s32 $0xFFFFFF80  }
0x10: {  	[tilespmem:s8], [sflag:$0x1] =	stream.indirect.gather [hbm4b:s3+s8], $0x50, s2, s8, $0xb8;
	[tilespmem:$0x2880] =	vst v63  }
0x11: {  	_ =	swait.ge [sflag:s9], $0x2800  }
0x12: {  	[sflag:s9] =	ssyncset.done $0x0  }
0x13: {  	[sflag:s9] =	ssyncadd.s32 $0xFFFFD800  }
0x14: {  	[hbm4b:s5+s2] =	stream.linear.scatter [tilespmem:s8], [sflag:$0x2], $0x2800, $0x38;
	[tilespmem:$0x2880] =	vst v63  }
0x15: {  	s12 =	simm.s32 $0x10;
	_ =	swait.ge [sflag:s7], $0x2800  }
0x16: {  	s13 =	simm.s32 $0x20;
	s11 =	sadd.s32 $0x500, s5;
	[sflag:s7] =	ssyncset.done $0x0  }
.LBB2_2:
0x17: {  	s14 =	sadd.s32 s12, s6  }
0x18: {  	[sflag:s7] =	ssyncadd.s32 $0xFFFFD800;
	s12 =	smov.u32 s13;
	s15 =	sadd.s32 $0x10, s13  }
0x19: {  	[tilespmem:s2], [sflag:$0x2] =	stream.linear.gather [hbm4b:s14+s2], $0x80, $0x38;
	[tilespmem:$0x2880] =	vst v63  }
0x1a: {  	p0 =	sne.s32 s13, $0x290;
	_ =	swait.ge [sflag:s7], $0x80  }
0x1b: {  	[sflag:s7] =	ssyncset.done $0x0  }
0x1c: {  	[sflag:s7] =	ssyncadd.s32 $0xFFFFFF80  }
0x1d: {  	[tilespmem:s8], [sflag:$0x1] =	stream.indirect.gather [hbm4b:s3+s8], $0x50, s2, s8, $0xb8;
	[tilespmem:$0x2880] =	vst v63  }
0x1e: {  	_ =	swait.ge [sflag:s9], $0x2800  }
.Ltmp0:
0x1f: {  	[sflag:s9] =	ssyncset.done $0x0;
	(pc) =	sbr.rel @p0 .LBB2_2-.Ltmp0, $4  }
0x20: {  	[sflag:s9] =	ssyncadd.s32 $0xFFFFD800  }
0x21: {  	[hbm4b:s11+s2] =	stream.linear.scatter [tilespmem:s8], [sflag:$0x2], $0x2800, $0x38;
	[tilespmem:$0x2880] =	vst v63  }
0x22: {  	_ =	swait.ge [sflag:s7], $0x2800  }
0x23: {  	s13 =	smov.u32 s15;
	s11 =	sadd.s32 $0x500, s11;
	[sflag:s7] =	ssyncset.done $0x0  }
0x24: {  	s12 =	sadd.s32 s12, s6;
	[sflag:s7] =	ssyncadd.s32 $0xFFFFD800  }
0x25: {  	[tilespmem:s2], [sflag:$0x2] =	stream.linear.gather [hbm4b:s12+s2], $0x80, $0x38;
	[tilespmem:$0x2880] =	vst v63  }
0x26: {  	_ =	swait.ge [sflag:s7], $0x80  }
0x27: {  	[sflag:s7] =	ssyncset.done $0x0  }
0x28: {  	[sflag:s7] =	ssyncadd.s32 $0xFFFFFF80  }
0x29: {  	[tilespmem:s8], [sflag:$0x1] =	stream.indirect.gather [hbm4b:s3+s8], $0x50, s2, s8, $0xb8;
	[tilespmem:$0x2880] =	vst v63  }
0x2a: {  	s10 =	sadd.s32 $0x1, s10;
	_ =	swait.ge [sflag:s9], $0x2800  }
0x2b: {  	p0 =	sne.s32 s10, s4;
	[sflag:s9] =	ssyncset.done $0x0  }
.Ltmp1:
0x2c: {  	[sflag:s9] =	ssyncadd.s32 $0xFFFFD800;
	(pc) =	sbr.rel @p0 .LBB2_1-.Ltmp1, $4  }
0x2d: {  	[hbm4b:s11+s2] =	stream.linear.scatter [tilespmem:s8], [sflag:$0x2], $0x2800, $0x38;
	[tilespmem:$0x2880] =	vst v63  }
0x2e: {  	_ =	swait.ge [sflag:s7], $0x2800  }
0x2f: {  	[sflag:s7] =	ssyncset.done $0x0  }
0x30: {  	[sflag:s7] =	ssyncadd.s32 $0xFFFFD800  }
0x31: {  	_ =	sfence.sel $0x180000  }
0x32: {  	[bflag:$0x0] =	sbarrier.arrive $0xFFFF  }
0x33: {  	p0 =	sne.s32 s1, $0x0;
	_ =	strace $0x9000004A  }
0x34: {  	s0 =	sadd.s32 @!p0 $0x100000, s0;
	[bflag:$0x2] =	sbarrier.arrive $0xFFFF  }
0x35: {  	[sflag:s0] =	ssyncadd.tile.s32 @!p0 $0x1;
	_ =	shalt  }
.Lfunc_end2:
_tile_overlayer_lowered:
.L_overlay_start_2:
0x36: {  	(tag) =	ssettag $0x2  }
0x37: {  	s0 =	rddreg [dreg:$0x0];
	s2 =	stileid.u32  }
0x38: {  	s1 =	rddreg [dreg:$0x1];
	p0 =	sne.s32 s2, $0x0  }
0x39: {  	s3 =	rddreg [dreg:$0x2];
	[bflag:$0x3] =	sbarrier.arrive $0xFFFF;
	s2 =	simm.s32 @!p0 $0x1C02  }
0x3a: {  	[timem:s3], [sflag:s2] =	dma.local @!p0 [hbm:s0], s1  }
0x3b: {  	s0 =	simm.s32 @!p0 $0x2  }
0x3c: {  	_ =	swait.ge @!p0 [sflag:s0], s1  }
0x3d: {  	s1 =	ssub.s32 @!p0 $0x0, s1;
	[sflag:s0] =	ssyncset.done @!p0 $0x0  }
0x3e: {  	[sflag:s0] =	ssyncadd.s32 @!p0 s1  }
0x3f: {  	[bflag:$0x3] =	sbarrier.arrive $0xFFFF  }
0x40: {  	_ =	shalt  }

// kernel: kernel.31.cloned.1.call-start
scs
__scs_entry_jumppad:
0x0: {  	(pc) =	sbr.rel $0x88, $3  }
0x1: {  	(tag) =	ssettag $0x0;
	lr =	simm.s32 $0x1  }
0x2: {  	[smem:$0x3F68] =	sst lr;
	_ =	strace $0xD0000000  }
0x3: {  	_ = 	snop  }
0x4: {  	_ = 	snop  }
0x5: {  	_ = 	snop  }
0x6: {  	_ = 	snop  }
0x7: {  	_ = 	snop  }
__scs_overlays_trampoline_lowered:
0x8: {  	[smem:$0x3F77] =	sst s0  }
0x9: {  	[smem:$0x3F78] =	sst s1  }
0xa: {  	[smem:$0x3F79] =	sst s2  }
0xb: {  	[smem:$0x3F7A] =	sst s3  }
0xc: {  	[smem:$0x3F7B] =	sst s4  }
0xd: {  	[smem:$0x3F7C] =	sst s5  }
0xe: {  	[smem:$0x3F7D] =	sst s6  }
0xf: {  	[smem:$0x3F7E] =	sst s7  }
0x10: {  	[smem:$0x3F7F] =	sst s8  }
0x11: {  	[smem:$0x3F80] =	sst s9;
	s0 =	simm.s32 @!p0 $0x0  }
0x12: {  	s1 =	sld [smem:$0x3F66];
	s0 =	simm.s32 @p0 $0x1  }
0x13: {  	[smem:$0x3F81] =	sst s0;
	s0 =	simm.s32 @!p1 $0x0  }
0x14: {  	s2 =	sld [smem:$0x3F65];
	s0 =	simm.s32 @p1 $0x1  }
0x15: {  	[smem:$0x3F82] =	sst s0;
	s0 =	simm.s32 @!p2 $0x0  }
0x16: {  	s3 =	sld [smem:$0x3FDB];
	s0 =	simm.s32 @p2 $0x1  }
0x17: {  	s4 =	simm.s32 $0x1BF5;
	[smem:$0x3F84] =	sst s0  }
0x18: {  	s0 =	sld [smem:$0x3F67];
	_ =	swait.ge [sflag:s4], $0x0  }
0x19: {  	s7 =	sld [smem:$0x3F68]  }
0x1a: {  	s8 =	sadd.s32 $0xFFFFE003, lr  }
0x1b: {  	s9 =	sadd.s32 $0xFFFFFEF7, lr;
	s5 =	simm.s32 $0xFFFFFFFF;
	p2 =	slt.u32 s8, $0xFFFFF086  }
0x1c: {  	p1 =	slt.u32 s9, $0xF7A;
	s5 =	simm.s32 @!p2 $0x0  }
0x1d: {  	s5 =	simm.s32 @p1 $0x1;
	p0 =	seq.s32 s7, s2  }
0x1e: {  	s7 =	smul.u32 @!p0 $0xF7A, s2;
	p2 =	seq.s32 @!p0 s5, $0x0  }
0x1f: {  	s9 =	smul.u32 $0xF7A, s1;
	s8 =	simm.s32 @!p0 $0x1BF5;
	p2 =	por !p2, p0  }
0x20: {  	[sflag:s8] =	ssyncset.s32 @!p0 $0xFFFFF086;
	s6 =	sadd.s32 @!p0 s3, s7;
	s7 =	simm.s32 @!p0 $0x108  }
0x21: {  	s3 =	sadd.s32 s3, s9;
	s6 =	sadd.s32 @!p0 $0x88, s6;
	s7 =	simm.s32 @p2 $0x1082  }
0x22: {  	[simem:s7], [sflag:s8] =	dma.local @!p0 [hbm:s6], $0xF7A  }
0x23: {  	s9 =	sor.u32 $0xD0000000, s2;
	s6 =	simm.s32 $0x108;
	_ =	swait.ge @!p0 [sflag:s8], $0x0  }
0x24: {  	s3 =	sadd.s32 $0x88, s3;
	s6 =	simm.s32 @!p1 $0x1082;
	[sflag:s4] =	ssyncset.s32 $0xFFFFF086  }
0x25: {  	[simem:s6], [sflag:s4] =	dma.local [hbm:s3], $0xF7A  }
0x26: {  	[smem:$0x3F68] =	sst s1;
	(tag) =	ssettag s2;
	_ =	strace s9  }
0x27: {  	s1 =	sld [smem:$0x3F78]  }
0x28: {  	s2 =	sld [smem:$0x3F79]  }
0x29: {  	s4 =	sld [smem:$0x3F7B]  }
0x2a: {  	p0 =	seq.s32 s5, $0x0;
	s5 =	sld [smem:$0x3F7C]  }
0x2b: {  	s6 =	sld [smem:$0x3F7D]  }
0x2c: {  	s7 =	sld [smem:$0x3F7E]  }
0x2d: {  	s3 =	simm.s32 $0x108;
	s8 =	sld [smem:$0x3F7F]  }
0x2e: {  	s3 =	simm.s32 @!p0 $0x1082;
	s9 =	sld [smem:$0x3F80]  }
0x2f: {  	lr =	sadd.s32 s0, s3;
	s0 =	sld [smem:$0x3F77]  }
0x30: {  	s3 =	sld [smem:$0x3F7A]  }
0x31: {  	[smem:$0x3F83] =	sst s10  }
0x32: {  	s10 =	sld [smem:$0x3F81];
	_ =	sdelay $0x3  }
0x33: {  	p0 =	seq.s32 s10, $0x1;
	s10 =	sld [smem:$0x3F83];
	_ =	sdelay $0x3  }
0x34: {  	[smem:$0x3F83] =	sst s10  }
0x35: {  	s10 =	sld [smem:$0x3F82];
	_ =	sdelay $0x3  }
0x36: {  	p1 =	seq.s32 s10, $0x1;
	s10 =	sld [smem:$0x3F83];
	_ =	sdelay $0x3  }
0x37: {  	[smem:$0x3F83] =	sst s10  }
0x38: {  	s10 =	sld [smem:$0x3F84]  }
0x39: {  	_ = 	snop;
	(pc) =	sbr.ind lr, $3  }
0x3a: {  	_ = 	snop  }
0x3b: {  	_ = 	snop  }
0x3c: {  	p2 =	seq.s32 s10, $0x1;
	s10 =	sld [smem:$0x3F83]  }
0x3d: {  	_ =	shalt  }
0x3e: {  	_ =	shalt  }
0x3f: {  	_ =	shalt  }
0x40: {  	_ =	shalt  }
0x41: {  	_ =	shalt  }
0x42: {  	_ =	shalt  }
0x43: {  	_ =	shalt  }
0x44: {  	_ =	shalt  }
0x45: {  	_ =	shalt  }
0x46: {  	_ =	shalt  }
0x47: {  	_ =	shalt  }
0x48: {  	_ =	shalt  }
0x49: {  	_ =	shalt  }
0x4a: {  	_ =	shalt  }
0x4b: {  	_ =	shalt  }
0x4c: {  	_ =	shalt  }
0x4d: {  	_ =	shalt  }
0x4e: {  	_ =	shalt  }
0x4f: {  	_ =	shalt  }
0x50: {  	_ =	shalt  }
0x51: {  	_ =	shalt  }
0x52: {  	_ =	shalt  }
0x53: {  	_ =	shalt  }
0x54: {  	_ =	shalt  }
0x55: {  	_ =	shalt  }
0x56: {  	_ =	shalt  }
0x57: {  	_ =	shalt  }
0x58: {  	_ =	shalt  }
0x59: {  	_ =	shalt  }
0x5a: {  	_ =	shalt  }
0x5b: {  	_ =	shalt  }
0x5c: {  	_ =	shalt  }
0x5d: {  	_ =	shalt  }
0x5e: {  	_ =	shalt  }
0x5f: {  	_ =	shalt  }
0x60: {  	_ =	shalt  }
0x61: {  	_ =	shalt  }
0x62: {  	_ =	shalt  }
0x63: {  	_ =	shalt  }
0x64: {  	_ =	shalt  }
0x65: {  	_ =	shalt  }
0x66: {  	_ =	shalt  }
0x67: {  	_ =	shalt  }
0x68: {  	_ =	shalt  }
0x69: {  	_ =	shalt  }
0x6a: {  	_ =	shalt  }
0x6b: {  	_ =	shalt  }
0x6c: {  	_ =	shalt  }
0x6d: {  	_ =	shalt  }
0x6e: {  	_ =	shalt  }
0x6f: {  	_ =	shalt  }
0x70: {  	_ =	shalt  }
0x71: {  	_ =	shalt  }
0x72: {  	_ =	shalt  }
0x73: {  	_ =	shalt  }
0x74: {  	_ =	shalt  }
0x75: {  	_ =	shalt  }
0x76: {  	_ =	shalt  }
0x77: {  	_ =	shalt  }
0x78: {  	_ =	shalt  }
0x79: {  	_ =	shalt  }
0x7a: {  	_ =	shalt  }
0x7b: {  	_ =	shalt  }
0x7c: {  	_ =	shalt  }
0x7d: {  	_ =	shalt  }
0x7e: {  	_ =	shalt  }
0x7f: {  	_ =	shalt  }
0x80: {  	_ =	shalt  }
0x81: {  	_ =	shalt  }
0x82: {  	_ =	shalt  }
0x83: {  	_ =	shalt  }
0x84: {  	_ =	shalt  }
0x85: {  	_ =	shalt  }
0x86: {  	_ =	shalt  }
0x87: {  	_ =	shalt  }
.Lfunc_end0:
.L_simem_size_0:
called_computation.1_lowered:
.L_overlay_start_0:
0x88: {  	s2 =	sld [smem:$0x3FD9]  }
0x89: {  	s3 =	sld [smem:$0x3FFE];
	_ =	sdelay $0x1  }
0x8a: {  	s1 =	srdreg.scid  }
0x8b: {  	s0 =	sand.u32 $0x1, s1  }
0x8c: {  	s17 =	sshll.u32 s0, $0xA;
	s2 =	sadd.s32 s3, s2  }
0x8d: {  	s2 =	sadd.s32 s2, s17  }
0x8e: {  	[smem:$0x3F8F] =	sst s2  }
0x8f: {  	_ = 	snop  }
0x90: {  	(tm) =	ssettm $0x1  }
0x91: {  	s18 =	sld [smem:$0x3FFB];
	_ =	sdelay $0x3  }
0x92: {  	_ =	strace s18  }
0x93: {  	s2 =	sld [smem:$0x3FFC];
	_ =	sdelay $0x3  }
0x94: {  	_ =	strace s2  }
0x95: {  	s2 =	sld [smem:$0x3FFD];
	_ =	sdelay $0x3  }
0x96: {  	_ =	strace s2  }
0x97: {  	_ =	strace $0x8FFFFFFF  }
0x98: {  	s19 =	sld [smem:$0x3FDB];
	_ =	sdelay $0x1  }
0x99: {  	s20 =	simm.s32 $_scs_section_size  }
0x9a: {  	s4 =	simm.s32 $_size__tile_overlayer_lowered;
	s5 =	simm.s32 $_tile_overlayer_lowered  }
0x9b: {  	s6 =	simm.s32 $0x1BFF;
	s21 =	sshll.u32 s5, $0x1;
	s3 =	sadd.s32 s20, s19  }
0x9c: {  	s22 =	simm.s32 $0x0;
	s4 =	sshll.u32 s4, $0x1;
	s5 =	sadd.s32 s21, s3  }
0x9d: {  	[timem:s22], [sflag:s6] =	dma.local [hbm:s5], s4  }
0x9e: {  	_ =	swait.ge [sflag:s6], s4  }
0x9f: {  	s4 =	ssub.s32 $0x0, s4;
	[sflag:s6] =	ssyncset.done $0x0  }
0xa0: {  	[sflag:s6] =	ssyncadd.s32 s4;
	_ =	sdelay $0x1  }
0xa1: {  	s23 =	simm.s32 $0x1B8B  }
0xa2: {  	_ =	swait.ge [sflag:s23], $0x1  }
0xa3: {  	[sflag:s23] =	ssyncset.done $0x0  }
0xa4: {  	[sflag:s23] =	ssyncadd.s32 $0xFFFFFFFF  }
0xa5: {  	s4 =	sld [smem:$0x0]  }
0xa6: {  	s5 =	sand.u32 $0xFFFFFFFE, s1  }
0xa7: {  	p0 =	sne.s32 s1, s5  }
0xa8: {  	s5 =	sshll.u32 @p0 s5, $0xE  }
0xa9: {  	s5 =	sadd.s32 @p0 $0x11B8D, s5;
	s6 =	sshll.u32 @p0 s4, $0x11  }
0xaa: {  	s5 =	sor.u32 @p0 s6, s5  }
0xab: {  	[sflag:s5] =	ssyncadd.remote.s32 @p0 $0x1;
	_ =	sdelay $0x1  }
0xac: {  	s5 =	simm.s32 @p0 $0x1B8D  }
0xad: {  	_ =	swait.eq @p0 [sflag:s5], $0x1  }
0xae: {  	[sflag:s5] =	ssyncadd.s32 @p0 $0xFFFFFFFF  }
0xaf: {  	s6 =	sshll.u32 @!p0 s1, $0xE  }
0xb0: {  	s6 =	sor.u32 @!p0 $0x4000, s6;
	s5 =	simm.s32 @!p0 $0x1B8D  }
0xb1: {  	s4 =	sshll.u32 @!p0 s4, $0x11;
	s6 =	sadd.s32 @!p0 $0x11B8D, s6;
	_ =	swait.eq @!p0 [sflag:s5], $0x1  }
0xb2: {  	s4 =	sor.u32 @!p0 s4, s6;
	[sflag:s5] =	ssyncadd.s32 @!p0 $0xFFFFFFFF  }
0xb3: {  	s25 =	simm.s32 $0x1B8E;
	s24 =	sld [smem:$0x3FFE];
	[sflag:s4] =	ssyncadd.remote.s32 @!p0 $0x1  }
0xb4: {  	s26 =	simm.s32 $execute0_lowered;
	[smem:$0x3FD2] =	sst s25  }
0xb5: {  	s5 =	sshll.u32 s26, $0x1;
	_ =	strace $0x8000004C;
	[dreg:$0x1] =	wrdreg $0xFFFFFFFF  }
0xb6: {  	s28 =	simm.s32 $_size_execute0_lowered;
	s3 =	sadd.s32 s3, s5;
	[dreg:$0x0] =	wrdreg $0x0  }
0xb7: {  	s5 =	sshll.u32 s28, $0x1;
	[dreg:$0x2] =	wrdreg s3  }
0xb8: {  	[dreg:$0x3] =	wrdreg s5  }
0xb9: {  	[dreg:$0x4] =	wrdreg $0xC0  }
0xba: {  	_ =	task [dreg:s22], $0x5FFFF  }
0xbb: {  	[dreg:$0x1] =	wrdreg $0xFFFFFFFF  }
0xbc: {  	[dreg:$0x0] =	wrdreg $0x60  }
0xbd: {  	[dreg:$0x2] =	wrdreg s24  }
0xbe: {  	[dreg:$0x3] =	wrdreg $0x9  }
0xbf: {  	_ =	task.clear_ibuf [dreg:s22], $0x4FFFF;
	_ =	strace $0x9000004C  }
0xc0: {  	s29 =	simm.s32 $0x9;
	_ =	strace $0x8000004E  }
0xc1: {  	_ =	swait.ge [sflag:s29], $0x1  }
0xc2: {  	[sflag:s29] =	ssyncadd.s32 $0xFFFFFFFF  }
0xc3: {  	_ =	strace $0x9000004E  }
0xc4: {  	_ =	sfence  }
0xc5: {  	s30 =	sld [smem:$0x0];
	_ =	sdelay $0x2  }
0xc6: {  	s31 =	sshll.u32 s1, $0xD;
	s1 =	sshrl.u32 s1, $0x2  }
0xc7: {  	s4 =	sand.u32 $0x4000, s31;
	s1 =	sadd.s32 s1, s30  }
0xc8: {  	s0 =	sor.u32 s4, s0;
	s1 =	sshll.u32 s1, $0x11  }
0xc9: {  	s0 =	sor.u32 s1, s0  }
0xca: {  	s0 =	sadd.s32 $0x8F2B, s0  }
0xcb: {  	[sflag:s0] =	ssyncadd.remote.s32 $0x1  }
0xcc: {  	_ =	sfence.sel $0xFFFF  }
0xcd: {  	[dreg:$0x0] =	wrdreg $0xFFFFFFFF;
	(pc) =	sbr.abs _section_cstart, $3  }
0xce: {  	[dreg:$0x1] =	wrdreg $0xFFFFFFFF  }
0xcf: {  	_ =	task.clear_ibuf [dreg:s22], $0x2FFFF;
	_ =	strace $0x9FFFFFFF  }
0xd0: {  	(tm) =	ssettm $0x7FFFFFFF  }
0xd1: {  	_ =	shalt  }
tec
execute0_lowered:
.L_overlay_start_1:
0x0: {  	(tag) =	ssettag $0x1  }
0x1: {  	s1 =	srdreg.scid  }
0x2: {  	s0 =	stileid.u32;
	s6 =	sand.u32 $0x1, s1  }
0x3: {  	s8 =	rddreg [dreg:$0x0];
	s30 =	sshll.u32 s0, $0x8;
	s2 =	sshll.u32 s6, $0x7  }
0x4: {  	s7 =	simm.s32 $0x1;
	s1 =	rddreg [dreg:$0x1];
	s9 =	sor.u32 s2, s30  }
0x5: {  	s5 =	sadd.s32 $0x1F9000, s8;
	s2 =	simm.s32 $0x0;
	s3 =	sshrl.u32 s9, $0x3  }
0x6: {  	s10 =	ssub.s32 $0x2, s6;
	[smem:$0x7FF] =	sst s2;
	s3 =	sadd.s32 s3, s8  }
0x7: {  	_ =	strace $0x8000004D;
	s4 =	sadd.s32 $0x8600, s3;
	s3 =	simm.s32 $0x2  }
0x8: {  	[tilespmem:s2], [sflag:$0x2] =	stream.linear.gather [hbm4b:s4+s2], $0x80, $0x38;
	[tilespmem:$0x880] =	vst v63  }
0x9: {  	s6 =	simm.s32 $0x80;
	s11 =	sshrl.u32 s10, $0x1;
	_ =	swait.ge [sflag:s3], $0x80  }
0xa: {  	s9 =	sshll.u32 s9, $0x1;
	s31 =	ssub.s32 s10, s11;
	[sflag:s3] =	ssyncset.done $0x0  }
0xb: {  	s8 =	sadd.s32 s9, s8;
	s9 =	smax.u32 s31, $0x1;
	[sflag:s3] =	ssyncadd.s32 $0xFFFFFF80  }
0xc: {  	[tilespmem:s6], [sflag:$0x1] =	stream.indirect.gather [hbm4b:s5+s6], $0x10, s2, s6, $0xb8;
	[tilespmem:$0x880] =	vst v63  }
0xd: {  	p0 =	sne.s32 s9, $0x1;
	_ =	swait.ge [sflag:s7], $0x800  }
.Ltmp0:
0xe: {  	[sflag:s7] =	ssyncset.done $0x0;
	(pc) =	sbr.rel @!p0 .LBB2_2-.Ltmp0, $4  }
0xf: {  	s8 =	sadd.s32 $0x1FE000, s8;
	[sflag:s7] =	ssyncadd.s32 $0xFFFFF800  }
0x10: {  	[hbm4b:s8+s2] =	stream.linear.scatter [tilespmem:s6], [sflag:$0x2], $0x800, $0x38;
	[tilespmem:$0x880] =	vst v63  }
0x11: {  	_ =	swait.ge [sflag:s3], $0x800  }
0x12: {  	s9 =	sadd.s32 $0xFFFFFFFF, s9;
	[sflag:s3] =	ssyncset.done $0x0  }
.LBB2_1:
0x13: {  	p0 =	sne.s32 s9, $0x1;
	s9 =	sadd.s32 $0xFFFFFFFF, s9;
	[sflag:s3] =	ssyncadd.s32 $0xFFFFF800  }
0x14: {  	[tilespmem:s2], [sflag:$0x2] =	stream.linear.gather [hbm4b:s4+s2], $0x80, $0x38;
	[tilespmem:$0x880] =	vst v63  }
0x15: {  	_ =	swait.ge [sflag:s3], $0x80  }
0x16: {  	[sflag:s3] =	ssyncset.done $0x0  }
0x17: {  	[sflag:s3] =	ssyncadd.s32 $0xFFFFFF80  }
0x18: {  	[tilespmem:s6], [sflag:$0x1] =	stream.indirect.gather [hbm4b:s5+s6], $0x10, s2, s6, $0xb8;
	[tilespmem:$0x880] =	vst v63  }
0x19: {  	_ =	swait.ge [sflag:s7], $0x800  }
.Ltmp1:
0x1a: {  	[sflag:s7] =	ssyncset.done $0x0;
	(pc) =	sbr.rel @p0 .LBB2_1-.Ltmp1, $4  }
0x1b: {  	[sflag:s7] =	ssyncadd.s32 $0xFFFFF800  }
0x1c: {  	[hbm4b:s8+s2] =	stream.linear.scatter [tilespmem:s6], [sflag:$0x2], $0x800, $0x38;
	[tilespmem:$0x880] =	vst v63  }
0x1d: {  	_ =	swait.ge [sflag:s3], $0x800  }
0x1e: {  	[sflag:s3] =	ssyncset.done $0x0  }
.LBB2_2:
0x1f: {  	[sflag:s3] =	ssyncadd.s32 $0xFFFFF800  }
0x20: {  	_ =	sfence.sel $0x180000  }
0x21: {  	[bflag:$0x0] =	sbarrier.arrive $0xFFFF  }
0x22: {  	p0 =	sne.s32 s0, $0x0;
	_ =	strace $0x9000004D  }
0x23: {  	s0 =	sadd.s32 @!p0 $0x100000, s1;
	[bflag:$0x2] =	sbarrier.arrive $0xFFFF  }
0x24: {  	[sflag:s0] =	ssyncadd.tile.s32 @!p0 $0x1;
	_ =	shalt  }
.Lfunc_end2:
_tile_overlayer_lowered:
.L_overlay_start_2:
0x25: {  	(tag) =	ssettag $0x2  }
0x26: {  	s0 =	rddreg [dreg:$0x0];
	s2 =	stileid.u32  }
0x27: {  	s1 =	rddreg [dreg:$0x1];
	p0 =	sne.s32 s2, $0x0  }
0x28: {  	s3 =	rddreg [dreg:$0x2];
	[bflag:$0x3] =	sbarrier.arrive $0xFFFF;
	s2 =	simm.s32 @!p0 $0x1C02  }
0x29: {  	[timem:s3], [sflag:s2] =	dma.local @!p0 [hbm:s0], s1  }
0x2a: {  	s0 =	simm.s32 @!p0 $0x2  }
0x2b: {  	_ =	swait.ge @!p0 [sflag:s0], s1  }
0x2c: {  	s1 =	ssub.s32 @!p0 $0x0, s1;
	[sflag:s0] =	ssyncset.done @!p0 $0x0  }
0x2d: {  	[sflag:s0] =	ssyncadd.s32 @!p0 s1  }
0x2e: {  	[bflag:$0x3] =	sbarrier.arrive $0xFFFF  }
0x2f: {  	_ =	shalt  }

// kernel: kernel.34.cloned.1.call-start
scs
__scs_entry_jumppad:
0x0: {  	(pc) =	sbr.rel $0x88, $3  }
0x1: {  	(tag) =	ssettag $0x0;
	lr =	simm.s32 $0x1  }
0x2: {  	[smem:$0x3F68] =	sst lr;
	_ =	strace $0xD0000000  }
0x3: {  	_ = 	snop  }
0x4: {  	_ = 	snop  }
0x5: {  	_ = 	snop  }
0x6: {  	_ = 	snop  }
0x7: {  	_ = 	snop  }
__scs_overlays_trampoline_lowered:
0x8: {  	[smem:$0x3F77] =	sst s0  }
0x9: {  	[smem:$0x3F78] =	sst s1  }
0xa: {  	[smem:$0x3F79] =	sst s2  }
0xb: {  	[smem:$0x3F7A] =	sst s3  }
0xc: {  	[smem:$0x3F7B] =	sst s4  }
0xd: {  	[smem:$0x3F7C] =	sst s5  }
0xe: {  	[smem:$0x3F7D] =	sst s6  }
0xf: {  	[smem:$0x3F7E] =	sst s7  }
0x10: {  	[smem:$0x3F7F] =	sst s8  }
0x11: {  	[smem:$0x3F80] =	sst s9;
	s0 =	simm.s32 @!p0 $0x0  }
0x12: {  	s1 =	sld [smem:$0x3F66];
	s0 =	simm.s32 @p0 $0x1  }
0x13: {  	[smem:$0x3F81] =	sst s0;
	s0 =	simm.s32 @!p1 $0x0  }
0x14: {  	s2 =	sld [smem:$0x3F65];
	s0 =	simm.s32 @p1 $0x1  }
0x15: {  	[smem:$0x3F82] =	sst s0;
	s0 =	simm.s32 @!p2 $0x0  }
0x16: {  	s3 =	sld [smem:$0x3FDB];
	s0 =	simm.s32 @p2 $0x1  }
0x17: {  	s4 =	simm.s32 $0x1BF5;
	[smem:$0x3F84] =	sst s0  }
0x18: {  	s0 =	sld [smem:$0x3F67];
	_ =	swait.ge [sflag:s4], $0x0  }
0x19: {  	s7 =	sld [smem:$0x3F68]  }
0x1a: {  	s8 =	sadd.s32 $0xFFFFE003, lr  }
0x1b: {  	s9 =	sadd.s32 $0xFFFFFEF7, lr;
	s5 =	simm.s32 $0xFFFFFFFF;
	p2 =	slt.u32 s8, $0xFFFFF086  }
0x1c: {  	p1 =	slt.u32 s9, $0xF7A;
	s5 =	simm.s32 @!p2 $0x0  }
0x1d: {  	s5 =	simm.s32 @p1 $0x1;
	p0 =	seq.s32 s7, s2  }
0x1e: {  	s7 =	smul.u32 @!p0 $0xF7A, s2;
	p2 =	seq.s32 @!p0 s5, $0x0  }
0x1f: {  	s9 =	smul.u32 $0xF7A, s1;
	s8 =	simm.s32 @!p0 $0x1BF5;
	p2 =	por !p2, p0  }
0x20: {  	[sflag:s8] =	ssyncset.s32 @!p0 $0xFFFFF086;
	s6 =	sadd.s32 @!p0 s3, s7;
	s7 =	simm.s32 @!p0 $0x108  }
0x21: {  	s3 =	sadd.s32 s3, s9;
	s6 =	sadd.s32 @!p0 $0x88, s6;
	s7 =	simm.s32 @p2 $0x1082  }
0x22: {  	[simem:s7], [sflag:s8] =	dma.local @!p0 [hbm:s6], $0xF7A  }
0x23: {  	s9 =	sor.u32 $0xD0000000, s2;
	s6 =	simm.s32 $0x108;
	_ =	swait.ge @!p0 [sflag:s8], $0x0  }
0x24: {  	s3 =	sadd.s32 $0x88, s3;
	s6 =	simm.s32 @!p1 $0x1082;
	[sflag:s4] =	ssyncset.s32 $0xFFFFF086  }
0x25: {  	[simem:s6], [sflag:s4] =	dma.local [hbm:s3], $0xF7A  }
0x26: {  	[smem:$0x3F68] =	sst s1;
	(tag) =	ssettag s2;
	_ =	strace s9  }
0x27: {  	s1 =	sld [smem:$0x3F78]  }
0x28: {  	s2 =	sld [smem:$0x3F79]  }
0x29: {  	s4 =	sld [smem:$0x3F7B]  }
0x2a: {  	p0 =	seq.s32 s5, $0x0;
	s5 =	sld [smem:$0x3F7C]  }
0x2b: {  	s6 =	sld [smem:$0x3F7D]  }
0x2c: {  	s7 =	sld [smem:$0x3F7E]  }
0x2d: {  	s3 =	simm.s32 $0x108;
	s8 =	sld [smem:$0x3F7F]  }
0x2e: {  	s3 =	simm.s32 @!p0 $0x1082;
	s9 =	sld [smem:$0x3F80]  }
0x2f: {  	lr =	sadd.s32 s0, s3;
	s0 =	sld [smem:$0x3F77]  }
0x30: {  	s3 =	sld [smem:$0x3F7A]  }
0x31: {  	[smem:$0x3F83] =	sst s10  }
0x32: {  	s10 =	sld [smem:$0x3F81];
	_ =	sdelay $0x3  }
0x33: {  	p0 =	seq.s32 s10, $0x1;
	s10 =	sld [smem:$0x3F83];
	_ =	sdelay $0x3  }
0x34: {  	[smem:$0x3F83] =	sst s10  }
0x35: {  	s10 =	sld [smem:$0x3F82];
	_ =	sdelay $0x3  }
0x36: {  	p1 =	seq.s32 s10, $0x1;
	s10 =	sld [smem:$0x3F83];
	_ =	sdelay $0x3  }
0x37: {  	[smem:$0x3F83] =	sst s10  }
0x38: {  	s10 =	sld [smem:$0x3F84]  }
0x39: {  	_ = 	snop;
	(pc) =	sbr.ind lr, $3  }
0x3a: {  	_ = 	snop  }
0x3b: {  	_ = 	snop  }
0x3c: {  	p2 =	seq.s32 s10, $0x1;
	s10 =	sld [smem:$0x3F83]  }
0x3d: {  	_ =	shalt  }
0x3e: {  	_ =	shalt  }
0x3f: {  	_ =	shalt  }
0x40: {  	_ =	shalt  }
0x41: {  	_ =	shalt  }
0x42: {  	_ =	shalt  }
0x43: {  	_ =	shalt  }
0x44: {  	_ =	shalt  }
0x45: {  	_ =	shalt  }
0x46: {  	_ =	shalt  }
0x47: {  	_ =	shalt  }
0x48: {  	_ =	shalt  }
0x49: {  	_ =	shalt  }
0x4a: {  	_ =	shalt  }
0x4b: {  	_ =	shalt  }
0x4c: {  	_ =	shalt  }
0x4d: {  	_ =	shalt  }
0x4e: {  	_ =	shalt  }
0x4f: {  	_ =	shalt  }
0x50: {  	_ =	shalt  }
0x51: {  	_ =	shalt  }
0x52: {  	_ =	shalt  }
0x53: {  	_ =	shalt  }
0x54: {  	_ =	shalt  }
0x55: {  	_ =	shalt  }
0x56: {  	_ =	shalt  }
0x57: {  	_ =	shalt  }
0x58: {  	_ =	shalt  }
0x59: {  	_ =	shalt  }
0x5a: {  	_ =	shalt  }
0x5b: {  	_ =	shalt  }
0x5c: {  	_ =	shalt  }
0x5d: {  	_ =	shalt  }
0x5e: {  	_ =	shalt  }
0x5f: {  	_ =	shalt  }
0x60: {  	_ =	shalt  }
0x61: {  	_ =	shalt  }
0x62: {  	_ =	shalt  }
0x63: {  	_ =	shalt  }
0x64: {  	_ =	shalt  }
0x65: {  	_ =	shalt  }
0x66: {  	_ =	shalt  }
0x67: {  	_ =	shalt  }
0x68: {  	_ =	shalt  }
0x69: {  	_ =	shalt  }
0x6a: {  	_ =	shalt  }
0x6b: {  	_ =	shalt  }
0x6c: {  	_ =	shalt  }
0x6d: {  	_ =	shalt  }
0x6e: {  	_ =	shalt  }
0x6f: {  	_ =	shalt  }
0x70: {  	_ =	shalt  }
0x71: {  	_ =	shalt  }
0x72: {  	_ =	shalt  }
0x73: {  	_ =	shalt  }
0x74: {  	_ =	shalt  }
0x75: {  	_ =	shalt  }
0x76: {  	_ =	shalt  }
0x77: {  	_ =	shalt  }
0x78: {  	_ =	shalt  }
0x79: {  	_ =	shalt  }
0x7a: {  	_ =	shalt  }
0x7b: {  	_ =	shalt  }
0x7c: {  	_ =	shalt  }
0x7d: {  	_ =	shalt  }
0x7e: {  	_ =	shalt  }
0x7f: {  	_ =	shalt  }
0x80: {  	_ =	shalt  }
0x81: {  	_ =	shalt  }
0x82: {  	_ =	shalt  }
0x83: {  	_ =	shalt  }
0x84: {  	_ =	shalt  }
0x85: {  	_ =	shalt  }
0x86: {  	_ =	shalt  }
0x87: {  	_ =	shalt  }
.Lfunc_end0:
.L_simem_size_0:
called_computation.2_lowered:
.L_overlay_start_0:
0x88: {  	s2 =	sld [smem:$0x3FD9]  }
0x89: {  	s3 =	sld [smem:$0x3FFE];
	_ =	sdelay $0x1  }
0x8a: {  	s1 =	srdreg.scid  }
0x8b: {  	s0 =	sand.u32 $0x1, s1  }
0x8c: {  	s16 =	sshll.u32 s0, $0xA;
	s2 =	sadd.s32 s3, s2  }
0x8d: {  	s2 =	sadd.s32 s2, s16  }
0x8e: {  	[smem:$0x3F8F] =	sst s2  }
0x8f: {  	_ = 	snop  }
0x90: {  	(tm) =	ssettm $0x1  }
0x91: {  	s17 =	sld [smem:$0x3FFB];
	_ =	sdelay $0x3  }
0x92: {  	_ =	strace s17  }
0x93: {  	s2 =	sld [smem:$0x3FFC];
	_ =	sdelay $0x3  }
0x94: {  	_ =	strace s2  }
0x95: {  	s2 =	sld [smem:$0x3FFD];
	_ =	sdelay $0x3  }
0x96: {  	_ =	strace s2  }
0x97: {  	_ =	strace $0x8FFFFFFF  }
0x98: {  	s18 =	sld [smem:$0x3FDB];
	_ =	sdelay $0x1  }
0x99: {  	s19 =	simm.s32 $_scs_section_size  }
0x9a: {  	s4 =	simm.s32 $_size__tile_overlayer_lowered;
	s5 =	simm.s32 $_tile_overlayer_lowered  }
0x9b: {  	s22 =	simm.s32 $0x1BFF;
	s21 =	sshll.u32 s5, $0x1;
	s2 =	sadd.s32 s19, s18  }
0x9c: {  	s6 =	simm.s32 $0x0;
	s20 =	sshll.u32 s4, $0x1;
	s4 =	sadd.s32 s21, s2  }
0x9d: {  	[timem:s6], [sflag:s22] =	dma.local [hbm:s4], s20  }
0x9e: {  	_ =	swait.ge [sflag:s22], s20  }
0x9f: {  	s3 =	ssub.s32 $0x0, s20;
	[sflag:s22] =	ssyncset.done $0x0  }
0xa0: {  	[sflag:s22] =	ssyncadd.s32 s3;
	_ =	sdelay $0x1  }
0xa1: {  	s23 =	simm.s32 $0x1B8B  }
0xa2: {  	_ =	swait.ge [sflag:s23], $0x1  }
0xa3: {  	[sflag:s23] =	ssyncset.done $0x0  }
0xa4: {  	s25 =	simm.s32 $0x1B8E;
	s24 =	sld [smem:$0x3FFE];
	[sflag:s23] =	ssyncadd.s32 $0xFFFFFFFF  }
0xa5: {  	s26 =	simm.s32 $execute0_lowered;
	[smem:$0x3FD2] =	sst s25  }
0xa6: {  	s4 =	sshll.u32 s26, $0x1;
	_ =	strace $0x80000046;
	[dreg:$0x1] =	wrdreg $0xFFFFFFFF  }
0xa7: {  	s28 =	simm.s32 $_size_execute0_lowered;
	s2 =	sadd.s32 s2, s4;
	[dreg:$0x0] =	wrdreg $0x0  }
0xa8: {  	s4 =	sshll.u32 s28, $0x1;
	[dreg:$0x2] =	wrdreg s2  }
0xa9: {  	[dreg:$0x3] =	wrdreg s4  }
0xaa: {  	[dreg:$0x4] =	wrdreg $0xC0  }
0xab: {  	_ =	task [dreg:s6], $0x5FFFF  }
0xac: {  	[dreg:$0x1] =	wrdreg $0xFFFFFFFF  }
0xad: {  	[dreg:$0x0] =	wrdreg $0x60  }
0xae: {  	[dreg:$0x2] =	wrdreg s24  }
0xaf: {  	[dreg:$0x3] =	wrdreg $0xB  }
0xb0: {  	_ =	task.clear_ibuf [dreg:s6], $0x4FFFF;
	_ =	strace $0x90000046  }
0xb1: {  	s29 =	simm.s32 $0xB;
	_ =	strace $0x80000048  }
0xb2: {  	_ =	swait.ge [sflag:s29], $0x1  }
0xb3: {  	[sflag:s29] =	ssyncadd.s32 $0xFFFFFFFF  }
0xb4: {  	_ =	strace $0x90000048  }
0xb5: {  	_ =	sfence  }
0xb6: {  	s30 =	sld [smem:$0x0];
	_ =	sdelay $0x2  }
0xb7: {  	s31 =	sshll.u32 s1, $0xD;
	s1 =	sshrl.u32 s1, $0x2  }
0xb8: {  	s3 =	sand.u32 $0x4000, s31;
	s1 =	sadd.s32 s1, s30  }
0xb9: {  	s0 =	sor.u32 s3, s0;
	s1 =	sshll.u32 s1, $0x11  }
0xba: {  	s0 =	sor.u32 s1, s0  }
0xbb: {  	s0 =	sadd.s32 $0x8F2B, s0  }
0xbc: {  	[sflag:s0] =	ssyncadd.remote.s32 $0x1  }
0xbd: {  	_ =	sfence.sel $0xFFFF  }
0xbe: {  	[dreg:$0x0] =	wrdreg $0xFFFFFFFF;
	(pc) =	sbr.abs _section_cstart, $3  }
0xbf: {  	[dreg:$0x1] =	wrdreg $0xFFFFFFFF  }
0xc0: {  	_ =	task.clear_ibuf [dreg:s6], $0x2FFFF;
	_ =	strace $0x9FFFFFFF  }
0xc1: {  	(tm) =	ssettm $0x7FFFFFFF  }
tec
execute0_lowered:
.L_overlay_start_1:
0x0: {  	(tag) =	ssettag $0x1  }
0x1: {  	s1 =	srdreg.scid  }
0x2: {  	s0 =	stileid.u32;
	s6 =	sand.u32 $0x1, s1  }
0x3: {  	s8 =	rddreg [dreg:$0x0];
	s30 =	sshll.u32 s0, $0x8;
	s2 =	sshll.u32 s6, $0x7  }
0x4: {  	s7 =	simm.s32 $0x1;
	s1 =	rddreg [dreg:$0x1];
	s9 =	sor.u32 s2, s30  }
0x5: {  	s5 =	sadd.s32 $0x8800, s8;
	s2 =	simm.s32 $0x0;
	s3 =	sshrl.u32 s9, $0x3  }
0x6: {  	s10 =	ssub.s32 $0x2, s6;
	[smem:$0x7FF] =	sst s2;
	s3 =	sadd.s32 s3, s8  }
0x7: {  	_ =	strace $0x80000047;
	s4 =	sadd.s32 $0x8600, s3;
	s3 =	simm.s32 $0x2  }
0x8: {  	[tilespmem:s2], [sflag:$0x2] =	stream.linear.gather [hbm4b:s4+s2], $0x80, $0x38;
	[tilespmem:$0x880] =	vst v63  }
0x9: {  	s6 =	simm.s32 $0x80;
	s11 =	sshrl.u32 s10, $0x1;
	_ =	swait.ge [sflag:s3], $0x80  }
0xa: {  	s9 =	sshll.u32 s9, $0x1;
	s31 =	ssub.s32 s10, s11;
	[sflag:s3] =	ssyncset.done $0x0  }
0xb: {  	s8 =	sadd.s32 s9, s8;
	s9 =	smax.u32 s31, $0x1;
	[sflag:s3] =	ssyncadd.s32 $0xFFFFFF80  }
0xc: {  	[tilespmem:s6], [sflag:$0x1] =	stream.indirect.gather [hbm4b:s5+s6], $0x10, s2, s6, $0xb8;
	[tilespmem:$0x880] =	vst v63  }
0xd: {  	p0 =	sne.s32 s9, $0x1;
	_ =	swait.ge [sflag:s7], $0x800  }
.Ltmp0:
0xe: {  	[sflag:s7] =	ssyncset.done $0x0;
	(pc) =	sbr.rel @!p0 .LBB2_2-.Ltmp0, $4  }
0xf: {  	s8 =	sadd.s32 $0xD800, s8;
	[sflag:s7] =	ssyncadd.s32 $0xFFFFF800  }
0x10: {  	[hbm4b:s8+s2] =	stream.linear.scatter [tilespmem:s6], [sflag:$0x2], $0x800, $0x38;
	[tilespmem:$0x880] =	vst v63  }
0x11: {  	_ =	swait.ge [sflag:s3], $0x800  }
0x12: {  	s9 =	sadd.s32 $0xFFFFFFFF, s9;
	[sflag:s3] =	ssyncset.done $0x0  }
.LBB2_1:
0x13: {  	p0 =	sne.s32 s9, $0x1;
	s9 =	sadd.s32 $0xFFFFFFFF, s9;
	[sflag:s3] =	ssyncadd.s32 $0xFFFFF800  }
0x14: {  	[tilespmem:s2], [sflag:$0x2] =	stream.linear.gather [hbm4b:s4+s2], $0x80, $0x38;
	[tilespmem:$0x880] =	vst v63  }
0x15: {  	_ =	swait.ge [sflag:s3], $0x80  }
0x16: {  	[sflag:s3] =	ssyncset.done $0x0  }
0x17: {  	[sflag:s3] =	ssyncadd.s32 $0xFFFFFF80  }
0x18: {  	[tilespmem:s6], [sflag:$0x1] =	stream.indirect.gather [hbm4b:s5+s6], $0x10, s2, s6, $0xb8;
	[tilespmem:$0x880] =	vst v63  }
0x19: {  	_ =	swait.ge [sflag:s7], $0x800  }
.Ltmp1:
0x1a: {  	[sflag:s7] =	ssyncset.done $0x0;
	(pc) =	sbr.rel @p0 .LBB2_1-.Ltmp1, $4  }
0x1b: {  	[sflag:s7] =	ssyncadd.s32 $0xFFFFF800  }
0x1c: {  	[hbm4b:s8+s2] =	stream.linear.scatter [tilespmem:s6], [sflag:$0x2], $0x800, $0x38;
	[tilespmem:$0x880] =	vst v63  }
0x1d: {  	_ =	swait.ge [sflag:s3], $0x800  }
0x1e: {  	[sflag:s3] =	ssyncset.done $0x0  }
.LBB2_2:
0x1f: {  	[sflag:s3] =	ssyncadd.s32 $0xFFFFF800  }
0x20: {  	_ =	sfence.sel $0x180000  }
0x21: {  	[bflag:$0x0] =	sbarrier.arrive $0xFFFF  }
0x22: {  	p0 =	sne.s32 s0, $0x0;
	_ =	strace $0x90000047  }
0x23: {  	s0 =	sadd.s32 @!p0 $0x100000, s1;
	[bflag:$0x2] =	sbarrier.arrive $0xFFFF  }
0x24: {  	[sflag:s0] =	ssyncadd.tile.s32 @!p0 $0x1;
	_ =	shalt  }
.Lfunc_end2:
_tile_overlayer_lowered:
.L_overlay_start_2:
0x25: {  	(tag) =	ssettag $0x2  }
0x26: {  	s0 =	rddreg [dreg:$0x0];
	s2 =	stileid.u32  }
0x27: {  	s1 =	rddreg [dreg:$0x1];
	p0 =	sne.s32 s2, $0x0  }
0x28: {  	s3 =	rddreg [dreg:$0x2];
	[bflag:$0x3] =	sbarrier.arrive $0xFFFF;
	s2 =	simm.s32 @!p0 $0x1C02  }
0x29: {  	[timem:s3], [sflag:s2] =	dma.local @!p0 [hbm:s0], s1  }
0x2a: {  	s0 =	simm.s32 @!p0 $0x2  }
0x2b: {  	_ =	swait.ge @!p0 [sflag:s0], s1  }
0x2c: {  	s1 =	ssub.s32 @!p0 $0x0, s1;
	[sflag:s0] =	ssyncset.done @!p0 $0x0  }
0x2d: {  	[sflag:s0] =	ssyncadd.s32 @!p0 s1  }
0x2e: {  	[bflag:$0x3] =	sbarrier.arrive $0xFFFF  }
0x2f: {  	_ =	shalt  }

// kernel: kernel.37.cloned.1.call-start
scs
__scs_entry_jumppad:
0x0: {  	(pc) =	sbr.rel $0x88, $3  }
0x1: {  	(tag) =	ssettag $0x0;
	lr =	simm.s32 $0x1  }
0x2: {  	[smem:$0x3F68] =	sst lr;
	_ =	strace $0xD0000000  }
0x3: {  	_ = 	snop  }
0x4: {  	_ = 	snop  }
0x5: {  	_ = 	snop  }
0x6: {  	_ = 	snop  }
0x7: {  	_ = 	snop  }
__scs_overlays_trampoline_lowered:
0x8: {  	[smem:$0x3F77] =	sst s0  }
0x9: {  	[smem:$0x3F78] =	sst s1  }
0xa: {  	[smem:$0x3F79] =	sst s2  }
0xb: {  	[smem:$0x3F7A] =	sst s3  }
0xc: {  	[smem:$0x3F7B] =	sst s4  }
0xd: {  	[smem:$0x3F7C] =	sst s5  }
0xe: {  	[smem:$0x3F7D] =	sst s6  }
0xf: {  	[smem:$0x3F7E] =	sst s7  }
0x10: {  	[smem:$0x3F7F] =	sst s8  }
0x11: {  	[smem:$0x3F80] =	sst s9;
	s0 =	simm.s32 @!p0 $0x0  }
0x12: {  	s1 =	sld [smem:$0x3F66];
	s0 =	simm.s32 @p0 $0x1  }
0x13: {  	[smem:$0x3F81] =	sst s0;
	s0 =	simm.s32 @!p1 $0x0  }
0x14: {  	s2 =	sld [smem:$0x3F65];
	s0 =	simm.s32 @p1 $0x1  }
0x15: {  	[smem:$0x3F82] =	sst s0;
	s0 =	simm.s32 @!p2 $0x0  }
0x16: {  	s3 =	sld [smem:$0x3FDB];
	s0 =	simm.s32 @p2 $0x1  }
0x17: {  	s4 =	simm.s32 $0x1BF5;
	[smem:$0x3F84] =	sst s0  }
0x18: {  	s0 =	sld [smem:$0x3F67];
	_ =	swait.ge [sflag:s4], $0x0  }
0x19: {  	s7 =	sld [smem:$0x3F68]  }
0x1a: {  	s8 =	sadd.s32 $0xFFFFE003, lr  }
0x1b: {  	s9 =	sadd.s32 $0xFFFFFEF7, lr;
	s5 =	simm.s32 $0xFFFFFFFF;
	p2 =	slt.u32 s8, $0xFFFFF086  }
0x1c: {  	p1 =	slt.u32 s9, $0xF7A;
	s5 =	simm.s32 @!p2 $0x0  }
0x1d: {  	s5 =	simm.s32 @p1 $0x1;
	p0 =	seq.s32 s7, s2  }
0x1e: {  	s7 =	smul.u32 @!p0 $0xF7A, s2;
	p2 =	seq.s32 @!p0 s5, $0x0  }
0x1f: {  	s9 =	smul.u32 $0xF7A, s1;
	s8 =	simm.s32 @!p0 $0x1BF5;
	p2 =	por !p2, p0  }
0x20: {  	[sflag:s8] =	ssyncset.s32 @!p0 $0xFFFFF086;
	s6 =	sadd.s32 @!p0 s3, s7;
	s7 =	simm.s32 @!p0 $0x108  }
0x21: {  	s3 =	sadd.s32 s3, s9;
	s6 =	sadd.s32 @!p0 $0x88, s6;
	s7 =	simm.s32 @p2 $0x1082  }
0x22: {  	[simem:s7], [sflag:s8] =	dma.local @!p0 [hbm:s6], $0xF7A  }
0x23: {  	s9 =	sor.u32 $0xD0000000, s2;
	s6 =	simm.s32 $0x108;
	_ =	swait.ge @!p0 [sflag:s8], $0x0  }
0x24: {  	s3 =	sadd.s32 $0x88, s3;
	s6 =	simm.s32 @!p1 $0x1082;
	[sflag:s4] =	ssyncset.s32 $0xFFFFF086  }
0x25: {  	[simem:s6], [sflag:s4] =	dma.local [hbm:s3], $0xF7A  }
0x26: {  	[smem:$0x3F68] =	sst s1;
	(tag) =	ssettag s2;
	_ =	strace s9  }
0x27: {  	s1 =	sld [smem:$0x3F78]  }
0x28: {  	s2 =	sld [smem:$0x3F79]  }
0x29: {  	s4 =	sld [smem:$0x3F7B]  }
0x2a: {  	p0 =	seq.s32 s5, $0x0;
	s5 =	sld [smem:$0x3F7C]  }
0x2b: {  	s6 =	sld [smem:$0x3F7D]  }
0x2c: {  	s7 =	sld [smem:$0x3F7E]  }
0x2d: {  	s3 =	simm.s32 $0x108;
	s8 =	sld [smem:$0x3F7F]  }
0x2e: {  	s3 =	simm.s32 @!p0 $0x1082;
	s9 =	sld [smem:$0x3F80]  }
0x2f: {  	lr =	sadd.s32 s0, s3;
	s0 =	sld [smem:$0x3F77]  }
0x30: {  	s3 =	sld [smem:$0x3F7A]  }
0x31: {  	[smem:$0x3F83] =	sst s10  }
0x32: {  	s10 =	sld [smem:$0x3F81];
	_ =	sdelay $0x3  }
0x33: {  	p0 =	seq.s32 s10, $0x1;
	s10 =	sld [smem:$0x3F83];
	_ =	sdelay $0x3  }
0x34: {  	[smem:$0x3F83] =	sst s10  }
0x35: {  	s10 =	sld [smem:$0x3F82];
	_ =	sdelay $0x3  }
0x36: {  	p1 =	seq.s32 s10, $0x1;
	s10 =	sld [smem:$0x3F83];
	_ =	sdelay $0x3  }
0x37: {  	[smem:$0x3F83] =	sst s10  }
0x38: {  	s10 =	sld [smem:$0x3F84]  }
0x39: {  	_ = 	snop;
	(pc) =	sbr.ind lr, $3  }
0x3a: {  	_ = 	snop  }
0x3b: {  	_ = 	snop  }
0x3c: {  	p2 =	seq.s32 s10, $0x1;
	s10 =	sld [smem:$0x3F83]  }
0x3d: {  	_ =	shalt  }
0x3e: {  	_ =	shalt  }
0x3f: {  	_ =	shalt  }
0x40: {  	_ =	shalt  }
0x41: {  	_ =	shalt  }
0x42: {  	_ =	shalt  }
0x43: {  	_ =	shalt  }
0x44: {  	_ =	shalt  }
0x45: {  	_ =	shalt  }
0x46: {  	_ =	shalt  }
0x47: {  	_ =	shalt  }
0x48: {  	_ =	shalt  }
0x49: {  	_ =	shalt  }
0x4a: {  	_ =	shalt  }
0x4b: {  	_ =	shalt  }
0x4c: {  	_ =	shalt  }
0x4d: {  	_ =	shalt  }
0x4e: {  	_ =	shalt  }
0x4f: {  	_ =	shalt  }
0x50: {  	_ =	shalt  }
0x51: {  	_ =	shalt  }
0x52: {  	_ =	shalt  }
0x53: {  	_ =	shalt  }
0x54: {  	_ =	shalt  }
0x55: {  	_ =	shalt  }
0x56: {  	_ =	shalt  }
0x57: {  	_ =	shalt  }
0x58: {  	_ =	shalt  }
0x59: {  	_ =	shalt  }
0x5a: {  	_ =	shalt  }
0x5b: {  	_ =	shalt  }
0x5c: {  	_ =	shalt  }
0x5d: {  	_ =	shalt  }
0x5e: {  	_ =	shalt  }
0x5f: {  	_ =	shalt  }
0x60: {  	_ =	shalt  }
0x61: {  	_ =	shalt  }
0x62: {  	_ =	shalt  }
0x63: {  	_ =	shalt  }
0x64: {  	_ =	shalt  }
0x65: {  	_ =	shalt  }
0x66: {  	_ =	shalt  }
0x67: {  	_ =	shalt  }
0x68: {  	_ =	shalt  }
0x69: {  	_ =	shalt  }
0x6a: {  	_ =	shalt  }
0x6b: {  	_ =	shalt  }
0x6c: {  	_ =	shalt  }
0x6d: {  	_ =	shalt  }
0x6e: {  	_ =	shalt  }
0x6f: {  	_ =	shalt  }
0x70: {  	_ =	shalt  }
0x71: {  	_ =	shalt  }
0x72: {  	_ =	shalt  }
0x73: {  	_ =	shalt  }
0x74: {  	_ =	shalt  }
0x75: {  	_ =	shalt  }
0x76: {  	_ =	shalt  }
0x77: {  	_ =	shalt  }
0x78: {  	_ =	shalt  }
0x79: {  	_ =	shalt  }
0x7a: {  	_ =	shalt  }
0x7b: {  	_ =	shalt  }
0x7c: {  	_ =	shalt  }
0x7d: {  	_ =	shalt  }
0x7e: {  	_ =	shalt  }
0x7f: {  	_ =	shalt  }
0x80: {  	_ =	shalt  }
0x81: {  	_ =	shalt  }
0x82: {  	_ =	shalt  }
0x83: {  	_ =	shalt  }
0x84: {  	_ =	shalt  }
0x85: {  	_ =	shalt  }
0x86: {  	_ =	shalt  }
0x87: {  	_ =	shalt  }
.Lfunc_end0:
.L_simem_size_0:
called_computation.3_lowered:
.L_overlay_start_0:
0x88: {  	s2 =	sld [smem:$0x3FD9]  }
0x89: {  	s3 =	sld [smem:$0x3FFE];
	_ =	sdelay $0x1  }
0x8a: {  	s1 =	srdreg.scid  }
0x8b: {  	s0 =	sand.u32 $0x1, s1  }
0x8c: {  	s17 =	sshll.u32 s0, $0xA;
	s2 =	sadd.s32 s3, s2  }
0x8d: {  	s2 =	sadd.s32 s2, s17  }
0x8e: {  	[smem:$0x3F8F] =	sst s2  }
0x8f: {  	_ = 	snop  }
0x90: {  	(tm) =	ssettm $0x1  }
0x91: {  	s18 =	sld [smem:$0x3FFB];
	_ =	sdelay $0x3  }
0x92: {  	_ =	strace s18  }
0x93: {  	s2 =	sld [smem:$0x3FFC];
	_ =	sdelay $0x3  }
0x94: {  	_ =	strace s2  }
0x95: {  	s2 =	sld [smem:$0x3FFD];
	_ =	sdelay $0x3  }
0x96: {  	_ =	strace s2  }
0x97: {  	_ =	strace $0x8FFFFFFF  }
0x98: {  	s19 =	sld [smem:$0x3FDB];
	_ =	sdelay $0x1  }
0x99: {  	s20 =	simm.s32 $_scs_section_size  }
0x9a: {  	s4 =	simm.s32 $_size__tile_overlayer_lowered;
	s5 =	simm.s32 $_tile_overlayer_lowered  }
0x9b: {  	s6 =	simm.s32 $0x1BFF;
	s21 =	sshll.u32 s5, $0x1;
	s3 =	sadd.s32 s20, s19  }
0x9c: {  	s22 =	simm.s32 $0x0;
	s4 =	sshll.u32 s4, $0x1;
	s5 =	sadd.s32 s21, s3  }
0x9d: {  	[timem:s22], [sflag:s6] =	dma.local [hbm:s5], s4  }
0x9e: {  	_ =	swait.ge [sflag:s6], s4  }
0x9f: {  	s4 =	ssub.s32 $0x0, s4;
	[sflag:s6] =	ssyncset.done $0x0  }
0xa0: {  	[sflag:s6] =	ssyncadd.s32 s4;
	_ =	sdelay $0x1  }
0xa1: {  	s23 =	simm.s32 $0x1B8B  }
0xa2: {  	_ =	swait.ge [sflag:s23], $0x1  }
0xa3: {  	[sflag:s23] =	ssyncset.done $0x0  }
0xa4: {  	[sflag:s23] =	ssyncadd.s32 $0xFFFFFFFF  }
0xa5: {  	s4 =	sld [smem:$0x0]  }
0xa6: {  	s5 =	sand.u32 $0xFFFFFFFE, s1  }
0xa7: {  	p0 =	sne.s32 s1, s5  }
0xa8: {  	s5 =	sshll.u32 @p0 s5, $0xE  }
0xa9: {  	s5 =	sadd.s32 @p0 $0x11B8D, s5;
	s6 =	sshll.u32 @p0 s4, $0x11  }
0xaa: {  	s5 =	sor.u32 @p0 s6, s5  }
0xab: {  	[sflag:s5] =	ssyncadd.remote.s32 @p0 $0x1;
	_ =	sdelay $0x1  }
0xac: {  	s5 =	simm.s32 @p0 $0x1B8D  }
0xad: {  	_ =	swait.eq @p0 [sflag:s5], $0x1  }
0xae: {  	[sflag:s5] =	ssyncadd.s32 @p0 $0xFFFFFFFF  }
0xaf: {  	s6 =	sshll.u32 @!p0 s1, $0xE  }
0xb0: {  	s6 =	sor.u32 @!p0 $0x4000, s6;
	s5 =	simm.s32 @!p0 $0x1B8D  }
0xb1: {  	s4 =	sshll.u32 @!p0 s4, $0x11;
	s6 =	sadd.s32 @!p0 $0x11B8D, s6;
	_ =	swait.eq @!p0 [sflag:s5], $0x1  }
0xb2: {  	s4 =	sor.u32 @!p0 s4, s6;
	[sflag:s5] =	ssyncadd.s32 @!p0 $0xFFFFFFFF  }
0xb3: {  	s25 =	simm.s32 $0x1B8E;
	s24 =	sld [smem:$0x3FFE];
	[sflag:s4] =	ssyncadd.remote.s32 @!p0 $0x1  }
0xb4: {  	s26 =	simm.s32 $execute0_lowered;
	[smem:$0x3FD2] =	sst s25  }
0xb5: {  	s5 =	sshll.u32 s26, $0x1;
	_ =	strace $0x8000004F;
	[dreg:$0x1] =	wrdreg $0xFFFFFFFF  }
0xb6: {  	s28 =	simm.s32 $_size_execute0_lowered;
	s3 =	sadd.s32 s3, s5;
	[dreg:$0x0] =	wrdreg $0x0  }
0xb7: {  	s5 =	sshll.u32 s28, $0x1;
	[dreg:$0x2] =	wrdreg s3  }
0xb8: {  	[dreg:$0x3] =	wrdreg s5  }
0xb9: {  	[dreg:$0x4] =	wrdreg $0xC0  }
0xba: {  	_ =	task [dreg:s22], $0x5FFFF  }
0xbb: {  	[dreg:$0x1] =	wrdreg $0xFFFFFFFF  }
0xbc: {  	[dreg:$0x0] =	wrdreg $0x60  }
0xbd: {  	[dreg:$0x2] =	wrdreg s24  }
0xbe: {  	[dreg:$0x3] =	wrdreg $0xB  }
0xbf: {  	_ =	task.clear_ibuf [dreg:s22], $0x4FFFF;
	_ =	strace $0x9000004F  }
0xc0: {  	s29 =	simm.s32 $0xB;
	_ =	strace $0x80000051  }
0xc1: {  	_ =	swait.ge [sflag:s29], $0x1  }
0xc2: {  	[sflag:s29] =	ssyncadd.s32 $0xFFFFFFFF  }
0xc3: {  	_ =	strace $0x90000051  }
0xc4: {  	_ =	sfence  }
0xc5: {  	s30 =	sld [smem:$0x0];
	_ =	sdelay $0x2  }
0xc6: {  	s31 =	sshll.u32 s1, $0xD;
	s1 =	sshrl.u32 s1, $0x2  }
0xc7: {  	s4 =	sand.u32 $0x4000, s31;
	s1 =	sadd.s32 s1, s30  }
0xc8: {  	s0 =	sor.u32 s4, s0;
	s1 =	sshll.u32 s1, $0x11  }
0xc9: {  	s0 =	sor.u32 s1, s0  }
0xca: {  	s0 =	sadd.s32 $0x8F2B, s0  }
0xcb: {  	[sflag:s0] =	ssyncadd.remote.s32 $0x1  }
0xcc: {  	_ =	sfence.sel $0xFFFF  }
0xcd: {  	[dreg:$0x0] =	wrdreg $0xFFFFFFFF;
	(pc) =	sbr.abs _section_cstart, $3  }
0xce: {  	[dreg:$0x1] =	wrdreg $0xFFFFFFFF  }
0xcf: {  	_ =	task.clear_ibuf [dreg:s22], $0x2FFFF;
	_ =	strace $0x9FFFFFFF  }
0xd0: {  	(tm) =	ssettm $0x7FFFFFFF  }
0xd1: {  	_ =	shalt  }
tec
execute0_lowered:
.L_overlay_start_1:
0x0: {  	(tag) =	ssettag $0x1  }
0x1: {  	s4 =	rddreg [dreg:$0x0]  }
0x2: {  	s0 =	rddreg [dreg:$0x1];
	s1 =	stileid.u32  }
0x3: {  	s2 =	simm.s32 $0x0;
	s3 =	srdreg.scid;
	s5 =	smul.u32 $0x140, s1  }
0x4: {  	[smem:$0x7FF] =	sst s2;
	s6 =	smul.u32 $0x5000, s1;
	s7 =	sand.u32 $0x1, s3  }
0x5: {  	s3 =	sadd.s32 $0x9C00, s4;
	s8 =	ssub.s32 $0x2, s7;
	s9 =	smul.u32 $0x2800, s7  }
0x6: {  	_ =	strace $0x80000050;
	s7 =	smul.u32 $0xA0, s7;
	s10 =	sshrl.u32 s8, $0x1  }
0x7: {  	s5 =	sadd.s32 s5, s4;
	s6 =	sadd.s32 s6, s4;
	s31 =	ssub.s32 s8, s10  }
0x8: {  	s6 =	sadd.s32 s9, s6;
	s7 =	sadd.s32 s7, s5;
	s8 =	simm.s32 $0x80  }
0x9: {  	s9 =	simm.s32 $0x1;
	s10 =	simm.s32 $0x0;
	s4 =	smax.u32 s31, $0x1  }
0xa: {  	s5 =	sadd.s32 $0x1D800, s6;
	s6 =	sadd.s32 $0x8800, s7;
	s7 =	simm.s32 $0x2  }
.LBB2_1:
0xb: {  	s11 =	sadd.s32 $0x0, s6  }
0xc: {  	[tilespmem:s2], [sflag:$0x2] =	stream.linear.gather [hbm4b:s11+s2], $0x80, $0x38;
	[tilespmem:$0x2080] =	vst v63  }
0xd: {  	_ =	swait.ge [sflag:s7], $0x80  }
0xe: {  	[sflag:s7] =	ssyncset.done $0x0  }
0xf: {  	[sflag:s7] =	ssyncadd.s32 $0xFFFFFF80  }
0x10: {  	[tilespmem:s8], [sflag:$0x1] =	stream.indirect.gather [hbm4b:s3+s8], $0x40, s2, s8, $0xb8;
	[tilespmem:$0x2080] =	vst v63  }
0x11: {  	_ =	swait.ge [sflag:s9], $0x2000  }
0x12: {  	[sflag:s9] =	ssyncset.done $0x0  }
0x13: {  	[sflag:s9] =	ssyncadd.s32 $0xFFFFE000  }
0x14: {  	[hbm4b:s5+s2] =	stream.linear.scatter [tilespmem:s8], [sflag:$0x2], $0x2000, $0x38;
	[tilespmem:$0x2080] =	vst v63  }
0x15: {  	s12 =	simm.s32 $0x10;
	_ =	swait.ge [sflag:s7], $0x2000  }
0x16: {  	s13 =	simm.s32 $0x20;
	s11 =	sadd.s32 $0x400, s5;
	[sflag:s7] =	ssyncset.done $0x0  }
.LBB2_2:
0x17: {  	s14 =	sadd.s32 s12, s6  }
0x18: {  	[sflag:s7] =	ssyncadd.s32 $0xFFFFE000;
	s12 =	smov.u32 s13;
	s15 =	sadd.s32 $0x10, s13  }
0x19: {  	[tilespmem:s2], [sflag:$0x2] =	stream.linear.gather [hbm4b:s14+s2], $0x80, $0x38;
	[tilespmem:$0x2080] =	vst v63  }
0x1a: {  	p0 =	sne.s32 s13, $0x90;
	_ =	swait.ge [sflag:s7], $0x80  }
0x1b: {  	[sflag:s7] =	ssyncset.done $0x0  }
0x1c: {  	[sflag:s7] =	ssyncadd.s32 $0xFFFFFF80  }
0x1d: {  	[tilespmem:s8], [sflag:$0x1] =	stream.indirect.gather [hbm4b:s3+s8], $0x40, s2, s8, $0xb8;
	[tilespmem:$0x2080] =	vst v63  }
0x1e: {  	_ =	swait.ge [sflag:s9], $0x2000  }
.Ltmp0:
0x1f: {  	[sflag:s9] =	ssyncset.done $0x0;
	(pc) =	sbr.rel @p0 .LBB2_2-.Ltmp0, $4  }
0x20: {  	[sflag:s9] =	ssyncadd.s32 $0xFFFFE000  }
0x21: {  	[hbm4b:s11+s2] =	stream.linear.scatter [tilespmem:s8], [sflag:$0x2], $0x2000, $0x38;
	[tilespmem:$0x2080] =	vst v63  }
0x22: {  	_ =	swait.ge [sflag:s7], $0x2000  }
0x23: {  	s13 =	smov.u32 s15;
	s11 =	sadd.s32 $0x400, s11;
	[sflag:s7] =	ssyncset.done $0x0  }
0x24: {  	s12 =	sadd.s32 s12, s6;
	[sflag:s7] =	ssyncadd.s32 $0xFFFFE000  }
0x25: {  	[tilespmem:s2], [sflag:$0x2] =	stream.linear.gather [hbm4b:s12+s2], $0x80, $0x38;
	[tilespmem:$0x2080] =	vst v63  }
0x26: {  	_ =	swait.ge [sflag:s7], $0x80  }
0x27: {  	[sflag:s7] =	ssyncset.done $0x0  }
0x28: {  	[sflag:s7] =	ssyncadd.s32 $0xFFFFFF80  }
0x29: {  	[tilespmem:s8], [sflag:$0x1] =	stream.indirect.gather [hbm4b:s3+s8], $0x40, s2, s8, $0xb8;
	[tilespmem:$0x2080] =	vst v63  }
0x2a: {  	s10 =	sadd.s32 $0x1, s10;
	_ =	swait.ge [sflag:s9], $0x2000  }
0x2b: {  	p0 =	sne.s32 s10, s4;
	[sflag:s9] =	ssyncset.done $0x0  }
.Ltmp1:
0x2c: {  	[sflag:s9] =	ssyncadd.s32 $0xFFFFE000;
	(pc) =	sbr.rel @p0 .LBB2_1-.Ltmp1, $4  }
0x2d: {  	[hbm4b:s11+s2] =	stream.linear.scatter [tilespmem:s8], [sflag:$0x2], $0x2000, $0x38;
	[tilespmem:$0x2080] =	vst v63  }
0x2e: {  	_ =	swait.ge [sflag:s7], $0x2000  }
0x2f: {  	[sflag:s7] =	ssyncset.done $0x0  }
0x30: {  	[sflag:s7] =	ssyncadd.s32 $0xFFFFE000  }
0x31: {  	_ =	sfence.sel $0x180000  }
0x32: {  	[bflag:$0x0] =	sbarrier.arrive $0xFFFF  }
0x33: {  	p0 =	sne.s32 s1, $0x0;
	_ =	strace $0x90000050  }
0x34: {  	s0 =	sadd.s32 @!p0 $0x100000, s0;
	[bflag:$0x2] =	sbarrier.arrive $0xFFFF  }
0x35: {  	[sflag:s0] =	ssyncadd.tile.s32 @!p0 $0x1;
	_ =	shalt  }
.Lfunc_end2:
_tile_overlayer_lowered:
.L_overlay_start_2:
0x36: {  	(tag) =	ssettag $0x2  }
0x37: {  	s0 =	rddreg [dreg:$0x0];
	s2 =	stileid.u32  }
0x38: {  	s1 =	rddreg [dreg:$0x1];
	p0 =	sne.s32 s2, $0x0  }
0x39: {  	s3 =	rddreg [dreg:$0x2];
	[bflag:$0x3] =	sbarrier.arrive $0xFFFF;
	s2 =	simm.s32 @!p0 $0x1C02  }
0x3a: {  	[timem:s3], [sflag:s2] =	dma.local @!p0 [hbm:s0], s1  }
0x3b: {  	s0 =	simm.s32 @!p0 $0x2  }
0x3c: {  	_ =	swait.ge @!p0 [sflag:s0], s1  }
0x3d: {  	s1 =	ssub.s32 @!p0 $0x0, s1;
	[sflag:s0] =	ssyncset.done @!p0 $0x0  }
0x3e: {  	[sflag:s0] =	ssyncadd.s32 @!p0 s1  }
0x3f: {  	[bflag:$0x3] =	sbarrier.arrive $0xFFFF  }
0x40: {  	_ =	shalt  }

// kernel: kernel.40.cloned.1.call-start
scs
__scs_entry_jumppad:
0x0: {  	(pc) =	sbr.rel $0x88, $3  }
0x1: {  	(tag) =	ssettag $0x0;
	lr =	simm.s32 $0x1  }
0x2: {  	[smem:$0x3F68] =	sst lr;
	_ =	strace $0xD0000000  }
0x3: {  	_ = 	snop  }
0x4: {  	_ = 	snop  }
0x5: {  	_ = 	snop  }
0x6: {  	_ = 	snop  }
0x7: {  	_ = 	snop  }
__scs_overlays_trampoline_lowered:
0x8: {  	[smem:$0x3F77] =	sst s0  }
0x9: {  	[smem:$0x3F78] =	sst s1  }
0xa: {  	[smem:$0x3F79] =	sst s2  }
0xb: {  	[smem:$0x3F7A] =	sst s3  }
0xc: {  	[smem:$0x3F7B] =	sst s4  }
0xd: {  	[smem:$0x3F7C] =	sst s5  }
0xe: {  	[smem:$0x3F7D] =	sst s6  }
0xf: {  	[smem:$0x3F7E] =	sst s7  }
0x10: {  	[smem:$0x3F7F] =	sst s8  }
0x11: {  	[smem:$0x3F80] =	sst s9;
	s0 =	simm.s32 @!p0 $0x0  }
0x12: {  	s1 =	sld [smem:$0x3F66];
	s0 =	simm.s32 @p0 $0x1  }
0x13: {  	[smem:$0x3F81] =	sst s0;
	s0 =	simm.s32 @!p1 $0x0  }
0x14: {  	s2 =	sld [smem:$0x3F65];
	s0 =	simm.s32 @p1 $0x1  }
0x15: {  	[smem:$0x3F82] =	sst s0;
	s0 =	simm.s32 @!p2 $0x0  }
0x16: {  	s3 =	sld [smem:$0x3FDB];
	s0 =	simm.s32 @p2 $0x1  }
0x17: {  	s4 =	simm.s32 $0x1BF5;
	[smem:$0x3F84] =	sst s0  }
0x18: {  	s0 =	sld [smem:$0x3F67];
	_ =	swait.ge [sflag:s4], $0x0  }
0x19: {  	s7 =	sld [smem:$0x3F68]  }
0x1a: {  	s8 =	sadd.s32 $0xFFFFE003, lr  }
0x1b: {  	s9 =	sadd.s32 $0xFFFFFEF7, lr;
	s5 =	simm.s32 $0xFFFFFFFF;
	p2 =	slt.u32 s8, $0xFFFFF086  }
0x1c: {  	p1 =	slt.u32 s9, $0xF7A;
	s5 =	simm.s32 @!p2 $0x0  }
0x1d: {  	s5 =	simm.s32 @p1 $0x1;
	p0 =	seq.s32 s7, s2  }
0x1e: {  	s7 =	smul.u32 @!p0 $0xF7A, s2;
	p2 =	seq.s32 @!p0 s5, $0x0  }
0x1f: {  	s9 =	smul.u32 $0xF7A, s1;
	s8 =	simm.s32 @!p0 $0x1BF5;
	p2 =	por !p2, p0  }
0x20: {  	[sflag:s8] =	ssyncset.s32 @!p0 $0xFFFFF086;
	s6 =	sadd.s32 @!p0 s3, s7;
	s7 =	simm.s32 @!p0 $0x108  }
0x21: {  	s3 =	sadd.s32 s3, s9;
	s6 =	sadd.s32 @!p0 $0x88, s6;
	s7 =	simm.s32 @p2 $0x1082  }
0x22: {  	[simem:s7], [sflag:s8] =	dma.local @!p0 [hbm:s6], $0xF7A  }
0x23: {  	s9 =	sor.u32 $0xD0000000, s2;
	s6 =	simm.s32 $0x108;
	_ =	swait.ge @!p0 [sflag:s8], $0x0  }
0x24: {  	s3 =	sadd.s32 $0x88, s3;
	s6 =	simm.s32 @!p1 $0x1082;
	[sflag:s4] =	ssyncset.s32 $0xFFFFF086  }
0x25: {  	[simem:s6], [sflag:s4] =	dma.local [hbm:s3], $0xF7A  }
0x26: {  	[smem:$0x3F68] =	sst s1;
	(tag) =	ssettag s2;
	_ =	strace s9  }
0x27: {  	s1 =	sld [smem:$0x3F78]  }
0x28: {  	s2 =	sld [smem:$0x3F79]  }
0x29: {  	s4 =	sld [smem:$0x3F7B]  }
0x2a: {  	p0 =	seq.s32 s5, $0x0;
	s5 =	sld [smem:$0x3F7C]  }
0x2b: {  	s6 =	sld [smem:$0x3F7D]  }
0x2c: {  	s7 =	sld [smem:$0x3F7E]  }
0x2d: {  	s3 =	simm.s32 $0x108;
	s8 =	sld [smem:$0x3F7F]  }
0x2e: {  	s3 =	simm.s32 @!p0 $0x1082;
	s9 =	sld [smem:$0x3F80]  }
0x2f: {  	lr =	sadd.s32 s0, s3;
	s0 =	sld [smem:$0x3F77]  }
0x30: {  	s3 =	sld [smem:$0x3F7A]  }
0x31: {  	[smem:$0x3F83] =	sst s10  }
0x32: {  	s10 =	sld [smem:$0x3F81];
	_ =	sdelay $0x3  }
0x33: {  	p0 =	seq.s32 s10, $0x1;
	s10 =	sld [smem:$0x3F83];
	_ =	sdelay $0x3  }
0x34: {  	[smem:$0x3F83] =	sst s10  }
0x35: {  	s10 =	sld [smem:$0x3F82];
	_ =	sdelay $0x3  }
0x36: {  	p1 =	seq.s32 s10, $0x1;
	s10 =	sld [smem:$0x3F83];
	_ =	sdelay $0x3  }
0x37: {  	[smem:$0x3F83] =	sst s10  }
0x38: {  	s10 =	sld [smem:$0x3F84]  }
0x39: {  	_ = 	snop;
	(pc) =	sbr.ind lr, $3  }
0x3a: {  	_ = 	snop  }
0x3b: {  	_ = 	snop  }
0x3c: {  	p2 =	seq.s32 s10, $0x1;
	s10 =	sld [smem:$0x3F83]  }
0x3d: {  	_ =	shalt  }
0x3e: {  	_ =	shalt  }
0x3f: {  	_ =	shalt  }
0x40: {  	_ =	shalt  }
0x41: {  	_ =	shalt  }
0x42: {  	_ =	shalt  }
0x43: {  	_ =	shalt  }
0x44: {  	_ =	shalt  }
0x45: {  	_ =	shalt  }
0x46: {  	_ =	shalt  }
0x47: {  	_ =	shalt  }
0x48: {  	_ =	shalt  }
0x49: {  	_ =	shalt  }
0x4a: {  	_ =	shalt  }
0x4b: {  	_ =	shalt  }
0x4c: {  	_ =	shalt  }
0x4d: {  	_ =	shalt  }
0x4e: {  	_ =	shalt  }
0x4f: {  	_ =	shalt  }
0x50: {  	_ =	shalt  }
0x51: {  	_ =	shalt  }
0x52: {  	_ =	shalt  }
0x53: {  	_ =	shalt  }
0x54: {  	_ =	shalt  }
0x55: {  	_ =	shalt  }
0x56: {  	_ =	shalt  }
0x57: {  	_ =	shalt  }
0x58: {  	_ =	shalt  }
0x59: {  	_ =	shalt  }
0x5a: {  	_ =	shalt  }
0x5b: {  	_ =	shalt  }
0x5c: {  	_ =	shalt  }
0x5d: {  	_ =	shalt  }
0x5e: {  	_ =	shalt  }
0x5f: {  	_ =	shalt  }
0x60: {  	_ =	shalt  }
0x61: {  	_ =	shalt  }
0x62: {  	_ =	shalt  }
0x63: {  	_ =	shalt  }
0x64: {  	_ =	shalt  }
0x65: {  	_ =	shalt  }
0x66: {  	_ =	shalt  }
0x67: {  	_ =	shalt  }
0x68: {  	_ =	shalt  }
0x69: {  	_ =	shalt  }
0x6a: {  	_ =	shalt  }
0x6b: {  	_ =	shalt  }
0x6c: {  	_ =	shalt  }
0x6d: {  	_ =	shalt  }
0x6e: {  	_ =	shalt  }
0x6f: {  	_ =	shalt  }
0x70: {  	_ =	shalt  }
0x71: {  	_ =	shalt  }
0x72: {  	_ =	shalt  }
0x73: {  	_ =	shalt  }
0x74: {  	_ =	shalt  }
0x75: {  	_ =	shalt  }
0x76: {  	_ =	shalt  }
0x77: {  	_ =	shalt  }
0x78: {  	_ =	shalt  }
0x79: {  	_ =	shalt  }
0x7a: {  	_ =	shalt  }
0x7b: {  	_ =	shalt  }
0x7c: {  	_ =	shalt  }
0x7d: {  	_ =	shalt  }
0x7e: {  	_ =	shalt  }
0x7f: {  	_ =	shalt  }
0x80: {  	_ =	shalt  }
0x81: {  	_ =	shalt  }
0x82: {  	_ =	shalt  }
0x83: {  	_ =	shalt  }
0x84: {  	_ =	shalt  }
0x85: {  	_ =	shalt  }
0x86: {  	_ =	shalt  }
0x87: {  	_ =	shalt  }
.Lfunc_end0:
.L_simem_size_0:
called_computation.4_lowered:
.L_overlay_start_0:
0x88: {  	s2 =	sld [smem:$0x3FD9]  }
0x89: {  	s3 =	sld [smem:$0x3FFE];
	_ =	sdelay $0x1  }
0x8a: {  	s1 =	srdreg.scid  }
0x8b: {  	s0 =	sand.u32 $0x1, s1  }
0x8c: {  	s17 =	sshll.u32 s0, $0xA;
	s2 =	sadd.s32 s3, s2  }
0x8d: {  	s2 =	sadd.s32 s2, s17  }
0x8e: {  	[smem:$0x3F8F] =	sst s2  }
0x8f: {  	_ = 	snop  }
0x90: {  	(tm) =	ssettm $0x1  }
0x91: {  	s18 =	sld [smem:$0x3FFB];
	_ =	sdelay $0x3  }
0x92: {  	_ =	strace s18  }
0x93: {  	s2 =	sld [smem:$0x3FFC];
	_ =	sdelay $0x3  }
0x94: {  	_ =	strace s2  }
0x95: {  	s2 =	sld [smem:$0x3FFD];
	_ =	sdelay $0x3  }
0x96: {  	_ =	strace s2  }
0x97: {  	_ =	strace $0x8FFFFFFF  }
0x98: {  	s19 =	sld [smem:$0x3FDB];
	_ =	sdelay $0x1  }
0x99: {  	s20 =	simm.s32 $_scs_section_size  }
0x9a: {  	s4 =	simm.s32 $_size__tile_overlayer_lowered;
	s5 =	simm.s32 $_tile_overlayer_lowered  }
0x9b: {  	s6 =	simm.s32 $0x1BFF;
	s21 =	sshll.u32 s5, $0x1;
	s3 =	sadd.s32 s20, s19  }
0x9c: {  	s22 =	simm.s32 $0x0;
	s4 =	sshll.u32 s4, $0x1;
	s5 =	sadd.s32 s21, s3  }
0x9d: {  	[timem:s22], [sflag:s6] =	dma.local [hbm:s5], s4  }
0x9e: {  	_ =	swait.ge [sflag:s6], s4  }
0x9f: {  	s4 =	ssub.s32 $0x0, s4;
	[sflag:s6] =	ssyncset.done $0x0  }
0xa0: {  	[sflag:s6] =	ssyncadd.s32 s4;
	_ =	sdelay $0x1  }
0xa1: {  	s23 =	simm.s32 $0x1B8B  }
0xa2: {  	_ =	swait.ge [sflag:s23], $0x1  }
0xa3: {  	[sflag:s23] =	ssyncset.done $0x0  }
0xa4: {  	[sflag:s23] =	ssyncadd.s32 $0xFFFFFFFF  }
0xa5: {  	s4 =	sld [smem:$0x0]  }
0xa6: {  	s5 =	sand.u32 $0xFFFFFFFE, s1  }
0xa7: {  	p0 =	sne.s32 s1, s5  }
0xa8: {  	s5 =	sshll.u32 @p0 s5, $0xE  }
0xa9: {  	s5 =	sadd.s32 @p0 $0x11B8D, s5;
	s6 =	sshll.u32 @p0 s4, $0x11  }
0xaa: {  	s5 =	sor.u32 @p0 s6, s5  }
0xab: {  	[sflag:s5] =	ssyncadd.remote.s32 @p0 $0x1;
	_ =	sdelay $0x1  }
0xac: {  	s5 =	simm.s32 @p0 $0x1B8D  }
0xad: {  	_ =	swait.eq @p0 [sflag:s5], $0x1  }
0xae: {  	[sflag:s5] =	ssyncadd.s32 @p0 $0xFFFFFFFF  }
0xaf: {  	s6 =	sshll.u32 @!p0 s1, $0xE  }
0xb0: {  	s6 =	sor.u32 @!p0 $0x4000, s6;
	s5 =	simm.s32 @!p0 $0x1B8D  }
0xb1: {  	s4 =	sshll.u32 @!p0 s4, $0x11;
	s6 =	sadd.s32 @!p0 $0x11B8D, s6;
	_ =	swait.eq @!p0 [sflag:s5], $0x1  }
0xb2: {  	s4 =	sor.u32 @!p0 s4, s6;
	[sflag:s5] =	ssyncadd.s32 @!p0 $0xFFFFFFFF  }
0xb3: {  	s25 =	simm.s32 $0x1B8E;
	s24 =	sld [smem:$0x3FFE];
	[sflag:s4] =	ssyncadd.remote.s32 @!p0 $0x1  }
0xb4: {  	s26 =	simm.s32 $execute0_lowered;
	[smem:$0x3FD2] =	sst s25  }
0xb5: {  	s5 =	sshll.u32 s26, $0x1;
	_ =	strace $0x80000055;
	[dreg:$0x1] =	wrdreg $0xFFFFFFFF  }
0xb6: {  	s28 =	simm.s32 $_size_execute0_lowered;
	s3 =	sadd.s32 s3, s5;
	[dreg:$0x0] =	wrdreg $0x0  }
0xb7: {  	s5 =	sshll.u32 s28, $0x1;
	[dreg:$0x2] =	wrdreg s3  }
0xb8: {  	[dreg:$0x3] =	wrdreg s5  }
0xb9: {  	[dreg:$0x4] =	wrdreg $0xC0  }
0xba: {  	_ =	task [dreg:s22], $0x5FFFF  }
0xbb: {  	[dreg:$0x1] =	wrdreg $0xFFFFFFFF  }
0xbc: {  	[dreg:$0x0] =	wrdreg $0x60  }
0xbd: {  	[dreg:$0x2] =	wrdreg s24  }
0xbe: {  	[dreg:$0x3] =	wrdreg $0xB  }
0xbf: {  	_ =	task.clear_ibuf [dreg:s22], $0x4FFFF;
	_ =	strace $0x90000055  }
0xc0: {  	s29 =	simm.s32 $0xB;
	_ =	strace $0x80000057  }
0xc1: {  	_ =	swait.ge [sflag:s29], $0x1  }
0xc2: {  	[sflag:s29] =	ssyncadd.s32 $0xFFFFFFFF  }
0xc3: {  	_ =	strace $0x90000057  }
0xc4: {  	_ =	sfence  }
0xc5: {  	s30 =	sld [smem:$0x0];
	_ =	sdelay $0x2  }
0xc6: {  	s31 =	sshll.u32 s1, $0xD;
	s1 =	sshrl.u32 s1, $0x2  }
0xc7: {  	s4 =	sand.u32 $0x4000, s31;
	s1 =	sadd.s32 s1, s30  }
0xc8: {  	s0 =	sor.u32 s4, s0;
	s1 =	sshll.u32 s1, $0x11  }
0xc9: {  	s0 =	sor.u32 s1, s0  }
0xca: {  	s0 =	sadd.s32 $0x8F2B, s0  }
0xcb: {  	[sflag:s0] =	ssyncadd.remote.s32 $0x1  }
0xcc: {  	_ =	sfence.sel $0xFFFF  }
0xcd: {  	[dreg:$0x0] =	wrdreg $0xFFFFFFFF;
	(pc) =	sbr.abs _section_cstart, $3  }
0xce: {  	[dreg:$0x1] =	wrdreg $0xFFFFFFFF  }
0xcf: {  	_ =	task.clear_ibuf [dreg:s22], $0x2FFFF;
	_ =	strace $0x9FFFFFFF  }
0xd0: {  	(tm) =	ssettm $0x7FFFFFFF  }
0xd1: {  	_ =	shalt  }
tec
execute0_lowered:
.L_overlay_start_1:
0x0: {  	(tag) =	ssettag $0x1  }
0x1: {  	s4 =	rddreg [dreg:$0x0]  }
0x2: {  	s0 =	rddreg [dreg:$0x1];
	s1 =	stileid.u32  }
0x3: {  	s2 =	simm.s32 $0x0;
	s3 =	srdreg.scid;
	s5 =	smul.u32 $0x160, s1  }
0x4: {  	[smem:$0x7FF] =	sst s2;
	s6 =	smul.u32 $0xC600, s1;
	s7 =	sand.u32 $0x1, s3  }
0x5: {  	s3 =	sadd.s32 $0x8800, s4;
	s8 =	ssub.s32 $0x2, s7;
	s9 =	smul.u32 $0x6300, s7  }
0x6: {  	_ =	strace $0x80000056;
	s7 =	smul.u32 $0xB0, s7;
	s10 =	sshrl.u32 s8, $0x1  }
0x7: {  	s5 =	sadd.s32 s5, s4;
	s6 =	sadd.s32 s6, s4;
	s31 =	ssub.s32 s8, s10  }
0x8: {  	s6 =	sadd.s32 s9, s6;
	s7 =	sadd.s32 s7, s5;
	s8 =	simm.s32 $0x80  }
0x9: {  	s9 =	simm.s32 $0x1;
	s10 =	simm.s32 $0x0;
	s4 =	smax.u32 s31, $0x1  }
0xa: {  	s5 =	sadd.s32 $0x72200, s6;
	s6 =	sadd.s32 $0x70C00, s7;
	s7 =	simm.s32 $0x2  }
.LBB2_1:
0xb: {  	s11 =	sadd.s32 $0x0, s6  }
0xc: {  	[tilespmem:s2], [sflag:$0x2] =	stream.linear.gather [hbm4b:s11+s2], $0x80, $0x38;
	[tilespmem:$0x4880] =	vst v63  }
0xd: {  	_ =	swait.ge [sflag:s7], $0x80  }
0xe: {  	[sflag:s7] =	ssyncset.done $0x0  }
0xf: {  	[sflag:s7] =	ssyncadd.s32 $0xFFFFFF80  }
0x10: {  	[tilespmem:s8], [sflag:$0x1] =	stream.indirect.gather [hbm4b:s3+s8], $0x90, s2, s8, $0xb8;
	[tilespmem:$0x4880] =	vst v63  }
0x11: {  	_ =	swait.ge [sflag:s9], $0x4800  }
0x12: {  	[sflag:s9] =	ssyncset.done $0x0  }
0x13: {  	[sflag:s9] =	ssyncadd.s32 $0xFFFFB800  }
0x14: {  	[hbm4b:s5+s2] =	stream.linear.scatter [tilespmem:s8], [sflag:$0x2], $0x4800, $0x38;
	[tilespmem:$0x4880] =	vst v63  }
0x15: {  	s12 =	simm.s32 $0x10;
	_ =	swait.ge [sflag:s7], $0x4800  }
0x16: {  	s13 =	simm.s32 $0x20;
	s11 =	sadd.s32 $0x900, s5;
	[sflag:s7] =	ssyncset.done $0x0  }
.LBB2_2:
0x17: {  	s14 =	sadd.s32 s12, s6  }
0x18: {  	[sflag:s7] =	ssyncadd.s32 $0xFFFFB800;
	s12 =	smov.u32 s13;
	s15 =	sadd.s32 $0x10, s13  }
0x19: {  	[tilespmem:s2], [sflag:$0x2] =	stream.linear.gather [hbm4b:s14+s2], $0x80, $0x38;
	[tilespmem:$0x4880] =	vst v63  }
0x1a: {  	p0 =	sne.s32 s13, $0xA0;
	_ =	swait.ge [sflag:s7], $0x80  }
0x1b: {  	[sflag:s7] =	ssyncset.done $0x0  }
0x1c: {  	[sflag:s7] =	ssyncadd.s32 $0xFFFFFF80  }
0x1d: {  	[tilespmem:s8], [sflag:$0x1] =	stream.indirect.gather [hbm4b:s3+s8], $0x90, s2, s8, $0xb8;
	[tilespmem:$0x4880] =	vst v63  }
0x1e: {  	_ =	swait.ge [sflag:s9], $0x4800  }
.Ltmp0:
0x1f: {  	[sflag:s9] =	ssyncset.done $0x0;
	(pc) =	sbr.rel @p0 .LBB2_2-.Ltmp0, $4  }
0x20: {  	[sflag:s9] =	ssyncadd.s32 $0xFFFFB800  }
0x21: {  	[hbm4b:s11+s2] =	stream.linear.scatter [tilespmem:s8], [sflag:$0x2], $0x4800, $0x38;
	[tilespmem:$0x4880] =	vst v63  }
0x22: {  	_ =	swait.ge [sflag:s7], $0x4800  }
0x23: {  	s13 =	smov.u32 s15;
	s11 =	sadd.s32 $0x900, s11;
	[sflag:s7] =	ssyncset.done $0x0  }
0x24: {  	s12 =	sadd.s32 s12, s6;
	[sflag:s7] =	ssyncadd.s32 $0xFFFFB800  }
0x25: {  	[tilespmem:s2], [sflag:$0x2] =	stream.linear.gather [hbm4b:s12+s2], $0x80, $0x38;
	[tilespmem:$0x4880] =	vst v63  }
0x26: {  	_ =	swait.ge [sflag:s7], $0x80  }
0x27: {  	[sflag:s7] =	ssyncset.done $0x0  }
0x28: {  	[sflag:s7] =	ssyncadd.s32 $0xFFFFFF80  }
0x29: {  	[tilespmem:s8], [sflag:$0x1] =	stream.indirect.gather [hbm4b:s3+s8], $0x90, s2, s8, $0xb8;
	[tilespmem:$0x4880] =	vst v63  }
0x2a: {  	s10 =	sadd.s32 $0x1, s10;
	_ =	swait.ge [sflag:s9], $0x4800  }
0x2b: {  	p0 =	sne.s32 s10, s4;
	[sflag:s9] =	ssyncset.done $0x0  }
.Ltmp1:
0x2c: {  	[sflag:s9] =	ssyncadd.s32 $0xFFFFB800;
	(pc) =	sbr.rel @p0 .LBB2_1-.Ltmp1, $4  }
0x2d: {  	[hbm4b:s11+s2] =	stream.linear.scatter [tilespmem:s8], [sflag:$0x2], $0x4800, $0x38;
	[tilespmem:$0x4880] =	vst v63  }
0x2e: {  	_ =	swait.ge [sflag:s7], $0x4800  }
0x2f: {  	[sflag:s7] =	ssyncset.done $0x0  }
0x30: {  	[sflag:s7] =	ssyncadd.s32 $0xFFFFB800  }
0x31: {  	_ =	sfence.sel $0x180000  }
0x32: {  	[bflag:$0x0] =	sbarrier.arrive $0xFFFF  }
0x33: {  	p0 =	sne.s32 s1, $0x0;
	_ =	strace $0x90000056  }
0x34: {  	s0 =	sadd.s32 @!p0 $0x100000, s0;
	[bflag:$0x2] =	sbarrier.arrive $0xFFFF  }
0x35: {  	[sflag:s0] =	ssyncadd.tile.s32 @!p0 $0x1;
	_ =	shalt  }
.Lfunc_end2:
_tile_overlayer_lowered:
.L_overlay_start_2:
0x36: {  	(tag) =	ssettag $0x2  }
0x37: {  	s0 =	rddreg [dreg:$0x0];
	s2 =	stileid.u32  }
0x38: {  	s1 =	rddreg [dreg:$0x1];
	p0 =	sne.s32 s2, $0x0  }
0x39: {  	s3 =	rddreg [dreg:$0x2];
	[bflag:$0x3] =	sbarrier.arrive $0xFFFF;
	s2 =	simm.s32 @!p0 $0x1C02  }
0x3a: {  	[timem:s3], [sflag:s2] =	dma.local @!p0 [hbm:s0], s1  }
0x3b: {  	s0 =	simm.s32 @!p0 $0x2  }
0x3c: {  	_ =	swait.ge @!p0 [sflag:s0], s1  }
0x3d: {  	s1 =	ssub.s32 @!p0 $0x0, s1;
	[sflag:s0] =	ssyncset.done @!p0 $0x0  }
0x3e: {  	[sflag:s0] =	ssyncadd.s32 @!p0 s1  }
0x3f: {  	[bflag:$0x3] =	sbarrier.arrive $0xFFFF  }
0x40: {  	_ =	shalt  }

// kernel: kernel.43.cloned.1.call-start
scs
__scs_entry_jumppad:
0x0: {  	(pc) =	sbr.rel $0x88, $3  }
0x1: {  	(tag) =	ssettag $0x0;
	lr =	simm.s32 $0x1  }
0x2: {  	[smem:$0x3F68] =	sst lr;
	_ =	strace $0xD0000000  }
0x3: {  	_ = 	snop  }
0x4: {  	_ = 	snop  }
0x5: {  	_ = 	snop  }
0x6: {  	_ = 	snop  }
0x7: {  	_ = 	snop  }
__scs_overlays_trampoline_lowered:
0x8: {  	[smem:$0x3F77] =	sst s0  }
0x9: {  	[smem:$0x3F78] =	sst s1  }
0xa: {  	[smem:$0x3F79] =	sst s2  }
0xb: {  	[smem:$0x3F7A] =	sst s3  }
0xc: {  	[smem:$0x3F7B] =	sst s4  }
0xd: {  	[smem:$0x3F7C] =	sst s5  }
0xe: {  	[smem:$0x3F7D] =	sst s6  }
0xf: {  	[smem:$0x3F7E] =	sst s7  }
0x10: {  	[smem:$0x3F7F] =	sst s8  }
0x11: {  	[smem:$0x3F80] =	sst s9;
	s0 =	simm.s32 @!p0 $0x0  }
0x12: {  	s1 =	sld [smem:$0x3F66];
	s0 =	simm.s32 @p0 $0x1  }
0x13: {  	[smem:$0x3F81] =	sst s0;
	s0 =	simm.s32 @!p1 $0x0  }
0x14: {  	s2 =	sld [smem:$0x3F65];
	s0 =	simm.s32 @p1 $0x1  }
0x15: {  	[smem:$0x3F82] =	sst s0;
	s0 =	simm.s32 @!p2 $0x0  }
0x16: {  	s3 =	sld [smem:$0x3FDB];
	s0 =	simm.s32 @p2 $0x1  }
0x17: {  	s4 =	simm.s32 $0x1BF5;
	[smem:$0x3F84] =	sst s0  }
0x18: {  	s0 =	sld [smem:$0x3F67];
	_ =	swait.ge [sflag:s4], $0x0  }
0x19: {  	s7 =	sld [smem:$0x3F68]  }
0x1a: {  	s8 =	sadd.s32 $0xFFFFE003, lr  }
0x1b: {  	s9 =	sadd.s32 $0xFFFFFEF7, lr;
	s5 =	simm.s32 $0xFFFFFFFF;
	p2 =	slt.u32 s8, $0xFFFFF086  }
0x1c: {  	p1 =	slt.u32 s9, $0xF7A;
	s5 =	simm.s32 @!p2 $0x0  }
0x1d: {  	s5 =	simm.s32 @p1 $0x1;
	p0 =	seq.s32 s7, s2  }
0x1e: {  	s7 =	smul.u32 @!p0 $0xF7A, s2;
	p2 =	seq.s32 @!p0 s5, $0x0  }
0x1f: {  	s9 =	smul.u32 $0xF7A, s1;
	s8 =	simm.s32 @!p0 $0x1BF5;
	p2 =	por !p2, p0  }
0x20: {  	[sflag:s8] =	ssyncset.s32 @!p0 $0xFFFFF086;
	s6 =	sadd.s32 @!p0 s3, s7;
	s7 =	simm.s32 @!p0 $0x108  }
0x21: {  	s3 =	sadd.s32 s3, s9;
	s6 =	sadd.s32 @!p0 $0x88, s6;
	s7 =	simm.s32 @p2 $0x1082  }
0x22: {  	[simem:s7], [sflag:s8] =	dma.local @!p0 [hbm:s6], $0xF7A  }
0x23: {  	s9 =	sor.u32 $0xD0000000, s2;
	s6 =	simm.s32 $0x108;
	_ =	swait.ge @!p0 [sflag:s8], $0x0  }
0x24: {  	s3 =	sadd.s32 $0x88, s3;
	s6 =	simm.s32 @!p1 $0x1082;
	[sflag:s4] =	ssyncset.s32 $0xFFFFF086  }
0x25: {  	[simem:s6], [sflag:s4] =	dma.local [hbm:s3], $0xF7A  }
0x26: {  	[smem:$0x3F68] =	sst s1;
	(tag) =	ssettag s2;
	_ =	strace s9  }
0x27: {  	s1 =	sld [smem:$0x3F78]  }
0x28: {  	s2 =	sld [smem:$0x3F79]  }
0x29: {  	s4 =	sld [smem:$0x3F7B]  }
0x2a: {  	p0 =	seq.s32 s5, $0x0;
	s5 =	sld [smem:$0x3F7C]  }
0x2b: {  	s6 =	sld [smem:$0x3F7D]  }
0x2c: {  	s7 =	sld [smem:$0x3F7E]  }
0x2d: {  	s3 =	simm.s32 $0x108;
	s8 =	sld [smem:$0x3F7F]  }
0x2e: {  	s3 =	simm.s32 @!p0 $0x1082;
	s9 =	sld [smem:$0x3F80]  }
0x2f: {  	lr =	sadd.s32 s0, s3;
	s0 =	sld [smem:$0x3F77]  }
0x30: {  	s3 =	sld [smem:$0x3F7A]  }
0x31: {  	[smem:$0x3F83] =	sst s10  }
0x32: {  	s10 =	sld [smem:$0x3F81];
	_ =	sdelay $0x3  }
0x33: {  	p0 =	seq.s32 s10, $0x1;
	s10 =	sld [smem:$0x3F83];
	_ =	sdelay $0x3  }
0x34: {  	[smem:$0x3F83] =	sst s10  }
0x35: {  	s10 =	sld [smem:$0x3F82];
	_ =	sdelay $0x3  }
0x36: {  	p1 =	seq.s32 s10, $0x1;
	s10 =	sld [smem:$0x3F83];
	_ =	sdelay $0x3  }
0x37: {  	[smem:$0x3F83] =	sst s10  }
0x38: {  	s10 =	sld [smem:$0x3F84]  }
0x39: {  	_ = 	snop;
	(pc) =	sbr.ind lr, $3  }
0x3a: {  	_ = 	snop  }
0x3b: {  	_ = 	snop  }
0x3c: {  	p2 =	seq.s32 s10, $0x1;
	s10 =	sld [smem:$0x3F83]  }
0x3d: {  	_ =	shalt  }
0x3e: {  	_ =	shalt  }
0x3f: {  	_ =	shalt  }
0x40: {  	_ =	shalt  }
0x41: {  	_ =	shalt  }
0x42: {  	_ =	shalt  }
0x43: {  	_ =	shalt  }
0x44: {  	_ =	shalt  }
0x45: {  	_ =	shalt  }
0x46: {  	_ =	shalt  }
0x47: {  	_ =	shalt  }
0x48: {  	_ =	shalt  }
0x49: {  	_ =	shalt  }
0x4a: {  	_ =	shalt  }
0x4b: {  	_ =	shalt  }
0x4c: {  	_ =	shalt  }
0x4d: {  	_ =	shalt  }
0x4e: {  	_ =	shalt  }
0x4f: {  	_ =	shalt  }
0x50: {  	_ =	shalt  }
0x51: {  	_ =	shalt  }
0x52: {  	_ =	shalt  }
0x53: {  	_ =	shalt  }
0x54: {  	_ =	shalt  }
0x55: {  	_ =	shalt  }
0x56: {  	_ =	shalt  }
0x57: {  	_ =	shalt  }
0x58: {  	_ =	shalt  }
0x59: {  	_ =	shalt  }
0x5a: {  	_ =	shalt  }
0x5b: {  	_ =	shalt  }
0x5c: {  	_ =	shalt  }
0x5d: {  	_ =	shalt  }
0x5e: {  	_ =	shalt  }
0x5f: {  	_ =	shalt  }
0x60: {  	_ =	shalt  }
0x61: {  	_ =	shalt  }
0x62: {  	_ =	shalt  }
0x63: {  	_ =	shalt  }
0x64: {  	_ =	shalt  }
0x65: {  	_ =	shalt  }
0x66: {  	_ =	shalt  }
0x67: {  	_ =	shalt  }
0x68: {  	_ =	shalt  }
0x69: {  	_ =	shalt  }
0x6a: {  	_ =	shalt  }
0x6b: {  	_ =	shalt  }
0x6c: {  	_ =	shalt  }
0x6d: {  	_ =	shalt  }
0x6e: {  	_ =	shalt  }
0x6f: {  	_ =	shalt  }
0x70: {  	_ =	shalt  }
0x71: {  	_ =	shalt  }
0x72: {  	_ =	shalt  }
0x73: {  	_ =	shalt  }
0x74: {  	_ =	shalt  }
0x75: {  	_ =	shalt  }
0x76: {  	_ =	shalt  }
0x77: {  	_ =	shalt  }
0x78: {  	_ =	shalt  }
0x79: {  	_ =	shalt  }
0x7a: {  	_ =	shalt  }
0x7b: {  	_ =	shalt  }
0x7c: {  	_ =	shalt  }
0x7d: {  	_ =	shalt  }
0x7e: {  	_ =	shalt  }
0x7f: {  	_ =	shalt  }
0x80: {  	_ =	shalt  }
0x81: {  	_ =	shalt  }
0x82: {  	_ =	shalt  }
0x83: {  	_ =	shalt  }
0x84: {  	_ =	shalt  }
0x85: {  	_ =	shalt  }
0x86: {  	_ =	shalt  }
0x87: {  	_ =	shalt  }
.Lfunc_end0:
.L_simem_size_0:
called_computation.5_lowered:
.L_overlay_start_0:
0x88: {  	s2 =	sld [smem:$0x3FD9]  }
0x89: {  	s3 =	sld [smem:$0x3FFE];
	_ =	sdelay $0x1  }
0x8a: {  	s1 =	srdreg.scid  }
0x8b: {  	s0 =	sand.u32 $0x1, s1  }
0x8c: {  	s17 =	sshll.u32 s0, $0xA;
	s2 =	sadd.s32 s3, s2  }
0x8d: {  	s2 =	sadd.s32 s2, s17  }
0x8e: {  	[smem:$0x3F8F] =	sst s2  }
0x8f: {  	_ = 	snop  }
0x90: {  	(tm) =	ssettm $0x1  }
0x91: {  	s18 =	sld [smem:$0x3FFB];
	_ =	sdelay $0x3  }
0x92: {  	_ =	strace s18  }
0x93: {  	s2 =	sld [smem:$0x3FFC];
	_ =	sdelay $0x3  }
0x94: {  	_ =	strace s2  }
0x95: {  	s2 =	sld [smem:$0x3FFD];
	_ =	sdelay $0x3  }
0x96: {  	_ =	strace s2  }
0x97: {  	_ =	strace $0x8FFFFFFF  }
0x98: {  	s19 =	sld [smem:$0x3FDB];
	_ =	sdelay $0x1  }
0x99: {  	s20 =	simm.s32 $_scs_section_size  }
0x9a: {  	s4 =	simm.s32 $_size__tile_overlayer_lowered;
	s5 =	simm.s32 $_tile_overlayer_lowered  }
0x9b: {  	s6 =	simm.s32 $0x1BFF;
	s21 =	sshll.u32 s5, $0x1;
	s3 =	sadd.s32 s20, s19  }
0x9c: {  	s22 =	simm.s32 $0x0;
	s4 =	sshll.u32 s4, $0x1;
	s5 =	sadd.s32 s21, s3  }
0x9d: {  	[timem:s22], [sflag:s6] =	dma.local [hbm:s5], s4  }
0x9e: {  	_ =	swait.ge [sflag:s6], s4  }
0x9f: {  	s4 =	ssub.s32 $0x0, s4;
	[sflag:s6] =	ssyncset.done $0x0  }
0xa0: {  	[sflag:s6] =	ssyncadd.s32 s4;
	_ =	sdelay $0x1  }
0xa1: {  	s23 =	simm.s32 $0x1B8B  }
0xa2: {  	_ =	swait.ge [sflag:s23], $0x1  }
0xa3: {  	[sflag:s23] =	ssyncset.done $0x0  }
0xa4: {  	[sflag:s23] =	ssyncadd.s32 $0xFFFFFFFF  }
0xa5: {  	s4 =	sld [smem:$0x0]  }
0xa6: {  	s5 =	sand.u32 $0xFFFFFFFE, s1  }
0xa7: {  	p0 =	sne.s32 s1, s5  }
0xa8: {  	s5 =	sshll.u32 @p0 s5, $0xE  }
0xa9: {  	s5 =	sadd.s32 @p0 $0x11B8D, s5;
	s6 =	sshll.u32 @p0 s4, $0x11  }
0xaa: {  	s5 =	sor.u32 @p0 s6, s5  }
0xab: {  	[sflag:s5] =	ssyncadd.remote.s32 @p0 $0x1;
	_ =	sdelay $0x1  }
0xac: {  	s5 =	simm.s32 @p0 $0x1B8D  }
0xad: {  	_ =	swait.eq @p0 [sflag:s5], $0x1  }
0xae: {  	[sflag:s5] =	ssyncadd.s32 @p0 $0xFFFFFFFF  }
0xaf: {  	s6 =	sshll.u32 @!p0 s1, $0xE  }
0xb0: {  	s6 =	sor.u32 @!p0 $0x4000, s6;
	s5 =	simm.s32 @!p0 $0x1B8D  }
0xb1: {  	s4 =	sshll.u32 @!p0 s4, $0x11;
	s6 =	sadd.s32 @!p0 $0x11B8D, s6;
	_ =	swait.eq @!p0 [sflag:s5], $0x1  }
0xb2: {  	s4 =	sor.u32 @!p0 s4, s6;
	[sflag:s5] =	ssyncadd.s32 @!p0 $0xFFFFFFFF  }
0xb3: {  	s25 =	simm.s32 $0x1B8E;
	s24 =	sld [smem:$0x3FFE];
	[sflag:s4] =	ssyncadd.remote.s32 @!p0 $0x1  }
0xb4: {  	s26 =	simm.s32 $execute0_lowered;
	[smem:$0x3FD2] =	sst s25  }
0xb5: {  	s5 =	sshll.u32 s26, $0x1;
	_ =	strace $0x80000058;
	[dreg:$0x1] =	wrdreg $0xFFFFFFFF  }
0xb6: {  	s28 =	simm.s32 $_size_execute0_lowered;
	s3 =	sadd.s32 s3, s5;
	[dreg:$0x0] =	wrdreg $0x0  }
0xb7: {  	s5 =	sshll.u32 s28, $0x1;
	[dreg:$0x2] =	wrdreg s3  }
0xb8: {  	[dreg:$0x3] =	wrdreg s5  }
0xb9: {  	[dreg:$0x4] =	wrdreg $0xC0  }
0xba: {  	_ =	task [dreg:s22], $0x5FFFF  }
0xbb: {  	[dreg:$0x1] =	wrdreg $0xFFFFFFFF  }
0xbc: {  	[dreg:$0x0] =	wrdreg $0x60  }
0xbd: {  	[dreg:$0x2] =	wrdreg s24  }
0xbe: {  	[dreg:$0x3] =	wrdreg $0x9  }
0xbf: {  	_ =	task.clear_ibuf [dreg:s22], $0x4FFFF;
	_ =	strace $0x90000058  }
0xc0: {  	s29 =	simm.s32 $0x9;
	_ =	strace $0x8000005A  }
0xc1: {  	_ =	swait.ge [sflag:s29], $0x1  }
0xc2: {  	[sflag:s29] =	ssyncadd.s32 $0xFFFFFFFF  }
0xc3: {  	_ =	strace $0x9000005A  }
0xc4: {  	_ =	sfence  }
0xc5: {  	s30 =	sld [smem:$0x0];
	_ =	sdelay $0x2  }
0xc6: {  	s31 =	sshll.u32 s1, $0xD;
	s1 =	sshrl.u32 s1, $0x2  }
0xc7: {  	s4 =	sand.u32 $0x4000, s31;
	s1 =	sadd.s32 s1, s30  }
0xc8: {  	s0 =	sor.u32 s4, s0;
	s1 =	sshll.u32 s1, $0x11  }
0xc9: {  	s0 =	sor.u32 s1, s0  }
0xca: {  	s0 =	sadd.s32 $0x8F2B, s0  }
0xcb: {  	[sflag:s0] =	ssyncadd.remote.s32 $0x1  }
0xcc: {  	_ =	sfence.sel $0xFFFF  }
0xcd: {  	[dreg:$0x0] =	wrdreg $0xFFFFFFFF;
	(pc) =	sbr.abs _section_cstart, $3  }
0xce: {  	[dreg:$0x1] =	wrdreg $0xFFFFFFFF  }
0xcf: {  	_ =	task.clear_ibuf [dreg:s22], $0x2FFFF;
	_ =	strace $0x9FFFFFFF  }
0xd0: {  	(tm) =	ssettm $0x7FFFFFFF  }
0xd1: {  	_ =	shalt  }
tec
execute0_lowered:
.L_overlay_start_1:
0x0: {  	(tag) =	ssettag $0x1  }
0x1: {  	s1 =	srdreg.scid  }
0x2: {  	s0 =	stileid.u32;
	s6 =	sand.u32 $0x1, s1  }
0x3: {  	s8 =	rddreg [dreg:$0x0];
	s30 =	sshll.u32 s0, $0x8;
	s2 =	sshll.u32 s6, $0x7  }
0x4: {  	s7 =	simm.s32 $0x1;
	s1 =	rddreg [dreg:$0x1];
	s9 =	sor.u32 s2, s30  }
0x5: {  	s5 =	sadd.s32 $0x13C00, s8;
	s2 =	simm.s32 $0x0;
	s3 =	sshrl.u32 s9, $0x3  }
0x6: {  	s10 =	ssub.s32 $0x2, s6;
	[smem:$0x7FF] =	sst s2;
	s3 =	sadd.s32 s3, s8  }
0x7: {  	_ =	strace $0x80000059;
	s4 =	sadd.s32 $0x8600, s3;
	s3 =	simm.s32 $0x2  }
0x8: {  	[tilespmem:s2], [sflag:$0x2] =	stream.linear.gather [hbm4b:s4+s2], $0x80, $0x38;
	[tilespmem:$0x880] =	vst v63  }
0x9: {  	s6 =	simm.s32 $0x80;
	s11 =	sshrl.u32 s10, $0x1;
	_ =	swait.ge [sflag:s3], $0x80  }
0xa: {  	s9 =	sshll.u32 s9, $0x1;
	s31 =	ssub.s32 s10, s11;
	[sflag:s3] =	ssyncset.done $0x0  }
0xb: {  	s8 =	sadd.s32 s9, s8;
	s9 =	smax.u32 s31, $0x1;
	[sflag:s3] =	ssyncadd.s32 $0xFFFFFF80  }
0xc: {  	[tilespmem:s6], [sflag:$0x1] =	stream.indirect.gather [hbm4b:s5+s6], $0x10, s2, s6, $0xb8;
	[tilespmem:$0x880] =	vst v63  }
0xd: {  	p0 =	sne.s32 s9, $0x1;
	_ =	swait.ge [sflag:s7], $0x800  }
.Ltmp0:
0xe: {  	[sflag:s7] =	ssyncset.done $0x0;
	(pc) =	sbr.rel @!p0 .LBB2_2-.Ltmp0, $4  }
0xf: {  	s8 =	sadd.s32 $0x15000, s8;
	[sflag:s7] =	ssyncadd.s32 $0xFFFFF800  }
0x10: {  	[hbm4b:s8+s2] =	stream.linear.scatter [tilespmem:s6], [sflag:$0x2], $0x800, $0x38;
	[tilespmem:$0x880] =	vst v63  }
0x11: {  	_ =	swait.ge [sflag:s3], $0x800  }
0x12: {  	s9 =	sadd.s32 $0xFFFFFFFF, s9;
	[sflag:s3] =	ssyncset.done $0x0  }
.LBB2_1:
0x13: {  	p0 =	sne.s32 s9, $0x1;
	s9 =	sadd.s32 $0xFFFFFFFF, s9;
	[sflag:s3] =	ssyncadd.s32 $0xFFFFF800  }
0x14: {  	[tilespmem:s2], [sflag:$0x2] =	stream.linear.gather [hbm4b:s4+s2], $0x80, $0x38;
	[tilespmem:$0x880] =	vst v63  }
0x15: {  	_ =	swait.ge [sflag:s3], $0x80  }
0x16: {  	[sflag:s3] =	ssyncset.done $0x0  }
0x17: {  	[sflag:s3] =	ssyncadd.s32 $0xFFFFFF80  }
0x18: {  	[tilespmem:s6], [sflag:$0x1] =	stream.indirect.gather [hbm4b:s5+s6], $0x10, s2, s6, $0xb8;
	[tilespmem:$0x880] =	vst v63  }
0x19: {  	_ =	swait.ge [sflag:s7], $0x800  }
.Ltmp1:
0x1a: {  	[sflag:s7] =	ssyncset.done $0x0;
	(pc) =	sbr.rel @p0 .LBB2_1-.Ltmp1, $4  }
0x1b: {  	[sflag:s7] =	ssyncadd.s32 $0xFFFFF800  }
0x1c: {  	[hbm4b:s8+s2] =	stream.linear.scatter [tilespmem:s6], [sflag:$0x2], $0x800, $0x38;
	[tilespmem:$0x880] =	vst v63  }
0x1d: {  	_ =	swait.ge [sflag:s3], $0x800  }
0x1e: {  	[sflag:s3] =	ssyncset.done $0x0  }
.LBB2_2:
0x1f: {  	[sflag:s3] =	ssyncadd.s32 $0xFFFFF800  }
0x20: {  	_ =	sfence.sel $0x180000  }
0x21: {  	[bflag:$0x0] =	sbarrier.arrive $0xFFFF  }
0x22: {  	p0 =	sne.s32 s0, $0x0;
	_ =	strace $0x90000059  }
0x23: {  	s0 =	sadd.s32 @!p0 $0x100000, s1;
	[bflag:$0x2] =	sbarrier.arrive $0xFFFF  }
0x24: {  	[sflag:s0] =	ssyncadd.tile.s32 @!p0 $0x1;
	_ =	shalt  }
.Lfunc_end2:
_tile_overlayer_lowered:
.L_overlay_start_2:
0x25: {  	(tag) =	ssettag $0x2  }
0x26: {  	s0 =	rddreg [dreg:$0x0];
	s2 =	stileid.u32  }
0x27: {  	s1 =	rddreg [dreg:$0x1];
	p0 =	sne.s32 s2, $0x0  }
0x28: {  	s3 =	rddreg [dreg:$0x2];
	[bflag:$0x3] =	sbarrier.arrive $0xFFFF;
	s2 =	simm.s32 @!p0 $0x1C02  }
0x29: {  	[timem:s3], [sflag:s2] =	dma.local @!p0 [hbm:s0], s1  }
0x2a: {  	s0 =	simm.s32 @!p0 $0x2  }
0x2b: {  	_ =	swait.ge @!p0 [sflag:s0], s1  }
0x2c: {  	s1 =	ssub.s32 @!p0 $0x0, s1;
	[sflag:s0] =	ssyncset.done @!p0 $0x0  }
0x2d: {  	[sflag:s0] =	ssyncadd.s32 @!p0 s1  }
0x2e: {  	[bflag:$0x3] =	sbarrier.arrive $0xFFFF  }
0x2f: {  	_ =	shalt  }

// kernel: kernel.46.cloned.1.call-start
scs
__scs_entry_jumppad:
0x0: {  	(pc) =	sbr.rel $0x88, $3  }
0x1: {  	(tag) =	ssettag $0x0;
	lr =	simm.s32 $0x1  }
0x2: {  	[smem:$0x3F68] =	sst lr;
	_ =	strace $0xD0000000  }
0x3: {  	_ = 	snop  }
0x4: {  	_ = 	snop  }
0x5: {  	_ = 	snop  }
0x6: {  	_ = 	snop  }
0x7: {  	_ = 	snop  }
__scs_overlays_trampoline_lowered:
0x8: {  	[smem:$0x3F77] =	sst s0  }
0x9: {  	[smem:$0x3F78] =	sst s1  }
0xa: {  	[smem:$0x3F79] =	sst s2  }
0xb: {  	[smem:$0x3F7A] =	sst s3  }
0xc: {  	[smem:$0x3F7B] =	sst s4  }
0xd: {  	[smem:$0x3F7C] =	sst s5  }
0xe: {  	[smem:$0x3F7D] =	sst s6  }
0xf: {  	[smem:$0x3F7E] =	sst s7  }
0x10: {  	[smem:$0x3F7F] =	sst s8  }
0x11: {  	[smem:$0x3F80] =	sst s9;
	s0 =	simm.s32 @!p0 $0x0  }
0x12: {  	s1 =	sld [smem:$0x3F66];
	s0 =	simm.s32 @p0 $0x1  }
0x13: {  	[smem:$0x3F81] =	sst s0;
	s0 =	simm.s32 @!p1 $0x0  }
0x14: {  	s2 =	sld [smem:$0x3F65];
	s0 =	simm.s32 @p1 $0x1  }
0x15: {  	[smem:$0x3F82] =	sst s0;
	s0 =	simm.s32 @!p2 $0x0  }
0x16: {  	s3 =	sld [smem:$0x3FDB];
	s0 =	simm.s32 @p2 $0x1  }
0x17: {  	s4 =	simm.s32 $0x1BF5;
	[smem:$0x3F84] =	sst s0  }
0x18: {  	s0 =	sld [smem:$0x3F67];
	_ =	swait.ge [sflag:s4], $0x0  }
0x19: {  	s7 =	sld [smem:$0x3F68]  }
0x1a: {  	s8 =	sadd.s32 $0xFFFFE003, lr  }
0x1b: {  	s9 =	sadd.s32 $0xFFFFFEF7, lr;
	s5 =	simm.s32 $0xFFFFFFFF;
	p2 =	slt.u32 s8, $0xFFFFF086  }
0x1c: {  	p1 =	slt.u32 s9, $0xF7A;
	s5 =	simm.s32 @!p2 $0x0  }
0x1d: {  	s5 =	simm.s32 @p1 $0x1;
	p0 =	seq.s32 s7, s2  }
0x1e: {  	s7 =	smul.u32 @!p0 $0xF7A, s2;
	p2 =	seq.s32 @!p0 s5, $0x0  }
0x1f: {  	s9 =	smul.u32 $0xF7A, s1;
	s8 =	simm.s32 @!p0 $0x1BF5;
	p2 =	por !p2, p0  }
0x20: {  	[sflag:s8] =	ssyncset.s32 @!p0 $0xFFFFF086;
	s6 =	sadd.s32 @!p0 s3, s7;
	s7 =	simm.s32 @!p0 $0x108  }
0x21: {  	s3 =	sadd.s32 s3, s9;
	s6 =	sadd.s32 @!p0 $0x88, s6;
	s7 =	simm.s32 @p2 $0x1082  }
0x22: {  	[simem:s7], [sflag:s8] =	dma.local @!p0 [hbm:s6], $0xF7A  }
0x23: {  	s9 =	sor.u32 $0xD0000000, s2;
	s6 =	simm.s32 $0x108;
	_ =	swait.ge @!p0 [sflag:s8], $0x0  }
0x24: {  	s3 =	sadd.s32 $0x88, s3;
	s6 =	simm.s32 @!p1 $0x1082;
	[sflag:s4] =	ssyncset.s32 $0xFFFFF086  }
0x25: {  	[simem:s6], [sflag:s4] =	dma.local [hbm:s3], $0xF7A  }
0x26: {  	[smem:$0x3F68] =	sst s1;
	(tag) =	ssettag s2;
	_ =	strace s9  }
0x27: {  	s1 =	sld [smem:$0x3F78]  }
0x28: {  	s2 =	sld [smem:$0x3F79]  }
0x29: {  	s4 =	sld [smem:$0x3F7B]  }
0x2a: {  	p0 =	seq.s32 s5, $0x0;
	s5 =	sld [smem:$0x3F7C]  }
0x2b: {  	s6 =	sld [smem:$0x3F7D]  }
0x2c: {  	s7 =	sld [smem:$0x3F7E]  }
0x2d: {  	s3 =	simm.s32 $0x108;
	s8 =	sld [smem:$0x3F7F]  }
0x2e: {  	s3 =	simm.s32 @!p0 $0x1082;
	s9 =	sld [smem:$0x3F80]  }
0x2f: {  	lr =	sadd.s32 s0, s3;
	s0 =	sld [smem:$0x3F77]  }
0x30: {  	s3 =	sld [smem:$0x3F7A]  }
0x31: {  	[smem:$0x3F83] =	sst s10  }
0x32: {  	s10 =	sld [smem:$0x3F81];
	_ =	sdelay $0x3  }
0x33: {  	p0 =	seq.s32 s10, $0x1;
	s10 =	sld [smem:$0x3F83];
	_ =	sdelay $0x3  }
0x34: {  	[smem:$0x3F83] =	sst s10  }
0x35: {  	s10 =	sld [smem:$0x3F82];
	_ =	sdelay $0x3  }
0x36: {  	p1 =	seq.s32 s10, $0x1;
	s10 =	sld [smem:$0x3F83];
	_ =	sdelay $0x3  }
0x37: {  	[smem:$0x3F83] =	sst s10  }
0x38: {  	s10 =	sld [smem:$0x3F84]  }
0x39: {  	_ = 	snop;
	(pc) =	sbr.ind lr, $3  }
0x3a: {  	_ = 	snop  }
0x3b: {  	_ = 	snop  }
0x3c: {  	p2 =	seq.s32 s10, $0x1;
	s10 =	sld [smem:$0x3F83]  }
0x3d: {  	_ =	shalt  }
0x3e: {  	_ =	shalt  }
0x3f: {  	_ =	shalt  }
0x40: {  	_ =	shalt  }
0x41: {  	_ =	shalt  }
0x42: {  	_ =	shalt  }
0x43: {  	_ =	shalt  }
0x44: {  	_ =	shalt  }
0x45: {  	_ =	shalt  }
0x46: {  	_ =	shalt  }
0x47: {  	_ =	shalt  }
0x48: {  	_ =	shalt  }
0x49: {  	_ =	shalt  }
0x4a: {  	_ =	shalt  }
0x4b: {  	_ =	shalt  }
0x4c: {  	_ =	shalt  }
0x4d: {  	_ =	shalt  }
0x4e: {  	_ =	shalt  }
0x4f: {  	_ =	shalt  }
0x50: {  	_ =	shalt  }
0x51: {  	_ =	shalt  }
0x52: {  	_ =	shalt  }
0x53: {  	_ =	shalt  }
0x54: {  	_ =	shalt  }
0x55: {  	_ =	shalt  }
0x56: {  	_ =	shalt  }
0x57: {  	_ =	shalt  }
0x58: {  	_ =	shalt  }
0x59: {  	_ =	shalt  }
0x5a: {  	_ =	shalt  }
0x5b: {  	_ =	shalt  }
0x5c: {  	_ =	shalt  }
0x5d: {  	_ =	shalt  }
0x5e: {  	_ =	shalt  }
0x5f: {  	_ =	shalt  }
0x60: {  	_ =	shalt  }
0x61: {  	_ =	shalt  }
0x62: {  	_ =	shalt  }
0x63: {  	_ =	shalt  }
0x64: {  	_ =	shalt  }
0x65: {  	_ =	shalt  }
0x66: {  	_ =	shalt  }
0x67: {  	_ =	shalt  }
0x68: {  	_ =	shalt  }
0x69: {  	_ =	shalt  }
0x6a: {  	_ =	shalt  }
0x6b: {  	_ =	shalt  }
0x6c: {  	_ =	shalt  }
0x6d: {  	_ =	shalt  }
0x6e: {  	_ =	shalt  }
0x6f: {  	_ =	shalt  }
0x70: {  	_ =	shalt  }
0x71: {  	_ =	shalt  }
0x72: {  	_ =	shalt  }
0x73: {  	_ =	shalt  }
0x74: {  	_ =	shalt  }
0x75: {  	_ =	shalt  }
0x76: {  	_ =	shalt  }
0x77: {  	_ =	shalt  }
0x78: {  	_ =	shalt  }
0x79: {  	_ =	shalt  }
0x7a: {  	_ =	shalt  }
0x7b: {  	_ =	shalt  }
0x7c: {  	_ =	shalt  }
0x7d: {  	_ =	shalt  }
0x7e: {  	_ =	shalt  }
0x7f: {  	_ =	shalt  }
0x80: {  	_ =	shalt  }
0x81: {  	_ =	shalt  }
0x82: {  	_ =	shalt  }
0x83: {  	_ =	shalt  }
0x84: {  	_ =	shalt  }
0x85: {  	_ =	shalt  }
0x86: {  	_ =	shalt  }
0x87: {  	_ =	shalt  }
.Lfunc_end0:
.L_simem_size_0:
called_computation.6_lowered:
.L_overlay_start_0:
0x88: {  	s2 =	sld [smem:$0x3FD9]  }
0x89: {  	s3 =	sld [smem:$0x3FFE];
	_ =	sdelay $0x1  }
0x8a: {  	s1 =	srdreg.scid  }
0x8b: {  	s0 =	sand.u32 $0x1, s1  }
0x8c: {  	s17 =	sshll.u32 s0, $0xA;
	s2 =	sadd.s32 s3, s2  }
0x8d: {  	s2 =	sadd.s32 s2, s17  }
0x8e: {  	[smem:$0x3F8F] =	sst s2  }
0x8f: {  	_ = 	snop  }
0x90: {  	(tm) =	ssettm $0x1  }
0x91: {  	s18 =	sld [smem:$0x3FFB];
	_ =	sdelay $0x3  }
0x92: {  	_ =	strace s18  }
0x93: {  	s2 =	sld [smem:$0x3FFC];
	_ =	sdelay $0x3  }
0x94: {  	_ =	strace s2  }
0x95: {  	s2 =	sld [smem:$0x3FFD];
	_ =	sdelay $0x3  }
0x96: {  	_ =	strace s2  }
0x97: {  	_ =	strace $0x8FFFFFFF  }
0x98: {  	s19 =	sld [smem:$0x3FDB];
	_ =	sdelay $0x1  }
0x99: {  	s20 =	simm.s32 $_scs_section_size  }
0x9a: {  	s4 =	simm.s32 $_size__tile_overlayer_lowered;
	s5 =	simm.s32 $_tile_overlayer_lowered  }
0x9b: {  	s6 =	simm.s32 $0x1BFF;
	s21 =	sshll.u32 s5, $0x1;
	s3 =	sadd.s32 s20, s19  }
0x9c: {  	s22 =	simm.s32 $0x0;
	s4 =	sshll.u32 s4, $0x1;
	s5 =	sadd.s32 s21, s3  }
0x9d: {  	[timem:s22], [sflag:s6] =	dma.local [hbm:s5], s4  }
0x9e: {  	_ =	swait.ge [sflag:s6], s4  }
0x9f: {  	s4 =	ssub.s32 $0x0, s4;
	[sflag:s6] =	ssyncset.done $0x0  }
0xa0: {  	[sflag:s6] =	ssyncadd.s32 s4;
	_ =	sdelay $0x1  }
0xa1: {  	s23 =	simm.s32 $0x1B8B  }
0xa2: {  	_ =	swait.ge [sflag:s23], $0x1  }
0xa3: {  	[sflag:s23] =	ssyncset.done $0x0  }
0xa4: {  	[sflag:s23] =	ssyncadd.s32 $0xFFFFFFFF  }
0xa5: {  	s4 =	sld [smem:$0x0]  }
0xa6: {  	s5 =	sand.u32 $0xFFFFFFFE, s1  }
0xa7: {  	p0 =	sne.s32 s1, s5  }
0xa8: {  	s5 =	sshll.u32 @p0 s5, $0xE  }
0xa9: {  	s5 =	sadd.s32 @p0 $0x11B8D, s5;
	s6 =	sshll.u32 @p0 s4, $0x11  }
0xaa: {  	s5 =	sor.u32 @p0 s6, s5  }
0xab: {  	[sflag:s5] =	ssyncadd.remote.s32 @p0 $0x1;
	_ =	sdelay $0x1  }
0xac: {  	s5 =	simm.s32 @p0 $0x1B8D  }
0xad: {  	_ =	swait.eq @p0 [sflag:s5], $0x1  }
0xae: {  	[sflag:s5] =	ssyncadd.s32 @p0 $0xFFFFFFFF  }
0xaf: {  	s6 =	sshll.u32 @!p0 s1, $0xE  }
0xb0: {  	s6 =	sor.u32 @!p0 $0x4000, s6;
	s5 =	simm.s32 @!p0 $0x1B8D  }
0xb1: {  	s4 =	sshll.u32 @!p0 s4, $0x11;
	s6 =	sadd.s32 @!p0 $0x11B8D, s6;
	_ =	swait.eq @!p0 [sflag:s5], $0x1  }
0xb2: {  	s4 =	sor.u32 @!p0 s4, s6;
	[sflag:s5] =	ssyncadd.s32 @!p0 $0xFFFFFFFF  }
0xb3: {  	s25 =	simm.s32 $0x1B8E;
	s24 =	sld [smem:$0x3FFE];
	[sflag:s4] =	ssyncadd.remote.s32 @!p0 $0x1  }
0xb4: {  	s26 =	simm.s32 $execute0_lowered;
	[smem:$0x3FD2] =	sst s25  }
0xb5: {  	s5 =	sshll.u32 s26, $0x1;
	_ =	strace $0x80000052;
	[dreg:$0x1] =	wrdreg $0xFFFFFFFF  }
0xb6: {  	s28 =	simm.s32 $_size_execute0_lowered;
	s3 =	sadd.s32 s3, s5;
	[dreg:$0x0] =	wrdreg $0x0  }
0xb7: {  	s5 =	sshll.u32 s28, $0x1;
	[dreg:$0x2] =	wrdreg s3  }
0xb8: {  	[dreg:$0x3] =	wrdreg s5  }
0xb9: {  	[dreg:$0x4] =	wrdreg $0xC0  }
0xba: {  	_ =	task [dreg:s22], $0x5FFFF  }
0xbb: {  	[dreg:$0x1] =	wrdreg $0xFFFFFFFF  }
0xbc: {  	[dreg:$0x0] =	wrdreg $0x60  }
0xbd: {  	[dreg:$0x2] =	wrdreg s24  }
0xbe: {  	[dreg:$0x3] =	wrdreg $0xA  }
0xbf: {  	_ =	task.clear_ibuf [dreg:s22], $0x4FFFF;
	_ =	strace $0x90000052  }
0xc0: {  	s29 =	simm.s32 $0xA;
	_ =	strace $0x80000054  }
0xc1: {  	_ =	swait.ge [sflag:s29], $0x1  }
0xc2: {  	[sflag:s29] =	ssyncadd.s32 $0xFFFFFFFF  }
0xc3: {  	_ =	strace $0x90000054  }
0xc4: {  	_ =	sfence  }
0xc5: {  	s30 =	sld [smem:$0x0];
	_ =	sdelay $0x2  }
0xc6: {  	s31 =	sshll.u32 s1, $0xD;
	s1 =	sshrl.u32 s1, $0x2  }
0xc7: {  	s4 =	sand.u32 $0x4000, s31;
	s1 =	sadd.s32 s1, s30  }
0xc8: {  	s0 =	sor.u32 s4, s0;
	s1 =	sshll.u32 s1, $0x11  }
0xc9: {  	s0 =	sor.u32 s1, s0  }
0xca: {  	s0 =	sadd.s32 $0x8F2B, s0  }
0xcb: {  	[sflag:s0] =	ssyncadd.remote.s32 $0x1  }
0xcc: {  	_ =	sfence.sel $0xFFFF  }
0xcd: {  	[dreg:$0x0] =	wrdreg $0xFFFFFFFF;
	(pc) =	sbr.abs _section_cstart, $3  }
0xce: {  	[dreg:$0x1] =	wrdreg $0xFFFFFFFF  }
0xcf: {  	_ =	task.clear_ibuf [dreg:s22], $0x2FFFF;
	_ =	strace $0x9FFFFFFF  }
0xd0: {  	(tm) =	ssettm $0x7FFFFFFF  }
0xd1: {  	_ =	shalt  }
tec
execute0_lowered:
.L_overlay_start_1:
0x0: {  	(tag) =	ssettag $0x1  }
0x1: {  	s1 =	srdreg.scid  }
0x2: {  	s0 =	stileid.u32;
	s6 =	sand.u32 $0x1, s1  }
0x3: {  	s8 =	rddreg [dreg:$0x0];
	s30 =	sshll.u32 s0, $0x8;
	s2 =	sshll.u32 s6, $0x7  }
0x4: {  	s7 =	simm.s32 $0x1;
	s1 =	rddreg [dreg:$0x1];
	s9 =	sor.u32 s2, s30  }
0x5: {  	s5 =	sadd.s32 $0x6D800, s8;
	s2 =	simm.s32 $0x0;
	s3 =	sshrl.u32 s9, $0x3  }
0x6: {  	s10 =	ssub.s32 $0x2, s6;
	[smem:$0x7FF] =	sst s2;
	s3 =	sadd.s32 s3, s8  }
0x7: {  	_ =	strace $0x80000053;
	s4 =	sadd.s32 $0x8600, s3;
	s3 =	simm.s32 $0x2  }
0x8: {  	[tilespmem:s2], [sflag:$0x2] =	stream.linear.gather [hbm4b:s4+s2], $0x80, $0x38;
	[tilespmem:$0x880] =	vst v63  }
0x9: {  	s6 =	simm.s32 $0x80;
	s11 =	sshrl.u32 s10, $0x1;
	_ =	swait.ge [sflag:s3], $0x80  }
0xa: {  	s9 =	sshll.u32 s9, $0x1;
	s31 =	ssub.s32 s10, s11;
	[sflag:s3] =	ssyncset.done $0x0  }
0xb: {  	s8 =	sadd.s32 s9, s8;
	s9 =	smax.u32 s31, $0x1;
	[sflag:s3] =	ssyncadd.s32 $0xFFFFFF80  }
0xc: {  	[tilespmem:s6], [sflag:$0x1] =	stream.indirect.gather [hbm4b:s5+s6], $0x10, s2, s6, $0xb8;
	[tilespmem:$0x880] =	vst v63  }
0xd: {  	p0 =	sne.s32 s9, $0x1;
	_ =	swait.ge [sflag:s7], $0x800  }
.Ltmp0:
0xe: {  	[sflag:s7] =	ssyncset.done $0x0;
	(pc) =	sbr.rel @!p0 .LBB2_2-.Ltmp0, $4  }
0xf: {  	s8 =	sadd.s32 $0x6EC00, s8;
	[sflag:s7] =	ssyncadd.s32 $0xFFFFF800  }
0x10: {  	[hbm4b:s8+s2] =	stream.linear.scatter [tilespmem:s6], [sflag:$0x2], $0x800, $0x38;
	[tilespmem:$0x880] =	vst v63  }
0x11: {  	_ =	swait.ge [sflag:s3], $0x800  }
0x12: {  	s9 =	sadd.s32 $0xFFFFFFFF, s9;
	[sflag:s3] =	ssyncset.done $0x0  }
.LBB2_1:
0x13: {  	p0 =	sne.s32 s9, $0x1;
	s9 =	sadd.s32 $0xFFFFFFFF, s9;
	[sflag:s3] =	ssyncadd.s32 $0xFFFFF800  }
0x14: {  	[tilespmem:s2], [sflag:$0x2] =	stream.linear.gather [hbm4b:s4+s2], $0x80, $0x38;
	[tilespmem:$0x880] =	vst v63  }
0x15: {  	_ =	swait.ge [sflag:s3], $0x80  }
0x16: {  	[sflag:s3] =	ssyncset.done $0x0  }
0x17: {  	[sflag:s3] =	ssyncadd.s32 $0xFFFFFF80  }
0x18: {  	[tilespmem:s6], [sflag:$0x1] =	stream.indirect.gather [hbm4b:s5+s6], $0x10, s2, s6, $0xb8;
	[tilespmem:$0x880] =	vst v63  }
0x19: {  	_ =	swait.ge [sflag:s7], $0x800  }
.Ltmp1:
0x1a: {  	[sflag:s7] =	ssyncset.done $0x0;
	(pc) =	sbr.rel @p0 .LBB2_1-.Ltmp1, $4  }
0x1b: {  	[sflag:s7] =	ssyncadd.s32 $0xFFFFF800  }
0x1c: {  	[hbm4b:s8+s2] =	stream.linear.scatter [tilespmem:s6], [sflag:$0x2], $0x800, $0x38;
	[tilespmem:$0x880] =	vst v63  }
0x1d: {  	_ =	swait.ge [sflag:s3], $0x800  }
0x1e: {  	[sflag:s3] =	ssyncset.done $0x0  }
.LBB2_2:
0x1f: {  	[sflag:s3] =	ssyncadd.s32 $0xFFFFF800  }
0x20: {  	_ =	sfence.sel $0x180000  }
0x21: {  	[bflag:$0x0] =	sbarrier.arrive $0xFFFF  }
0x22: {  	p0 =	sne.s32 s0, $0x0;
	_ =	strace $0x90000053  }
0x23: {  	s0 =	sadd.s32 @!p0 $0x100000, s1;
	[bflag:$0x2] =	sbarrier.arrive $0xFFFF  }
0x24: {  	[sflag:s0] =	ssyncadd.tile.s32 @!p0 $0x1;
	_ =	shalt  }
.Lfunc_end2:
_tile_overlayer_lowered:
.L_overlay_start_2:
0x25: {  	(tag) =	ssettag $0x2  }
0x26: {  	s0 =	rddreg [dreg:$0x0];
	s2 =	stileid.u32  }
0x27: {  	s1 =	rddreg [dreg:$0x1];
	p0 =	sne.s32 s2, $0x0  }
0x28: {  	s3 =	rddreg [dreg:$0x2];
	[bflag:$0x3] =	sbarrier.arrive $0xFFFF;
	s2 =	simm.s32 @!p0 $0x1C02  }
0x29: {  	[timem:s3], [sflag:s2] =	dma.local @!p0 [hbm:s0], s1  }
0x2a: {  	s0 =	simm.s32 @!p0 $0x2  }
0x2b: {  	_ =	swait.ge @!p0 [sflag:s0], s1  }
0x2c: {  	s1 =	ssub.s32 @!p0 $0x0, s1;
	[sflag:s0] =	ssyncset.done @!p0 $0x0  }
0x2d: {  	[sflag:s0] =	ssyncadd.s32 @!p0 s1  }
0x2e: {  	[bflag:$0x3] =	sbarrier.arrive $0xFFFF  }
0x2f: {  	_ =	shalt  }

// kernel: kernel.49.cloned.1.call-start
scs
__scs_entry_jumppad:
0x0: {  	(pc) =	sbr.rel $0x88, $3  }
0x1: {  	(tag) =	ssettag $0x0;
	lr =	simm.s32 $0x1  }
0x2: {  	[smem:$0x3F68] =	sst lr;
	_ =	strace $0xD0000000  }
0x3: {  	_ = 	snop  }
0x4: {  	_ = 	snop  }
0x5: {  	_ = 	snop  }
0x6: {  	_ = 	snop  }
0x7: {  	_ = 	snop  }
__scs_overlays_trampoline_lowered:
0x8: {  	[smem:$0x3F77] =	sst s0  }
0x9: {  	[smem:$0x3F78] =	sst s1  }
0xa: {  	[smem:$0x3F79] =	sst s2  }
0xb: {  	[smem:$0x3F7A] =	sst s3  }
0xc: {  	[smem:$0x3F7B] =	sst s4  }
0xd: {  	[smem:$0x3F7C] =	sst s5  }
0xe: {  	[smem:$0x3F7D] =	sst s6  }
0xf: {  	[smem:$0x3F7E] =	sst s7  }
0x10: {  	[smem:$0x3F7F] =	sst s8  }
0x11: {  	[smem:$0x3F80] =	sst s9;
	s0 =	simm.s32 @!p0 $0x0  }
0x12: {  	s1 =	sld [smem:$0x3F66];
	s0 =	simm.s32 @p0 $0x1  }
0x13: {  	[smem:$0x3F81] =	sst s0;
	s0 =	simm.s32 @!p1 $0x0  }
0x14: {  	s2 =	sld [smem:$0x3F65];
	s0 =	simm.s32 @p1 $0x1  }
0x15: {  	[smem:$0x3F82] =	sst s0;
	s0 =	simm.s32 @!p2 $0x0  }
0x16: {  	s3 =	sld [smem:$0x3FDB];
	s0 =	simm.s32 @p2 $0x1  }
0x17: {  	s4 =	simm.s32 $0x1BF5;
	[smem:$0x3F84] =	sst s0  }
0x18: {  	s0 =	sld [smem:$0x3F67];
	_ =	swait.ge [sflag:s4], $0x0  }
0x19: {  	s7 =	sld [smem:$0x3F68]  }
0x1a: {  	s8 =	sadd.s32 $0xFFFFE003, lr  }
0x1b: {  	s9 =	sadd.s32 $0xFFFFFEF7, lr;
	s5 =	simm.s32 $0xFFFFFFFF;
	p2 =	slt.u32 s8, $0xFFFFF086  }
0x1c: {  	p1 =	slt.u32 s9, $0xF7A;
	s5 =	simm.s32 @!p2 $0x0  }
0x1d: {  	s5 =	simm.s32 @p1 $0x1;
	p0 =	seq.s32 s7, s2  }
0x1e: {  	s7 =	smul.u32 @!p0 $0xF7A, s2;
	p2 =	seq.s32 @!p0 s5, $0x0  }
0x1f: {  	s9 =	smul.u32 $0xF7A, s1;
	s8 =	simm.s32 @!p0 $0x1BF5;
	p2 =	por !p2, p0  }
0x20: {  	[sflag:s8] =	ssyncset.s32 @!p0 $0xFFFFF086;
	s6 =	sadd.s32 @!p0 s3, s7;
	s7 =	simm.s32 @!p0 $0x108  }
0x21: {  	s3 =	sadd.s32 s3, s9;
	s6 =	sadd.s32 @!p0 $0x88, s6;
	s7 =	simm.s32 @p2 $0x1082  }
0x22: {  	[simem:s7], [sflag:s8] =	dma.local @!p0 [hbm:s6], $0xF7A  }
0x23: {  	s9 =	sor.u32 $0xD0000000, s2;
	s6 =	simm.s32 $0x108;
	_ =	swait.ge @!p0 [sflag:s8], $0x0  }
0x24: {  	s3 =	sadd.s32 $0x88, s3;
	s6 =	simm.s32 @!p1 $0x1082;
	[sflag:s4] =	ssyncset.s32 $0xFFFFF086  }
0x25: {  	[simem:s6], [sflag:s4] =	dma.local [hbm:s3], $0xF7A  }
0x26: {  	[smem:$0x3F68] =	sst s1;
	(tag) =	ssettag s2;
	_ =	strace s9  }
0x27: {  	s1 =	sld [smem:$0x3F78]  }
0x28: {  	s2 =	sld [smem:$0x3F79]  }
0x29: {  	s4 =	sld [smem:$0x3F7B]  }
0x2a: {  	p0 =	seq.s32 s5, $0x0;
	s5 =	sld [smem:$0x3F7C]  }
0x2b: {  	s6 =	sld [smem:$0x3F7D]  }
0x2c: {  	s7 =	sld [smem:$0x3F7E]  }
0x2d: {  	s3 =	simm.s32 $0x108;
	s8 =	sld [smem:$0x3F7F]  }
0x2e: {  	s3 =	simm.s32 @!p0 $0x1082;
	s9 =	sld [smem:$0x3F80]  }
0x2f: {  	lr =	sadd.s32 s0, s3;
	s0 =	sld [smem:$0x3F77]  }
0x30: {  	s3 =	sld [smem:$0x3F7A]  }
0x31: {  	[smem:$0x3F83] =	sst s10  }
0x32: {  	s10 =	sld [smem:$0x3F81];
	_ =	sdelay $0x3  }
0x33: {  	p0 =	seq.s32 s10, $0x1;
	s10 =	sld [smem:$0x3F83];
	_ =	sdelay $0x3  }
0x34: {  	[smem:$0x3F83] =	sst s10  }
0x35: {  	s10 =	sld [smem:$0x3F82];
	_ =	sdelay $0x3  }
0x36: {  	p1 =	seq.s32 s10, $0x1;
	s10 =	sld [smem:$0x3F83];
	_ =	sdelay $0x3  }
0x37: {  	[smem:$0x3F83] =	sst s10  }
0x38: {  	s10 =	sld [smem:$0x3F84]  }
0x39: {  	_ = 	snop;
	(pc) =	sbr.ind lr, $3  }
0x3a: {  	_ = 	snop  }
0x3b: {  	_ = 	snop  }
0x3c: {  	p2 =	seq.s32 s10, $0x1;
	s10 =	sld [smem:$0x3F83]  }
0x3d: {  	_ =	shalt  }
0x3e: {  	_ =	shalt  }
0x3f: {  	_ =	shalt  }
0x40: {  	_ =	shalt  }
0x41: {  	_ =	shalt  }
0x42: {  	_ =	shalt  }
0x43: {  	_ =	shalt  }
0x44: {  	_ =	shalt  }
0x45: {  	_ =	shalt  }
0x46: {  	_ =	shalt  }
0x47: {  	_ =	shalt  }
0x48: {  	_ =	shalt  }
0x49: {  	_ =	shalt  }
0x4a: {  	_ =	shalt  }
0x4b: {  	_ =	shalt  }
0x4c: {  	_ =	shalt  }
0x4d: {  	_ =	shalt  }
0x4e: {  	_ =	shalt  }
0x4f: {  	_ =	shalt  }
0x50: {  	_ =	shalt  }
0x51: {  	_ =	shalt  }
0x52: {  	_ =	shalt  }
0x53: {  	_ =	shalt  }
0x54: {  	_ =	shalt  }
0x55: {  	_ =	shalt  }
0x56: {  	_ =	shalt  }
0x57: {  	_ =	shalt  }
0x58: {  	_ =	shalt  }
0x59: {  	_ =	shalt  }
0x5a: {  	_ =	shalt  }
0x5b: {  	_ =	shalt  }
0x5c: {  	_ =	shalt  }
0x5d: {  	_ =	shalt  }
0x5e: {  	_ =	shalt  }
0x5f: {  	_ =	shalt  }
0x60: {  	_ =	shalt  }
0x61: {  	_ =	shalt  }
0x62: {  	_ =	shalt  }
0x63: {  	_ =	shalt  }
0x64: {  	_ =	shalt  }
0x65: {  	_ =	shalt  }
0x66: {  	_ =	shalt  }
0x67: {  	_ =	shalt  }
0x68: {  	_ =	shalt  }
0x69: {  	_ =	shalt  }
0x6a: {  	_ =	shalt  }
0x6b: {  	_ =	shalt  }
0x6c: {  	_ =	shalt  }
0x6d: {  	_ =	shalt  }
0x6e: {  	_ =	shalt  }
0x6f: {  	_ =	shalt  }
0x70: {  	_ =	shalt  }
0x71: {  	_ =	shalt  }
0x72: {  	_ =	shalt  }
0x73: {  	_ =	shalt  }
0x74: {  	_ =	shalt  }
0x75: {  	_ =	shalt  }
0x76: {  	_ =	shalt  }
0x77: {  	_ =	shalt  }
0x78: {  	_ =	shalt  }
0x79: {  	_ =	shalt  }
0x7a: {  	_ =	shalt  }
0x7b: {  	_ =	shalt  }
0x7c: {  	_ =	shalt  }
0x7d: {  	_ =	shalt  }
0x7e: {  	_ =	shalt  }
0x7f: {  	_ =	shalt  }
0x80: {  	_ =	shalt  }
0x81: {  	_ =	shalt  }
0x82: {  	_ =	shalt  }
0x83: {  	_ =	shalt  }
0x84: {  	_ =	shalt  }
0x85: {  	_ =	shalt  }
0x86: {  	_ =	shalt  }
0x87: {  	_ =	shalt  }
.Lfunc_end0:
.L_simem_size_0:
called_computation.7_lowered:
.L_overlay_start_0:
0x88: {  	s2 =	sld [smem:$0x3FD9]  }
0x89: {  	s3 =	sld [smem:$0x3FFE];
	_ =	sdelay $0x1  }
0x8a: {  	s1 =	srdreg.scid  }
0x8b: {  	s0 =	sand.u32 $0x1, s1  }
0x8c: {  	s17 =	sshll.u32 s0, $0xA;
	s2 =	sadd.s32 s3, s2  }
0x8d: {  	s2 =	sadd.s32 s2, s17  }
0x8e: {  	[smem:$0x3F8F] =	sst s2  }
0x8f: {  	_ = 	snop  }
0x90: {  	(tm) =	ssettm $0x1  }
0x91: {  	s18 =	sld [smem:$0x3FFB];
	_ =	sdelay $0x3  }
0x92: {  	_ =	strace s18  }
0x93: {  	s2 =	sld [smem:$0x3FFC];
	_ =	sdelay $0x3  }
0x94: {  	_ =	strace s2  }
0x95: {  	s2 =	sld [smem:$0x3FFD];
	_ =	sdelay $0x3  }
0x96: {  	_ =	strace s2  }
0x97: {  	_ =	strace $0x8FFFFFFF  }
0x98: {  	s19 =	sld [smem:$0x3FDB];
	_ =	sdelay $0x1  }
0x99: {  	s20 =	simm.s32 $_scs_section_size  }
0x9a: {  	s4 =	simm.s32 $_size__tile_overlayer_lowered;
	s5 =	simm.s32 $_tile_overlayer_lowered  }
0x9b: {  	s6 =	simm.s32 $0x1BFF;
	s21 =	sshll.u32 s5, $0x1;
	s3 =	sadd.s32 s20, s19  }
0x9c: {  	s22 =	simm.s32 $0x0;
	s4 =	sshll.u32 s4, $0x1;
	s5 =	sadd.s32 s21, s3  }
0x9d: {  	[timem:s22], [sflag:s6] =	dma.local [hbm:s5], s4  }
0x9e: {  	_ =	swait.ge [sflag:s6], s4  }
0x9f: {  	s4 =	ssub.s32 $0x0, s4;
	[sflag:s6] =	ssyncset.done $0x0  }
0xa0: {  	[sflag:s6] =	ssyncadd.s32 s4;
	_ =	sdelay $0x1  }
0xa1: {  	s23 =	simm.s32 $0x1B8B  }
0xa2: {  	_ =	swait.ge [sflag:s23], $0x1  }
0xa3: {  	[sflag:s23] =	ssyncset.done $0x0  }
0xa4: {  	[sflag:s23] =	ssyncadd.s32 $0xFFFFFFFF  }
0xa5: {  	s4 =	sld [smem:$0x0]  }
0xa6: {  	s5 =	sand.u32 $0xFFFFFFFE, s1  }
0xa7: {  	p0 =	sne.s32 s1, s5  }
0xa8: {  	s5 =	sshll.u32 @p0 s5, $0xE  }
0xa9: {  	s5 =	sadd.s32 @p0 $0x11B8D, s5;
	s6 =	sshll.u32 @p0 s4, $0x11  }
0xaa: {  	s5 =	sor.u32 @p0 s6, s5  }
0xab: {  	[sflag:s5] =	ssyncadd.remote.s32 @p0 $0x1;
	_ =	sdelay $0x1  }
0xac: {  	s5 =	simm.s32 @p0 $0x1B8D  }
0xad: {  	_ =	swait.eq @p0 [sflag:s5], $0x1  }
0xae: {  	[sflag:s5] =	ssyncadd.s32 @p0 $0xFFFFFFFF  }
0xaf: {  	s6 =	sshll.u32 @!p0 s1, $0xE  }
0xb0: {  	s6 =	sor.u32 @!p0 $0x4000, s6;
	s5 =	simm.s32 @!p0 $0x1B8D  }
0xb1: {  	s4 =	sshll.u32 @!p0 s4, $0x11;
	s6 =	sadd.s32 @!p0 $0x11B8D, s6;
	_ =	swait.eq @!p0 [sflag:s5], $0x1  }
0xb2: {  	s4 =	sor.u32 @!p0 s4, s6;
	[sflag:s5] =	ssyncadd.s32 @!p0 $0xFFFFFFFF  }
0xb3: {  	s25 =	simm.s32 $0x1B8E;
	s24 =	sld [smem:$0x3FFE];
	[sflag:s4] =	ssyncadd.remote.s32 @!p0 $0x1  }
0xb4: {  	s26 =	simm.s32 $execute0_lowered;
	[smem:$0x3FD2] =	sst s25  }
0xb5: {  	s5 =	sshll.u32 s26, $0x1;
	_ =	strace $0x8000005B;
	[dreg:$0x1] =	wrdreg $0xFFFFFFFF  }
0xb6: {  	s28 =	simm.s32 $_size_execute0_lowered;
	s3 =	sadd.s32 s3, s5;
	[dreg:$0x0] =	wrdreg $0x0  }
0xb7: {  	s5 =	sshll.u32 s28, $0x1;
	[dreg:$0x2] =	wrdreg s3  }
0xb8: {  	[dreg:$0x3] =	wrdreg s5  }
0xb9: {  	[dreg:$0x4] =	wrdreg $0xC0  }
0xba: {  	_ =	task [dreg:s22], $0x5FFFF  }
0xbb: {  	[dreg:$0x1] =	wrdreg $0xFFFFFFFF  }
0xbc: {  	[dreg:$0x0] =	wrdreg $0x60  }
0xbd: {  	[dreg:$0x2] =	wrdreg s24  }
0xbe: {  	[dreg:$0x3] =	wrdreg $0xA  }
0xbf: {  	_ =	task.clear_ibuf [dreg:s22], $0x4FFFF;
	_ =	strace $0x9000005B  }
0xc0: {  	s29 =	simm.s32 $0xA;
	_ =	strace $0x8000005D  }
0xc1: {  	_ =	swait.ge [sflag:s29], $0x1  }
0xc2: {  	[sflag:s29] =	ssyncadd.s32 $0xFFFFFFFF  }
0xc3: {  	_ =	strace $0x9000005D  }
0xc4: {  	_ =	sfence  }
0xc5: {  	s30 =	sld [smem:$0x0];
	_ =	sdelay $0x2  }
0xc6: {  	s31 =	sshll.u32 s1, $0xD;
	s1 =	sshrl.u32 s1, $0x2  }
0xc7: {  	s4 =	sand.u32 $0x4000, s31;
	s1 =	sadd.s32 s1, s30  }
0xc8: {  	s0 =	sor.u32 s4, s0;
	s1 =	sshll.u32 s1, $0x11  }
0xc9: {  	s0 =	sor.u32 s1, s0  }
0xca: {  	s0 =	sadd.s32 $0x8F2B, s0  }
0xcb: {  	[sflag:s0] =	ssyncadd.remote.s32 $0x1  }
0xcc: {  	_ =	sfence.sel $0xFFFF  }
0xcd: {  	[dreg:$0x0] =	wrdreg $0xFFFFFFFF;
	(pc) =	sbr.abs _section_cstart, $3  }
0xce: {  	[dreg:$0x1] =	wrdreg $0xFFFFFFFF  }
0xcf: {  	_ =	task.clear_ibuf [dreg:s22], $0x2FFFF;
	_ =	strace $0x9FFFFFFF  }
0xd0: {  	(tm) =	ssettm $0x7FFFFFFF  }
0xd1: {  	_ =	shalt  }
tec
execute0_lowered:
.L_overlay_start_1:
0x0: {  	(tag) =	ssettag $0x1  }
0x1: {  	s1 =	srdreg.scid;
	s0 =	stileid.u32  }
0x2: {  	s12 =	sand.u32 $0x1, s1;
	s25 =	sshll.u32 s0, $0x1  }
0x3: {  	s8 =	rddreg [dreg:$0x0];
	s9 =	sor.u32 s12, s25  }
0x4: {  	s2 =	simm.s32 $0x0;
	s1 =	rddreg [dreg:$0x1];
	s3 =	smul.u32 $0x30, s9  }
0x5: {  	[smem:$0x7FF] =	sst s2;
	s11 =	sadd.s32 $0x17000, s8  }
0x6: {  	_ =	strace $0x8000005C;
	s4 =	sadd.s32 s11, s3;
	s3 =	simm.s32 $0x2  }
0x7: {  	[tilespmem:s2], [sflag:$0x2] =	stream.linear.gather [hbm4b:s4+s2], $0x80, $0x38;
	[tilespmem:$0x4080] =	vst v63  }
0x8: {  	_ =	swait.ge [sflag:s3], $0x80  }
0x9: {  	s6 =	simm.s32 $0x80;
	[sflag:s3] =	ssyncset.done $0x0  }
0xa: {  	s7 =	simm.s32 $0x1;
	s5 =	sadd.s32 $0x8800, s8;
	[sflag:s3] =	ssyncadd.s32 $0xFFFFFF80  }
0xb: {  	[tilespmem:s6], [sflag:$0x1] =	stream.indirect.gather [hbm4b:s5+s6], $0x80, s2, s6, $0xb8;
	[tilespmem:$0x4080] =	vst v63  }
0xc: {  	s10 =	smul.u32 $0x1800, s9;
	_ =	swait.ge [sflag:s7], $0x4000  }
0xd: {  	s13 =	sadd.s32 $0x17600, s8;
	[sflag:s7] =	ssyncset.done $0x0  }
0xe: {  	s14 =	smul.u32 $0x3, s9;
	s8 =	sadd.s32 s13, s10;
	[sflag:s7] =	ssyncadd.s32 $0xFFFFC000  }
0xf: {  	[hbm4b:s8+s2] =	stream.linear.scatter [tilespmem:s6], [sflag:$0x2], $0x4000, $0x38;
	[tilespmem:$0x4080] =	vst v63  }
0x10: {  	s26 =	sadd.s32 $0x1, s14;
	_ =	swait.ge [sflag:s3], $0x4000  }
0x11: {  	s28 =	sshll.u32 s26, $0x4;
	[sflag:s3] =	ssyncset.done $0x0  }
0x12: {  	s9 =	sadd.s32 s11, s28;
	[sflag:s3] =	ssyncadd.s32 $0xFFFFC000  }
0x13: {  	[tilespmem:s2], [sflag:$0x2] =	stream.linear.gather [hbm4b:s9+s2], $0x80, $0x38;
	[tilespmem:$0x4080] =	vst v63  }
0x14: {  	_ =	swait.ge [sflag:s3], $0x80  }
0x15: {  	[sflag:s3] =	ssyncset.done $0x0  }
0x16: {  	[sflag:s3] =	ssyncadd.s32 $0xFFFFFF80  }
0x17: {  	[tilespmem:s6], [sflag:$0x1] =	stream.indirect.gather [hbm4b:s5+s6], $0x80, s2, s6, $0xb8;
	[tilespmem:$0x4080] =	vst v63  }
0x18: {  	_ =	swait.ge [sflag:s7], $0x4000  }
0x19: {  	s10 =	sshll.u32 s26, $0xB;
	[sflag:s7] =	ssyncset.done $0x0  }
0x1a: {  	s10 =	sadd.s32 s13, s10;
	[sflag:s7] =	ssyncadd.s32 $0xFFFFC000  }
0x1b: {  	[hbm4b:s10+s2] =	stream.linear.scatter [tilespmem:s6], [sflag:$0x2], $0x4000, $0x38;
	[tilespmem:$0x4080] =	vst v63  }
0x1c: {  	s14 =	sadd.s32 $0x2, s14;
	_ =	swait.ge [sflag:s3], $0x4000  }
0x1d: {  	s15 =	sshll.u32 s14, $0x4;
	[sflag:s3] =	ssyncset.done $0x0  }
0x1e: {  	s12 =	ssub.s32 $0x2, s12;
	s11 =	sadd.s32 s11, s15;
	[sflag:s3] =	ssyncadd.s32 $0xFFFFC000  }
0x1f: {  	[tilespmem:s2], [sflag:$0x2] =	stream.linear.gather [hbm4b:s11+s2], $0x80, $0x38;
	[tilespmem:$0x4080] =	vst v63  }
0x20: {  	s29 =	sshrl.u32 s12, $0x1;
	_ =	swait.ge [sflag:s3], $0x80  }
0x21: {  	s15 =	ssub.s32 s12, s29;
	[sflag:s3] =	ssyncset.done $0x0  }
0x22: {  	s31 =	smax.u32 s15, $0x1;
	[sflag:s3] =	ssyncadd.s32 $0xFFFFFF80  }
0x23: {  	[tilespmem:s6], [sflag:$0x1] =	stream.indirect.gather [hbm4b:s5+s6], $0x80, s2, s6, $0xb8;
	[tilespmem:$0x4080] =	vst v63  }
0x24: {  	p0 =	sne.s32 s31, $0x1;
	_ =	swait.ge [sflag:s7], $0x4000  }
.Ltmp0:
0x25: {  	s30 =	sshll.u32 s14, $0xB;
	[sflag:s7] =	ssyncset.done $0x0;
	(pc) =	sbr.rel @!p0 .LBB2_2-.Ltmp0, $4  }
0x26: {  	s12 =	sadd.s32 s13, s30;
	[sflag:s7] =	ssyncadd.s32 $0xFFFFC000  }
0x27: {  	[hbm4b:s12+s2] =	stream.linear.scatter [tilespmem:s6], [sflag:$0x2], $0x4000, $0x38;
	[tilespmem:$0x4080] =	vst v63  }
0x28: {  	_ =	swait.ge [sflag:s3], $0x4000  }
0x29: {  	s13 =	sadd.s32 $0xFFFFFFFF, s31;
	[sflag:s3] =	ssyncset.done $0x0  }
.LBB2_1:
0x2a: {  	p0 =	sne.s32 s13, $0x1;
	s13 =	sadd.s32 $0xFFFFFFFF, s13;
	[sflag:s3] =	ssyncadd.s32 $0xFFFFC000  }
0x2b: {  	[tilespmem:s2], [sflag:$0x2] =	stream.linear.gather [hbm4b:s4+s2], $0x80, $0x38;
	[tilespmem:$0x4080] =	vst v63  }
0x2c: {  	_ =	swait.ge [sflag:s3], $0x80  }
0x2d: {  	[sflag:s3] =	ssyncset.done $0x0  }
0x2e: {  	[sflag:s3] =	ssyncadd.s32 $0xFFFFFF80  }
0x2f: {  	[tilespmem:s6], [sflag:$0x1] =	stream.indirect.gather [hbm4b:s5+s6], $0x80, s2, s6, $0xb8;
	[tilespmem:$0x4080] =	vst v63  }
0x30: {  	_ =	swait.ge [sflag:s7], $0x4000  }
0x31: {  	[sflag:s7] =	ssyncset.done $0x0  }
0x32: {  	[sflag:s7] =	ssyncadd.s32 $0xFFFFC000  }
0x33: {  	[hbm4b:s8+s2] =	stream.linear.scatter [tilespmem:s6], [sflag:$0x2], $0x4000, $0x38;
	[tilespmem:$0x4080] =	vst v63  }
0x34: {  	_ =	swait.ge [sflag:s3], $0x4000  }
0x35: {  	[sflag:s3] =	ssyncset.done $0x0  }
0x36: {  	[sflag:s3] =	ssyncadd.s32 $0xFFFFC000  }
0x37: {  	[tilespmem:s2], [sflag:$0x2] =	stream.linear.gather [hbm4b:s9+s2], $0x80, $0x38;
	[tilespmem:$0x4080] =	vst v63  }
0x38: {  	_ =	swait.ge [sflag:s3], $0x80  }
0x39: {  	[sflag:s3] =	ssyncset.done $0x0  }
0x3a: {  	[sflag:s3] =	ssyncadd.s32 $0xFFFFFF80  }
0x3b: {  	[tilespmem:s6], [sflag:$0x1] =	stream.indirect.gather [hbm4b:s5+s6], $0x80, s2, s6, $0xb8;
	[tilespmem:$0x4080] =	vst v63  }
0x3c: {  	_ =	swait.ge [sflag:s7], $0x4000  }
0x3d: {  	[sflag:s7] =	ssyncset.done $0x0  }
0x3e: {  	[sflag:s7] =	ssyncadd.s32 $0xFFFFC000  }
0x3f: {  	[hbm4b:s10+s2] =	stream.linear.scatter [tilespmem:s6], [sflag:$0x2], $0x4000, $0x38;
	[tilespmem:$0x4080] =	vst v63  }
0x40: {  	_ =	swait.ge [sflag:s3], $0x4000  }
0x41: {  	[sflag:s3] =	ssyncset.done $0x0  }
0x42: {  	[sflag:s3] =	ssyncadd.s32 $0xFFFFC000  }
0x43: {  	[tilespmem:s2], [sflag:$0x2] =	stream.linear.gather [hbm4b:s11+s2], $0x80, $0x38;
	[tilespmem:$0x4080] =	vst v63  }
0x44: {  	_ =	swait.ge [sflag:s3], $0x80  }
0x45: {  	[sflag:s3] =	ssyncset.done $0x0  }
0x46: {  	[sflag:s3] =	ssyncadd.s32 $0xFFFFFF80  }
0x47: {  	[tilespmem:s6], [sflag:$0x1] =	stream.indirect.gather [hbm4b:s5+s6], $0x80, s2, s6, $0xb8;
	[tilespmem:$0x4080] =	vst v63  }
0x48: {  	_ =	swait.ge [sflag:s7], $0x4000  }
.Ltmp1:
0x49: {  	[sflag:s7] =	ssyncset.done $0x0;
	(pc) =	sbr.rel @p0 .LBB2_1-.Ltmp1, $4  }
0x4a: {  	[sflag:s7] =	ssyncadd.s32 $0xFFFFC000  }
0x4b: {  	[hbm4b:s12+s2] =	stream.linear.scatter [tilespmem:s6], [sflag:$0x2], $0x4000, $0x38;
	[tilespmem:$0x4080] =	vst v63  }
0x4c: {  	_ =	swait.ge [sflag:s3], $0x4000  }
0x4d: {  	[sflag:s3] =	ssyncset.done $0x0  }
.LBB2_2:
0x4e: {  	[sflag:s3] =	ssyncadd.s32 $0xFFFFC000  }
0x4f: {  	_ =	sfence.sel $0x180000  }
0x50: {  	[bflag:$0x0] =	sbarrier.arrive $0xFFFF  }
0x51: {  	p0 =	sne.s32 s0, $0x0;
	_ =	strace $0x9000005C  }
0x52: {  	s0 =	sadd.s32 @!p0 $0x100000, s1;
	[bflag:$0x2] =	sbarrier.arrive $0xFFFF  }
0x53: {  	[sflag:s0] =	ssyncadd.tile.s32 @!p0 $0x1;
	_ =	shalt  }
.Lfunc_end2:
_tile_overlayer_lowered:
.L_overlay_start_2:
0x54: {  	(tag) =	ssettag $0x2  }
0x55: {  	s0 =	rddreg [dreg:$0x0];
	s2 =	stileid.u32  }
0x56: {  	s1 =	rddreg [dreg:$0x1];
	p0 =	sne.s32 s2, $0x0  }
0x57: {  	s3 =	rddreg [dreg:$0x2];
	[bflag:$0x3] =	sbarrier.arrive $0xFFFF;
	s2 =	simm.s32 @!p0 $0x1C02  }
0x58: {  	[timem:s3], [sflag:s2] =	dma.local @!p0 [hbm:s0], s1  }
0x59: {  	s0 =	simm.s32 @!p0 $0x2  }
0x5a: {  	_ =	swait.ge @!p0 [sflag:s0], s1  }
0x5b: {  	s1 =	ssub.s32 @!p0 $0x0, s1;
	[sflag:s0] =	ssyncset.done @!p0 $0x0  }
0x5c: {  	[sflag:s0] =	ssyncadd.s32 @!p0 s1  }
0x5d: {  	[bflag:$0x3] =	sbarrier.arrive $0xFFFF  }
0x5e: {  	_ =	shalt  }

// kernel: kernel.52.cloned.1.call-start
scs
__scs_entry_jumppad:
0x0: {  	(pc) =	sbr.rel $0x88, $3  }
0x1: {  	(tag) =	ssettag $0x0;
	lr =	simm.s32 $0x1  }
0x2: {  	[smem:$0x3F68] =	sst lr;
	_ =	strace $0xD0000000  }
0x3: {  	_ = 	snop  }
0x4: {  	_ = 	snop  }
0x5: {  	_ = 	snop  }
0x6: {  	_ = 	snop  }
0x7: {  	_ = 	snop  }
__scs_overlays_trampoline_lowered:
0x8: {  	[smem:$0x3F77] =	sst s0  }
0x9: {  	[smem:$0x3F78] =	sst s1  }
0xa: {  	[smem:$0x3F79] =	sst s2  }
0xb: {  	[smem:$0x3F7A] =	sst s3  }
0xc: {  	[smem:$0x3F7B] =	sst s4  }
0xd: {  	[smem:$0x3F7C] =	sst s5  }
0xe: {  	[smem:$0x3F7D] =	sst s6  }
0xf: {  	[smem:$0x3F7E] =	sst s7  }
0x10: {  	[smem:$0x3F7F] =	sst s8  }
0x11: {  	[smem:$0x3F80] =	sst s9;
	s0 =	simm.s32 @!p0 $0x0  }
0x12: {  	s1 =	sld [smem:$0x3F66];
	s0 =	simm.s32 @p0 $0x1  }
0x13: {  	[smem:$0x3F81] =	sst s0;
	s0 =	simm.s32 @!p1 $0x0  }
0x14: {  	s2 =	sld [smem:$0x3F65];
	s0 =	simm.s32 @p1 $0x1  }
0x15: {  	[smem:$0x3F82] =	sst s0;
	s0 =	simm.s32 @!p2 $0x0  }
0x16: {  	s3 =	sld [smem:$0x3FDB];
	s0 =	simm.s32 @p2 $0x1  }
0x17: {  	s4 =	simm.s32 $0x1BF5;
	[smem:$0x3F84] =	sst s0  }
0x18: {  	s0 =	sld [smem:$0x3F67];
	_ =	swait.ge [sflag:s4], $0x0  }
0x19: {  	s7 =	sld [smem:$0x3F68]  }
0x1a: {  	s8 =	sadd.s32 $0xFFFFE003, lr  }
0x1b: {  	s9 =	sadd.s32 $0xFFFFFEF7, lr;
	s5 =	simm.s32 $0xFFFFFFFF;
	p2 =	slt.u32 s8, $0xFFFFF086  }
0x1c: {  	p1 =	slt.u32 s9, $0xF7A;
	s5 =	simm.s32 @!p2 $0x0  }
0x1d: {  	s5 =	simm.s32 @p1 $0x1;
	p0 =	seq.s32 s7, s2  }
0x1e: {  	s7 =	smul.u32 @!p0 $0xF7A, s2;
	p2 =	seq.s32 @!p0 s5, $0x0  }
0x1f: {  	s9 =	smul.u32 $0xF7A, s1;
	s8 =	simm.s32 @!p0 $0x1BF5;
	p2 =	por !p2, p0  }
0x20: {  	[sflag:s8] =	ssyncset.s32 @!p0 $0xFFFFF086;
	s6 =	sadd.s32 @!p0 s3, s7;
	s7 =	simm.s32 @!p0 $0x108  }
0x21: {  	s3 =	sadd.s32 s3, s9;
	s6 =	sadd.s32 @!p0 $0x88, s6;
	s7 =	simm.s32 @p2 $0x1082  }
0x22: {  	[simem:s7], [sflag:s8] =	dma.local @!p0 [hbm:s6], $0xF7A  }
0x23: {  	s9 =	sor.u32 $0xD0000000, s2;
	s6 =	simm.s32 $0x108;
	_ =	swait.ge @!p0 [sflag:s8], $0x0  }
0x24: {  	s3 =	sadd.s32 $0x88, s3;
	s6 =	simm.s32 @!p1 $0x1082;
	[sflag:s4] =	ssyncset.s32 $0xFFFFF086  }
0x25: {  	[simem:s6], [sflag:s4] =	dma.local [hbm:s3], $0xF7A  }
0x26: {  	[smem:$0x3F68] =	sst s1;
	(tag) =	ssettag s2;
	_ =	strace s9  }
0x27: {  	s1 =	sld [smem:$0x3F78]  }
0x28: {  	s2 =	sld [smem:$0x3F79]  }
0x29: {  	s4 =	sld [smem:$0x3F7B]  }
0x2a: {  	p0 =	seq.s32 s5, $0x0;
	s5 =	sld [smem:$0x3F7C]  }
0x2b: {  	s6 =	sld [smem:$0x3F7D]  }
0x2c: {  	s7 =	sld [smem:$0x3F7E]  }
0x2d: {  	s3 =	simm.s32 $0x108;
	s8 =	sld [smem:$0x3F7F]  }
0x2e: {  	s3 =	simm.s32 @!p0 $0x1082;
	s9 =	sld [smem:$0x3F80]  }
0x2f: {  	lr =	sadd.s32 s0, s3;
	s0 =	sld [smem:$0x3F77]  }
0x30: {  	s3 =	sld [smem:$0x3F7A]  }
0x31: {  	[smem:$0x3F83] =	sst s10  }
0x32: {  	s10 =	sld [smem:$0x3F81];
	_ =	sdelay $0x3  }
0x33: {  	p0 =	seq.s32 s10, $0x1;
	s10 =	sld [smem:$0x3F83];
	_ =	sdelay $0x3  }
0x34: {  	[smem:$0x3F83] =	sst s10  }
0x35: {  	s10 =	sld [smem:$0x3F82];
	_ =	sdelay $0x3  }
0x36: {  	p1 =	seq.s32 s10, $0x1;
	s10 =	sld [smem:$0x3F83];
	_ =	sdelay $0x3  }
0x37: {  	[smem:$0x3F83] =	sst s10  }
0x38: {  	s10 =	sld [smem:$0x3F84]  }
0x39: {  	_ = 	snop;
	(pc) =	sbr.ind lr, $3  }
0x3a: {  	_ = 	snop  }
0x3b: {  	_ = 	snop  }
0x3c: {  	p2 =	seq.s32 s10, $0x1;
	s10 =	sld [smem:$0x3F83]  }
0x3d: {  	_ =	shalt  }
0x3e: {  	_ =	shalt  }
0x3f: {  	_ =	shalt  }
0x40: {  	_ =	shalt  }
0x41: {  	_ =	shalt  }
0x42: {  	_ =	shalt  }
0x43: {  	_ =	shalt  }
0x44: {  	_ =	shalt  }
0x45: {  	_ =	shalt  }
0x46: {  	_ =	shalt  }
0x47: {  	_ =	shalt  }
0x48: {  	_ =	shalt  }
0x49: {  	_ =	shalt  }
0x4a: {  	_ =	shalt  }
0x4b: {  	_ =	shalt  }
0x4c: {  	_ =	shalt  }
0x4d: {  	_ =	shalt  }
0x4e: {  	_ =	shalt  }
0x4f: {  	_ =	shalt  }
0x50: {  	_ =	shalt  }
0x51: {  	_ =	shalt  }
0x52: {  	_ =	shalt  }
0x53: {  	_ =	shalt  }
0x54: {  	_ =	shalt  }
0x55: {  	_ =	shalt  }
0x56: {  	_ =	shalt  }
0x57: {  	_ =	shalt  }
0x58: {  	_ =	shalt  }
0x59: {  	_ =	shalt  }
0x5a: {  	_ =	shalt  }
0x5b: {  	_ =	shalt  }
0x5c: {  	_ =	shalt  }
0x5d: {  	_ =	shalt  }
0x5e: {  	_ =	shalt  }
0x5f: {  	_ =	shalt  }
0x60: {  	_ =	shalt  }
0x61: {  	_ =	shalt  }
0x62: {  	_ =	shalt  }
0x63: {  	_ =	shalt  }
0x64: {  	_ =	shalt  }
0x65: {  	_ =	shalt  }
0x66: {  	_ =	shalt  }
0x67: {  	_ =	shalt  }
0x68: {  	_ =	shalt  }
0x69: {  	_ =	shalt  }
0x6a: {  	_ =	shalt  }
0x6b: {  	_ =	shalt  }
0x6c: {  	_ =	shalt  }
0x6d: {  	_ =	shalt  }
0x6e: {  	_ =	shalt  }
0x6f: {  	_ =	shalt  }
0x70: {  	_ =	shalt  }
0x71: {  	_ =	shalt  }
0x72: {  	_ =	shalt  }
0x73: {  	_ =	shalt  }
0x74: {  	_ =	shalt  }
0x75: {  	_ =	shalt  }
0x76: {  	_ =	shalt  }
0x77: {  	_ =	shalt  }
0x78: {  	_ =	shalt  }
0x79: {  	_ =	shalt  }
0x7a: {  	_ =	shalt  }
0x7b: {  	_ =	shalt  }
0x7c: {  	_ =	shalt  }
0x7d: {  	_ =	shalt  }
0x7e: {  	_ =	shalt  }
0x7f: {  	_ =	shalt  }
0x80: {  	_ =	shalt  }
0x81: {  	_ =	shalt  }
0x82: {  	_ =	shalt  }
0x83: {  	_ =	shalt  }
0x84: {  	_ =	shalt  }
0x85: {  	_ =	shalt  }
0x86: {  	_ =	shalt  }
0x87: {  	_ =	shalt  }
.Lfunc_end0:
.L_simem_size_0:
called_computation.8_lowered:
.L_overlay_start_0:
0x88: {  	s2 =	sld [smem:$0x3FD9]  }
0x89: {  	s3 =	sld [smem:$0x3FFE];
	_ =	sdelay $0x1  }
0x8a: {  	s1 =	srdreg.scid  }
0x8b: {  	s0 =	sand.u32 $0x1, s1  }
0x8c: {  	s16 =	sshll.u32 s0, $0xA;
	s2 =	sadd.s32 s3, s2  }
0x8d: {  	s2 =	sadd.s32 s2, s16  }
0x8e: {  	[smem:$0x3F8F] =	sst s2  }
0x8f: {  	_ = 	snop  }
0x90: {  	(tm) =	ssettm $0x1  }
0x91: {  	s17 =	sld [smem:$0x3FFB];
	_ =	sdelay $0x3  }
0x92: {  	_ =	strace s17  }
0x93: {  	s2 =	sld [smem:$0x3FFC];
	_ =	sdelay $0x3  }
0x94: {  	_ =	strace s2  }
0x95: {  	s2 =	sld [smem:$0x3FFD];
	_ =	sdelay $0x3  }
0x96: {  	_ =	strace s2  }
0x97: {  	_ =	strace $0x8FFFFFFF  }
0x98: {  	s18 =	sld [smem:$0x3FDB];
	_ =	sdelay $0x1  }
0x99: {  	s19 =	simm.s32 $_scs_section_size  }
0x9a: {  	s4 =	simm.s32 $_size__tile_overlayer_lowered;
	s5 =	simm.s32 $_tile_overlayer_lowered  }
0x9b: {  	s22 =	simm.s32 $0x1BFF;
	s21 =	sshll.u32 s5, $0x1;
	s2 =	sadd.s32 s19, s18  }
0x9c: {  	s6 =	simm.s32 $0x0;
	s20 =	sshll.u32 s4, $0x1;
	s4 =	sadd.s32 s21, s2  }
0x9d: {  	[timem:s6], [sflag:s22] =	dma.local [hbm:s4], s20  }
0x9e: {  	_ =	swait.ge [sflag:s22], s20  }
0x9f: {  	s3 =	ssub.s32 $0x0, s20;
	[sflag:s22] =	ssyncset.done $0x0  }
0xa0: {  	[sflag:s22] =	ssyncadd.s32 s3;
	_ =	sdelay $0x1  }
0xa1: {  	s23 =	simm.s32 $0x1B8B  }
0xa2: {  	_ =	swait.ge [sflag:s23], $0x1  }
0xa3: {  	[sflag:s23] =	ssyncset.done $0x0  }
0xa4: {  	s25 =	simm.s32 $0x1B8E;
	s24 =	sld [smem:$0x3FFE];
	[sflag:s23] =	ssyncadd.s32 $0xFFFFFFFF  }
0xa5: {  	s26 =	simm.s32 $execute0_lowered;
	[smem:$0x3FD2] =	sst s25  }
0xa6: {  	s4 =	sshll.u32 s26, $0x1;
	_ =	strace $0x8000005E;
	[dreg:$0x1] =	wrdreg $0xFFFFFFFF  }
0xa7: {  	s28 =	simm.s32 $_size_execute0_lowered;
	s2 =	sadd.s32 s2, s4;
	[dreg:$0x0] =	wrdreg $0x0  }
0xa8: {  	s4 =	sshll.u32 s28, $0x1;
	[dreg:$0x2] =	wrdreg s2  }
0xa9: {  	[dreg:$0x3] =	wrdreg s4  }
0xaa: {  	[dreg:$0x4] =	wrdreg $0xC0  }
0xab: {  	_ =	task [dreg:s6], $0x5FFFF  }
0xac: {  	[dreg:$0x1] =	wrdreg $0xFFFFFFFF  }
0xad: {  	[dreg:$0x0] =	wrdreg $0x60  }
0xae: {  	[dreg:$0x2] =	wrdreg s24  }
0xaf: {  	[dreg:$0x3] =	wrdreg $0x9  }
0xb0: {  	_ =	task.clear_ibuf [dreg:s6], $0x4FFFF;
	_ =	strace $0x9000005E  }
0xb1: {  	s29 =	simm.s32 $0x9;
	_ =	strace $0x80000060  }
0xb2: {  	_ =	swait.ge [sflag:s29], $0x1  }
0xb3: {  	[sflag:s29] =	ssyncadd.s32 $0xFFFFFFFF  }
0xb4: {  	_ =	strace $0x90000060  }
0xb5: {  	_ =	sfence  }
0xb6: {  	s30 =	sld [smem:$0x0];
	_ =	sdelay $0x2  }
0xb7: {  	s31 =	sshll.u32 s1, $0xD;
	s1 =	sshrl.u32 s1, $0x2  }
0xb8: {  	s3 =	sand.u32 $0x4000, s31;
	s1 =	sadd.s32 s1, s30  }
0xb9: {  	s0 =	sor.u32 s3, s0;
	s1 =	sshll.u32 s1, $0x11  }
0xba: {  	s0 =	sor.u32 s1, s0  }
0xbb: {  	s0 =	sadd.s32 $0x8F2B, s0  }
0xbc: {  	[sflag:s0] =	ssyncadd.remote.s32 $0x1  }
0xbd: {  	_ =	sfence.sel $0xFFFF  }
0xbe: {  	[dreg:$0x0] =	wrdreg $0xFFFFFFFF;
	(pc) =	sbr.abs _section_cstart, $3  }
0xbf: {  	[dreg:$0x1] =	wrdreg $0xFFFFFFFF  }
0xc0: {  	_ =	task.clear_ibuf [dreg:s6], $0x2FFFF;
	_ =	strace $0x9FFFFFFF  }
0xc1: {  	(tm) =	ssettm $0x7FFFFFFF  }
tec
execute0_lowered:
.L_overlay_start_1:
0x0: {  	(tag) =	ssettag $0x1  }
0x1: {  	s1 =	srdreg.scid;
	s0 =	stileid.u32  }
0x2: {  	s12 =	sand.u32 $0x1, s1;
	s26 =	sshll.u32 s0, $0x1  }
0x3: {  	s8 =	rddreg [dreg:$0x0];
	s9 =	sor.u32 s12, s26  }
0x4: {  	s2 =	simm.s32 $0x0;
	s1 =	rddreg [dreg:$0x1];
	s3 =	smul.u32 $0x30, s9  }
0x5: {  	[smem:$0x7FF] =	sst s2;
	s11 =	sadd.s32 $0x12800, s8  }
0x6: {  	_ =	strace $0x8000005F;
	s4 =	sadd.s32 s11, s3;
	s3 =	simm.s32 $0x2  }
0x7: {  	[tilespmem:s2], [sflag:$0x2] =	stream.linear.gather [hbm4b:s4+s2], $0x80, $0x38;
	[tilespmem:$0x8880] =	vst v63  }
0x8: {  	_ =	swait.ge [sflag:s3], $0x80  }
0x9: {  	s6 =	simm.s32 $0x80;
	[sflag:s3] =	ssyncset.done $0x0  }
0xa: {  	s7 =	simm.s32 $0x1;
	s5 =	sadd.s32 $0x8600, s8;
	[sflag:s3] =	ssyncadd.s32 $0xFFFFFF80  }
0xb: {  	[tilespmem:s6], [sflag:$0x1] =	stream.indirect.gather [hbm4b:s5+s6], $0x110, s2, s6, $0xb8;
	[tilespmem:$0x8880] =	vst v63  }
0xc: {  	s10 =	smul.u32 $0x3300, s9;
	_ =	swait.ge [sflag:s7], $0x8800  }
0xd: {  	s13 =	sadd.s32 $0x12E00, s8;
	[sflag:s7] =	ssyncset.done $0x0  }
0xe: {  	s14 =	smul.u32 $0x3, s9;
	s8 =	sadd.s32 s13, s10;
	[sflag:s7] =	ssyncadd.s32 $0xFFFF7800  }
0xf: {  	[hbm4b:s8+s2] =	stream.linear.scatter [tilespmem:s6], [sflag:$0x2], $0x8800, $0x38;
	[tilespmem:$0x8880] =	vst v63  }
0x10: {  	s28 =	sadd.s32 $0x1, s14;
	_ =	swait.ge [sflag:s3], $0x8800  }
0x11: {  	s29 =	sshll.u32 s28, $0x4;
	[sflag:s3] =	ssyncset.done $0x0  }
0x12: {  	s9 =	sadd.s32 s11, s29;
	[sflag:s3] =	ssyncadd.s32 $0xFFFF7800  }
0x13: {  	[tilespmem:s2], [sflag:$0x2] =	stream.linear.gather [hbm4b:s9+s2], $0x80, $0x38;
	[tilespmem:$0x8880] =	vst v63  }
0x14: {  	_ =	swait.ge [sflag:s3], $0x80  }
0x15: {  	[sflag:s3] =	ssyncset.done $0x0  }
0x16: {  	[sflag:s3] =	ssyncadd.s32 $0xFFFFFF80  }
0x17: {  	[tilespmem:s6], [sflag:$0x1] =	stream.indirect.gather [hbm4b:s5+s6], $0x110, s2, s6, $0xb8;
	[tilespmem:$0x8880] =	vst v63  }
0x18: {  	s10 =	smul.u32 $0x1100, s28;
	_ =	swait.ge [sflag:s7], $0x8800  }
0x19: {  	[sflag:s7] =	ssyncset.done $0x0  }
0x1a: {  	s10 =	sadd.s32 s13, s10;
	[sflag:s7] =	ssyncadd.s32 $0xFFFF7800  }
0x1b: {  	[hbm4b:s10+s2] =	stream.linear.scatter [tilespmem:s6], [sflag:$0x2], $0x8800, $0x38;
	[tilespmem:$0x8880] =	vst v63  }
0x1c: {  	s30 =	sshll.u32 s14, $0x4;
	_ =	swait.ge [sflag:s3], $0x8800  }
0x1d: {  	s11 =	sadd.s32 s11, s30;
	[sflag:s3] =	ssyncset.done $0x0  }
0x1e: {  	s12 =	ssub.s32 $0x2, s12;
	s11 =	sadd.s32 $0x20, s11;
	[sflag:s3] =	ssyncadd.s32 $0xFFFF7800  }
0x1f: {  	[tilespmem:s2], [sflag:$0x2] =	stream.linear.gather [hbm4b:s11+s2], $0x80, $0x38;
	[tilespmem:$0x8880] =	vst v63  }
0x20: {  	s31 =	sshrl.u32 s12, $0x1;
	_ =	swait.ge [sflag:s3], $0x80  }
0x21: {  	s12 =	ssub.s32 s12, s31;
	[sflag:s3] =	ssyncset.done $0x0  }
0x22: {  	s13 =	smax.u32 s12, $0x1;
	[sflag:s3] =	ssyncadd.s32 $0xFFFFFF80  }
0x23: {  	[tilespmem:s6], [sflag:$0x1] =	stream.indirect.gather [hbm4b:s5+s6], $0x110, s2, s6, $0xb8;
	[tilespmem:$0x8880] =	vst v63  }
0x24: {  	p0 =	sne.s32 s13, $0x1;
	_ =	swait.ge [sflag:s7], $0x8800  }
.Ltmp0:
0x25: {  	[sflag:s7] =	ssyncset.done $0x0;
	(pc) =	sbr.rel @!p0 .LBB2_2-.Ltmp0, $4  }
0x26: {  	s12 =	sadd.s32 $0x2200, s8;
	[sflag:s7] =	ssyncadd.s32 $0xFFFF7800  }
0x27: {  	[hbm4b:s12+s2] =	stream.linear.scatter [tilespmem:s6], [sflag:$0x2], $0x8800, $0x38;
	[tilespmem:$0x8880] =	vst v63  }
0x28: {  	_ =	swait.ge [sflag:s3], $0x8800  }
0x29: {  	s13 =	sadd.s32 $0xFFFFFFFF, s13;
	[sflag:s3] =	ssyncset.done $0x0  }
.LBB2_1:
0x2a: {  	p0 =	sne.s32 s13, $0x1;
	s13 =	sadd.s32 $0xFFFFFFFF, s13;
	[sflag:s3] =	ssyncadd.s32 $0xFFFF7800  }
0x2b: {  	[tilespmem:s2], [sflag:$0x2] =	stream.linear.gather [hbm4b:s4+s2], $0x80, $0x38;
	[tilespmem:$0x8880] =	vst v63  }
0x2c: {  	_ =	swait.ge [sflag:s3], $0x80  }
0x2d: {  	[sflag:s3] =	ssyncset.done $0x0  }
0x2e: {  	[sflag:s3] =	ssyncadd.s32 $0xFFFFFF80  }
0x2f: {  	[tilespmem:s6], [sflag:$0x1] =	stream.indirect.gather [hbm4b:s5+s6], $0x110, s2, s6, $0xb8;
	[tilespmem:$0x8880] =	vst v63  }
0x30: {  	_ =	swait.ge [sflag:s7], $0x8800  }
0x31: {  	[sflag:s7] =	ssyncset.done $0x0  }
0x32: {  	[sflag:s7] =	ssyncadd.s32 $0xFFFF7800  }
0x33: {  	[hbm4b:s8+s2] =	stream.linear.scatter [tilespmem:s6], [sflag:$0x2], $0x8800, $0x38;
	[tilespmem:$0x8880] =	vst v63  }
0x34: {  	_ =	swait.ge [sflag:s3], $0x8800  }
0x35: {  	[sflag:s3] =	ssyncset.done $0x0  }
0x36: {  	[sflag:s3] =	ssyncadd.s32 $0xFFFF7800  }
0x37: {  	[tilespmem:s2], [sflag:$0x2] =	stream.linear.gather [hbm4b:s9+s2], $0x80, $0x38;
	[tilespmem:$0x8880] =	vst v63  }
0x38: {  	_ =	swait.ge [sflag:s3], $0x80  }
0x39: {  	[sflag:s3] =	ssyncset.done $0x0  }
0x3a: {  	[sflag:s3] =	ssyncadd.s32 $0xFFFFFF80  }
0x3b: {  	[tilespmem:s6], [sflag:$0x1] =	stream.indirect.gather [hbm4b:s5+s6], $0x110, s2, s6, $0xb8;
	[tilespmem:$0x8880] =	vst v63  }
0x3c: {  	_ =	swait.ge [sflag:s7], $0x8800  }
0x3d: {  	[sflag:s7] =	ssyncset.done $0x0  }
0x3e: {  	[sflag:s7] =	ssyncadd.s32 $0xFFFF7800  }
0x3f: {  	[hbm4b:s10+s2] =	stream.linear.scatter [tilespmem:s6], [sflag:$0x2], $0x8800, $0x38;
	[tilespmem:$0x8880] =	vst v63  }
0x40: {  	_ =	swait.ge [sflag:s3], $0x8800  }
0x41: {  	[sflag:s3] =	ssyncset.done $0x0  }
0x42: {  	[sflag:s3] =	ssyncadd.s32 $0xFFFF7800  }
0x43: {  	[tilespmem:s2], [sflag:$0x2] =	stream.linear.gather [hbm4b:s11+s2], $0x80, $0x38;
	[tilespmem:$0x8880] =	vst v63  }
0x44: {  	_ =	swait.ge [sflag:s3], $0x80  }
0x45: {  	[sflag:s3] =	ssyncset.done $0x0  }
0x46: {  	[sflag:s3] =	ssyncadd.s32 $0xFFFFFF80  }
0x47: {  	[tilespmem:s6], [sflag:$0x1] =	stream.indirect.gather [hbm4b:s5+s6], $0x110, s2, s6, $0xb8;
	[tilespmem:$0x8880] =	vst v63  }
0x48: {  	_ =	swait.ge [sflag:s7], $0x8800  }
.Ltmp1:
0x49: {  	[sflag:s7] =	ssyncset.done $0x0;
	(pc) =	sbr.rel @p0 .LBB2_1-.Ltmp1, $4  }
0x4a: {  	[sflag:s7] =	ssyncadd.s32 $0xFFFF7800  }
0x4b: {  	[hbm4b:s12+s2] =	stream.linear.scatter [tilespmem:s6], [sflag:$0x2], $0x8800, $0x38;
	[tilespmem:$0x8880] =	vst v63  }
0x4c: {  	_ =	swait.ge [sflag:s3], $0x8800  }
0x4d: {  	[sflag:s3] =	ssyncset.done $0x0  }
.LBB2_2:
0x4e: {  	[sflag:s3] =	ssyncadd.s32 $0xFFFF7800  }
0x4f: {  	_ =	sfence.sel $0x180000  }
0x50: {  	[bflag:$0x0] =	sbarrier.arrive $0xFFFF  }
0x51: {  	p0 =	sne.s32 s0, $0x0;
	_ =	strace $0x9000005F  }
0x52: {  	s0 =	sadd.s32 @!p0 $0x100000, s1;
	[bflag:$0x2] =	sbarrier.arrive $0xFFFF  }
0x53: {  	[sflag:s0] =	ssyncadd.tile.s32 @!p0 $0x1;
	_ =	shalt  }
.Lfunc_end2:
_tile_overlayer_lowered:
.L_overlay_start_2:
0x54: {  	(tag) =	ssettag $0x2  }
0x55: {  	s0 =	rddreg [dreg:$0x0];
	s2 =	stileid.u32  }
0x56: {  	s1 =	rddreg [dreg:$0x1];
	p0 =	sne.s32 s2, $0x0  }
0x57: {  	s3 =	rddreg [dreg:$0x2];
	[bflag:$0x3] =	sbarrier.arrive $0xFFFF;
	s2 =	simm.s32 @!p0 $0x1C02  }
0x58: {  	[timem:s3], [sflag:s2] =	dma.local @!p0 [hbm:s0], s1  }
0x59: {  	s0 =	simm.s32 @!p0 $0x2  }
0x5a: {  	_ =	swait.ge @!p0 [sflag:s0], s1  }
0x5b: {  	s1 =	ssub.s32 @!p0 $0x0, s1;
	[sflag:s0] =	ssyncset.done @!p0 $0x0  }
0x5c: {  	[sflag:s0] =	ssyncadd.s32 @!p0 s1  }
0x5d: {  	[bflag:$0x3] =	sbarrier.arrive $0xFFFF  }
0x5e: {  	_ =	shalt  }

</sc_bundles>
